<compile_context>
chip_gen: v7x
topology: tpu7x:2x2x1
jax: 0.10.2.dev20260603
libtpu: 0.0.44.dev20260713+nightly
codegen_flags: <defaults>
</compile_context>

<pallas_src>
import functools
import jax
import jax.numpy as jnp
from jax import lax
from jax.experimental import pallas as pl
from jax.experimental.pallas import tpu as pltpu

B, N, C, K = 4, 2048, 128, 16
NB1 = 256
MB = 128
NSTEPS1 = N // NB1
M_ROWS = B * N * K


def _k1_body(xyz_blk, xyz_full, xyzT_full, feat_blk, Wq, Wk, Wv, attn_w1,
             aq_ref, tab_ref, idx_ref, rel_ref, stats_ref):
    i = pl.program_id(0)

    WqA = jnp.dot(Wq[...], attn_w1[...], preferred_element_type=jnp.float32)
    WkA = jnp.dot(Wk[...], attn_w1[...], preferred_element_type=jnp.float32)
    f = feat_blk[...]
    aq_ref[...] = jnp.dot(f, WqA, preferred_element_type=jnp.float32)
    tab_ref[:, 0:C] = jnp.dot(f, WkA, preferred_element_type=jnp.float32)
    tab_ref[:, C:2 * C] = jnp.dot(f, Wv[...], preferred_element_type=jnp.float32)

    xb = xyz_blk[...][0]
    xf = xyz_full[...][0]
    xfT = xyzT_full[...][0]
    sqb = jnp.sum(xb * xb, axis=1, keepdims=True)
    sqf = jnp.sum(xfT * xfT, axis=0, keepdims=True)
    cross = jnp.dot(xb, xfT, preferred_element_type=jnp.float32)
    d = sqb + sqf - 2.0 * cross

    lanes = lax.broadcasted_iota(jnp.int32, (NB1, N), 1)

    selfcol = lax.broadcasted_iota(jnp.int32, (NB1, 1), 0) + i * NB1
    d = jnp.where(lanes == selfcol, jnp.inf, d)
    idx_cols = [selfcol]
    rel_cols = [jnp.zeros((NB1, 3), jnp.float32)]
    s1 = None
    for _ in range(K - 1):
        m = jnp.min(d, axis=1, keepdims=True)
        sel = jnp.min(jnp.where(d == m, lanes, N), axis=1, keepdims=True)
        onehot = lanes == sel
        d = jnp.where(onehot, jnp.inf, d)
        nxyz = jnp.dot(onehot.astype(jnp.float32), xf,
                       preferred_element_type=jnp.float32)
        rel_j = nxyz - xb
        idx_cols.append(sel)
        rel_cols.append(rel_j)
        p1 = jnp.sum(rel_j, axis=0, keepdims=True)
        rx = rel_j[:, 0:1]
        ry = rel_j[:, 1:2]
        rz = rel_j[:, 2:3]
        p2 = jnp.concatenate([
            jnp.sum(rx * rx, axis=0, keepdims=True),
            jnp.sum(rx * ry, axis=0, keepdims=True),
            jnp.sum(rx * rz, axis=0, keepdims=True),
            jnp.sum(ry * ry, axis=0, keepdims=True),
            jnp.sum(ry * rz, axis=0, keepdims=True),
            jnp.sum(rz * rz, axis=0, keepdims=True),
        ], axis=1)
        pj = jnp.concatenate([p1, p2], axis=1)
        s1 = pj if s1 is None else s1 + pj

    idx_ref[...] = jnp.concatenate(idx_cols, axis=1)
    rel_ref[...] = jnp.concatenate(rel_cols, axis=1)

    svec = jnp.pad(s1, ((0, 7), (0, 128 - 9)))
    first = i == 0

    @pl.when(first)
    def _init():
        stats_ref[...] = svec

    @pl.when(jnp.logical_not(first))
    def _acc():
        stats_ref[...] = stats_ref[...] + svec


def _k2_body(g_ref, rel_ref, aq_ref, s0_ref, s1_ref, s2_ref, s3_ref,
             pos_w1, pos_b1, pos_g, pos_beta, pos_w2, pos_b2,
             attn_w1, attn_b1,
             z_ref, vpos_ref, zstats_ref):
    step = pl.program_id(0)
    Minv = 1.0 / float(M_ROWS)

    def st(j):
        return s0_ref[0, j] + s1_ref[0, j] + s2_ref[0, j] + s3_ref[0, j]

    mux = st(0) * Minv
    muy = st(1) * Minv
    muz = st(2) * Minv
    cxx = st(3) * Minv - mux * mux
    cxy = st(4) * Minv - mux * muy
    cxz = st(5) * Minv - mux * muz
    cyy = st(6) * Minv - muy * muy
    cyz = st(7) * Minv - muy * muz
    czz = st(8) * Minv - muz * muz

    w1 = pos_w1[...]
    w1x = w1[0:1, :]
    w1y = w1[1:2, :]
    w1z = w1[2:3, :]
    var_h = (cxx * w1x * w1x + cyy * w1y * w1y + czz * w1z * w1z
             + 2.0 * (cxy * w1x * w1y + cxz * w1x * w1z + cyz * w1y * w1z))
    mean_h = mux * w1x + muy * w1y + muz * w1z + pos_b1[...]
    inv = lax.rsqrt(var_h + 1e-5)
    scale = pos_g[...] * inv
    shift = pos_beta[...] - mean_h * scale

    rel = rel_ref[...]
    rx = rel[:, 0:1]
    ry = rel[:, 1:2]
    rz = rel[:, 2:3]
    h = rx * w1x + ry * w1y + rz * w1z + pos_b1[...]
    h_act = jnp.maximum(h * scale + shift, 0.0)

    Wpz = jnp.dot(pos_w2[...], attn_w1[...], preferred_element_type=jnp.float32)
    pos = jnp.dot(h_act, pos_w2[...], preferred_element_type=jnp.float32)
    posz = jnp.dot(h_act, Wpz, preferred_element_type=jnp.float32)

    g = g_ref[...]
    ak = g[:, 0:C]
    vv = g[:, C:2 * C]

    aq = aq_ref[...]
    aq_rows = jnp.broadcast_to(aq.reshape(MB, 1, C), (MB, K, C)).reshape(MB * K, C)

    bz = attn_b1[...] + jnp.dot(pos_b2[...], attn_w1[...],
                                preferred_element_type=jnp.float32)
    z = aq_rows - ak + posz + bz
    z_ref[...] = z
    vpos_ref[...] = vv + pos + pos_b2[...]

    zsum = jnp.sum(z, axis=0, keepdims=True)
    zsq = jnp.sum(z * z, axis=0, keepdims=True)

    @pl.when(step == 0)
    def _init():
        zstats_ref[...] = jnp.zeros_like(zstats_ref)

    zstats_ref[0:1, :] += zsum
    zstats_ref[1:2, :] += zsq


def _k3_body(z_ref, vpos_ref, z0_ref, z1_ref, z2_ref, z3_ref,
             attn_g, attn_beta, attn_w2, attn_b2, Wout, out_ref):
    Minv = 1.0 / float(M_ROWS)
    zs = z0_ref[...] + z1_ref[...] + z2_ref[...] + z3_ref[...]
    mean_z = zs[0:1, :] * Minv
    var_z = zs[1:2, :] * Minv - mean_z * mean_z
    inv = lax.rsqrt(var_z + 1e-5)
    scale = attn_g[...] * inv
    shift = attn_beta[...] - mean_z * scale

    z_act = jnp.maximum(z_ref[...] * scale + shift, 0.0)
    a = jnp.dot(z_act, attn_w2[...], preferred_element_type=jnp.float32) \
        + attn_b2[...]
    a3 = a.reshape(MB, K, C)
    mx = jnp.max(a3, axis=1, keepdims=True)
    e = jnp.exp(a3 - mx)
    s = jnp.sum(e, axis=1, keepdims=True)
    attn = e / s
    vp = vpos_ref[...].reshape(MB, K, C)
    o = jnp.sum(attn * vp, axis=1)
    out_ref[...] = jnp.dot(o, Wout[...], preferred_element_type=jnp.float32)


def _sc_gather(table, idxflat, nrows):
    from jax.experimental.pallas import tpu_sc as plsc
    info = plsc.get_sparse_core_info()
    NC, NS = info.num_cores, info.num_subcores
    NW = NC * NS
    rows_per_w = nrows // NW
    CHUNK = 128
    n_chunks = rows_per_w // CHUNK
    n_pairs = n_chunks // 2
    mesh = plsc.VectorSubcoreMesh(core_axis_name="c", subcore_axis_name="s")

    @functools.partial(
        pl.kernel, mesh=mesh,
        out_type=jax.ShapeDtypeStruct((nrows, 2 * C), jnp.float32),
        scratch_types=[
            pltpu.VMEM((CHUNK,), jnp.int32),
            pltpu.VMEM((2, CHUNK, 2 * C), jnp.float32),
            pltpu.SemaphoreType.DMA,
            pltpu.SemaphoreType.DMA,
            pltpu.SemaphoreType.DMA,
        ],
    )
    def gk(table_hbm, idx_hbm, out_hbm, idx_v, rows_v, sem_g, sem_w0, sem_w1):
        wid = lax.axis_index("s") * NC + lax.axis_index("c")
        base = wid * rows_per_w

        def body(t, carry):
            off0 = pl.multiple_of(base + (2 * t) * CHUNK, CHUNK)
            off1 = pl.multiple_of(base + (2 * t + 1) * CHUNK, CHUNK)

            @pl.when(t >= 1)
            def _drain():
                pltpu.make_async_copy(
                    rows_v.at[0], out_hbm.at[pl.ds(off0, CHUNK)], sem_w0).wait()
                pltpu.make_async_copy(
                    rows_v.at[1], out_hbm.at[pl.ds(off1, CHUNK)], sem_w1).wait()

            pltpu.sync_copy(idx_hbm.at[pl.ds(off0, CHUNK)], idx_v)
            pltpu.async_copy(table_hbm.at[idx_v], rows_v.at[0], sem_g).wait()
            pltpu.async_copy(rows_v.at[0], out_hbm.at[pl.ds(off0, CHUNK)], sem_w0)

            pltpu.sync_copy(idx_hbm.at[pl.ds(off1, CHUNK)], idx_v)
            pltpu.async_copy(table_hbm.at[idx_v], rows_v.at[1], sem_g).wait()
            pltpu.async_copy(rows_v.at[1], out_hbm.at[pl.ds(off1, CHUNK)], sem_w1)
            return carry

        lax.fori_loop(0, n_pairs, body, 0)
        pltpu.make_async_copy(
            rows_v.at[0], out_hbm.at[pl.ds(base, CHUNK)], sem_w0).wait()
        pltpu.make_async_copy(
            rows_v.at[1], out_hbm.at[pl.ds(base, CHUNK)], sem_w1).wait()

    return gk(table, idxflat)


_WCC = pl.BlockSpec((C, C), lambda i: (0, 0))
_W1C = pl.BlockSpec((1, C), lambda i: (0, 0))
_WST = pl.BlockSpec((8, 128), lambda i: (0, 0))
NK = N * K


def kernel(xyz, feat, Wq, Wk, Wv, Wout, pos_w1, pos_b1, pos_g, pos_beta,
           pos_w2, pos_b2, attn_w1, attn_b1, attn_g, attn_beta,
           attn_w2, attn_b2):
    xyzT = xyz.transpose(0, 2, 1)
    pos_b1r = pos_b1.reshape(1, C)
    pos_gr = pos_g.reshape(1, C)
    pos_betar = pos_beta.reshape(1, C)
    pos_b2r = pos_b2.reshape(1, C)
    attn_b1r = attn_b1.reshape(1, C)
    attn_gr = attn_g.reshape(1, C)
    attn_betar = attn_beta.reshape(1, C)
    attn_b2r = attn_b2.reshape(1, C)

    k1 = pl.pallas_call(
        _k1_body,
        grid=(NSTEPS1,),
        in_specs=[
            pl.BlockSpec((1, NB1, 3), lambda i: (0, i, 0)),
            pl.BlockSpec((1, N, 3), lambda i: (0, 0, 0)),
            pl.BlockSpec((1, 3, N), lambda i: (0, 0, 0)),
            pl.BlockSpec((NB1, C), lambda i: (i, 0)),
            pl.BlockSpec((C, C), lambda i: (0, 0)),
            pl.BlockSpec((C, C), lambda i: (0, 0)),
            pl.BlockSpec((C, C), lambda i: (0, 0)),
            pl.BlockSpec((C, C), lambda i: (0, 0)),
        ],
        out_specs=[
            pl.BlockSpec((NB1, C), lambda i: (i, 0)),
            pl.BlockSpec((NB1, 2 * C), lambda i: (i, 0)),
            pl.BlockSpec((NB1, K), lambda i: (i, 0)),
            pl.BlockSpec((NB1, 3 * K), lambda i: (i, 0)),
            pl.BlockSpec((8, 128), lambda i: (0, 0)),
        ],
        out_shape=[
            jax.ShapeDtypeStruct((N, C), jnp.float32),
            jax.ShapeDtypeStruct((N, 2 * C), jnp.float32),
            jax.ShapeDtypeStruct((N, K), jnp.int32),
            jax.ShapeDtypeStruct((N, 3 * K), jnp.float32),
            jax.ShapeDtypeStruct((8, 128), jnp.float32),
        ],
    )

    aqs, tabs, idxs, rels, stats = [], [], [], [], []
    for b in range(B):
        aq, tab, idx, rel48, st = k1(xyz[b:b + 1], xyz[b:b + 1],
                                     xyzT[b:b + 1], feat[b],
                                     Wq, Wk, Wv, attn_w1)
        aqs.append(aq)
        tabs.append(tab)
        idxs.append(idx)
        rels.append(rel48)
        stats.append(st)

    gs = [_sc_gather(tabs[b], idxs[b].reshape(NK), NK) for b in range(B)]

    nsteps2 = N // MB
    k2 = pl.pallas_call(
        _k2_body,
        grid=(nsteps2,),
        in_specs=[
            pl.BlockSpec((MB * K, 2 * C), lambda i: (i, 0)),
            pl.BlockSpec((MB * K, 3), lambda i: (i, 0)),
            pl.BlockSpec((MB, C), lambda i: (i, 0)),
            _WST, _WST, _WST, _WST,
            pl.BlockSpec((3, C), lambda i: (0, 0)),
            _W1C, _W1C, _W1C, _WCC, _W1C, _WCC, _W1C,
        ],
        out_specs=[
            pl.BlockSpec((MB * K, C), lambda i: (i, 0)),
            pl.BlockSpec((MB * K, C), lambda i: (i, 0)),
            pl.BlockSpec((8, 128), lambda i: (0, 0)),
        ],
        out_shape=[
            jax.ShapeDtypeStruct((NK, C), jnp.float32),
            jax.ShapeDtypeStruct((NK, C), jnp.float32),
            jax.ShapeDtypeStruct((8, 128), jnp.float32),
        ],
    )

    zs, vps, zsts = [], [], []
    for b in range(B):
        z, vpos, zst = k2(gs[b], rels[b].reshape(NK, 3), aqs[b],
                          stats[0], stats[1], stats[2], stats[3],
                          pos_w1, pos_b1r, pos_gr, pos_betar,
                          pos_w2, pos_b2r, attn_w1, attn_b1r)
        zs.append(z)
        vps.append(vpos)
        zsts.append(zst)

    k3 = pl.pallas_call(
        _k3_body,
        grid=(nsteps2,),
        in_specs=[
            pl.BlockSpec((MB * K, C), lambda i: (i, 0)),
            pl.BlockSpec((MB * K, C), lambda i: (i, 0)),
            _WST, _WST, _WST, _WST,
            _W1C, _W1C, _WCC, _W1C, _WCC,
        ],
        out_specs=pl.BlockSpec((MB, C), lambda i: (i, 0)),
        out_shape=jax.ShapeDtypeStruct((N, C), jnp.float32),
    )

    outs = [k3(zs[b], vps[b], zsts[0], zsts[1], zsts[2], zsts[3],
               attn_gr, attn_betar, attn_w2, attn_b2r, Wout)
            for b in range(B)]
    return jnp.stack(outs, axis=0)

# --- scband reference (transcript-rebuilt; emitter-appended) ---
"""Pipeline reference for scband-point-transformer-layer-24988119728694 (READ-ONLY COPY).

The authoritative reference and input builder live on the scoring server;
editing this copy changes nothing except your own understanding.
"""

import jax, jax.numpy as jnp
import numpy as np

B, N, C, K = 4, 2048, 128, 16


def setup_inputs(seed: int = 0):
    key = jax.random.key(seed)
    ks = jax.random.split(key, 16)
    s = 1.0 / np.sqrt(C)
    s3 = 1.0 / np.sqrt(3.0)
    u = lambda k, shape, sc: jax.random.uniform(k, shape, minval=-sc, maxval=sc, dtype=jnp.float32)
    inp = {}
    inp["xyz"] = jax.random.uniform(ks[0], (B, N, 3), dtype=jnp.float32)
    inp["feat"] = jax.random.normal(ks[1], (B, N, C), dtype=jnp.float32)
    inp["Wq"] = u(ks[2], (C, C), s)
    inp["Wk"] = u(ks[3], (C, C), s)
    inp["Wv"] = u(ks[4], (C, C), s)
    inp["Wout"] = u(ks[5], (C, C), s)
    inp["pos_w1"] = u(ks[6], (3, C), s3)
    inp["pos_b1"] = u(ks[7], (C,), s3)
    inp["pos_g"] = jnp.ones((C,), jnp.float32)
    inp["pos_beta"] = jnp.zeros((C,), jnp.float32)
    inp["pos_w2"] = u(ks[8], (C, C), s)
    inp["pos_b2"] = u(ks[9], (C,), s)
    inp["attn_w1"] = u(ks[10], (C, C), s)
    inp["attn_b1"] = u(ks[11], (C,), s)
    inp["attn_g"] = jnp.ones((C,), jnp.float32)
    inp["attn_beta"] = jnp.zeros((C,), jnp.float32)
    inp["attn_w2"] = u(ks[12], (C, C), s)
    inp["attn_b2"] = u(ks[13], (C,), s)
    return inp


def _batchnorm(x, g, b):
    # BatchNorm1d in training mode (torch default): biased batch statistics
    mean = jnp.mean(x, axis=0)
    var = jnp.var(x, axis=0)
    return (x - mean) / jnp.sqrt(var + 1e-5) * g + b


def _forward(xyz, feat, Wq, Wk, Wv, Wout, pos_w1, pos_b1, pos_g, pos_beta, pos_w2, pos_b2, attn_w1, attn_b1, attn_g, attn_beta, attn_w2, attn_b2):
    # knn_point: pairwise squared distance + smallest-k
    sq = jnp.sum(xyz * xyz, axis=-1)
    dist = sq[:, :, None] + sq[:, None, :] - 2.0 * jnp.einsum('bnd,bmd->bnm', xyz, xyz)
    _, idx = jax.lax.top_k(-dist, K)  # [B, N, K]
    gather = jax.vmap(lambda pts, i: pts[i])
    neighbor_xyz = gather(xyz, idx)    # [B, N, K, 3]
    neighbor_feat = gather(feat, idx)  # [B, N, K, C]
    q = (feat @ Wq)[:, :, None, :]
    k = neighbor_feat @ Wk
    v = neighbor_feat @ Wv
    rel_pos = neighbor_xyz - xyz[:, :, None, :]
    h = rel_pos.reshape(B * N * K, 3) @ pos_w1 + pos_b1
    h = jax.nn.relu(_batchnorm(h, pos_g, pos_beta))
    pos = (h @ pos_w2 + pos_b2).reshape(B, N, K, C)
    a = (q - k + pos).reshape(B * N * K, C)
    a = jax.nn.relu(_batchnorm(a @ attn_w1 + attn_b1, attn_g, attn_beta))
    a = (a @ attn_w2 + attn_b2).reshape(B, N, K, C)
    attn = jax.nn.softmax(a, axis=2)
    out = jnp.sum(attn * (v + pos), axis=2)
    return out @ Wout


def reference(xyz, feat, Wq, Wk, Wv, Wout, pos_w1, pos_b1, pos_g, pos_beta, pos_w2, pos_b2, attn_w1, attn_b1, attn_g, attn_beta, attn_w2, attn_b2):
    return _forward(xyz, feat, Wq, Wk, Wv, Wout, pos_w1, pos_b1, pos_g, pos_beta, pos_w2, pos_b2, attn_w1, attn_b1, attn_g, attn_beta, attn_w2, attn_b2)

if __name__ == "__main__":
    import jax
    _d = setup_inputs()
    print(jax.jit(kernel)(*tuple(_d.values())))

</pallas_src>

<mosaic_0001>
#map = affine_map<(d0, d1) -> (0, 0)>
#map1 = affine_map<(d0, d1) -> (0)>
module attributes {stable_mosaic.version = 14 : i64} {
  func.func @gk(%arg0: i32, %arg1: i32, %arg2: memref<2048x256xf32, #tpu.memory_space<hbm>>, %arg3: memref<32768xi32, #tpu.memory_space<hbm>>, %arg4: memref<32768x256xf32, #tpu.memory_space<hbm>>, %arg5: memref<128xi32, #tpu.memory_space<vmem>>, %arg6: memref<2x128x256xf32, #tpu.memory_space<vmem>>, %arg7: memref<!tpu.dma_semaphore, #tpu.memory_space<semaphore_mem>>, %arg8: memref<!tpu.dma_semaphore, #tpu.memory_space<semaphore_mem>>, %arg9: memref<!tpu.dma_semaphore, #tpu.memory_space<semaphore_mem>>) attributes {dimension_semantics = [#tpu.dimension_semantics<core_parallel>, #tpu.dimension_semantics<subcore_parallel>], iteration_bounds = array<i64: 2, 16>, scalar_prefetch = 0 : i64, scratch_operands = 5 : i64, tpu.core_type = #tpu.core_type<sc_vector_subcore>, window_params = [{transform_indices = #map}, {transform_indices = #map1}, {transform_indices = #map}]} {
    %mul3A = arith.constant 2 : i32
    %mul3A_0 = arith.muli %arg1, %mul3A : i32
    %add3A = arith.addi %mul3A_0, %arg0 : i32
    %mul3A_1 = arith.constant 1024 : i32
    %mul3A_2 = arith.muli %add3A, %mul3A_1 : i32
    %scan3A = arith.constant 0 : i32
    %scan3A_3 = arith.constant 0 : i32
    %scan3A_4 = arith.constant 4 : i32
    %scan3A_5 = arith.addi %scan3A_3, %scan3A_4 : i32
    %scan3A_6 = arith.constant 1 : i32
    scf.for %scan3A_33 = %scan3A_3 to %scan3A_5 step %scan3A_6  : i32 {
      %mul3A_34 = arith.constant 2 : i32
      %mul3A_35 = arith.muli %mul3A_34, %scan3A_33 : i32
      %mul3A_36 = arith.constant 128 : i32
      %mul3A_37 = arith.muli %mul3A_35, %mul3A_36 : i32
      %add3A_38 = arith.addi %mul3A_2, %mul3A_37 : i32
      %multiple_of3A = tpu.assume_multiple %add3A_38, 128 : i32
      %mul3A_39 = arith.constant 2 : i32
      %mul3A_40 = arith.muli %mul3A_39, %scan3A_33 : i32
      %add3A_41 = arith.constant 1 : i32
      %add3A_42 = arith.addi %mul3A_40, %add3A_41 : i32
      %mul3A_43 = arith.constant 128 : i32
      %mul3A_44 = arith.muli %add3A_42, %mul3A_43 : i32
      %add3A_45 = arith.addi %mul3A_2, %mul3A_44 : i32
      %multiple_of3A_46 = tpu.assume_multiple %add3A_45, 128 : i32
      %ge3A = arith.constant 1 : i32
      %ge3A_47 = arith.cmpi sge, %scan3A_33, %ge3A : i32
      %convert_element_type3A = arith.extui %ge3A_47 : i1 to i32
      %cond3A = arith.constant 0 : i32
      %cond3A_48 = arith.cmpi ne, %convert_element_type3A, %cond3A : i32
      scf.if %cond3A_48 {
        %dma_wait3A_106 = arith.constant 0 : i32
        %dma_wait3A_107 = arith.constant 0 : i32
        %dma_wait3A_108 = arith.constant 0 : i32
        %dma_wait3A_109 = tpu.memref_slice %arg6[%dma_wait3A_106, %dma_wait3A_107, %dma_wait3A_108] : memref<2x128x256xf32, #tpu.memory_space<vmem>> -> memref<1x128x256xf32, #tpu.memory_space<vmem>>
        %dma_wait3A_110 = tpu.memref_squeeze %dma_wait3A_109 : memref<1x128x256xf32, #tpu.memory_space<vmem>> -> memref<128x256xf32, #tpu.memory_space<vmem>>
        %dma_wait3A_111 = arith.constant 0 : i32
        %dma_wait3A_112 = tpu.memref_slice %arg4[%multiple_of3A, %dma_wait3A_111] : memref<32768x256xf32, #tpu.memory_space<hbm>> -> memref<128x256xf32, #tpu.memory_space<hbm>>
        %dma_wait3A_113 = arith.constant 0 : i32
        %dma_wait3A_114 = tpu.memref_slice %arg4[%multiple_of3A, %dma_wait3A_113] : memref<32768x256xf32, #tpu.memory_space<hbm>> -> memref<128x256xf32, #tpu.memory_space<hbm>>
        %dma_wait3A_115 = arith.constant 0 : i32
        %dma_wait3A_116 = arith.constant 0 : i32
        %dma_wait3A_117 = tpu.memref_slice %arg6[%dma_wait3A_106, %dma_wait3A_115, %dma_wait3A_116] : memref<2x128x256xf32, #tpu.memory_space<vmem>> -> memref<1x128x256xf32, #tpu.memory_space<vmem>>
        %dma_wait3A_118 = tpu.memref_squeeze %dma_wait3A_117 : memref<1x128x256xf32, #tpu.memory_space<vmem>> -> memref<128x256xf32, #tpu.memory_space<vmem>>
        tpu.wait_dma2 semaphore(%arg8 : memref<!tpu.dma_semaphore, #tpu.memory_space<semaphore_mem>>) src(%dma_wait3A_118 : memref<128x256xf32, #tpu.memory_space<vmem>>) dst(%dma_wait3A_114 : memref<128x256xf32, #tpu.memory_space<hbm>>)
        %dma_wait3A_119 = arith.constant 1 : i32
        %dma_wait3A_120 = arith.constant 0 : i32
        %dma_wait3A_121 = arith.constant 0 : i32
        %dma_wait3A_122 = tpu.memref_slice %arg6[%dma_wait3A_119, %dma_wait3A_120, %dma_wait3A_121] : memref<2x128x256xf32, #tpu.memory_space<vmem>> -> memref<1x128x256xf32, #tpu.memory_space<vmem>>
        %dma_wait3A_123 = tpu.memref_squeeze %dma_wait3A_122 : memref<1x128x256xf32, #tpu.memory_space<vmem>> -> memref<128x256xf32, #tpu.memory_space<vmem>>
        %dma_wait3A_124 = arith.constant 0 : i32
        %dma_wait3A_125 = tpu.memref_slice %arg4[%multiple_of3A_46, %dma_wait3A_124] : memref<32768x256xf32, #tpu.memory_space<hbm>> -> memref<128x256xf32, #tpu.memory_space<hbm>>
        %dma_wait3A_126 = arith.constant 0 : i32
        %dma_wait3A_127 = tpu.memref_slice %arg4[%multiple_of3A_46, %dma_wait3A_126] : memref<32768x256xf32, #tpu.memory_space<hbm>> -> memref<128x256xf32, #tpu.memory_space<hbm>>
        %dma_wait3A_128 = arith.constant 0 : i32
        %dma_wait3A_129 = arith.constant 0 : i32
        %dma_wait3A_130 = tpu.memref_slice %arg6[%dma_wait3A_119, %dma_wait3A_128, %dma_wait3A_129] : memref<2x128x256xf32, #tpu.memory_space<vmem>> -> memref<1x128x256xf32, #tpu.memory_space<vmem>>
        %dma_wait3A_131 = tpu.memref_squeeze %dma_wait3A_130 : memref<1x128x256xf32, #tpu.memory_space<vmem>> -> memref<128x256xf32, #tpu.memory_space<vmem>>
        tpu.wait_dma2 semaphore(%arg9 : memref<!tpu.dma_semaphore, #tpu.memory_space<semaphore_mem>>) src(%dma_wait3A_131 : memref<128x256xf32, #tpu.memory_space<vmem>>) dst(%dma_wait3A_127 : memref<128x256xf32, #tpu.memory_space<hbm>>)
      } else {
      }
      "tpu.region"() ({
        %run_scoped3A = tpu.sem_alloc : memref<!tpu.dma_semaphore, #tpu.memory_space<semaphore_mem>>
        %dma_start3A_106 = tpu.memref_slice %arg3[%multiple_of3A] : memref<32768xi32, #tpu.memory_space<hbm>> -> memref<128xi32, #tpu.memory_space<hbm>>
        %dma_start3A_107 = tpu.memref_slice %arg3[%multiple_of3A] : memref<32768xi32, #tpu.memory_space<hbm>> -> memref<128xi32, #tpu.memory_space<hbm>>
        tpu.enqueue_dma source(%dma_start3A_107 : memref<128xi32, #tpu.memory_space<hbm>>) target(%arg5 : memref<128xi32, #tpu.memory_space<vmem>>) target_semaphore(%run_scoped3A : memref<!tpu.dma_semaphore, #tpu.memory_space<semaphore_mem>>)
        %dma_wait3A_108 = tpu.memref_slice %arg3[%multiple_of3A] : memref<32768xi32, #tpu.memory_space<hbm>> -> memref<128xi32, #tpu.memory_space<hbm>>
        %dma_wait3A_109 = tpu.memref_slice %arg3[%multiple_of3A] : memref<32768xi32, #tpu.memory_space<hbm>> -> memref<128xi32, #tpu.memory_space<hbm>>
        tpu.wait_dma2 semaphore(%run_scoped3A : memref<!tpu.dma_semaphore, #tpu.memory_space<semaphore_mem>>) src(%dma_wait3A_109 : memref<128xi32, #tpu.memory_space<hbm>>) dst(%arg5 : memref<128xi32, #tpu.memory_space<vmem>>)
        tpu.yield
      }) : () -> ()
      %dma_start3A = arith.constant 0 : i32
      %dma_start3A_49 = arith.constant 0 : i32
      %dma_start3A_50 = arith.constant 0 : i32
      %dma_start3A_51 = tpu.memref_slice %arg6[%dma_start3A, %dma_start3A_49, %dma_start3A_50] : memref<2x128x256xf32, #tpu.memory_space<vmem>> -> memref<1x128x256xf32, #tpu.memory_space<vmem>>
      %dma_start3A_52 = tpu.memref_squeeze %dma_start3A_51 : memref<1x128x256xf32, #tpu.memory_space<vmem>> -> memref<128x256xf32, #tpu.memory_space<vmem>>
      %dma_start3A_53 = arith.constant 0 : i32
      %dma_start3A_54 = arith.constant 0 : i32
      %dma_start3A_55 = tpu.memref_slice %arg2[%dma_start3A_53, %dma_start3A_54] : memref<2048x256xf32, #tpu.memory_space<hbm>> -> memref<2048x256xf32, #tpu.memory_space<hbm>>
      tpu.enqueue_indirect_dma source(%dma_start3A_55 : memref<2048x256xf32, #tpu.memory_space<hbm>>) target(%dma_start3A_52 : memref<128x256xf32, #tpu.memory_space<vmem>>) offsets(%arg5 : memref<128xi32, #tpu.memory_space<vmem>>) semaphore(%arg7 : memref<!tpu.dma_semaphore, #tpu.memory_space<semaphore_mem>>)
      %dma_wait3A_56 = arith.constant 0 : i32
      %dma_wait3A_57 = arith.constant 0 : i32
      %dma_wait3A_58 = arith.constant 0 : i32
      %dma_wait3A_59 = tpu.memref_slice %arg6[%dma_wait3A_56, %dma_wait3A_57, %dma_wait3A_58] : memref<2x128x256xf32, #tpu.memory_space<vmem>> -> memref<1x128x256xf32, #tpu.memory_space<vmem>>
      %dma_wait3A_60 = tpu.memref_squeeze %dma_wait3A_59 : memref<1x128x256xf32, #tpu.memory_space<vmem>> -> memref<128x256xf32, #tpu.memory_space<vmem>>
      %dma_wait3A_61 = arith.constant 0 : i32
      %dma_wait3A_62 = arith.constant 0 : i32
      %dma_wait3A_63 = tpu.memref_slice %arg2[%dma_wait3A_61, %dma_wait3A_62] : memref<2048x256xf32, #tpu.memory_space<hbm>> -> memref<2048x256xf32, #tpu.memory_space<hbm>>
      tpu.wait_indirect_dma semaphore(%arg7 : memref<!tpu.dma_semaphore, #tpu.memory_space<semaphore_mem>>) src(%dma_wait3A_63 : memref<2048x256xf32, #tpu.memory_space<hbm>>) dst(%dma_wait3A_60 : memref<128x256xf32, #tpu.memory_space<vmem>>)
      %dma_start3A_64 = arith.constant 0 : i32
      %dma_start3A_65 = arith.constant 0 : i32
      %dma_start3A_66 = arith.constant 0 : i32
      %dma_start3A_67 = tpu.memref_slice %arg6[%dma_start3A_64, %dma_start3A_65, %dma_start3A_66] : memref<2x128x256xf32, #tpu.memory_space<vmem>> -> memref<1x128x256xf32, #tpu.memory_space<vmem>>
      %dma_start3A_68 = tpu.memref_squeeze %dma_start3A_67 : memref<1x128x256xf32, #tpu.memory_space<vmem>> -> memref<128x256xf32, #tpu.memory_space<vmem>>
      %dma_start3A_69 = arith.constant 0 : i32
      %dma_start3A_70 = tpu.memref_slice %arg4[%multiple_of3A, %dma_start3A_69] : memref<32768x256xf32, #tpu.memory_space<hbm>> -> memref<128x256xf32, #tpu.memory_space<hbm>>
      %dma_start3A_71 = arith.constant 0 : i32
      %dma_start3A_72 = tpu.memref_slice %arg4[%multiple_of3A, %dma_start3A_71] : memref<32768x256xf32, #tpu.memory_space<hbm>> -> memref<128x256xf32, #tpu.memory_space<hbm>>
      %dma_start3A_73 = arith.constant 0 : i32
      %dma_start3A_74 = arith.constant 0 : i32
      %dma_start3A_75 = tpu.memref_slice %arg6[%dma_start3A_64, %dma_start3A_73, %dma_start3A_74] : memref<2x128x256xf32, #tpu.memory_space<vmem>> -> memref<1x128x256xf32, #tpu.memory_space<vmem>>
      %dma_start3A_76 = tpu.memref_squeeze %dma_start3A_75 : memref<1x128x256xf32, #tpu.memory_space<vmem>> -> memref<128x256xf32, #tpu.memory_space<vmem>>
      tpu.enqueue_dma source(%dma_start3A_76 : memref<128x256xf32, #tpu.memory_space<vmem>>) target(%dma_start3A_72 : memref<128x256xf32, #tpu.memory_space<hbm>>) target_semaphore(%arg8 : memref<!tpu.dma_semaphore, #tpu.memory_space<semaphore_mem>>)
      "tpu.region"() ({
        %run_scoped3A = tpu.sem_alloc : memref<!tpu.dma_semaphore, #tpu.memory_space<semaphore_mem>>
        %dma_start3A_106 = tpu.memref_slice %arg3[%multiple_of3A_46] : memref<32768xi32, #tpu.memory_space<hbm>> -> memref<128xi32, #tpu.memory_space<hbm>>
        %dma_start3A_107 = tpu.memref_slice %arg3[%multiple_of3A_46] : memref<32768xi32, #tpu.memory_space<hbm>> -> memref<128xi32, #tpu.memory_space<hbm>>
        tpu.enqueue_dma source(%dma_start3A_107 : memref<128xi32, #tpu.memory_space<hbm>>) target(%arg5 : memref<128xi32, #tpu.memory_space<vmem>>) target_semaphore(%run_scoped3A : memref<!tpu.dma_semaphore, #tpu.memory_space<semaphore_mem>>)
        %dma_wait3A_108 = tpu.memref_slice %arg3[%multiple_of3A_46] : memref<32768xi32, #tpu.memory_space<hbm>> -> memref<128xi32, #tpu.memory_space<hbm>>
        %dma_wait3A_109 = tpu.memref_slice %arg3[%multiple_of3A_46] : memref<32768xi32, #tpu.memory_space<hbm>> -> memref<128xi32, #tpu.memory_space<hbm>>
        tpu.wait_dma2 semaphore(%run_scoped3A : memref<!tpu.dma_semaphore, #tpu.memory_space<semaphore_mem>>) src(%dma_wait3A_109 : memref<128xi32, #tpu.memory_space<hbm>>) dst(%arg5 : memref<128xi32, #tpu.memory_space<vmem>>)
        tpu.yield
      }) : () -> ()
      %dma_start3A_77 = arith.constant 1 : i32
      %dma_start3A_78 = arith.constant 0 : i32
      %dma_start3A_79 = arith.constant 0 : i32
      %dma_start3A_80 = tpu.memref_slice %arg6[%dma_start3A_77, %dma_start3A_78, %dma_start3A_79] : memref<2x128x256xf32, #tpu.memory_space<vmem>> -> memref<1x128x256xf32, #tpu.memory_space<vmem>>
      %dma_start3A_81 = tpu.memref_squeeze %dma_start3A_80 : memref<1x128x256xf32, #tpu.memory_space<vmem>> -> memref<128x256xf32, #tpu.memory_space<vmem>>
      %dma_start3A_82 = arith.constant 0 : i32
      %dma_start3A_83 = arith.constant 0 : i32
      %dma_start3A_84 = tpu.memref_slice %arg2[%dma_start3A_82, %dma_start3A_83] : memref<2048x256xf32, #tpu.memory_space<hbm>> -> memref<2048x256xf32, #tpu.memory_space<hbm>>
      tpu.enqueue_indirect_dma source(%dma_start3A_84 : memref<2048x256xf32, #tpu.memory_space<hbm>>) target(%dma_start3A_81 : memref<128x256xf32, #tpu.memory_space<vmem>>) offsets(%arg5 : memref<128xi32, #tpu.memory_space<vmem>>) semaphore(%arg7 : memref<!tpu.dma_semaphore, #tpu.memory_space<semaphore_mem>>)
      %dma_wait3A_85 = arith.constant 1 : i32
      %dma_wait3A_86 = arith.constant 0 : i32
      %dma_wait3A_87 = arith.constant 0 : i32
      %dma_wait3A_88 = tpu.memref_slice %arg6[%dma_wait3A_85, %dma_wait3A_86, %dma_wait3A_87] : memref<2x128x256xf32, #tpu.memory_space<vmem>> -> memref<1x128x256xf32, #tpu.memory_space<vmem>>
      %dma_wait3A_89 = tpu.memref_squeeze %dma_wait3A_88 : memref<1x128x256xf32, #tpu.memory_space<vmem>> -> memref<128x256xf32, #tpu.memory_space<vmem>>
      %dma_wait3A_90 = arith.constant 0 : i32
      %dma_wait3A_91 = arith.constant 0 : i32
      %dma_wait3A_92 = tpu.memref_slice %arg2[%dma_wait3A_90, %dma_wait3A_91] : memref<2048x256xf32, #tpu.memory_space<hbm>> -> memref<2048x256xf32, #tpu.memory_space<hbm>>
      tpu.wait_indirect_dma semaphore(%arg7 : memref<!tpu.dma_semaphore, #tpu.memory_space<semaphore_mem>>) src(%dma_wait3A_92 : memref<2048x256xf32, #tpu.memory_space<hbm>>) dst(%dma_wait3A_89 : memref<128x256xf32, #tpu.memory_space<vmem>>)
      %dma_start3A_93 = arith.constant 1 : i32
      %dma_start3A_94 = arith.constant 0 : i32
      %dma_start3A_95 = arith.constant 0 : i32
      %dma_start3A_96 = tpu.memref_slice %arg6[%dma_start3A_93, %dma_start3A_94, %dma_start3A_95] : memref<2x128x256xf32, #tpu.memory_space<vmem>> -> memref<1x128x256xf32, #tpu.memory_space<vmem>>
      %dma_start3A_97 = tpu.memref_squeeze %dma_start3A_96 : memref<1x128x256xf32, #tpu.memory_space<vmem>> -> memref<128x256xf32, #tpu.memory_space<vmem>>
      %dma_start3A_98 = arith.constant 0 : i32
      %dma_start3A_99 = tpu.memref_slice %arg4[%multiple_of3A_46, %dma_start3A_98] : memref<32768x256xf32, #tpu.memory_space<hbm>> -> memref<128x256xf32, #tpu.memory_space<hbm>>
      %dma_start3A_100 = arith.constant 0 : i32
      %dma_start3A_101 = tpu.memref_slice %arg4[%multiple_of3A_46, %dma_start3A_100] : memref<32768x256xf32, #tpu.memory_space<hbm>> -> memref<128x256xf32, #tpu.memory_space<hbm>>
      %dma_start3A_102 = arith.constant 0 : i32
      %dma_start3A_103 = arith.constant 0 : i32
      %dma_start3A_104 = tpu.memref_slice %arg6[%dma_start3A_93, %dma_start3A_102, %dma_start3A_103] : memref<2x128x256xf32, #tpu.memory_space<vmem>> -> memref<1x128x256xf32, #tpu.memory_space<vmem>>
      %dma_start3A_105 = tpu.memref_squeeze %dma_start3A_104 : memref<1x128x256xf32, #tpu.memory_space<vmem>> -> memref<128x256xf32, #tpu.memory_space<vmem>>
      tpu.enqueue_dma source(%dma_start3A_105 : memref<128x256xf32, #tpu.memory_space<vmem>>) target(%dma_start3A_101 : memref<128x256xf32, #tpu.memory_space<hbm>>) target_semaphore(%arg9 : memref<!tpu.dma_semaphore, #tpu.memory_space<semaphore_mem>>)
    }
    %scan3A_7 = arith.constant 4 : i32
    %dma_wait3A = arith.constant 0 : i32
    %dma_wait3A_8 = arith.constant 0 : i32
    %dma_wait3A_9 = arith.constant 0 : i32
    %dma_wait3A_10 = tpu.memref_slice %arg6[%dma_wait3A, %dma_wait3A_8, %dma_wait3A_9] : memref<2x128x256xf32, #tpu.memory_space<vmem>> -> memref<1x128x256xf32, #tpu.memory_space<vmem>>
    %dma_wait3A_11 = tpu.memref_squeeze %dma_wait3A_10 : memref<1x128x256xf32, #tpu.memory_space<vmem>> -> memref<128x256xf32, #tpu.memory_space<vmem>>
    %dma_wait3A_12 = arith.constant 0 : i32
    %dma_wait3A_13 = tpu.memref_slice %arg4[%mul3A_2, %dma_wait3A_12] : memref<32768x256xf32, #tpu.memory_space<hbm>> -> memref<128x256xf32, #tpu.memory_space<hbm>>
    %dma_wait3A_14 = arith.constant 0 : i32
    %dma_wait3A_15 = tpu.memref_slice %arg4[%mul3A_2, %dma_wait3A_14] : memref<32768x256xf32, #tpu.memory_space<hbm>> -> memref<128x256xf32, #tpu.memory_space<hbm>>
    %dma_wait3A_16 = arith.constant 0 : i32
    %dma_wait3A_17 = arith.constant 0 : i32
    %dma_wait3A_18 = tpu.memref_slice %arg6[%dma_wait3A, %dma_wait3A_16, %dma_wait3A_17] : memref<2x128x256xf32, #tpu.memory_space<vmem>> -> memref<1x128x256xf32, #tpu.memory_space<vmem>>
    %dma_wait3A_19 = tpu.memref_squeeze %dma_wait3A_18 : memref<1x128x256xf32, #tpu.memory_space<vmem>> -> memref<128x256xf32, #tpu.memory_space<vmem>>
    tpu.wait_dma2 semaphore(%arg8 : memref<!tpu.dma_semaphore, #tpu.memory_space<semaphore_mem>>) src(%dma_wait3A_19 : memref<128x256xf32, #tpu.memory_space<vmem>>) dst(%dma_wait3A_15 : memref<128x256xf32, #tpu.memory_space<hbm>>)
    %dma_wait3A_20 = arith.constant 1 : i32
    %dma_wait3A_21 = arith.constant 0 : i32
    %dma_wait3A_22 = arith.constant 0 : i32
    %dma_wait3A_23 = tpu.memref_slice %arg6[%dma_wait3A_20, %dma_wait3A_21, %dma_wait3A_22] : memref<2x128x256xf32, #tpu.memory_space<vmem>> -> memref<1x128x256xf32, #tpu.memory_space<vmem>>
    %dma_wait3A_24 = tpu.memref_squeeze %dma_wait3A_23 : memref<1x128x256xf32, #tpu.memory_space<vmem>> -> memref<128x256xf32, #tpu.memory_space<vmem>>
    %dma_wait3A_25 = arith.constant 0 : i32
    %dma_wait3A_26 = tpu.memref_slice %arg4[%mul3A_2, %dma_wait3A_25] : memref<32768x256xf32, #tpu.memory_space<hbm>> -> memref<128x256xf32, #tpu.memory_space<hbm>>
    %dma_wait3A_27 = arith.constant 0 : i32
    %dma_wait3A_28 = tpu.memref_slice %arg4[%mul3A_2, %dma_wait3A_27] : memref<32768x256xf32, #tpu.memory_space<hbm>> -> memref<128x256xf32, #tpu.memory_space<hbm>>
    %dma_wait3A_29 = arith.constant 0 : i32
    %dma_wait3A_30 = arith.constant 0 : i32
    %dma_wait3A_31 = tpu.memref_slice %arg6[%dma_wait3A_20, %dma_wait3A_29, %dma_wait3A_30] : memref<2x128x256xf32, #tpu.memory_space<vmem>> -> memref<1x128x256xf32, #tpu.memory_space<vmem>>
    %dma_wait3A_32 = tpu.memref_squeeze %dma_wait3A_31 : memref<1x128x256xf32, #tpu.memory_space<vmem>> -> memref<128x256xf32, #tpu.memory_space<vmem>>
    tpu.wait_dma2 semaphore(%arg9 : memref<!tpu.dma_semaphore, #tpu.memory_space<semaphore_mem>>) src(%dma_wait3A_32 : memref<128x256xf32, #tpu.memory_space<vmem>>) dst(%dma_wait3A_28 : memref<128x256xf32, #tpu.memory_space<hbm>>)
    return
  }
}

#map = affine_map<(d0, d1) -> (0, 0)>
#map1 = affine_map<(d0, d1) -> (0)>
module attributes {stable_mosaic.version = 14 : i64} {
  func.func @gk(%arg0: i32, %arg1: i32, %arg2: memref<2048x256xf32, #tpu.memory_space<hbm>>, %arg3: memref<32768xi32, #tpu.memory_space<hbm>>, %arg4: memref<32768x256xf32, #tpu.memory_space<hbm>>, %arg5: memref<128xi32, #tpu.memory_space<vmem>>, %arg6: memref<2x128x256xf32, #tpu.memory_space<vmem>>, %arg7: memref<!tpu.dma_semaphore, #tpu.memory_space<semaphore_mem>>, %arg8: memref<!tpu.dma_semaphore, #tpu.memory_space<semaphore_mem>>, %arg9: memref<!tpu.dma_semaphore, #tpu.memory_space<semaphore_mem>>) attributes {dimension_semantics = [#tpu.dimension_semantics<core_parallel>, #tpu.dimension_semantics<subcore_parallel>], iteration_bounds = array<i64: 2, 16>, scalar_prefetch = 0 : i64, scratch_operands = 5 : i64, tpu.core_type = #tpu.core_type<sc_vector_subcore>, window_params = [{transform_indices = #map}, {transform_indices = #map1}, {transform_indices = #map}]} {
    %mul3A = arith.constant 2 : i32
    %mul3A_0 = arith.muli %arg1, %mul3A : i32
    %add3A = arith.addi %mul3A_0, %arg0 : i32
    %mul3A_1 = arith.constant 1024 : i32
    %mul3A_2 = arith.muli %add3A, %mul3A_1 : i32
    %scan3A = arith.constant 0 : i32
    %scan3A_3 = arith.constant 0 : i32
    %scan3A_4 = arith.constant 4 : i32
    %scan3A_5 = arith.addi %scan3A_3, %scan3A_4 : i32
    %scan3A_6 = arith.constant 1 : i32
    scf.for %scan3A_33 = %scan3A_3 to %scan3A_5 step %scan3A_6  : i32 {
      %mul3A_34 = arith.constant 2 : i32
      %mul3A_35 = arith.muli %mul3A_34, %scan3A_33 : i32
      %mul3A_36 = arith.constant 128 : i32
      %mul3A_37 = arith.muli %mul3A_35, %mul3A_36 : i32
      %add3A_38 = arith.addi %mul3A_2, %mul3A_37 : i32
      %multiple_of3A = tpu.assume_multiple %add3A_38, 128 : i32
      %mul3A_39 = arith.constant 2 : i32
      %mul3A_40 = arith.muli %mul3A_39, %scan3A_33 : i32
      %add3A_41 = arith.constant 1 : i32
      %add3A_42 = arith.addi %mul3A_40, %add3A_41 : i32
      %mul3A_43 = arith.constant 128 : i32
      %mul3A_44 = arith.muli %add3A_42, %mul3A_43 : i32
      %add3A_45 = arith.addi %mul3A_2, %mul3A_44 : i32
      %multiple_of3A_46 = tpu.assume_multiple %add3A_45, 128 : i32
      %ge3A = arith.constant 1 : i32
      %ge3A_47 = arith.cmpi sge, %scan3A_33, %ge3A : i32
      %convert_element_type3A = arith.extui %ge3A_47 : i1 to i32
      %cond3A = arith.constant 0 : i32
      %cond3A_48 = arith.cmpi ne, %convert_element_type3A, %cond3A : i32
      scf.if %cond3A_48 {
        %dma_wait3A_106 = arith.constant 0 : i32
        %dma_wait3A_107 = arith.constant 0 : i32
        %dma_wait3A_108 = arith.constant 0 : i32
        %dma_wait3A_109 = tpu.memref_slice %arg6[%dma_wait3A_106, %dma_wait3A_107, %dma_wait3A_108] : memref<2x128x256xf32, #tpu.memory_space<vmem>> -> memref<1x128x256xf32, #tpu.memory_space<vmem>>
        %dma_wait3A_110 = tpu.memref_squeeze %dma_wait3A_109 : memref<1x128x256xf32, #tpu.memory_space<vmem>> -> memref<128x256xf32, #tpu.memory_space<vmem>>
        %dma_wait3A_111 = arith.constant 0 : i32
        %dma_wait3A_112 = tpu.memref_slice %arg4[%multiple_of3A, %dma_wait3A_111] : memref<32768x256xf32, #tpu.memory_space<hbm>> -> memref<128x256xf32, #tpu.memory_space<hbm>>
        %dma_wait3A_113 = arith.constant 0 : i32
        %dma_wait3A_114 = tpu.memref_slice %arg4[%multiple_of3A, %dma_wait3A_113] : memref<32768x256xf32, #tpu.memory_space<hbm>> -> memref<128x256xf32, #tpu.memory_space<hbm>>
        %dma_wait3A_115 = arith.constant 0 : i32
        %dma_wait3A_116 = arith.constant 0 : i32
        %dma_wait3A_117 = tpu.memref_slice %arg6[%dma_wait3A_106, %dma_wait3A_115, %dma_wait3A_116] : memref<2x128x256xf32, #tpu.memory_space<vmem>> -> memref<1x128x256xf32, #tpu.memory_space<vmem>>
        %dma_wait3A_118 = tpu.memref_squeeze %dma_wait3A_117 : memref<1x128x256xf32, #tpu.memory_space<vmem>> -> memref<128x256xf32, #tpu.memory_space<vmem>>
        tpu.wait_dma2 semaphore(%arg8 : memref<!tpu.dma_semaphore, #tpu.memory_space<semaphore_mem>>) src(%dma_wait3A_118 : memref<128x256xf32, #tpu.memory_space<vmem>>) dst(%dma_wait3A_114 : memref<128x256xf32, #tpu.memory_space<hbm>>)
        %dma_wait3A_119 = arith.constant 1 : i32
        %dma_wait3A_120 = arith.constant 0 : i32
        %dma_wait3A_121 = arith.constant 0 : i32
        %dma_wait3A_122 = tpu.memref_slice %arg6[%dma_wait3A_119, %dma_wait3A_120, %dma_wait3A_121] : memref<2x128x256xf32, #tpu.memory_space<vmem>> -> memref<1x128x256xf32, #tpu.memory_space<vmem>>
        %dma_wait3A_123 = tpu.memref_squeeze %dma_wait3A_122 : memref<1x128x256xf32, #tpu.memory_space<vmem>> -> memref<128x256xf32, #tpu.memory_space<vmem>>
        %dma_wait3A_124 = arith.constant 0 : i32
        %dma_wait3A_125 = tpu.memref_slice %arg4[%multiple_of3A_46, %dma_wait3A_124] : memref<32768x256xf32, #tpu.memory_space<hbm>> -> memref<128x256xf32, #tpu.memory_space<hbm>>
        %dma_wait3A_126 = arith.constant 0 : i32
        %dma_wait3A_127 = tpu.memref_slice %arg4[%multiple_of3A_46, %dma_wait3A_126] : memref<32768x256xf32, #tpu.memory_space<hbm>> -> memref<128x256xf32, #tpu.memory_space<hbm>>
        %dma_wait3A_128 = arith.constant 0 : i32
        %dma_wait3A_129 = arith.constant 0 : i32
        %dma_wait3A_130 = tpu.memref_slice %arg6[%dma_wait3A_119, %dma_wait3A_128, %dma_wait3A_129] : memref<2x128x256xf32, #tpu.memory_space<vmem>> -> memref<1x128x256xf32, #tpu.memory_space<vmem>>
        %dma_wait3A_131 = tpu.memref_squeeze %dma_wait3A_130 : memref<1x128x256xf32, #tpu.memory_space<vmem>> -> memref<128x256xf32, #tpu.memory_space<vmem>>
        tpu.wait_dma2 semaphore(%arg9 : memref<!tpu.dma_semaphore, #tpu.memory_space<semaphore_mem>>) src(%dma_wait3A_131 : memref<128x256xf32, #tpu.memory_space<vmem>>) dst(%dma_wait3A_127 : memref<128x256xf32, #tpu.memory_space<hbm>>)
      } else {
      }
      "tpu.region"() ({
        %run_scoped3A = tpu.sem_alloc : memref<!tpu.dma_semaphore, #tpu.memory_space<semaphore_mem>>
        %dma_start3A_106 = tpu.memref_slice %arg3[%multiple_of3A] : memref<32768xi32, #tpu.memory_space<hbm>> -> memref<128xi32, #tpu.memory_space<hbm>>
        %dma_start3A_107 = tpu.memref_slice %arg3[%multiple_of3A] : memref<32768xi32, #tpu.memory_space<hbm>> -> memref<128xi32, #tpu.memory_space<hbm>>
        tpu.enqueue_dma source(%dma_start3A_107 : memref<128xi32, #tpu.memory_space<hbm>>) target(%arg5 : memref<128xi32, #tpu.memory_space<vmem>>) target_semaphore(%run_scoped3A : memref<!tpu.dma_semaphore, #tpu.memory_space<semaphore_mem>>)
        %dma_wait3A_108 = tpu.memref_slice %arg3[%multiple_of3A] : memref<32768xi32, #tpu.memory_space<hbm>> -> memref<128xi32, #tpu.memory_space<hbm>>
        %dma_wait3A_109 = tpu.memref_slice %arg3[%multiple_of3A] : memref<32768xi32, #tpu.memory_space<hbm>> -> memref<128xi32, #tpu.memory_space<hbm>>
        tpu.wait_dma2 semaphore(%run_scoped3A : memref<!tpu.dma_semaphore, #tpu.memory_space<semaphore_mem>>) src(%dma_wait3A_109 : memref<128xi32, #tpu.memory_space<hbm>>) dst(%arg5 : memref<128xi32, #tpu.memory_space<vmem>>)
        tpu.yield
      }) : () -> ()
      %dma_start3A = arith.constant 0 : i32
      %dma_start3A_49 = arith.constant 0 : i32
      %dma_start3A_50 = arith.constant 0 : i32
      %dma_start3A_51 = tpu.memref_slice %arg6[%dma_start3A, %dma_start3A_49, %dma_start3A_50] : memref<2x128x256xf32, #tpu.memory_space<vmem>> -> memref<1x128x256xf32, #tpu.memory_space<vmem>>
      %dma_start3A_52 = tpu.memref_squeeze %dma_start3A_51 : memref<1x128x256xf32, #tpu.memory_space<vmem>> -> memref<128x256xf32, #tpu.memory_space<vmem>>
      %dma_start3A_53 = arith.constant 0 : i32
      %dma_start3A_54 = arith.constant 0 : i32
      %dma_start3A_55 = tpu.memref_slice %arg2[%dma_start3A_53, %dma_start3A_54] : memref<2048x256xf32, #tpu.memory_space<hbm>> -> memref<2048x256xf32, #tpu.memory_space<hbm>>
      tpu.enqueue_indirect_dma source(%dma_start3A_55 : memref<2048x256xf32, #tpu.memory_space<hbm>>) target(%dma_start3A_52 : memref<128x256xf32, #tpu.memory_space<vmem>>) offsets(%arg5 : memref<128xi32, #tpu.memory_space<vmem>>) semaphore(%arg7 : memref<!tpu.dma_semaphore, #tpu.memory_space<semaphore_mem>>)
      %dma_wait3A_56 = arith.constant 0 : i32
      %dma_wait3A_57 = arith.constant 0 : i32
      %dma_wait3A_58 = arith.constant 0 : i32
      %dma_wait3A_59 = tpu.memref_slice %arg6[%dma_wait3A_56, %dma_wait3A_57, %dma_wait3A_58] : memref<2x128x256xf32, #tpu.memory_space<vmem>> -> memref<1x128x256xf32, #tpu.memory_space<vmem>>
      %dma_wait3A_60 = tpu.memref_squeeze %dma_wait3A_59 : memref<1x128x256xf32, #tpu.memory_space<vmem>> -> memref<128x256xf32, #tpu.memory_space<vmem>>
      %dma_wait3A_61 = arith.constant 0 : i32
      %dma_wait3A_62 = arith.constant 0 : i32
      %dma_wait3A_63 = tpu.memref_slice %arg2[%dma_wait3A_61, %dma_wait3A_62] : memref<2048x256xf32, #tpu.memory_space<hbm>> -> memref<2048x256xf32, #tpu.memory_space<hbm>>
      tpu.wait_indirect_dma semaphore(%arg7 : memref<!tpu.dma_semaphore, #tpu.memory_space<semaphore_mem>>) src(%dma_wait3A_63 : memref<2048x256xf32, #tpu.memory_space<hbm>>) dst(%dma_wait3A_60 : memref<128x256xf32, #tpu.memory_space<vmem>>)
      %dma_start3A_64 = arith.constant 0 : i32
      %dma_start3A_65 = arith.constant 0 : i32
      %dma_start3A_66 = arith.constant 0 : i32
      %dma_start3A_67 = tpu.memref_slice %arg6[%dma_start3A_64, %dma_start3A_65, %dma_start3A_66] : memref<2x128x256xf32, #tpu.memory_space<vmem>> -> memref<1x128x256xf32, #tpu.memory_space<vmem>>
      %dma_start3A_68 = tpu.memref_squeeze %dma_start3A_67 : memref<1x128x256xf32, #tpu.memory_space<vmem>> -> memref<128x256xf32, #tpu.memory_space<vmem>>
      %dma_start3A_69 = arith.constant 0 : i32
      %dma_start3A_70 = tpu.memref_slice %arg4[%multiple_of3A, %dma_start3A_69] : memref<32768x256xf32, #tpu.memory_space<hbm>> -> memref<128x256xf32, #tpu.memory_space<hbm>>
      %dma_start3A_71 = arith.constant 0 : i32
      %dma_start3A_72 = tpu.memref_slice %arg4[%multiple_of3A, %dma_start3A_71] : memref<32768x256xf32, #tpu.memory_space<hbm>> -> memref<128x256xf32, #tpu.memory_space<hbm>>
      %dma_start3A_73 = arith.constant 0 : i32
      %dma_start3A_74 = arith.constant 0 : i32
      %dma_start3A_75 = tpu.memref_slice %arg6[%dma_start3A_64, %dma_start3A_73, %dma_start3A_74] : memref<2x128x256xf32, #tpu.memory_space<vmem>> -> memref<1x128x256xf32, #tpu.memory_space<vmem>>
      %dma_start3A_76 = tpu.memref_squeeze %dma_start3A_75 : memref<1x128x256xf32, #tpu.memory_space<vmem>> -> memref<128x256xf32, #tpu.memory_space<vmem>>
      tpu.enqueue_dma source(%dma_start3A_76 : memref<128x256xf32, #tpu.memory_space<vmem>>) target(%dma_start3A_72 : memref<128x256xf32, #tpu.memory_space<hbm>>) target_semaphore(%arg8 : memref<!tpu.dma_semaphore, #tpu.memory_space<semaphore_mem>>)
      "tpu.region"() ({
        %run_scoped3A = tpu.sem_alloc : memref<!tpu.dma_semaphore, #tpu.memory_space<semaphore_mem>>
        %dma_start3A_106 = tpu.memref_slice %arg3[%multiple_of3A_46] : memref<32768xi32, #tpu.memory_space<hbm>> -> memref<128xi32, #tpu.memory_space<hbm>>
        %dma_start3A_107 = tpu.memref_slice %arg3[%multiple_of3A_46] : memref<32768xi32, #tpu.memory_space<hbm>> -> memref<128xi32, #tpu.memory_space<hbm>>
        tpu.enqueue_dma source(%dma_start3A_107 : memref<128xi32, #tpu.memory_space<hbm>>) target(%arg5 : memref<128xi32, #tpu.memory_space<vmem>>) target_semaphore(%run_scoped3A : memref<!tpu.dma_semaphore, #tpu.memory_space<semaphore_mem>>)
        %dma_wait3A_108 = tpu.memref_slice %arg3[%multiple_of3A_46] : memref<32768xi32, #tpu.memory_space<hbm>> -> memref<128xi32, #tpu.memory_space<hbm>>
        %dma_wait3A_109 = tpu.memref_slice %arg3[%multiple_of3A_46] : memref<32768xi32, #tpu.memory_space<hbm>> -> memref<128xi32, #tpu.memory_space<hbm>>
        tpu.wait_dma2 semaphore(%run_scoped3A : memref<!tpu.dma_semaphore, #tpu.memory_space<semaphore_mem>>) src(%dma_wait3A_109 : memref<128xi32, #tpu.memory_space<hbm>>) dst(%arg5 : memref<128xi32, #tpu.memory_space<vmem>>)
        tpu.yield
      }) : () -> ()
      %dma_start3A_77 = arith.constant 1 : i32
      %dma_start3A_78 = arith.constant 0 : i32
      %dma_start3A_79 = arith.constant 0 : i32
      %dma_start3A_80 = tpu.memref_slice %arg6[%dma_start3A_77, %dma_start3A_78, %dma_start3A_79] : memref<2x128x256xf32, #tpu.memory_space<vmem>> -> memref<1x128x256xf32, #tpu.memory_space<vmem>>
      %dma_start3A_81 = tpu.memref_squeeze %dma_start3A_80 : memref<1x128x256xf32, #tpu.memory_space<vmem>> -> memref<128x256xf32, #tpu.memory_space<vmem>>
      %dma_start3A_82 = arith.constant 0 : i32
      %dma_start3A_83 = arith.constant 0 : i32
      %dma_start3A_84 = tpu.memref_slice %arg2[%dma_start3A_82, %dma_start3A_83] : memref<2048x256xf32, #tpu.memory_space<hbm>> -> memref<2048x256xf32, #tpu.memory_space<hbm>>
      tpu.enqueue_indirect_dma source(%dma_start3A_84 : memref<2048x256xf32, #tpu.memory_space<hbm>>) target(%dma_start3A_81 : memref<128x256xf32, #tpu.memory_space<vmem>>) offsets(%arg5 : memref<128xi32, #tpu.memory_space<vmem>>) semaphore(%arg7 : memref<!tpu.dma_semaphore, #tpu.memory_space<semaphore_mem>>)
      %dma_wait3A_85 = arith.constant 1 : i32
      %dma_wait3A_86 = arith.constant 0 : i32
      %dma_wait3A_87 = arith.constant 0 : i32
      %dma_wait3A_88 = tpu.memref_slice %arg6[%dma_wait3A_85, %dma_wait3A_86, %dma_wait3A_87] : memref<2x128x256xf32, #tpu.memory_space<vmem>> -> memref<1x128x256xf32, #tpu.memory_space<vmem>>
      %dma_wait3A_89 = tpu.memref_squeeze %dma_wait3A_88 : memref<1x128x256xf32, #tpu.memory_space<vmem>> -> memref<128x256xf32, #tpu.memory_space<vmem>>
      %dma_wait3A_90 = arith.constant 0 : i32
      %dma_wait3A_91 = arith.constant 0 : i32
      %dma_wait3A_92 = tpu.memref_slice %arg2[%dma_wait3A_90, %dma_wait3A_91] : memref<2048x256xf32, #tpu.memory_space<hbm>> -> memref<2048x256xf32, #tpu.memory_space<hbm>>
      tpu.wait_indirect_dma semaphore(%arg7 : memref<!tpu.dma_semaphore, #tpu.memory_space<semaphore_mem>>) src(%dma_wait3A_92 : memref<2048x256xf32, #tpu.memory_space<hbm>>) dst(%dma_wait3A_89 : memref<128x256xf32, #tpu.memory_space<vmem>>)
      %dma_start3A_93 = arith.constant 1 : i32
      %dma_start3A_94 = arith.constant 0 : i32
      %dma_start3A_95 = arith.constant 0 : i32
      %dma_start3A_96 = tpu.memref_slice %arg6[%dma_start3A_93, %dma_start3A_94, %dma_start3A_95] : memref<2x128x256xf32, #tpu.memory_space<vmem>> -> memref<1x128x256xf32, #tpu.memory_space<vmem>>
      %dma_start3A_97 = tpu.memref_squeeze %dma_start3A_96 : memref<1x128x256xf32, #tpu.memory_space<vmem>> -> memref<128x256xf32, #tpu.memory_space<vmem>>
      %dma_start3A_98 = arith.constant 0 : i32
      %dma_start3A_99 = tpu.memref_slice %arg4[%multiple_of3A_46, %dma_start3A_98] : memref<32768x256xf32, #tpu.memory_space<hbm>> -> memref<128x256xf32, #tpu.memory_space<hbm>>
      %dma_start3A_100 = arith.constant 0 : i32
      %dma_start3A_101 = tpu.memref_slice %arg4[%multiple_of3A_46, %dma_start3A_100] : memref<32768x256xf32, #tpu.memory_space<hbm>> -> memref<128x256xf32, #tpu.memory_space<hbm>>
      %dma_start3A_102 = arith.constant 0 : i32
      %dma_start3A_103 = arith.constant 0 : i32
      %dma_start3A_104 = tpu.memref_slice %arg6[%dma_start3A_93, %dma_start3A_102, %dma_start3A_103] : memref<2x128x256xf32, #tpu.memory_space<vmem>> -> memref<1x128x256xf32, #tpu.memory_space<vmem>>
      %dma_start3A_105 = tpu.memref_squeeze %dma_start3A_104 : memref<1x128x256xf32, #tpu.memory_space<vmem>> -> memref<128x256xf32, #tpu.memory_space<vmem>>
      tpu.enqueue_dma source(%dma_start3A_105 : memref<128x256xf32, #tpu.memory_space<vmem>>) target(%dma_start3A_101 : memref<128x256xf32, #tpu.memory_space<hbm>>) target_semaphore(%arg9 : memref<!tpu.dma_semaphore, #tpu.memory_space<semaphore_mem>>)
    }
    %scan3A_7 = arith.constant 4 : i32
    %dma_wait3A = arith.constant 0 : i32
    %dma_wait3A_8 = arith.constant 0 : i32
    %dma_wait3A_9 = arith.constant 0 : i32
    %dma_wait3A_10 = tpu.memref_slice %arg6[%dma_wait3A, %dma_wait3A_8, %dma_wait3A_9] : memref<2x128x256xf32, #tpu.memory_space<vmem>> -> memref<1x128x256xf32, #tpu.memory_space<vmem>>
    %dma_wait3A_11 = tpu.memref_squeeze %dma_wait3A_10 : memref<1x128x256xf32, #tpu.memory_space<vmem>> -> memref<128x256xf32, #tpu.memory_space<vmem>>
    %dma_wait3A_12 = arith.constant 0 : i32
    %dma_wait3A_13 = tpu.memref_slice %arg4[%mul3A_2, %dma_wait3A_12] : memref<32768x256xf32, #tpu.memory_space<hbm>> -> memref<128x256xf32, #tpu.memory_space<hbm>>
    %dma_wait3A_14 = arith.constant 0 : i32
    %dma_wait3A_15 = tpu.memref_slice %arg4[%mul3A_2, %dma_wait3A_14] : memref<32768x256xf32, #tpu.memory_space<hbm>> -> memref<128x256xf32, #tpu.memory_space<hbm>>
    %dma_wait3A_16 = arith.constant 0 : i32
    %dma_wait3A_17 = arith.constant 0 : i32
    %dma_wait3A_18 = tpu.memref_slice %arg6[%dma_wait3A, %dma_wait3A_16, %dma_wait3A_17] : memref<2x128x256xf32, #tpu.memory_space<vmem>> -> memref<1x128x256xf32, #tpu.memory_space<vmem>>
    %dma_wait3A_19 = tpu.memref_squeeze %dma_wait3A_18 : memref<1x128x256xf32, #tpu.memory_space<vmem>> -> memref<128x256xf32, #tpu.memory_space<vmem>>
    tpu.wait_dma2 semaphore(%arg8 : memref<!tpu.dma_semaphore, #tpu.memory_space<semaphore_mem>>) src(%dma_wait3A_19 : memref<128x256xf32, #tpu.memory_space<vmem>>) dst(%dma_wait3A_15 : memref<128x256xf32, #tpu.memory_space<hbm>>)
    %dma_wait3A_20 = arith.constant 1 : i32
    %dma_wait3A_21 = arith.constant 0 : i32
    %dma_wait3A_22 = arith.constant 0 : i32
    %dma_wait3A_23 = tpu.memref_slice %arg6[%dma_wait3A_20, %dma_wait3A_21, %dma_wait3A_22] : memref<2x128x256xf32, #tpu.memory_space<vmem>> -> memref<1x128x256xf32, #tpu.memory_space<vmem>>
    %dma_wait3A_24 = tpu.memref_squeeze %dma_wait3A_23 : memref<1x128x256xf32, #tpu.memory_space<vmem>> -> memref<128x256xf32, #tpu.memory_space<vmem>>
    %dma_wait3A_25 = arith.constant 0 : i32
    %dma_wait3A_26 = tpu.memref_slice %arg4[%mul3A_2, %dma_wait3A_25] : memref<32768x256xf32, #tpu.memory_space<hbm>> -> memref<128x256xf32, #tpu.memory_space<hbm>>
    %dma_wait3A_27 = arith.constant 0 : i32
    %dma_wait3A_28 = tpu.memref_slice %arg4[%mul3A_2, %dma_wait3A_27] : memref<32768x256xf32, #tpu.memory_space<hbm>> -> memref<128x256xf32, #tpu.memory_space<hbm>>
    %dma_wait3A_29 = arith.constant 0 : i32
    %dma_wait3A_30 = arith.constant 0 : i32
    %dma_wait3A_31 = tpu.memref_slice %arg6[%dma_wait3A_20, %dma_wait3A_29, %dma_wait3A_30] : memref<2x128x256xf32, #tpu.memory_space<vmem>> -> memref<1x128x256xf32, #tpu.memory_space<vmem>>
    %dma_wait3A_32 = tpu.memref_squeeze %dma_wait3A_31 : memref<1x128x256xf32, #tpu.memory_space<vmem>> -> memref<128x256xf32, #tpu.memory_space<vmem>>
    tpu.wait_dma2 semaphore(%arg9 : memref<!tpu.dma_semaphore, #tpu.memory_space<semaphore_mem>>) src(%dma_wait3A_32 : memref<128x256xf32, #tpu.memory_space<vmem>>) dst(%dma_wait3A_28 : memref<128x256xf32, #tpu.memory_space<hbm>>)
    return
  }
}

#map = affine_map<(d0, d1) -> (0, 0)>
#map1 = affine_map<(d0, d1) -> (0)>
module attributes {stable_mosaic.version = 14 : i64} {
  func.func @gk(%arg0: i32, %arg1: i32, %arg2: memref<2048x256xf32, #tpu.memory_space<hbm>>, %arg3: memref<32768xi32, #tpu.memory_space<hbm>>, %arg4: memref<32768x256xf32, #tpu.memory_space<hbm>>, %arg5: memref<128xi32, #tpu.memory_space<vmem>>, %arg6: memref<2x128x256xf32, #tpu.memory_space<vmem>>, %arg7: memref<!tpu.dma_semaphore, #tpu.memory_space<semaphore_mem>>, %arg8: memref<!tpu.dma_semaphore, #tpu.memory_space<semaphore_mem>>, %arg9: memref<!tpu.dma_semaphore, #tpu.memory_space<semaphore_mem>>) attributes {dimension_semantics = [#tpu.dimension_semantics<core_parallel>, #tpu.dimension_semantics<subcore_parallel>], iteration_bounds = array<i64: 2, 16>, scalar_prefetch = 0 : i64, scratch_operands = 5 : i64, tpu.core_type = #tpu.core_type<sc_vector_subcore>, window_params = [{transform_indices = #map}, {transform_indices = #map1}, {transform_indices = #map}]} {
    %mul3A = arith.constant 2 : i32
    %mul3A_0 = arith.muli %arg1, %mul3A : i32
    %add3A = arith.addi %mul3A_0, %arg0 : i32
    %mul3A_1 = arith.constant 1024 : i32
    %mul3A_2 = arith.muli %add3A, %mul3A_1 : i32
    %scan3A = arith.constant 0 : i32
    %scan3A_3 = arith.constant 0 : i32
    %scan3A_4 = arith.constant 4 : i32
    %scan3A_5 = arith.addi %scan3A_3, %scan3A_4 : i32
    %scan3A_6 = arith.constant 1 : i32
    scf.for %scan3A_33 = %scan3A_3 to %scan3A_5 step %scan3A_6  : i32 {
      %mul3A_34 = arith.constant 2 : i32
      %mul3A_35 = arith.muli %mul3A_34, %scan3A_33 : i32
      %mul3A_36 = arith.constant 128 : i32
      %mul3A_37 = arith.muli %mul3A_35, %mul3A_36 : i32
      %add3A_38 = arith.addi %mul3A_2, %mul3A_37 : i32
      %multiple_of3A = tpu.assume_multiple %add3A_38, 128 : i32
      %mul3A_39 = arith.constant 2 : i32
      %mul3A_40 = arith.muli %mul3A_39, %scan3A_33 : i32
      %add3A_41 = arith.constant 1 : i32
      %add3A_42 = arith.addi %mul3A_40, %add3A_41 : i32
      %mul3A_43 = arith.constant 128 : i32
      %mul3A_44 = arith.muli %add3A_42, %mul3A_43 : i32
      %add3A_45 = arith.addi %mul3A_2, %mul3A_44 : i32
      %multiple_of3A_46 = tpu.assume_multiple %add3A_45, 128 : i32
      %ge3A = arith.constant 1 : i32
      %ge3A_47 = arith.cmpi sge, %scan3A_33, %ge3A : i32
      %convert_element_type3A = arith.extui %ge3A_47 : i1 to i32
      %cond3A = arith.constant 0 : i32
      %cond3A_48 = arith.cmpi ne, %convert_element_type3A, %cond3A : i32
      scf.if %cond3A_48 {
        %dma_wait3A_106 = arith.constant 0 : i32
        %dma_wait3A_107 = arith.constant 0 : i32
        %dma_wait3A_108 = arith.constant 0 : i32
        %dma_wait3A_109 = tpu.memref_slice %arg6[%dma_wait3A_106, %dma_wait3A_107, %dma_wait3A_108] : memref<2x128x256xf32, #tpu.memory_space<vmem>> -> memref<1x128x256xf32, #tpu.memory_space<vmem>>
        %dma_wait3A_110 = tpu.memref_squeeze %dma_wait3A_109 : memref<1x128x256xf32, #tpu.memory_space<vmem>> -> memref<128x256xf32, #tpu.memory_space<vmem>>
        %dma_wait3A_111 = arith.constant 0 : i32
        %dma_wait3A_112 = tpu.memref_slice %arg4[%multiple_of3A, %dma_wait3A_111] : memref<32768x256xf32, #tpu.memory_space<hbm>> -> memref<128x256xf32, #tpu.memory_space<hbm>>
        %dma_wait3A_113 = arith.constant 0 : i32
        %dma_wait3A_114 = tpu.memref_slice %arg4[%multiple_of3A, %dma_wait3A_113] : memref<32768x256xf32, #tpu.memory_space<hbm>> -> memref<128x256xf32, #tpu.memory_space<hbm>>
        %dma_wait3A_115 = arith.constant 0 : i32
        %dma_wait3A_116 = arith.constant 0 : i32
        %dma_wait3A_117 = tpu.memref_slice %arg6[%dma_wait3A_106, %dma_wait3A_115, %dma_wait3A_116] : memref<2x128x256xf32, #tpu.memory_space<vmem>> -> memref<1x128x256xf32, #tpu.memory_space<vmem>>
        %dma_wait3A_118 = tpu.memref_squeeze %dma_wait3A_117 : memref<1x128x256xf32, #tpu.memory_space<vmem>> -> memref<128x256xf32, #tpu.memory_space<vmem>>
        tpu.wait_dma2 semaphore(%arg8 : memref<!tpu.dma_semaphore, #tpu.memory_space<semaphore_mem>>) src(%dma_wait3A_118 : memref<128x256xf32, #tpu.memory_space<vmem>>) dst(%dma_wait3A_114 : memref<128x256xf32, #tpu.memory_space<hbm>>)
        %dma_wait3A_119 = arith.constant 1 : i32
        %dma_wait3A_120 = arith.constant 0 : i32
        %dma_wait3A_121 = arith.constant 0 : i32
        %dma_wait3A_122 = tpu.memref_slice %arg6[%dma_wait3A_119, %dma_wait3A_120, %dma_wait3A_121] : memref<2x128x256xf32, #tpu.memory_space<vmem>> -> memref<1x128x256xf32, #tpu.memory_space<vmem>>
        %dma_wait3A_123 = tpu.memref_squeeze %dma_wait3A_122 : memref<1x128x256xf32, #tpu.memory_space<vmem>> -> memref<128x256xf32, #tpu.memory_space<vmem>>
        %dma_wait3A_124 = arith.constant 0 : i32
        %dma_wait3A_125 = tpu.memref_slice %arg4[%multiple_of3A_46, %dma_wait3A_124] : memref<32768x256xf32, #tpu.memory_space<hbm>> -> memref<128x256xf32, #tpu.memory_space<hbm>>
        %dma_wait3A_126 = arith.constant 0 : i32
        %dma_wait3A_127 = tpu.memref_slice %arg4[%multiple_of3A_46, %dma_wait3A_126] : memref<32768x256xf32, #tpu.memory_space<hbm>> -> memref<128x256xf32, #tpu.memory_space<hbm>>
        %dma_wait3A_128 = arith.constant 0 : i32
        %dma_wait3A_129 = arith.constant 0 : i32
        %dma_wait3A_130 = tpu.memref_slice %arg6[%dma_wait3A_119, %dma_wait3A_128, %dma_wait3A_129] : memref<2x128x256xf32, #tpu.memory_space<vmem>> -> memref<1x128x256xf32, #tpu.memory_space<vmem>>
        %dma_wait3A_131 = tpu.memref_squeeze %dma_wait3A_130 : memref<1x128x256xf32, #tpu.memory_space<vmem>> -> memref<128x256xf32, #tpu.memory_space<vmem>>
        tpu.wait_dma2 semaphore(%arg9 : memref<!tpu.dma_semaphore, #tpu.memory_space<semaphore_mem>>) src(%dma_wait3A_131 : memref<128x256xf32, #tpu.memory_space<vmem>>) dst(%dma_wait3A_127 : memref<128x256xf32, #tpu.memory_space<hbm>>)
      } else {
      }
      "tpu.region"() ({
        %run_scoped3A = tpu.sem_alloc : memref<!tpu.dma_semaphore, #tpu.memory_space<semaphore_mem>>
        %dma_start3A_106 = tpu.memref_slice %arg3[%multiple_of3A] : memref<32768xi32, #tpu.memory_space<hbm>> -> memref<128xi32, #tpu.memory_space<hbm>>
        %dma_start3A_107 = tpu.memref_slice %arg3[%multiple_of3A] : memref<32768xi32, #tpu.memory_space<hbm>> -> memref<128xi32, #tpu.memory_space<hbm>>
        tpu.enqueue_dma source(%dma_start3A_107 : memref<128xi32, #tpu.memory_space<hbm>>) target(%arg5 : memref<128xi32, #tpu.memory_space<vmem>>) target_semaphore(%run_scoped3A : memref<!tpu.dma_semaphore, #tpu.memory_space<semaphore_mem>>)
        %dma_wait3A_108 = tpu.memref_slice %arg3[%multiple_of3A] : memref<32768xi32, #tpu.memory_space<hbm>> -> memref<128xi32, #tpu.memory_space<hbm>>
        %dma_wait3A_109 = tpu.memref_slice %arg3[%multiple_of3A] : memref<32768xi32, #tpu.memory_space<hbm>> -> memref<128xi32, #tpu.memory_space<hbm>>
        tpu.wait_dma2 semaphore(%run_scoped3A : memref<!tpu.dma_semaphore, #tpu.memory_space<semaphore_mem>>) src(%dma_wait3A_109 : memref<128xi32, #tpu.memory_space<hbm>>) dst(%arg5 : memref<128xi32, #tpu.memory_space<vmem>>)
        tpu.yield
      }) : () -> ()
      %dma_start3A = arith.constant 0 : i32
      %dma_start3A_49 = arith.constant 0 : i32
      %dma_start3A_50 = arith.constant 0 : i32
      %dma_start3A_51 = tpu.memref_slice %arg6[%dma_start3A, %dma_start3A_49, %dma_start3A_50] : memref<2x128x256xf32, #tpu.memory_space<vmem>> -> memref<1x128x256xf32, #tpu.memory_space<vmem>>
      %dma_start3A_52 = tpu.memref_squeeze %dma_start3A_51 : memref<1x128x256xf32, #tpu.memory_space<vmem>> -> memref<128x256xf32, #tpu.memory_space<vmem>>
      %dma_start3A_53 = arith.constant 0 : i32
      %dma_start3A_54 = arith.constant 0 : i32
      %dma_start3A_55 = tpu.memref_slice %arg2[%dma_start3A_53, %dma_start3A_54] : memref<2048x256xf32, #tpu.memory_space<hbm>> -> memref<2048x256xf32, #tpu.memory_space<hbm>>
      tpu.enqueue_indirect_dma source(%dma_start3A_55 : memref<2048x256xf32, #tpu.memory_space<hbm>>) target(%dma_start3A_52 : memref<128x256xf32, #tpu.memory_space<vmem>>) offsets(%arg5 : memref<128xi32, #tpu.memory_space<vmem>>) semaphore(%arg7 : memref<!tpu.dma_semaphore, #tpu.memory_space<semaphore_mem>>)
      %dma_wait3A_56 = arith.constant 0 : i32
      %dma_wait3A_57 = arith.constant 0 : i32
      %dma_wait3A_58 = arith.constant 0 : i32
      %dma_wait3A_59 = tpu.memref_slice %arg6[%dma_wait3A_56, %dma_wait3A_57, %dma_wait3A_58] : memref<2x128x256xf32, #tpu.memory_space<vmem>> -> memref<1x128x256xf32, #tpu.memory_space<vmem>>
      %dma_wait3A_60 = tpu.memref_squeeze %dma_wait3A_59 : memref<1x128x256xf32, #tpu.memory_space<vmem>> -> memref<128x256xf32, #tpu.memory_space<vmem>>
      %dma_wait3A_61 = arith.constant 0 : i32
      %dma_wait3A_62 = arith.constant 0 : i32
      %dma_wait3A_63 = tpu.memref_slice %arg2[%dma_wait3A_61, %dma_wait3A_62] : memref<2048x256xf32, #tpu.memory_space<hbm>> -> memref<2048x256xf32, #tpu.memory_space<hbm>>
      tpu.wait_indirect_dma semaphore(%arg7 : memref<!tpu.dma_semaphore, #tpu.memory_space<semaphore_mem>>) src(%dma_wait3A_63 : memref<2048x256xf32, #tpu.memory_space<hbm>>) dst(%dma_wait3A_60 : memref<128x256xf32, #tpu.memory_space<vmem>>)
      %dma_start3A_64 = arith.constant 0 : i32
      %dma_start3A_65 = arith.constant 0 : i32
      %dma_start3A_66 = arith.constant 0 : i32
      %dma_start3A_67 = tpu.memref_slice %arg6[%dma_start3A_64, %dma_start3A_65, %dma_start3A_66] : memref<2x128x256xf32, #tpu.memory_space<vmem>> -> memref<1x128x256xf32, #tpu.memory_space<vmem>>
      %dma_start3A_68 = tpu.memref_squeeze %dma_start3A_67 : memref<1x128x256xf32, #tpu.memory_space<vmem>> -> memref<128x256xf32, #tpu.memory_space<vmem>>
      %dma_start3A_69 = arith.constant 0 : i32
      %dma_start3A_70 = tpu.memref_slice %arg4[%multiple_of3A, %dma_start3A_69] : memref<32768x256xf32, #tpu.memory_space<hbm>> -> memref<128x256xf32, #tpu.memory_space<hbm>>
      %dma_start3A_71 = arith.constant 0 : i32
      %dma_start3A_72 = tpu.memref_slice %arg4[%multiple_of3A, %dma_start3A_71] : memref<32768x256xf32, #tpu.memory_space<hbm>> -> memref<128x256xf32, #tpu.memory_space<hbm>>
      %dma_start3A_73 = arith.constant 0 : i32
      %dma_start3A_74 = arith.constant 0 : i32
      %dma_start3A_75 = tpu.memref_slice %arg6[%dma_start3A_64, %dma_start3A_73, %dma_start3A_74] : memref<2x128x256xf32, #tpu.memory_space<vmem>> -> memref<1x128x256xf32, #tpu.memory_space<vmem>>
      %dma_start3A_76 = tpu.memref_squeeze %dma_start3A_75 : memref<1x128x256xf32, #tpu.memory_space<vmem>> -> memref<128x256xf32, #tpu.memory_space<vmem>>
      tpu.enqueue_dma source(%dma_start3A_76 : memref<128x256xf32, #tpu.memory_space<vmem>>) target(%dma_start3A_72 : memref<128x256xf32, #tpu.memory_space<hbm>>) target_semaphore(%arg8 : memref<!tpu.dma_semaphore, #tpu.memory_space<semaphore_mem>>)
      "tpu.region"() ({
        %run_scoped3A = tpu.sem_alloc : memref<!tpu.dma_semaphore, #tpu.memory_space<semaphore_mem>>
        %dma_start3A_106 = tpu.memref_slice %arg3[%multiple_of3A_46] : memref<32768xi32, #tpu.memory_space<hbm>> -> memref<128xi32, #tpu.memory_space<hbm>>
        %dma_start3A_107 = tpu.memref_slice %arg3[%multiple_of3A_46] : memref<32768xi32, #tpu.memory_space<hbm>> -> memref<128xi32, #tpu.memory_space<hbm>>
        tpu.enqueue_dma source(%dma_start3A_107 : memref<128xi32, #tpu.memory_space<hbm>>) target(%arg5 : memref<128xi32, #tpu.memory_space<vmem>>) target_semaphore(%run_scoped3A : memref<!tpu.dma_semaphore, #tpu.memory_space<semaphore_mem>>)
        %dma_wait3A_108 = tpu.memref_slice %arg3[%multiple_of3A_46] : memref<32768xi32, #tpu.memory_space<hbm>> -> memref<128xi32, #tpu.memory_space<hbm>>
        %dma_wait3A_109 = tpu.memref_slice %arg3[%multiple_of3A_46] : memref<32768xi32, #tpu.memory_space<hbm>> -> memref<128xi32, #tpu.memory_space<hbm>>
        tpu.wait_dma2 semaphore(%run_scoped3A : memref<!tpu.dma_semaphore, #tpu.memory_space<semaphore_mem>>) src(%dma_wait3A_109 : memref<128xi32, #tpu.memory_space<hbm>>) dst(%arg5 : memref<128xi32, #tpu.memory_space<vmem>>)
        tpu.yield
      }) : () -> ()
      %dma_start3A_77 = arith.constant 1 : i32
      %dma_start3A_78 = arith.constant 0 : i32
      %dma_start3A_79 = arith.constant 0 : i32
      %dma_start3A_80 = tpu.memref_slice %arg6[%dma_start3A_77, %dma_start3A_78, %dma_start3A_79] : memref<2x128x256xf32, #tpu.memory_space<vmem>> -> memref<1x128x256xf32, #tpu.memory_space<vmem>>
      %dma_start3A_81 = tpu.memref_squeeze %dma_start3A_80 : memref<1x128x256xf32, #tpu.memory_space<vmem>> -> memref<128x256xf32, #tpu.memory_space<vmem>>
      %dma_start3A_82 = arith.constant 0 : i32
      %dma_start3A_83 = arith.constant 0 : i32
      %dma_start3A_84 = tpu.memref_slice %arg2[%dma_start3A_82, %dma_start3A_83] : memref<2048x256xf32, #tpu.memory_space<hbm>> -> memref<2048x256xf32, #tpu.memory_space<hbm>>
      tpu.enqueue_indirect_dma source(%dma_start3A_84 : memref<2048x256xf32, #tpu.memory_space<hbm>>) target(%dma_start3A_81 : memref<128x256xf32, #tpu.memory_space<vmem>>) offsets(%arg5 : memref<128xi32, #tpu.memory_space<vmem>>) semaphore(%arg7 : memref<!tpu.dma_semaphore, #tpu.memory_space<semaphore_mem>>)
      %dma_wait3A_85 = arith.constant 1 : i32
      %dma_wait3A_86 = arith.constant 0 : i32
      %dma_wait3A_87 = arith.constant 0 : i32
      %dma_wait3A_88 = tpu.memref_slice %arg6[%dma_wait3A_85, %dma_wait3A_86, %dma_wait3A_87] : memref<2x128x256xf32, #tpu.memory_space<vmem>> -> memref<1x128x256xf32, #tpu.memory_space<vmem>>
      %dma_wait3A_89 = tpu.memref_squeeze %dma_wait3A_88 : memref<1x128x256xf32, #tpu.memory_space<vmem>> -> memref<128x256xf32, #tpu.memory_space<vmem>>
      %dma_wait3A_90 = arith.constant 0 : i32
      %dma_wait3A_91 = arith.constant 0 : i32
      %dma_wait3A_92 = tpu.memref_slice %arg2[%dma_wait3A_90, %dma_wait3A_91] : memref<2048x256xf32, #tpu.memory_space<hbm>> -> memref<2048x256xf32, #tpu.memory_space<hbm>>
      tpu.wait_indirect_dma semaphore(%arg7 : memref<!tpu.dma_semaphore, #tpu.memory_space<semaphore_mem>>) src(%dma_wait3A_92 : memref<2048x256xf32, #tpu.memory_space<hbm>>) dst(%dma_wait3A_89 : memref<128x256xf32, #tpu.memory_space<vmem>>)
      %dma_start3A_93 = arith.constant 1 : i32
      %dma_start3A_94 = arith.constant 0 : i32
      %dma_start3A_95 = arith.constant 0 : i32
      %dma_start3A_96 = tpu.memref_slice %arg6[%dma_start3A_93, %dma_start3A_94, %dma_start3A_95] : memref<2x128x256xf32, #tpu.memory_space<vmem>> -> memref<1x128x256xf32, #tpu.memory_space<vmem>>
      %dma_start3A_97 = tpu.memref_squeeze %dma_start3A_96 : memref<1x128x256xf32, #tpu.memory_space<vmem>> -> memref<128x256xf32, #tpu.memory_space<vmem>>
      %dma_start3A_98 = arith.constant 0 : i32
      %dma_start3A_99 = tpu.memref_slice %arg4[%multiple_of3A_46, %dma_start3A_98] : memref<32768x256xf32, #tpu.memory_space<hbm>> -> memref<128x256xf32, #tpu.memory_space<hbm>>
      %dma_start3A_100 = arith.constant 0 : i32
      %dma_start3A_101 = tpu.memref_slice %arg4[%multiple_of3A_46, %dma_start3A_100] : memref<32768x256xf32, #tpu.memory_space<hbm>> -> memref<128x256xf32, #tpu.memory_space<hbm>>
      %dma_start3A_102 = arith.constant 0 : i32
      %dma_start3A_103 = arith.constant 0 : i32
      %dma_start3A_104 = tpu.memref_slice %arg6[%dma_start3A_93, %dma_start3A_102, %dma_start3A_103] : memref<2x128x256xf32, #tpu.memory_space<vmem>> -> memref<1x128x256xf32, #tpu.memory_space<vmem>>
      %dma_start3A_105 = tpu.memref_squeeze %dma_start3A_104 : memref<1x128x256xf32, #tpu.memory_space<vmem>> -> memref<128x256xf32, #tpu.memory_space<vmem>>
      tpu.enqueue_dma source(%dma_start3A_105 : memref<128x256xf32, #tpu.memory_space<vmem>>) target(%dma_start3A_101 : memref<128x256xf32, #tpu.memory_space<hbm>>) target_semaphore(%arg9 : memref<!tpu.dma_semaphore, #tpu.memory_space<semaphore_mem>>)
    }
    %scan3A_7 = arith.constant 4 : i32
    %dma_wait3A = arith.constant 0 : i32
    %dma_wait3A_8 = arith.constant 0 : i32
    %dma_wait3A_9 = arith.constant 0 : i32
    %dma_wait3A_10 = tpu.memref_slice %arg6[%dma_wait3A, %dma_wait3A_8, %dma_wait3A_9] : memref<2x128x256xf32, #tpu.memory_space<vmem>> -> memref<1x128x256xf32, #tpu.memory_space<vmem>>
    %dma_wait3A_11 = tpu.memref_squeeze %dma_wait3A_10 : memref<1x128x256xf32, #tpu.memory_space<vmem>> -> memref<128x256xf32, #tpu.memory_space<vmem>>
    %dma_wait3A_12 = arith.constant 0 : i32
    %dma_wait3A_13 = tpu.memref_slice %arg4[%mul3A_2, %dma_wait3A_12] : memref<32768x256xf32, #tpu.memory_space<hbm>> -> memref<128x256xf32, #tpu.memory_space<hbm>>
    %dma_wait3A_14 = arith.constant 0 : i32
    %dma_wait3A_15 = tpu.memref_slice %arg4[%mul3A_2, %dma_wait3A_14] : memref<32768x256xf32, #tpu.memory_space<hbm>> -> memref<128x256xf32, #tpu.memory_space<hbm>>
    %dma_wait3A_16 = arith.constant 0 : i32
    %dma_wait3A_17 = arith.constant 0 : i32
    %dma_wait3A_18 = tpu.memref_slice %arg6[%dma_wait3A, %dma_wait3A_16, %dma_wait3A_17] : memref<2x128x256xf32, #tpu.memory_space<vmem>> -> memref<1x128x256xf32, #tpu.memory_space<vmem>>
    %dma_wait3A_19 = tpu.memref_squeeze %dma_wait3A_18 : memref<1x128x256xf32, #tpu.memory_space<vmem>> -> memref<128x256xf32, #tpu.memory_space<vmem>>
    tpu.wait_dma2 semaphore(%arg8 : memref<!tpu.dma_semaphore, #tpu.memory_space<semaphore_mem>>) src(%dma_wait3A_19 : memref<128x256xf32, #tpu.memory_space<vmem>>) dst(%dma_wait3A_15 : memref<128x256xf32, #tpu.memory_space<hbm>>)
    %dma_wait3A_20 = arith.constant 1 : i32
    %dma_wait3A_21 = arith.constant 0 : i32
    %dma_wait3A_22 = arith.constant 0 : i32
    %dma_wait3A_23 = tpu.memref_slice %arg6[%dma_wait3A_20, %dma_wait3A_21, %dma_wait3A_22] : memref<2x128x256xf32, #tpu.memory_space<vmem>> -> memref<1x128x256xf32, #tpu.memory_space<vmem>>
    %dma_wait3A_24 = tpu.memref_squeeze %dma_wait3A_23 : memref<1x128x256xf32, #tpu.memory_space<vmem>> -> memref<128x256xf32, #tpu.memory_space<vmem>>
    %dma_wait3A_25 = arith.constant 0 : i32
    %dma_wait3A_26 = tpu.memref_slice %arg4[%mul3A_2, %dma_wait3A_25] : memref<32768x256xf32, #tpu.memory_space<hbm>> -> memref<128x256xf32, #tpu.memory_space<hbm>>
    %dma_wait3A_27 = arith.constant 0 : i32
    %dma_wait3A_28 = tpu.memref_slice %arg4[%mul3A_2, %dma_wait3A_27] : memref<32768x256xf32, #tpu.memory_space<hbm>> -> memref<128x256xf32, #tpu.memory_space<hbm>>
    %dma_wait3A_29 = arith.constant 0 : i32
    %dma_wait3A_30 = arith.constant 0 : i32
    %dma_wait3A_31 = tpu.memref_slice %arg6[%dma_wait3A_20, %dma_wait3A_29, %dma_wait3A_30] : memref<2x128x256xf32, #tpu.memory_space<vmem>> -> memref<1x128x256xf32, #tpu.memory_space<vmem>>
    %dma_wait3A_32 = tpu.memref_squeeze %dma_wait3A_31 : memref<1x128x256xf32, #tpu.memory_space<vmem>> -> memref<128x256xf32, #tpu.memory_space<vmem>>
    tpu.wait_dma2 semaphore(%arg9 : memref<!tpu.dma_semaphore, #tpu.memory_space<semaphore_mem>>) src(%dma_wait3A_32 : memref<128x256xf32, #tpu.memory_space<vmem>>) dst(%dma_wait3A_28 : memref<128x256xf32, #tpu.memory_space<hbm>>)
    return
  }
}

#map = affine_map<(d0, d1) -> (0, 0)>
#map1 = affine_map<(d0, d1) -> (0)>
module attributes {stable_mosaic.version = 14 : i64} {
  func.func @gk(%arg0: i32, %arg1: i32, %arg2: memref<2048x256xf32, #tpu.memory_space<hbm>>, %arg3: memref<32768xi32, #tpu.memory_space<hbm>>, %arg4: memref<32768x256xf32, #tpu.memory_space<hbm>>, %arg5: memref<128xi32, #tpu.memory_space<vmem>>, %arg6: memref<2x128x256xf32, #tpu.memory_space<vmem>>, %arg7: memref<!tpu.dma_semaphore, #tpu.memory_space<semaphore_mem>>, %arg8: memref<!tpu.dma_semaphore, #tpu.memory_space<semaphore_mem>>, %arg9: memref<!tpu.dma_semaphore, #tpu.memory_space<semaphore_mem>>) attributes {dimension_semantics = [#tpu.dimension_semantics<core_parallel>, #tpu.dimension_semantics<subcore_parallel>], iteration_bounds = array<i64: 2, 16>, scalar_prefetch = 0 : i64, scratch_operands = 5 : i64, tpu.core_type = #tpu.core_type<sc_vector_subcore>, window_params = [{transform_indices = #map}, {transform_indices = #map1}, {transform_indices = #map}]} {
    %mul3A = arith.constant 2 : i32
    %mul3A_0 = arith.muli %arg1, %mul3A : i32
    %add3A = arith.addi %mul3A_0, %arg0 : i32
    %mul3A_1 = arith.constant 1024 : i32
    %mul3A_2 = arith.muli %add3A, %mul3A_1 : i32
    %scan3A = arith.constant 0 : i32
    %scan3A_3 = arith.constant 0 : i32
    %scan3A_4 = arith.constant 4 : i32
    %scan3A_5 = arith.addi %scan3A_3, %scan3A_4 : i32
    %scan3A_6 = arith.constant 1 : i32
    scf.for %scan3A_33 = %scan3A_3 to %scan3A_5 step %scan3A_6  : i32 {
      %mul3A_34 = arith.constant 2 : i32
      %mul3A_35 = arith.muli %mul3A_34, %scan3A_33 : i32
      %mul3A_36 = arith.constant 128 : i32
      %mul3A_37 = arith.muli %mul3A_35, %mul3A_36 : i32
      %add3A_38 = arith.addi %mul3A_2, %mul3A_37 : i32
      %multiple_of3A = tpu.assume_multiple %add3A_38, 128 : i32
      %mul3A_39 = arith.constant 2 : i32
      %mul3A_40 = arith.muli %mul3A_39, %scan3A_33 : i32
      %add3A_41 = arith.constant 1 : i32
      %add3A_42 = arith.addi %mul3A_40, %add3A_41 : i32
      %mul3A_43 = arith.constant 128 : i32
      %mul3A_44 = arith.muli %add3A_42, %mul3A_43 : i32
      %add3A_45 = arith.addi %mul3A_2, %mul3A_44 : i32
      %multiple_of3A_46 = tpu.assume_multiple %add3A_45, 128 : i32
      %ge3A = arith.constant 1 : i32
      %ge3A_47 = arith.cmpi sge, %scan3A_33, %ge3A : i32
      %convert_element_type3A = arith.extui %ge3A_47 : i1 to i32
      %cond3A = arith.constant 0 : i32
      %cond3A_48 = arith.cmpi ne, %convert_element_type3A, %cond3A : i32
      scf.if %cond3A_48 {
        %dma_wait3A_106 = arith.constant 0 : i32
        %dma_wait3A_107 = arith.constant 0 : i32
        %dma_wait3A_108 = arith.constant 0 : i32
        %dma_wait3A_109 = tpu.memref_slice %arg6[%dma_wait3A_106, %dma_wait3A_107, %dma_wait3A_108] : memref<2x128x256xf32, #tpu.memory_space<vmem>> -> memref<1x128x256xf32, #tpu.memory_space<vmem>>
        %dma_wait3A_110 = tpu.memref_squeeze %dma_wait3A_109 : memref<1x128x256xf32, #tpu.memory_space<vmem>> -> memref<128x256xf32, #tpu.memory_space<vmem>>
        %dma_wait3A_111 = arith.constant 0 : i32
        %dma_wait3A_112 = tpu.memref_slice %arg4[%multiple_of3A, %dma_wait3A_111] : memref<32768x256xf32, #tpu.memory_space<hbm>> -> memref<128x256xf32, #tpu.memory_space<hbm>>
        %dma_wait3A_113 = arith.constant 0 : i32
        %dma_wait3A_114 = tpu.memref_slice %arg4[%multiple_of3A, %dma_wait3A_113] : memref<32768x256xf32, #tpu.memory_space<hbm>> -> memref<128x256xf32, #tpu.memory_space<hbm>>
        %dma_wait3A_115 = arith.constant 0 : i32
        %dma_wait3A_116 = arith.constant 0 : i32
        %dma_wait3A_117 = tpu.memref_slice %arg6[%dma_wait3A_106, %dma_wait3A_115, %dma_wait3A_116] : memref<2x128x256xf32, #tpu.memory_space<vmem>> -> memref<1x128x256xf32, #tpu.memory_space<vmem>>
        %dma_wait3A_118 = tpu.memref_squeeze %dma_wait3A_117 : memref<1x128x256xf32, #tpu.memory_space<vmem>> -> memref<128x256xf32, #tpu.memory_space<vmem>>
        tpu.wait_dma2 semaphore(%arg8 : memref<!tpu.dma_semaphore, #tpu.memory_space<semaphore_mem>>) src(%dma_wait3A_118 : memref<128x256xf32, #tpu.memory_space<vmem>>) dst(%dma_wait3A_114 : memref<128x256xf32, #tpu.memory_space<hbm>>)
        %dma_wait3A_119 = arith.constant 1 : i32
        %dma_wait3A_120 = arith.constant 0 : i32
        %dma_wait3A_121 = arith.constant 0 : i32
        %dma_wait3A_122 = tpu.memref_slice %arg6[%dma_wait3A_119, %dma_wait3A_120, %dma_wait3A_121] : memref<2x128x256xf32, #tpu.memory_space<vmem>> -> memref<1x128x256xf32, #tpu.memory_space<vmem>>
        %dma_wait3A_123 = tpu.memref_squeeze %dma_wait3A_122 : memref<1x128x256xf32, #tpu.memory_space<vmem>> -> memref<128x256xf32, #tpu.memory_space<vmem>>
        %dma_wait3A_124 = arith.constant 0 : i32
        %dma_wait3A_125 = tpu.memref_slice %arg4[%multiple_of3A_46, %dma_wait3A_124] : memref<32768x256xf32, #tpu.memory_space<hbm>> -> memref<128x256xf32, #tpu.memory_space<hbm>>
        %dma_wait3A_126 = arith.constant 0 : i32
        %dma_wait3A_127 = tpu.memref_slice %arg4[%multiple_of3A_46, %dma_wait3A_126] : memref<32768x256xf32, #tpu.memory_space<hbm>> -> memref<128x256xf32, #tpu.memory_space<hbm>>
        %dma_wait3A_128 = arith.constant 0 : i32
        %dma_wait3A_129 = arith.constant 0 : i32
        %dma_wait3A_130 = tpu.memref_slice %arg6[%dma_wait3A_119, %dma_wait3A_128, %dma_wait3A_129] : memref<2x128x256xf32, #tpu.memory_space<vmem>> -> memref<1x128x256xf32, #tpu.memory_space<vmem>>
        %dma_wait3A_131 = tpu.memref_squeeze %dma_wait3A_130 : memref<1x128x256xf32, #tpu.memory_space<vmem>> -> memref<128x256xf32, #tpu.memory_space<vmem>>
        tpu.wait_dma2 semaphore(%arg9 : memref<!tpu.dma_semaphore, #tpu.memory_space<semaphore_mem>>) src(%dma_wait3A_131 : memref<128x256xf32, #tpu.memory_space<vmem>>) dst(%dma_wait3A_127 : memref<128x256xf32, #tpu.memory_space<hbm>>)
      } else {
      }
      "tpu.region"() ({
        %run_scoped3A = tpu.sem_alloc : memref<!tpu.dma_semaphore, #tpu.memory_space<semaphore_mem>>
        %dma_start3A_106 = tpu.memref_slice %arg3[%multiple_of3A] : memref<32768xi32, #tpu.memory_space<hbm>> -> memref<128xi32, #tpu.memory_space<hbm>>
        %dma_start3A_107 = tpu.memref_slice %arg3[%multiple_of3A] : memref<32768xi32, #tpu.memory_space<hbm>> -> memref<128xi32, #tpu.memory_space<hbm>>
        tpu.enqueue_dma source(%dma_start3A_107 : memref<128xi32, #tpu.memory_space<hbm>>) target(%arg5 : memref<128xi32, #tpu.memory_space<vmem>>) target_semaphore(%run_scoped3A : memref<!tpu.dma_semaphore, #tpu.memory_space<semaphore_mem>>)
        %dma_wait3A_108 = tpu.memref_slice %arg3[%multiple_of3A] : memref<32768xi32, #tpu.memory_space<hbm>> -> memref<128xi32, #tpu.memory_space<hbm>>
        %dma_wait3A_109 = tpu.memref_slice %arg3[%multiple_of3A] : memref<32768xi32, #tpu.memory_space<hbm>> -> memref<128xi32, #tpu.memory_space<hbm>>
        tpu.wait_dma2 semaphore(%run_scoped3A : memref<!tpu.dma_semaphore, #tpu.memory_space<semaphore_mem>>) src(%dma_wait3A_109 : memref<128xi32, #tpu.memory_space<hbm>>) dst(%arg5 : memref<128xi32, #tpu.memory_space<vmem>>)
        tpu.yield
      }) : () -> ()
      %dma_start3A = arith.constant 0 : i32
      %dma_start3A_49 = arith.constant 0 : i32
      %dma_start3A_50 = arith.constant 0 : i32
      %dma_start3A_51 = tpu.memref_slice %arg6[%dma_start3A, %dma_start3A_49, %dma_start3A_50] : memref<2x128x256xf32, #tpu.memory_space<vmem>> -> memref<1x128x256xf32, #tpu.memory_space<vmem>>
      %dma_start3A_52 = tpu.memref_squeeze %dma_start3A_51 : memref<1x128x256xf32, #tpu.memory_space<vmem>> -> memref<128x256xf32, #tpu.memory_space<vmem>>
      %dma_start3A_53 = arith.constant 0 : i32
      %dma_start3A_54 = arith.constant 0 : i32
      %dma_start3A_55 = tpu.memref_slice %arg2[%dma_start3A_53, %dma_start3A_54] : memref<2048x256xf32, #tpu.memory_space<hbm>> -> memref<2048x256xf32, #tpu.memory_space<hbm>>
      tpu.enqueue_indirect_dma source(%dma_start3A_55 : memref<2048x256xf32, #tpu.memory_space<hbm>>) target(%dma_start3A_52 : memref<128x256xf32, #tpu.memory_space<vmem>>) offsets(%arg5 : memref<128xi32, #tpu.memory_space<vmem>>) semaphore(%arg7 : memref<!tpu.dma_semaphore, #tpu.memory_space<semaphore_mem>>)
      %dma_wait3A_56 = arith.constant 0 : i32
      %dma_wait3A_57 = arith.constant 0 : i32
      %dma_wait3A_58 = arith.constant 0 : i32
      %dma_wait3A_59 = tpu.memref_slice %arg6[%dma_wait3A_56, %dma_wait3A_57, %dma_wait3A_58] : memref<2x128x256xf32, #tpu.memory_space<vmem>> -> memref<1x128x256xf32, #tpu.memory_space<vmem>>
      %dma_wait3A_60 = tpu.memref_squeeze %dma_wait3A_59 : memref<1x128x256xf32, #tpu.memory_space<vmem>> -> memref<128x256xf32, #tpu.memory_space<vmem>>
      %dma_wait3A_61 = arith.constant 0 : i32
      %dma_wait3A_62 = arith.constant 0 : i32
      %dma_wait3A_63 = tpu.memref_slice %arg2[%dma_wait3A_61, %dma_wait3A_62] : memref<2048x256xf32, #tpu.memory_space<hbm>> -> memref<2048x256xf32, #tpu.memory_space<hbm>>
      tpu.wait_indirect_dma semaphore(%arg7 : memref<!tpu.dma_semaphore, #tpu.memory_space<semaphore_mem>>) src(%dma_wait3A_63 : memref<2048x256xf32, #tpu.memory_space<hbm>>) dst(%dma_wait3A_60 : memref<128x256xf32, #tpu.memory_space<vmem>>)
      %dma_start3A_64 = arith.constant 0 : i32
      %dma_start3A_65 = arith.constant 0 : i32
      %dma_start3A_66 = arith.constant 0 : i32
      %dma_start3A_67 = tpu.memref_slice %arg6[%dma_start3A_64, %dma_start3A_65, %dma_start3A_66] : memref<2x128x256xf32, #tpu.memory_space<vmem>> -> memref<1x128x256xf32, #tpu.memory_space<vmem>>
      %dma_start3A_68 = tpu.memref_squeeze %dma_start3A_67 : memref<1x128x256xf32, #tpu.memory_space<vmem>> -> memref<128x256xf32, #tpu.memory_space<vmem>>
      %dma_start3A_69 = arith.constant 0 : i32
      %dma_start3A_70 = tpu.memref_slice %arg4[%multiple_of3A, %dma_start3A_69] : memref<32768x256xf32, #tpu.memory_space<hbm>> -> memref<128x256xf32, #tpu.memory_space<hbm>>
      %dma_start3A_71 = arith.constant 0 : i32
      %dma_start3A_72 = tpu.memref_slice %arg4[%multiple_of3A, %dma_start3A_71] : memref<32768x256xf32, #tpu.memory_space<hbm>> -> memref<128x256xf32, #tpu.memory_space<hbm>>
      %dma_start3A_73 = arith.constant 0 : i32
      %dma_start3A_74 = arith.constant 0 : i32
      %dma_start3A_75 = tpu.memref_slice %arg6[%dma_start3A_64, %dma_start3A_73, %dma_start3A_74] : memref<2x128x256xf32, #tpu.memory_space<vmem>> -> memref<1x128x256xf32, #tpu.memory_space<vmem>>
      %dma_start3A_76 = tpu.memref_squeeze %dma_start3A_75 : memref<1x128x256xf32, #tpu.memory_space<vmem>> -> memref<128x256xf32, #tpu.memory_space<vmem>>
      tpu.enqueue_dma source(%dma_start3A_76 : memref<128x256xf32, #tpu.memory_space<vmem>>) target(%dma_start3A_72 : memref<128x256xf32, #tpu.memory_space<hbm>>) target_semaphore(%arg8 : memref<!tpu.dma_semaphore, #tpu.memory_space<semaphore_mem>>)
      "tpu.region"() ({
        %run_scoped3A = tpu.sem_alloc : memref<!tpu.dma_semaphore, #tpu.memory_space<semaphore_mem>>
        %dma_start3A_106 = tpu.memref_slice %arg3[%multiple_of3A_46] : memref<32768xi32, #tpu.memory_space<hbm>> -> memref<128xi32, #tpu.memory_space<hbm>>
        %dma_start3A_107 = tpu.memref_slice %arg3[%multiple_of3A_46] : memref<32768xi32, #tpu.memory_space<hbm>> -> memref<128xi32, #tpu.memory_space<hbm>>
        tpu.enqueue_dma source(%dma_start3A_107 : memref<128xi32, #tpu.memory_space<hbm>>) target(%arg5 : memref<128xi32, #tpu.memory_space<vmem>>) target_semaphore(%run_scoped3A : memref<!tpu.dma_semaphore, #tpu.memory_space<semaphore_mem>>)
        %dma_wait3A_108 = tpu.memref_slice %arg3[%multiple_of3A_46] : memref<32768xi32, #tpu.memory_space<hbm>> -> memref<128xi32, #tpu.memory_space<hbm>>
        %dma_wait3A_109 = tpu.memref_slice %arg3[%multiple_of3A_46] : memref<32768xi32, #tpu.memory_space<hbm>> -> memref<128xi32, #tpu.memory_space<hbm>>
        tpu.wait_dma2 semaphore(%run_scoped3A : memref<!tpu.dma_semaphore, #tpu.memory_space<semaphore_mem>>) src(%dma_wait3A_109 : memref<128xi32, #tpu.memory_space<hbm>>) dst(%arg5 : memref<128xi32, #tpu.memory_space<vmem>>)
        tpu.yield
      }) : () -> ()
      %dma_start3A_77 = arith.constant 1 : i32
      %dma_start3A_78 = arith.constant 0 : i32
      %dma_start3A_79 = arith.constant 0 : i32
      %dma_start3A_80 = tpu.memref_slice %arg6[%dma_start3A_77, %dma_start3A_78, %dma_start3A_79] : memref<2x128x256xf32, #tpu.memory_space<vmem>> -> memref<1x128x256xf32, #tpu.memory_space<vmem>>
      %dma_start3A_81 = tpu.memref_squeeze %dma_start3A_80 : memref<1x128x256xf32, #tpu.memory_space<vmem>> -> memref<128x256xf32, #tpu.memory_space<vmem>>
      %dma_start3A_82 = arith.constant 0 : i32
      %dma_start3A_83 = arith.constant 0 : i32
      %dma_start3A_84 = tpu.memref_slice %arg2[%dma_start3A_82, %dma_start3A_83] : memref<2048x256xf32, #tpu.memory_space<hbm>> -> memref<2048x256xf32, #tpu.memory_space<hbm>>
      tpu.enqueue_indirect_dma source(%dma_start3A_84 : memref<2048x256xf32, #tpu.memory_space<hbm>>) target(%dma_start3A_81 : memref<128x256xf32, #tpu.memory_space<vmem>>) offsets(%arg5 : memref<128xi32, #tpu.memory_space<vmem>>) semaphore(%arg7 : memref<!tpu.dma_semaphore, #tpu.memory_space<semaphore_mem>>)
      %dma_wait3A_85 = arith.constant 1 : i32
      %dma_wait3A_86 = arith.constant 0 : i32
      %dma_wait3A_87 = arith.constant 0 : i32
      %dma_wait3A_88 = tpu.memref_slice %arg6[%dma_wait3A_85, %dma_wait3A_86, %dma_wait3A_87] : memref<2x128x256xf32, #tpu.memory_space<vmem>> -> memref<1x128x256xf32, #tpu.memory_space<vmem>>
      %dma_wait3A_89 = tpu.memref_squeeze %dma_wait3A_88 : memref<1x128x256xf32, #tpu.memory_space<vmem>> -> memref<128x256xf32, #tpu.memory_space<vmem>>
      %dma_wait3A_90 = arith.constant 0 : i32
      %dma_wait3A_91 = arith.constant 0 : i32
      %dma_wait3A_92 = tpu.memref_slice %arg2[%dma_wait3A_90, %dma_wait3A_91] : memref<2048x256xf32, #tpu.memory_space<hbm>> -> memref<2048x256xf32, #tpu.memory_space<hbm>>
      tpu.wait_indirect_dma semaphore(%arg7 : memref<!tpu.dma_semaphore, #tpu.memory_space<semaphore_mem>>) src(%dma_wait3A_92 : memref<2048x256xf32, #tpu.memory_space<hbm>>) dst(%dma_wait3A_89 : memref<128x256xf32, #tpu.memory_space<vmem>>)
      %dma_start3A_93 = arith.constant 1 : i32
      %dma_start3A_94 = arith.constant 0 : i32
      %dma_start3A_95 = arith.constant 0 : i32
      %dma_start3A_96 = tpu.memref_slice %arg6[%dma_start3A_93, %dma_start3A_94, %dma_start3A_95] : memref<2x128x256xf32, #tpu.memory_space<vmem>> -> memref<1x128x256xf32, #tpu.memory_space<vmem>>
      %dma_start3A_97 = tpu.memref_squeeze %dma_start3A_96 : memref<1x128x256xf32, #tpu.memory_space<vmem>> -> memref<128x256xf32, #tpu.memory_space<vmem>>
      %dma_start3A_98 = arith.constant 0 : i32
      %dma_start3A_99 = tpu.memref_slice %arg4[%multiple_of3A_46, %dma_start3A_98] : memref<32768x256xf32, #tpu.memory_space<hbm>> -> memref<128x256xf32, #tpu.memory_space<hbm>>
      %dma_start3A_100 = arith.constant 0 : i32
      %dma_start3A_101 = tpu.memref_slice %arg4[%multiple_of3A_46, %dma_start3A_100] : memref<32768x256xf32, #tpu.memory_space<hbm>> -> memref<128x256xf32, #tpu.memory_space<hbm>>
      %dma_start3A_102 = arith.constant 0 : i32
      %dma_start3A_103 = arith.constant 0 : i32
      %dma_start3A_104 = tpu.memref_slice %arg6[%dma_start3A_93, %dma_start3A_102, %dma_start3A_103] : memref<2x128x256xf32, #tpu.memory_space<vmem>> -> memref<1x128x256xf32, #tpu.memory_space<vmem>>
      %dma_start3A_105 = tpu.memref_squeeze %dma_start3A_104 : memref<1x128x256xf32, #tpu.memory_space<vmem>> -> memref<128x256xf32, #tpu.memory_space<vmem>>
      tpu.enqueue_dma source(%dma_start3A_105 : memref<128x256xf32, #tpu.memory_space<vmem>>) target(%dma_start3A_101 : memref<128x256xf32, #tpu.memory_space<hbm>>) target_semaphore(%arg9 : memref<!tpu.dma_semaphore, #tpu.memory_space<semaphore_mem>>)
    }
    %scan3A_7 = arith.constant 4 : i32
    %dma_wait3A = arith.constant 0 : i32
    %dma_wait3A_8 = arith.constant 0 : i32
    %dma_wait3A_9 = arith.constant 0 : i32
    %dma_wait3A_10 = tpu.memref_slice %arg6[%dma_wait3A, %dma_wait3A_8, %dma_wait3A_9] : memref<2x128x256xf32, #tpu.memory_space<vmem>> -> memref<1x128x256xf32, #tpu.memory_space<vmem>>
    %dma_wait3A_11 = tpu.memref_squeeze %dma_wait3A_10 : memref<1x128x256xf32, #tpu.memory_space<vmem>> -> memref<128x256xf32, #tpu.memory_space<vmem>>
    %dma_wait3A_12 = arith.constant 0 : i32
    %dma_wait3A_13 = tpu.memref_slice %arg4[%mul3A_2, %dma_wait3A_12] : memref<32768x256xf32, #tpu.memory_space<hbm>> -> memref<128x256xf32, #tpu.memory_space<hbm>>
    %dma_wait3A_14 = arith.constant 0 : i32
    %dma_wait3A_15 = tpu.memref_slice %arg4[%mul3A_2, %dma_wait3A_14] : memref<32768x256xf32, #tpu.memory_space<hbm>> -> memref<128x256xf32, #tpu.memory_space<hbm>>
    %dma_wait3A_16 = arith.constant 0 : i32
    %dma_wait3A_17 = arith.constant 0 : i32
    %dma_wait3A_18 = tpu.memref_slice %arg6[%dma_wait3A, %dma_wait3A_16, %dma_wait3A_17] : memref<2x128x256xf32, #tpu.memory_space<vmem>> -> memref<1x128x256xf32, #tpu.memory_space<vmem>>
    %dma_wait3A_19 = tpu.memref_squeeze %dma_wait3A_18 : memref<1x128x256xf32, #tpu.memory_space<vmem>> -> memref<128x256xf32, #tpu.memory_space<vmem>>
    tpu.wait_dma2 semaphore(%arg8 : memref<!tpu.dma_semaphore, #tpu.memory_space<semaphore_mem>>) src(%dma_wait3A_19 : memref<128x256xf32, #tpu.memory_space<vmem>>) dst(%dma_wait3A_15 : memref<128x256xf32, #tpu.memory_space<hbm>>)
    %dma_wait3A_20 = arith.constant 1 : i32
    %dma_wait3A_21 = arith.constant 0 : i32
    %dma_wait3A_22 = arith.constant 0 : i32
    %dma_wait3A_23 = tpu.memref_slice %arg6[%dma_wait3A_20, %dma_wait3A_21, %dma_wait3A_22] : memref<2x128x256xf32, #tpu.memory_space<vmem>> -> memref<1x128x256xf32, #tpu.memory_space<vmem>>
    %dma_wait3A_24 = tpu.memref_squeeze %dma_wait3A_23 : memref<1x128x256xf32, #tpu.memory_space<vmem>> -> memref<128x256xf32, #tpu.memory_space<vmem>>
    %dma_wait3A_25 = arith.constant 0 : i32
    %dma_wait3A_26 = tpu.memref_slice %arg4[%mul3A_2, %dma_wait3A_25] : memref<32768x256xf32, #tpu.memory_space<hbm>> -> memref<128x256xf32, #tpu.memory_space<hbm>>
    %dma_wait3A_27 = arith.constant 0 : i32
    %dma_wait3A_28 = tpu.memref_slice %arg4[%mul3A_2, %dma_wait3A_27] : memref<32768x256xf32, #tpu.memory_space<hbm>> -> memref<128x256xf32, #tpu.memory_space<hbm>>
    %dma_wait3A_29 = arith.constant 0 : i32
    %dma_wait3A_30 = arith.constant 0 : i32
    %dma_wait3A_31 = tpu.memref_slice %arg6[%dma_wait3A_20, %dma_wait3A_29, %dma_wait3A_30] : memref<2x128x256xf32, #tpu.memory_space<vmem>> -> memref<1x128x256xf32, #tpu.memory_space<vmem>>
    %dma_wait3A_32 = tpu.memref_squeeze %dma_wait3A_31 : memref<1x128x256xf32, #tpu.memory_space<vmem>> -> memref<128x256xf32, #tpu.memory_space<vmem>>
    tpu.wait_dma2 semaphore(%arg9 : memref<!tpu.dma_semaphore, #tpu.memory_space<semaphore_mem>>) src(%dma_wait3A_32 : memref<128x256xf32, #tpu.memory_space<vmem>>) dst(%dma_wait3A_28 : memref<128x256xf32, #tpu.memory_space<hbm>>)
    return
  }
}

module attributes {stable_mosaic.version = 14 : i64} {
  func.func @_k1_body(%arg0: i32, %arg1: memref<1x256x3xf32, #tpu.memory_space<vmem>>, %arg2: memref<1x2048x3xf32, #tpu.memory_space<vmem>>, %arg3: memref<1x3x2048xf32, #tpu.memory_space<vmem>>, %arg4: memref<256x128xf32, #tpu.memory_space<vmem>>, %arg5: memref<128x128xf32, #tpu.memory_space<vmem>>, %arg6: memref<128x128xf32, #tpu.memory_space<vmem>>, %arg7: memref<128x128xf32, #tpu.memory_space<vmem>>, %arg8: memref<128x128xf32, #tpu.memory_space<vmem>>, %arg9: memref<256x128xf32, #tpu.memory_space<vmem>>, %arg10: memref<256x256xf32, #tpu.memory_space<vmem>>, %arg11: memref<256x16xi32, #tpu.memory_space<vmem>>, %arg12: memref<256x48xf32, #tpu.memory_space<vmem>>, %arg13: memref<8x128xf32, #tpu.memory_space<vmem>>) attributes {dimension_semantics = [#tpu.dimension_semantics<arbitrary>], iteration_bounds = array<i64: 8>, scalar_prefetch = 0 : i64, scratch_operands = 0 : i64, tpu.core_type = #tpu.core_type<tc>, window_params = [{transform_indices = @transform_0, window_bounds = array<i64: 1, 256, 3>}, {pipeline_mode = #tpu.pipeline_mode<synchronous>, transform_indices = @transform_1, window_bounds = array<i64: 1, 2048, 3>}, {pipeline_mode = #tpu.pipeline_mode<synchronous>, transform_indices = @transform_2, window_bounds = array<i64: 1, 3, 2048>}, {transform_indices = @transform_3, window_bounds = array<i64: 256, 128>}, {pipeline_mode = #tpu.pipeline_mode<synchronous>, transform_indices = @transform_4, window_bounds = array<i64: 128, 128>}, {pipeline_mode = #tpu.pipeline_mode<synchronous>, transform_indices = @transform_5, window_bounds = array<i64: 128, 128>}, {pipeline_mode = #tpu.pipeline_mode<synchronous>, transform_indices = @transform_6, window_bounds = array<i64: 128, 128>}, {pipeline_mode = #tpu.pipeline_mode<synchronous>, transform_indices = @transform_7, window_bounds = array<i64: 128, 128>}, {transform_indices = @transform_8, window_bounds = array<i64: 256, 128>}, {transform_indices = @transform_9, window_bounds = array<i64: 256, 256>}, {transform_indices = @transform_10, window_bounds = array<i64: 256, 16>}, {transform_indices = @transform_11, window_bounds = array<i64: 256, 48>}, {pipeline_mode = #tpu.pipeline_mode<synchronous>, transform_indices = @transform_12, window_bounds = array<i64: 8, 128>}]} {
    %get3A = arith.constant 0 : index
    %get3A_0 = arith.constant 0 : index
    %get3A_1 = vector.load %arg5[%get3A, %get3A_0] : memref<128x128xf32, #tpu.memory_space<vmem>>, vector<128x128xf32>
    %get3A_2 = arith.constant 0 : index
    %get3A_3 = arith.constant 0 : index
    %get3A_4 = vector.load %arg8[%get3A_2, %get3A_3] : memref<128x128xf32, #tpu.memory_space<vmem>>, vector<128x128xf32>
    %dot_general3A = arith.constant dense<0.000000e+00> : vector<128x128xf32>
    %dot_general3A_5 = tpu.matmul %get3A_1, %get3A_4, %dot_general3A {dimension_numbers = #tpu.dot_dimension_numbers<[1], [0], [0], [1], [0, 0, 1, 1], [], []>, transpose_lhs_hint = false} : vector<128x128xf32>, vector<128x128xf32>, vector<128x128xf32> -> vector<128x128xf32>
    %get3A_6 = arith.constant 0 : index
    %get3A_7 = arith.constant 0 : index
    %get3A_8 = vector.load %arg6[%get3A_6, %get3A_7] : memref<128x128xf32, #tpu.memory_space<vmem>>, vector<128x128xf32>
    %get3A_9 = arith.constant 0 : index
    %get3A_10 = arith.constant 0 : index
    %get3A_11 = vector.load %arg8[%get3A_9, %get3A_10] : memref<128x128xf32, #tpu.memory_space<vmem>>, vector<128x128xf32>
    %dot_general3A_12 = arith.constant dense<0.000000e+00> : vector<128x128xf32>
    %dot_general3A_13 = tpu.matmul %get3A_8, %get3A_11, %dot_general3A_12 {dimension_numbers = #tpu.dot_dimension_numbers<[1], [0], [0], [1], [0, 0, 1, 1], [], []>, transpose_lhs_hint = false} : vector<128x128xf32>, vector<128x128xf32>, vector<128x128xf32> -> vector<128x128xf32>
    %get3A_14 = arith.constant 0 : index
    %get3A_15 = arith.constant 0 : index
    %get3A_16 = vector.load %arg4[%get3A_14, %get3A_15] : memref<256x128xf32, #tpu.memory_space<vmem>>, vector<256x128xf32>
    %dot_general3A_17 = arith.constant dense<0.000000e+00> : vector<256x128xf32>
    %dot_general3A_18 = tpu.matmul %get3A_16, %dot_general3A_5, %dot_general3A_17 {dimension_numbers = #tpu.dot_dimension_numbers<[1], [0], [0], [1], [0, 0, 1, 1], [], []>, transpose_lhs_hint = false} : vector<256x128xf32>, vector<128x128xf32>, vector<256x128xf32> -> vector<256x128xf32>
    %swap3A = arith.constant 0 : index
    %swap3A_19 = arith.constant 0 : index
    %swap3A_20 = vector.load %arg9[%swap3A, %swap3A_19] : memref<256x128xf32, #tpu.memory_space<vmem>>, vector<256x128xf32>
    tpu.vector_store %arg9[%swap3A, %swap3A_19], %dot_general3A_18 {strides = array<i32>} : memref<256x128xf32, #tpu.memory_space<vmem>>, vector<256x128xf32>,
    %dot_general3A_21 = arith.constant dense<0.000000e+00> : vector<256x128xf32>
    %dot_general3A_22 = tpu.matmul %get3A_16, %dot_general3A_13, %dot_general3A_21 {dimension_numbers = #tpu.dot_dimension_numbers<[1], [0], [0], [1], [0, 0, 1, 1], [], []>, transpose_lhs_hint = false} : vector<256x128xf32>, vector<128x128xf32>, vector<256x128xf32> -> vector<256x128xf32>
    %swap3A_23 = arith.constant 0 : index
    %swap3A_24 = arith.constant 0 : index
    %swap3A_25 = vector.load %arg10[%swap3A_23, %swap3A_24] : memref<256x256xf32, #tpu.memory_space<vmem>>, vector<256x128xf32>
    tpu.vector_store %arg10[%swap3A_23, %swap3A_24], %dot_general3A_22 {strides = array<i32>} : memref<256x256xf32, #tpu.memory_space<vmem>>, vector<256x128xf32>,
    %get3A_26 = arith.constant 0 : index
    %get3A_27 = arith.constant 0 : index
    %get3A_28 = vector.load %arg7[%get3A_26, %get3A_27] : memref<128x128xf32, #tpu.memory_space<vmem>>, vector<128x128xf32>
    %dot_general3A_29 = arith.constant dense<0.000000e+00> : vector<256x128xf32>
    %dot_general3A_30 = tpu.matmul %get3A_16, %get3A_28, %dot_general3A_29 {dimension_numbers = #tpu.dot_dimension_numbers<[1], [0], [0], [1], [0, 0, 1, 1], [], []>, transpose_lhs_hint = false} : vector<256x128xf32>, vector<128x128xf32>, vector<256x128xf32> -> vector<256x128xf32>
    %swap3A_31 = arith.constant 0 : index
    %swap3A_32 = arith.constant 128 : index
    %swap3A_33 = vector.load %arg10[%swap3A_31, %swap3A_32] : memref<256x256xf32, #tpu.memory_space<vmem>>, vector<256x128xf32>
    tpu.vector_store %arg10[%swap3A_31, %swap3A_32], %dot_general3A_30 {strides = array<i32>} : memref<256x256xf32, #tpu.memory_space<vmem>>, vector<256x128xf32>,
    %get3A_34 = arith.constant 0 : index
    %get3A_35 = arith.constant 0 : index
    %get3A_36 = arith.constant 0 : index
    %get3A_37 = vector.load %arg1[%get3A_34, %get3A_35, %get3A_36] : memref<1x256x3xf32, #tpu.memory_space<vmem>>, vector<1x256x3xf32>
    %squeeze3A = vector.shape_cast %get3A_37 : vector<1x256x3xf32> to vector<256x3xf32>
    %get3A_38 = arith.constant 0 : index
    %get3A_39 = arith.constant 0 : index
    %get3A_40 = arith.constant 0 : index
    %get3A_41 = vector.load %arg2[%get3A_38, %get3A_39, %get3A_40] : memref<1x2048x3xf32, #tpu.memory_space<vmem>>, vector<1x2048x3xf32>
    %squeeze3A_42 = vector.shape_cast %get3A_41 : vector<1x2048x3xf32> to vector<2048x3xf32>
    %get3A_43 = arith.constant 0 : index
    %get3A_44 = arith.constant 0 : index
    %get3A_45 = arith.constant 0 : index
    %get3A_46 = vector.load %arg3[%get3A_43, %get3A_44, %get3A_45] : memref<1x3x2048xf32, #tpu.memory_space<vmem>>, vector<1x3x2048xf32>
    %squeeze3A_47 = vector.shape_cast %get3A_46 : vector<1x3x2048xf32> to vector<3x2048xf32>
    %mul3A = arith.mulf %squeeze3A, %squeeze3A : vector<256x3xf32>
    %reduce_sum3A = arith.constant dense<0.000000e+00> : vector<256xf32>
    %reduce_sum3A_48 = vector.multi_reduction <add>, %mul3A, %reduce_sum3A [1] : vector<256x3xf32> to vector<256xf32>
    %broadcast_in_dim3A = vector.shape_cast %reduce_sum3A_48 : vector<256xf32> to vector<256x1xf32>
    %mul3A_49 = arith.mulf %squeeze3A_47, %squeeze3A_47 : vector<3x2048xf32>
    %reduce_sum3A_50 = arith.constant dense<0.000000e+00> : vector<2048xf32>
    %reduce_sum3A_51 = vector.multi_reduction <add>, %mul3A_49, %reduce_sum3A_50 [0] : vector<3x2048xf32> to vector<2048xf32>
    %broadcast_in_dim3A_52 = vector.shape_cast %reduce_sum3A_51 : vector<2048xf32> to vector<1x2048xf32>
    %dot_general3A_53 = arith.constant dense<0.000000e+00> : vector<256x2048xf32>
    %dot_general3A_54 = tpu.matmul %squeeze3A, %squeeze3A_47, %dot_general3A_53 {dimension_numbers = #tpu.dot_dimension_numbers<[1], [0], [0], [1], [0, 0, 1, 1], [], []>, transpose_lhs_hint = false} : vector<256x3xf32>, vector<3x2048xf32>, vector<256x2048xf32> -> vector<256x2048xf32>
    %add3A = vector.broadcast %broadcast_in_dim3A : vector<256x1xf32> to vector<256x2048xf32>
    %add3A_55 = vector.broadcast %broadcast_in_dim3A_52 : vector<1x2048xf32> to vector<256x2048xf32>
    %add3A_56 = arith.addf %add3A, %add3A_55 : vector<256x2048xf32>
    %mul3A_57 = arith.constant 2.000000e+00 : f32
    %mul3A_58 = vector.broadcast %mul3A_57 : f32 to vector<256x2048xf32>
    %mul3A_59 = arith.mulf %mul3A_58, %dot_general3A_54 : vector<256x2048xf32>
    %sub3A = arith.subf %add3A_56, %mul3A_59 : vector<256x2048xf32>
    %iota3A = tpu.iota {dimensions = array<i32: 1>} : vector<256x2048xi32>
    %iota3A_60 = tpu.iota {dimensions = array<i32: 0>} : vector<256x1xi32>
    %mul3A_61 = arith.constant 256 : i32
    %mul3A_62 = arith.muli %arg0, %mul3A_61 : i32
    %add3A_63 = vector.broadcast %mul3A_62 : i32 to vector<256x1xi32>
    %add3A_64 = arith.addi %iota3A_60, %add3A_63 : vector<256x1xi32>
    %eq3A = vector.broadcast %add3A_64 : vector<256x1xi32> to vector<256x2048xi32>
    %eq3A_65 = arith.cmpi eq, %iota3A, %eq3A : vector<256x2048xi32>
    %jit3A = arith.constant 0x7F800000 : f32
    %broadcast_in_dim3A_66 = vector.broadcast %jit3A : f32 to vector<256x2048xf32>
    %select_n3A = arith.select %eq3A_65, %broadcast_in_dim3A_66, %sub3A : vector<256x2048xi1>, vector<256x2048xf32>
    %broadcast_in_dim3A_67 = arith.constant 0.000000e+00 : f32
    %broadcast_in_dim3A_68 = vector.broadcast %broadcast_in_dim3A_67 : f32 to vector<256x3xf32>
    %reduce_min3A = arith.constant dense<0x7F800000> : vector<256xf32>
    %reduce_min3A_69 = vector.multi_reduction <minimumf>, %select_n3A, %reduce_min3A [1] : vector<256x2048xf32> to vector<256xf32>
    %broadcast_in_dim3A_70 = vector.shape_cast %reduce_min3A_69 : vector<256xf32> to vector<256x1xf32>
    %eq3A_71 = vector.broadcast %broadcast_in_dim3A_70 : vector<256x1xf32> to vector<256x2048xf32>
    %eq3A_72 = arith.cmpf oeq, %select_n3A, %eq3A_71 : vector<256x2048xf32>
    %jit3A_73 = arith.constant 2048 : i32
    %broadcast_in_dim3A_74 = vector.broadcast %jit3A_73 : i32 to vector<256x2048xi32>
    %select_n3A_75 = arith.select %eq3A_72, %iota3A, %broadcast_in_dim3A_74 : vector<256x2048xi1>, vector<256x2048xi32>
    %reduce_min3A_76 = arith.constant dense<2147483647> : vector<256xi32>
    %reduce_min3A_77 = vector.multi_reduction <minsi>, %select_n3A_75, %reduce_min3A_76 [1] : vector<256x2048xi32> to vector<256xi32>
    %broadcast_in_dim3A_78 = vector.shape_cast %reduce_min3A_77 : vector<256xi32> to vector<256x1xi32>
    %eq3A_79 = vector.broadcast %broadcast_in_dim3A_78 : vector<256x1xi32> to vector<256x2048xi32>
    %eq3A_80 = arith.cmpi eq, %iota3A, %eq3A_79 : vector<256x2048xi32>
    %jit3A_81 = arith.constant 0x7F800000 : f32
    %broadcast_in_dim3A_82 = vector.broadcast %jit3A_81 : f32 to vector<256x2048xf32>
    %select_n3A_83 = arith.select %eq3A_80, %broadcast_in_dim3A_82, %select_n3A : vector<256x2048xi1>, vector<256x2048xf32>
    %convert_element_type3A = arith.extui %eq3A_80 : vector<256x2048xi1> to vector<256x2048xi32>
    %convert_element_type3A_84 = arith.sitofp %convert_element_type3A : vector<256x2048xi32> to vector<256x2048xf32>
    %dot_general3A_85 = arith.constant dense<0.000000e+00> : vector<256x3xf32>
    %dot_general3A_86 = tpu.matmul %convert_element_type3A_84, %squeeze3A_42, %dot_general3A_85 {dimension_numbers = #tpu.dot_dimension_numbers<[1], [0], [0], [1], [0, 0, 1, 1], [], []>, transpose_lhs_hint = false} : vector<256x2048xf32>, vector<2048x3xf32>, vector<256x3xf32> -> vector<256x3xf32>
    %sub3A_87 = arith.subf %dot_general3A_86, %squeeze3A : vector<256x3xf32>
    %reduce_sum3A_88 = arith.constant dense<0.000000e+00> : vector<3xf32>
    %reduce_sum3A_89 = vector.multi_reduction <add>, %sub3A_87, %reduce_sum3A_88 [0] : vector<256x3xf32> to vector<3xf32>
    %broadcast_in_dim3A_90 = vector.shape_cast %reduce_sum3A_89 : vector<3xf32> to vector<1x3xf32>
    %slice3A = vector.extract_strided_slice %sub3A_87 {offsets = [0, 0], sizes = [256, 1], strides = [1, 1]} : vector<256x3xf32> to vector<256x1xf32>
    %slice3A_91 = vector.extract_strided_slice %sub3A_87 {offsets = [0, 1], sizes = [256, 1], strides = [1, 1]} : vector<256x3xf32> to vector<256x1xf32>
    %slice3A_92 = vector.extract_strided_slice %sub3A_87 {offsets = [0, 2], sizes = [256, 1], strides = [1, 1]} : vector<256x3xf32> to vector<256x1xf32>
    %mul3A_93 = arith.mulf %slice3A, %slice3A : vector<256x1xf32>
    %reduce_sum3A_94 = arith.constant dense<0.000000e+00> : vector<1xf32>
    %reduce_sum3A_95 = vector.multi_reduction <add>, %mul3A_93, %reduce_sum3A_94 [0] : vector<256x1xf32> to vector<1xf32>
    %broadcast_in_dim3A_96 = vector.shape_cast %reduce_sum3A_95 : vector<1xf32> to vector<1x1xf32>
    %mul3A_97 = arith.mulf %slice3A, %slice3A_91 : vector<256x1xf32>
    %reduce_sum3A_98 = arith.constant dense<0.000000e+00> : vector<1xf32>
    %reduce_sum3A_99 = vector.multi_reduction <add>, %mul3A_97, %reduce_sum3A_98 [0] : vector<256x1xf32> to vector<1xf32>
    %broadcast_in_dim3A_100 = vector.shape_cast %reduce_sum3A_99 : vector<1xf32> to vector<1x1xf32>
    %mul3A_101 = arith.mulf %slice3A, %slice3A_92 : vector<256x1xf32>
    %reduce_sum3A_102 = arith.constant dense<0.000000e+00> : vector<1xf32>
    %reduce_sum3A_103 = vector.multi_reduction <add>, %mul3A_101, %reduce_sum3A_102 [0] : vector<256x1xf32> to vector<1xf32>
    %broadcast_in_dim3A_104 = vector.shape_cast %reduce_sum3A_103 : vector<1xf32> to vector<1x1xf32>
    %mul3A_105 = arith.mulf %slice3A_91, %slice3A_91 : vector<256x1xf32>
    %reduce_sum3A_106 = arith.constant dense<0.000000e+00> : vector<1xf32>
    %reduce_sum3A_107 = vector.multi_reduction <add>, %mul3A_105, %reduce_sum3A_106 [0] : vector<256x1xf32> to vector<1xf32>
    %broadcast_in_dim3A_108 = vector.shape_cast %reduce_sum3A_107 : vector<1xf32> to vector<1x1xf32>
    %mul3A_109 = arith.mulf %slice3A_91, %slice3A_92 : vector<256x1xf32>
    %reduce_sum3A_110 = arith.constant dense<0.000000e+00> : vector<1xf32>
    %reduce_sum3A_111 = vector.multi_reduction <add>, %mul3A_109, %reduce_sum3A_110 [0] : vector<256x1xf32> to vector<1xf32>
    %broadcast_in_dim3A_112 = vector.shape_cast %reduce_sum3A_111 : vector<1xf32> to vector<1x1xf32>
    %mul3A_113 = arith.mulf %slice3A_92, %slice3A_92 : vector<256x1xf32>
    %reduce_sum3A_114 = arith.constant dense<0.000000e+00> : vector<1xf32>
    %reduce_sum3A_115 = vector.multi_reduction <add>, %mul3A_113, %reduce_sum3A_114 [0] : vector<256x1xf32> to vector<1xf32>
    %broadcast_in_dim3A_116 = vector.shape_cast %reduce_sum3A_115 : vector<1xf32> to vector<1x1xf32>
    %concatenate3A = tpu.concatenate %broadcast_in_dim3A_96, %broadcast_in_dim3A_100, %broadcast_in_dim3A_104, %broadcast_in_dim3A_108, %broadcast_in_dim3A_112, %broadcast_in_dim3A_116 in 1 : vector<1x1xf32>, vector<1x1xf32>, vector<1x1xf32>, vector<1x1xf32>, vector<1x1xf32>, vector<1x1xf32> -> vector<1x6xf32>
    %concatenate3A_117 = tpu.concatenate %broadcast_in_dim3A_90, %concatenate3A in 1 : vector<1x3xf32>, vector<1x6xf32> -> vector<1x9xf32>
    %reduce_min3A_118 = arith.constant dense<0x7F800000> : vector<256xf32>
    %reduce_min3A_119 = vector.multi_reduction <minimumf>, %select_n3A_83, %reduce_min3A_118 [1] : vector<256x2048xf32> to vector<256xf32>
    %broadcast_in_dim3A_120 = vector.shape_cast %reduce_min3A_119 : vector<256xf32> to vector<256x1xf32>
    %eq3A_121 = vector.broadcast %broadcast_in_dim3A_120 : vector<256x1xf32> to vector<256x2048xf32>
    %eq3A_122 = arith.cmpf oeq, %select_n3A_83, %eq3A_121 : vector<256x2048xf32>
    %jit3A_123 = arith.constant 2048 : i32
    %broadcast_in_dim3A_124 = vector.broadcast %jit3A_123 : i32 to vector<256x2048xi32>
    %select_n3A_125 = arith.select %eq3A_122, %iota3A, %broadcast_in_dim3A_124 : vector<256x2048xi1>, vector<256x2048xi32>
    %reduce_min3A_126 = arith.constant dense<2147483647> : vector<256xi32>
    %reduce_min3A_127 = vector.multi_reduction <minsi>, %select_n3A_125, %reduce_min3A_126 [1] : vector<256x2048xi32> to vector<256xi32>
    %broadcast_in_dim3A_128 = vector.shape_cast %reduce_min3A_127 : vector<256xi32> to vector<256x1xi32>
    %eq3A_129 = vector.broadcast %broadcast_in_dim3A_128 : vector<256x1xi32> to vector<256x2048xi32>
    %eq3A_130 = arith.cmpi eq, %iota3A, %eq3A_129 : vector<256x2048xi32>
    %jit3A_131 = arith.constant 0x7F800000 : f32
    %broadcast_in_dim3A_132 = vector.broadcast %jit3A_131 : f32 to vector<256x2048xf32>
    %select_n3A_133 = arith.select %eq3A_130, %broadcast_in_dim3A_132, %select_n3A_83 : vector<256x2048xi1>, vector<256x2048xf32>
    %convert_element_type3A_134 = arith.extui %eq3A_130 : vector<256x2048xi1> to vector<256x2048xi32>
    %convert_element_type3A_135 = arith.sitofp %convert_element_type3A_134 : vector<256x2048xi32> to vector<256x2048xf32>
    %dot_general3A_136 = arith.constant dense<0.000000e+00> : vector<256x3xf32>
    %dot_general3A_137 = tpu.matmul %convert_element_type3A_135, %squeeze3A_42, %dot_general3A_136 {dimension_numbers = #tpu.dot_dimension_numbers<[1], [0], [0], [1], [0, 0, 1, 1], [], []>, transpose_lhs_hint = false} : vector<256x2048xf32>, vector<2048x3xf32>, vector<256x3xf32> -> vector<256x3xf32>
    %sub3A_138 = arith.subf %dot_general3A_137, %squeeze3A : vector<256x3xf32>
    %reduce_sum3A_139 = arith.constant dense<0.000000e+00> : vector<3xf32>
    %reduce_sum3A_140 = vector.multi_reduction <add>, %sub3A_138, %reduce_sum3A_139 [0] : vector<256x3xf32> to vector<3xf32>
    %broadcast_in_dim3A_141 = vector.shape_cast %reduce_sum3A_140 : vector<3xf32> to vector<1x3xf32>
    %slice3A_142 = vector.extract_strided_slice %sub3A_138 {offsets = [0, 0], sizes = [256, 1], strides = [1, 1]} : vector<256x3xf32> to vector<256x1xf32>
    %slice3A_143 = vector.extract_strided_slice %sub3A_138 {offsets = [0, 1], sizes = [256, 1], strides = [1, 1]} : vector<256x3xf32> to vector<256x1xf32>
    %slice3A_144 = vector.extract_strided_slice %sub3A_138 {offsets = [0, 2], sizes = [256, 1], strides = [1, 1]} : vector<256x3xf32> to vector<256x1xf32>
    %mul3A_145 = arith.mulf %slice3A_142, %slice3A_142 : vector<256x1xf32>
    %reduce_sum3A_146 = arith.constant dense<0.000000e+00> : vector<1xf32>
    %reduce_sum3A_147 = vector.multi_reduction <add>, %mul3A_145, %reduce_sum3A_146 [0] : vector<256x1xf32> to vector<1xf32>
    %broadcast_in_dim3A_148 = vector.shape_cast %reduce_sum3A_147 : vector<1xf32> to vector<1x1xf32>
    %mul3A_149 = arith.mulf %slice3A_142, %slice3A_143 : vector<256x1xf32>
    %reduce_sum3A_150 = arith.constant dense<0.000000e+00> : vector<1xf32>
    %reduce_sum3A_151 = vector.multi_reduction <add>, %mul3A_149, %reduce_sum3A_150 [0] : vector<256x1xf32> to vector<1xf32>
    %broadcast_in_dim3A_152 = vector.shape_cast %reduce_sum3A_151 : vector<1xf32> to vector<1x1xf32>
    %mul3A_153 = arith.mulf %slice3A_142, %slice3A_144 : vector<256x1xf32>
    %reduce_sum3A_154 = arith.constant dense<0.000000e+00> : vector<1xf32>
    %reduce_sum3A_155 = vector.multi_reduction <add>, %mul3A_153, %reduce_sum3A_154 [0] : vector<256x1xf32> to vector<1xf32>
    %broadcast_in_dim3A_156 = vector.shape_cast %reduce_sum3A_155 : vector<1xf32> to vector<1x1xf32>
    %mul3A_157 = arith.mulf %slice3A_143, %slice3A_143 : vector<256x1xf32>
    %reduce_sum3A_158 = arith.constant dense<0.000000e+00> : vector<1xf32>
    %reduce_sum3A_159 = vector.multi_reduction <add>, %mul3A_157, %reduce_sum3A_158 [0] : vector<256x1xf32> to vector<1xf32>
    %broadcast_in_dim3A_160 = vector.shape_cast %reduce_sum3A_159 : vector<1xf32> to vector<1x1xf32>
    %mul3A_161 = arith.mulf %slice3A_143, %slice3A_144 : vector<256x1xf32>
    %reduce_sum3A_162 = arith.constant dense<0.000000e+00> : vector<1xf32>
    %reduce_sum3A_163 = vector.multi_reduction <add>, %mul3A_161, %reduce_sum3A_162 [0] : vector<256x1xf32> to vector<1xf32>
    %broadcast_in_dim3A_164 = vector.shape_cast %reduce_sum3A_163 : vector<1xf32> to vector<1x1xf32>
    %mul3A_165 = arith.mulf %slice3A_144, %slice3A_144 : vector<256x1xf32>
    %reduce_sum3A_166 = arith.constant dense<0.000000e+00> : vector<1xf32>
    %reduce_sum3A_167 = vector.multi_reduction <add>, %mul3A_165, %reduce_sum3A_166 [0] : vector<256x1xf32> to vector<1xf32>
    %broadcast_in_dim3A_168 = vector.shape_cast %reduce_sum3A_167 : vector<1xf32> to vector<1x1xf32>
    %concatenate3A_169 = tpu.concatenate %broadcast_in_dim3A_148, %broadcast_in_dim3A_152, %broadcast_in_dim3A_156, %broadcast_in_dim3A_160, %broadcast_in_dim3A_164, %broadcast_in_dim3A_168 in 1 : vector<1x1xf32>, vector<1x1xf32>, vector<1x1xf32>, vector<1x1xf32>, vector<1x1xf32>, vector<1x1xf32> -> vector<1x6xf32>
    %concatenate3A_170 = tpu.concatenate %broadcast_in_dim3A_141, %concatenate3A_169 in 1 : vector<1x3xf32>, vector<1x6xf32> -> vector<1x9xf32>
    %add3A_171 = arith.addf %concatenate3A_117, %concatenate3A_170 : vector<1x9xf32>
    %reduce_min3A_172 = arith.constant dense<0x7F800000> : vector<256xf32>
    %reduce_min3A_173 = vector.multi_reduction <minimumf>, %select_n3A_133, %reduce_min3A_172 [1] : vector<256x2048xf32> to vector<256xf32>
    %broadcast_in_dim3A_174 = vector.shape_cast %reduce_min3A_173 : vector<256xf32> to vector<256x1xf32>
    %eq3A_175 = vector.broadcast %broadcast_in_dim3A_174 : vector<256x1xf32> to vector<256x2048xf32>
    %eq3A_176 = arith.cmpf oeq, %select_n3A_133, %eq3A_175 : vector<256x2048xf32>
    %jit3A_177 = arith.constant 2048 : i32
    %broadcast_in_dim3A_178 = vector.broadcast %jit3A_177 : i32 to vector<256x2048xi32>
    %select_n3A_179 = arith.select %eq3A_176, %iota3A, %broadcast_in_dim3A_178 : vector<256x2048xi1>, vector<256x2048xi32>
    %reduce_min3A_180 = arith.constant dense<2147483647> : vector<256xi32>
    %reduce_min3A_181 = vector.multi_reduction <minsi>, %select_n3A_179, %reduce_min3A_180 [1] : vector<256x2048xi32> to vector<256xi32>
    %broadcast_in_dim3A_182 = vector.shape_cast %reduce_min3A_181 : vector<256xi32> to vector<256x1xi32>
    %eq3A_183 = vector.broadcast %broadcast_in_dim3A_182 : vector<256x1xi32> to vector<256x2048xi32>
    %eq3A_184 = arith.cmpi eq, %iota3A, %eq3A_183 : vector<256x2048xi32>
    %jit3A_185 = arith.constant 0x7F800000 : f32
    %broadcast_in_dim3A_186 = vector.broadcast %jit3A_185 : f32 to vector<256x2048xf32>
    %select_n3A_187 = arith.select %eq3A_184, %broadcast_in_dim3A_186, %select_n3A_133 : vector<256x2048xi1>, vector<256x2048xf32>
    %convert_element_type3A_188 = arith.extui %eq3A_184 : vector<256x2048xi1> to vector<256x2048xi32>
    %convert_element_type3A_189 = arith.sitofp %convert_element_type3A_188 : vector<256x2048xi32> to vector<256x2048xf32>
    %dot_general3A_190 = arith.constant dense<0.000000e+00> : vector<256x3xf32>
    %dot_general3A_191 = tpu.matmul %convert_element_type3A_189, %squeeze3A_42, %dot_general3A_190 {dimension_numbers = #tpu.dot_dimension_numbers<[1], [0], [0], [1], [0, 0, 1, 1], [], []>, transpose_lhs_hint = false} : vector<256x2048xf32>, vector<2048x3xf32>, vector<256x3xf32> -> vector<256x3xf32>
    %sub3A_192 = arith.subf %dot_general3A_191, %squeeze3A : vector<256x3xf32>
    %reduce_sum3A_193 = arith.constant dense<0.000000e+00> : vector<3xf32>
    %reduce_sum3A_194 = vector.multi_reduction <add>, %sub3A_192, %reduce_sum3A_193 [0] : vector<256x3xf32> to vector<3xf32>
    %broadcast_in_dim3A_195 = vector.shape_cast %reduce_sum3A_194 : vector<3xf32> to vector<1x3xf32>
    %slice3A_196 = vector.extract_strided_slice %sub3A_192 {offsets = [0, 0], sizes = [256, 1], strides = [1, 1]} : vector<256x3xf32> to vector<256x1xf32>
    %slice3A_197 = vector.extract_strided_slice %sub3A_192 {offsets = [0, 1], sizes = [256, 1], strides = [1, 1]} : vector<256x3xf32> to vector<256x1xf32>
    %slice3A_198 = vector.extract_strided_slice %sub3A_192 {offsets = [0, 2], sizes = [256, 1], strides = [1, 1]} : vector<256x3xf32> to vector<256x1xf32>
    %mul3A_199 = arith.mulf %slice3A_196, %slice3A_196 : vector<256x1xf32>
    %reduce_sum3A_200 = arith.constant dense<0.000000e+00> : vector<1xf32>
    %reduce_sum3A_201 = vector.multi_reduction <add>, %mul3A_199, %reduce_sum3A_200 [0] : vector<256x1xf32> to vector<1xf32>
    %broadcast_in_dim3A_202 = vector.shape_cast %reduce_sum3A_201 : vector<1xf32> to vector<1x1xf32>
    %mul3A_203 = arith.mulf %slice3A_196, %slice3A_197 : vector<256x1xf32>
    %reduce_sum3A_204 = arith.constant dense<0.000000e+00> : vector<1xf32>
    %reduce_sum3A_205 = vector.multi_reduction <add>, %mul3A_203, %reduce_sum3A_204 [0] : vector<256x1xf32> to vector<1xf32>
    %broadcast_in_dim3A_206 = vector.shape_cast %reduce_sum3A_205 : vector<1xf32> to vector<1x1xf32>
    %mul3A_207 = arith.mulf %slice3A_196, %slice3A_198 : vector<256x1xf32>
    %reduce_sum3A_208 = arith.constant dense<0.000000e+00> : vector<1xf32>
    %reduce_sum3A_209 = vector.multi_reduction <add>, %mul3A_207, %reduce_sum3A_208 [0] : vector<256x1xf32> to vector<1xf32>
    %broadcast_in_dim3A_210 = vector.shape_cast %reduce_sum3A_209 : vector<1xf32> to vector<1x1xf32>
    %mul3A_211 = arith.mulf %slice3A_197, %slice3A_197 : vector<256x1xf32>
    %reduce_sum3A_212 = arith.constant dense<0.000000e+00> : vector<1xf32>
    %reduce_sum3A_213 = vector.multi_reduction <add>, %mul3A_211, %reduce_sum3A_212 [0] : vector<256x1xf32> to vector<1xf32>
    %broadcast_in_dim3A_214 = vector.shape_cast %reduce_sum3A_213 : vector<1xf32> to vector<1x1xf32>
    %mul3A_215 = arith.mulf %slice3A_197, %slice3A_198 : vector<256x1xf32>
    %reduce_sum3A_216 = arith.constant dense<0.000000e+00> : vector<1xf32>
    %reduce_sum3A_217 = vector.multi_reduction <add>, %mul3A_215, %reduce_sum3A_216 [0] : vector<256x1xf32> to vector<1xf32>
    %broadcast_in_dim3A_218 = vector.shape_cast %reduce_sum3A_217 : vector<1xf32> to vector<1x1xf32>
    %mul3A_219 = arith.mulf %slice3A_198, %slice3A_198 : vector<256x1xf32>
    %reduce_sum3A_220 = arith.constant dense<0.000000e+00> : vector<1xf32>
    %reduce_sum3A_221 = vector.multi_reduction <add>, %mul3A_219, %reduce_sum3A_220 [0] : vector<256x1xf32> to vector<1xf32>
    %broadcast_in_dim3A_222 = vector.shape_cast %reduce_sum3A_221 : vector<1xf32> to vector<1x1xf32>
    %concatenate3A_223 = tpu.concatenate %broadcast_in_dim3A_202, %broadcast_in_dim3A_206, %broadcast_in_dim3A_210, %broadcast_in_dim3A_214, %broadcast_in_dim3A_218, %broadcast_in_dim3A_222 in 1 : vector<1x1xf32>, vector<1x1xf32>, vector<1x1xf32>, vector<1x1xf32>, vector<1x1xf32>, vector<1x1xf32> -> vector<1x6xf32>
    %concatenate3A_224 = tpu.concatenate %broadcast_in_dim3A_195, %concatenate3A_223 in 1 : vector<1x3xf32>, vector<1x6xf32> -> vector<1x9xf32>
    %add3A_225 = arith.addf %add3A_171, %concatenate3A_224 : vector<1x9xf32>
    %reduce_min3A_226 = arith.constant dense<0x7F800000> : vector<256xf32>
    %reduce_min3A_227 = vector.multi_reduction <minimumf>, %select_n3A_187, %reduce_min3A_226 [1] : vector<256x2048xf32> to vector<256xf32>
    %broadcast_in_dim3A_228 = vector.shape_cast %reduce_min3A_227 : vector<256xf32> to vector<256x1xf32>
    %eq3A_229 = vector.broadcast %broadcast_in_dim3A_228 : vector<256x1xf32> to vector<256x2048xf32>
    %eq3A_230 = arith.cmpf oeq, %select_n3A_187, %eq3A_229 : vector<256x2048xf32>
    %jit3A_231 = arith.constant 2048 : i32
    %broadcast_in_dim3A_232 = vector.broadcast %jit3A_231 : i32 to vector<256x2048xi32>
    %select_n3A_233 = arith.select %eq3A_230, %iota3A, %broadcast_in_dim3A_232 : vector<256x2048xi1>, vector<256x2048xi32>
    %reduce_min3A_234 = arith.constant dense<2147483647> : vector<256xi32>
    %reduce_min3A_235 = vector.multi_reduction <minsi>, %select_n3A_233, %reduce_min3A_234 [1] : vector<256x2048xi32> to vector<256xi32>
    %broadcast_in_dim3A_236 = vector.shape_cast %reduce_min3A_235 : vector<256xi32> to vector<256x1xi32>
    %eq3A_237 = vector.broadcast %broadcast_in_dim3A_236 : vector<256x1xi32> to vector<256x2048xi32>
    %eq3A_238 = arith.cmpi eq, %iota3A, %eq3A_237 : vector<256x2048xi32>
    %jit3A_239 = arith.constant 0x7F800000 : f32
    %broadcast_in_dim3A_240 = vector.broadcast %jit3A_239 : f32 to vector<256x2048xf32>
    %select_n3A_241 = arith.select %eq3A_238, %broadcast_in_dim3A_240, %select_n3A_187 : vector<256x2048xi1>, vector<256x2048xf32>
    %convert_element_type3A_242 = arith.extui %eq3A_238 : vector<256x2048xi1> to vector<256x2048xi32>
    %convert_element_type3A_243 = arith.sitofp %convert_element_type3A_242 : vector<256x2048xi32> to vector<256x2048xf32>
    %dot_general3A_244 = arith.constant dense<0.000000e+00> : vector<256x3xf32>
    %dot_general3A_245 = tpu.matmul %convert_element_type3A_243, %squeeze3A_42, %dot_general3A_244 {dimension_numbers = #tpu.dot_dimension_numbers<[1], [0], [0], [1], [0, 0, 1, 1], [], []>, transpose_lhs_hint = false} : vector<256x2048xf32>, vector<2048x3xf32>, vector<256x3xf32> -> vector<256x3xf32>
    %sub3A_246 = arith.subf %dot_general3A_245, %squeeze3A : vector<256x3xf32>
    %reduce_sum3A_247 = arith.constant dense<0.000000e+00> : vector<3xf32>
    %reduce_sum3A_248 = vector.multi_reduction <add>, %sub3A_246, %reduce_sum3A_247 [0] : vector<256x3xf32> to vector<3xf32>
    %broadcast_in_dim3A_249 = vector.shape_cast %reduce_sum3A_248 : vector<3xf32> to vector<1x3xf32>
    %slice3A_250 = vector.extract_strided_slice %sub3A_246 {offsets = [0, 0], sizes = [256, 1], strides = [1, 1]} : vector<256x3xf32> to vector<256x1xf32>
    %slice3A_251 = vector.extract_strided_slice %sub3A_246 {offsets = [0, 1], sizes = [256, 1], strides = [1, 1]} : vector<256x3xf32> to vector<256x1xf32>
    %slice3A_252 = vector.extract_strided_slice %sub3A_246 {offsets = [0, 2], sizes = [256, 1], strides = [1, 1]} : vector<256x3xf32> to vector<256x1xf32>
    %mul3A_253 = arith.mulf %slice3A_250, %slice3A_250 : vector<256x1xf32>
    %reduce_sum3A_254 = arith.constant dense<0.000000e+00> : vector<1xf32>
    %reduce_sum3A_255 = vector.multi_reduction <add>, %mul3A_253, %reduce_sum3A_254 [0] : vector<256x1xf32> to vector<1xf32>
    %broadcast_in_dim3A_256 = vector.shape_cast %reduce_sum3A_255 : vector<1xf32> to vector<1x1xf32>
    %mul3A_257 = arith.mulf %slice3A_250, %slice3A_251 : vector<256x1xf32>
    %reduce_sum3A_258 = arith.constant dense<0.000000e+00> : vector<1xf32>
    %reduce_sum3A_259 = vector.multi_reduction <add>, %mul3A_257, %reduce_sum3A_258 [0] : vector<256x1xf32> to vector<1xf32>
    %broadcast_in_dim3A_260 = vector.shape_cast %reduce_sum3A_259 : vector<1xf32> to vector<1x1xf32>
    %mul3A_261 = arith.mulf %slice3A_250, %slice3A_252 : vector<256x1xf32>
    %reduce_sum3A_262 = arith.constant dense<0.000000e+00> : vector<1xf32>
    %reduce_sum3A_263 = vector.multi_reduction <add>, %mul3A_261, %reduce_sum3A_262 [0] : vector<256x1xf32> to vector<1xf32>
    %broadcast_in_dim3A_264 = vector.shape_cast %reduce_sum3A_263 : vector<1xf32> to vector<1x1xf32>
    %mul3A_265 = arith.mulf %slice3A_251, %slice3A_251 : vector<256x1xf32>
    %reduce_sum3A_266 = arith.constant dense<0.000000e+00> : vector<1xf32>
    %reduce_sum3A_267 = vector.multi_reduction <add>, %mul3A_265, %reduce_sum3A_266 [0] : vector<256x1xf32> to vector<1xf32>
    %broadcast_in_dim3A_268 = vector.shape_cast %reduce_sum3A_267 : vector<1xf32> to vector<1x1xf32>
    %mul3A_269 = arith.mulf %slice3A_251, %slice3A_252 : vector<256x1xf32>
    %reduce_sum3A_270 = arith.constant dense<0.000000e+00> : vector<1xf32>
    %reduce_sum3A_271 = vector.multi_reduction <add>, %mul3A_269, %reduce_sum3A_270 [0] : vector<256x1xf32> to vector<1xf32>
    %broadcast_in_dim3A_272 = vector.shape_cast %reduce_sum3A_271 : vector<1xf32> to vector<1x1xf32>
    %mul3A_273 = arith.mulf %slice3A_252, %slice3A_252 : vector<256x1xf32>
    %reduce_sum3A_274 = arith.constant dense<0.000000e+00> : vector<1xf32>
    %reduce_sum3A_275 = vector.multi_reduction <add>, %mul3A_273, %reduce_sum3A_274 [0] : vector<256x1xf32> to vector<1xf32>
    %broadcast_in_dim3A_276 = vector.shape_cast %reduce_sum3A_275 : vector<1xf32> to vector<1x1xf32>
    %concatenate3A_277 = tpu.concatenate %broadcast_in_dim3A_256, %broadcast_in_dim3A_260, %broadcast_in_dim3A_264, %broadcast_in_dim3A_268, %broadcast_in_dim3A_272, %broadcast_in_dim3A_276 in 1 : vector<1x1xf32>, vector<1x1xf32>, vector<1x1xf32>, vector<1x1xf32>, vector<1x1xf32>, vector<1x1xf32> -> vector<1x6xf32>
    %concatenate3A_278 = tpu.concatenate %broadcast_in_dim3A_249, %concatenate3A_277 in 1 : vector<1x3xf32>, vector<1x6xf32> -> vector<1x9xf32>
    %add3A_279 = arith.addf %add3A_225, %concatenate3A_278 : vector<1x9xf32>
    %reduce_min3A_280 = arith.constant dense<0x7F800000> : vector<256xf32>
    %reduce_min3A_281 = vector.multi_reduction <minimumf>, %select_n3A_241, %reduce_min3A_280 [1] : vector<256x2048xf32> to vector<256xf32>
    %broadcast_in_dim3A_282 = vector.shape_cast %reduce_min3A_281 : vector<256xf32> to vector<256x1xf32>
    %eq3A_283 = vector.broadcast %broadcast_in_dim3A_282 : vector<256x1xf32> to vector<256x2048xf32>
    %eq3A_284 = arith.cmpf oeq, %select_n3A_241, %eq3A_283 : vector<256x2048xf32>
    %jit3A_285 = arith.constant 2048 : i32
    %broadcast_in_dim3A_286 = vector.broadcast %jit3A_285 : i32 to vector<256x2048xi32>
    %select_n3A_287 = arith.select %eq3A_284, %iota3A, %broadcast_in_dim3A_286 : vector<256x2048xi1>, vector<256x2048xi32>
    %reduce_min3A_288 = arith.constant dense<2147483647> : vector<256xi32>
    %reduce_min3A_289 = vector.multi_reduction <minsi>, %select_n3A_287, %reduce_min3A_288 [1] : vector<256x2048xi32> to vector<256xi32>
    %broadcast_in_dim3A_290 = vector.shape_cast %reduce_min3A_289 : vector<256xi32> to vector<256x1xi32>
    %eq3A_291 = vector.broadcast %broadcast_in_dim3A_290 : vector<256x1xi32> to vector<256x2048xi32>
    %eq3A_292 = arith.cmpi eq, %iota3A, %eq3A_291 : vector<256x2048xi32>
    %jit3A_293 = arith.constant 0x7F800000 : f32
    %broadcast_in_dim3A_294 = vector.broadcast %jit3A_293 : f32 to vector<256x2048xf32>
    %select_n3A_295 = arith.select %eq3A_292, %broadcast_in_dim3A_294, %select_n3A_241 : vector<256x2048xi1>, vector<256x2048xf32>
    %convert_element_type3A_296 = arith.extui %eq3A_292 : vector<256x2048xi1> to vector<256x2048xi32>
    %convert_element_type3A_297 = arith.sitofp %convert_element_type3A_296 : vector<256x2048xi32> to vector<256x2048xf32>
    %dot_general3A_298 = arith.constant dense<0.000000e+00> : vector<256x3xf32>
    %dot_general3A_299 = tpu.matmul %convert_element_type3A_297, %squeeze3A_42, %dot_general3A_298 {dimension_numbers = #tpu.dot_dimension_numbers<[1], [0], [0], [1], [0, 0, 1, 1], [], []>, transpose_lhs_hint = false} : vector<256x2048xf32>, vector<2048x3xf32>, vector<256x3xf32> -> vector<256x3xf32>
    %sub3A_300 = arith.subf %dot_general3A_299, %squeeze3A : vector<256x3xf32>
    %reduce_sum3A_301 = arith.constant dense<0.000000e+00> : vector<3xf32>
    %reduce_sum3A_302 = vector.multi_reduction <add>, %sub3A_300, %reduce_sum3A_301 [0] : vector<256x3xf32> to vector<3xf32>
    %broadcast_in_dim3A_303 = vector.shape_cast %reduce_sum3A_302 : vector<3xf32> to vector<1x3xf32>
    %slice3A_304 = vector.extract_strided_slice %sub3A_300 {offsets = [0, 0], sizes = [256, 1], strides = [1, 1]} : vector<256x3xf32> to vector<256x1xf32>
    %slice3A_305 = vector.extract_strided_slice %sub3A_300 {offsets = [0, 1], sizes = [256, 1], strides = [1, 1]} : vector<256x3xf32> to vector<256x1xf32>
    %slice3A_306 = vector.extract_strided_slice %sub3A_300 {offsets = [0, 2], sizes = [256, 1], strides = [1, 1]} : vector<256x3xf32> to vector<256x1xf32>
    %mul3A_307 = arith.mulf %slice3A_304, %slice3A_304 : vector<256x1xf32>
    %reduce_sum3A_308 = arith.constant dense<0.000000e+00> : vector<1xf32>
    %reduce_sum3A_309 = vector.multi_reduction <add>, %mul3A_307, %reduce_sum3A_308 [0] : vector<256x1xf32> to vector<1xf32>
    %broadcast_in_dim3A_310 = vector.shape_cast %reduce_sum3A_309 : vector<1xf32> to vector<1x1xf32>
    %mul3A_311 = arith.mulf %slice3A_304, %slice3A_305 : vector<256x1xf32>
    %reduce_sum3A_312 = arith.constant dense<0.000000e+00> : vector<1xf32>
    %reduce_sum3A_313 = vector.multi_reduction <add>, %mul3A_311, %reduce_sum3A_312 [0] : vector<256x1xf32> to vector<1xf32>
    %broadcast_in_dim3A_314 = vector.shape_cast %reduce_sum3A_313 : vector<1xf32> to vector<1x1xf32>
    %mul3A_315 = arith.mulf %slice3A_304, %slice3A_306 : vector<256x1xf32>
    %reduce_sum3A_316 = arith.constant dense<0.000000e+00> : vector<1xf32>
    %reduce_sum3A_317 = vector.multi_reduction <add>, %mul3A_315, %reduce_sum3A_316 [0] : vector<256x1xf32> to vector<1xf32>
    %broadcast_in_dim3A_318 = vector.shape_cast %reduce_sum3A_317 : vector<1xf32> to vector<1x1xf32>
    %mul3A_319 = arith.mulf %slice3A_305, %slice3A_305 : vector<256x1xf32>
    %reduce_sum3A_320 = arith.constant dense<0.000000e+00> : vector<1xf32>
    %reduce_sum3A_321 = vector.multi_reduction <add>, %mul3A_319, %reduce_sum3A_320 [0] : vector<256x1xf32> to vector<1xf32>
    %broadcast_in_dim3A_322 = vector.shape_cast %reduce_sum3A_321 : vector<1xf32> to vector<1x1xf32>
    %mul3A_323 = arith.mulf %slice3A_305, %slice3A_306 : vector<256x1xf32>
    %reduce_sum3A_324 = arith.constant dense<0.000000e+00> : vector<1xf32>
    %reduce_sum3A_325 = vector.multi_reduction <add>, %mul3A_323, %reduce_sum3A_324 [0] : vector<256x1xf32> to vector<1xf32>
    %broadcast_in_dim3A_326 = vector.shape_cast %reduce_sum3A_325 : vector<1xf32> to vector<1x1xf32>
    %mul3A_327 = arith.mulf %slice3A_306, %slice3A_306 : vector<256x1xf32>
    %reduce_sum3A_328 = arith.constant dense<0.000000e+00> : vector<1xf32>
    %reduce_sum3A_329 = vector.multi_reduction <add>, %mul3A_327, %reduce_sum3A_328 [0] : vector<256x1xf32> to vector<1xf32>
    %broadcast_in_dim3A_330 = vector.shape_cast %reduce_sum3A_329 : vector<1xf32> to vector<1x1xf32>
    %concatenate3A_331 = tpu.concatenate %broadcast_in_dim3A_310, %broadcast_in_dim3A_314, %broadcast_in_dim3A_318, %broadcast_in_dim3A_322, %broadcast_in_dim3A_326, %broadcast_in_dim3A_330 in 1 : vector<1x1xf32>, vector<1x1xf32>, vector<1x1xf32>, vector<1x1xf32>, vector<1x1xf32>, vector<1x1xf32> -> vector<1x6xf32>
    %concatenate3A_332 = tpu.concatenate %broadcast_in_dim3A_303, %concatenate3A_331 in 1 : vector<1x3xf32>, vector<1x6xf32> -> vector<1x9xf32>
    %add3A_333 = arith.addf %add3A_279, %concatenate3A_332 : vector<1x9xf32>
    %reduce_min3A_334 = arith.constant dense<0x7F800000> : vector<256xf32>
    %reduce_min3A_335 = vector.multi_reduction <minimumf>, %select_n3A_295, %reduce_min3A_334 [1] : vector<256x2048xf32> to vector<256xf32>
    %broadcast_in_dim3A_336 = vector.shape_cast %reduce_min3A_335 : vector<256xf32> to vector<256x1xf32>
    %eq3A_337 = vector.broadcast %broadcast_in_dim3A_336 : vector<256x1xf32> to vector<256x2048xf32>
    %eq3A_338 = arith.cmpf oeq, %select_n3A_295, %eq3A_337 : vector<256x2048xf32>
    %jit3A_339 = arith.constant 2048 : i32
    %broadcast_in_dim3A_340 = vector.broadcast %jit3A_339 : i32 to vector<256x2048xi32>
    %select_n3A_341 = arith.select %eq3A_338, %iota3A, %broadcast_in_dim3A_340 : vector<256x2048xi1>, vector<256x2048xi32>
    %reduce_min3A_342 = arith.constant dense<2147483647> : vector<256xi32>
    %reduce_min3A_343 = vector.multi_reduction <minsi>, %select_n3A_341, %reduce_min3A_342 [1] : vector<256x2048xi32> to vector<256xi32>
    %broadcast_in_dim3A_344 = vector.shape_cast %reduce_min3A_343 : vector<256xi32> to vector<256x1xi32>
    %eq3A_345 = vector.broadcast %broadcast_in_dim3A_344 : vector<256x1xi32> to vector<256x2048xi32>
    %eq3A_346 = arith.cmpi eq, %iota3A, %eq3A_345 : vector<256x2048xi32>
    %jit3A_347 = arith.constant 0x7F800000 : f32
    %broadcast_in_dim3A_348 = vector.broadcast %jit3A_347 : f32 to vector<256x2048xf32>
    %select_n3A_349 = arith.select %eq3A_346, %broadcast_in_dim3A_348, %select_n3A_295 : vector<256x2048xi1>, vector<256x2048xf32>
    %convert_element_type3A_350 = arith.extui %eq3A_346 : vector<256x2048xi1> to vector<256x2048xi32>
    %convert_element_type3A_351 = arith.sitofp %convert_element_type3A_350 : vector<256x2048xi32> to vector<256x2048xf32>
    %dot_general3A_352 = arith.constant dense<0.000000e+00> : vector<256x3xf32>
    %dot_general3A_353 = tpu.matmul %convert_element_type3A_351, %squeeze3A_42, %dot_general3A_352 {dimension_numbers = #tpu.dot_dimension_numbers<[1], [0], [0], [1], [0, 0, 1, 1], [], []>, transpose_lhs_hint = false} : vector<256x2048xf32>, vector<2048x3xf32>, vector<256x3xf32> -> vector<256x3xf32>
    %sub3A_354 = arith.subf %dot_general3A_353, %squeeze3A : vector<256x3xf32>
    %reduce_sum3A_355 = arith.constant dense<0.000000e+00> : vector<3xf32>
    %reduce_sum3A_356 = vector.multi_reduction <add>, %sub3A_354, %reduce_sum3A_355 [0] : vector<256x3xf32> to vector<3xf32>
    %broadcast_in_dim3A_357 = vector.shape_cast %reduce_sum3A_356 : vector<3xf32> to vector<1x3xf32>
    %slice3A_358 = vector.extract_strided_slice %sub3A_354 {offsets = [0, 0], sizes = [256, 1], strides = [1, 1]} : vector<256x3xf32> to vector<256x1xf32>
    %slice3A_359 = vector.extract_strided_slice %sub3A_354 {offsets = [0, 1], sizes = [256, 1], strides = [1, 1]} : vector<256x3xf32> to vector<256x1xf32>
    %slice3A_360 = vector.extract_strided_slice %sub3A_354 {offsets = [0, 2], sizes = [256, 1], strides = [1, 1]} : vector<256x3xf32> to vector<256x1xf32>
    %mul3A_361 = arith.mulf %slice3A_358, %slice3A_358 : vector<256x1xf32>
    %reduce_sum3A_362 = arith.constant dense<0.000000e+00> : vector<1xf32>
    %reduce_sum3A_363 = vector.multi_reduction <add>, %mul3A_361, %reduce_sum3A_362 [0] : vector<256x1xf32> to vector<1xf32>
    %broadcast_in_dim3A_364 = vector.shape_cast %reduce_sum3A_363 : vector<1xf32> to vector<1x1xf32>
    %mul3A_365 = arith.mulf %slice3A_358, %slice3A_359 : vector<256x1xf32>
    %reduce_sum3A_366 = arith.constant dense<0.000000e+00> : vector<1xf32>
    %reduce_sum3A_367 = vector.multi_reduction <add>, %mul3A_365, %reduce_sum3A_366 [0] : vector<256x1xf32> to vector<1xf32>
    %broadcast_in_dim3A_368 = vector.shape_cast %reduce_sum3A_367 : vector<1xf32> to vector<1x1xf32>
    %mul3A_369 = arith.mulf %slice3A_358, %slice3A_360 : vector<256x1xf32>
    %reduce_sum3A_370 = arith.constant dense<0.000000e+00> : vector<1xf32>
    %reduce_sum3A_371 = vector.multi_reduction <add>, %mul3A_369, %reduce_sum3A_370 [0] : vector<256x1xf32> to vector<1xf32>
    %broadcast_in_dim3A_372 = vector.shape_cast %reduce_sum3A_371 : vector<1xf32> to vector<1x1xf32>
    %mul3A_373 = arith.mulf %slice3A_359, %slice3A_359 : vector<256x1xf32>
    %reduce_sum3A_374 = arith.constant dense<0.000000e+00> : vector<1xf32>
    %reduce_sum3A_375 = vector.multi_reduction <add>, %mul3A_373, %reduce_sum3A_374 [0] : vector<256x1xf32> to vector<1xf32>
    %broadcast_in_dim3A_376 = vector.shape_cast %reduce_sum3A_375 : vector<1xf32> to vector<1x1xf32>
    %mul3A_377 = arith.mulf %slice3A_359, %slice3A_360 : vector<256x1xf32>
    %reduce_sum3A_378 = arith.constant dense<0.000000e+00> : vector<1xf32>
    %reduce_sum3A_379 = vector.multi_reduction <add>, %mul3A_377, %reduce_sum3A_378 [0] : vector<256x1xf32> to vector<1xf32>
    %broadcast_in_dim3A_380 = vector.shape_cast %reduce_sum3A_379 : vector<1xf32> to vector<1x1xf32>
    %mul3A_381 = arith.mulf %slice3A_360, %slice3A_360 : vector<256x1xf32>
    %reduce_sum3A_382 = arith.constant dense<0.000000e+00> : vector<1xf32>
    %reduce_sum3A_383 = vector.multi_reduction <add>, %mul3A_381, %reduce_sum3A_382 [0] : vector<256x1xf32> to vector<1xf32>
    %broadcast_in_dim3A_384 = vector.shape_cast %reduce_sum3A_383 : vector<1xf32> to vector<1x1xf32>
    %concatenate3A_385 = tpu.concatenate %broadcast_in_dim3A_364, %broadcast_in_dim3A_368, %broadcast_in_dim3A_372, %broadcast_in_dim3A_376, %broadcast_in_dim3A_380, %broadcast_in_dim3A_384 in 1 : vector<1x1xf32>, vector<1x1xf32>, vector<1x1xf32>, vector<1x1xf32>, vector<1x1xf32>, vector<1x1xf32> -> vector<1x6xf32>
    %concatenate3A_386 = tpu.concatenate %broadcast_in_dim3A_357, %concatenate3A_385 in 1 : vector<1x3xf32>, vector<1x6xf32> -> vector<1x9xf32>
    %add3A_387 = arith.addf %add3A_333, %concatenate3A_386 : vector<1x9xf32>
    %reduce_min3A_388 = arith.constant dense<0x7F800000> : vector<256xf32>
    %reduce_min3A_389 = vector.multi_reduction <minimumf>, %select_n3A_349, %reduce_min3A_388 [1] : vector<256x2048xf32> to vector<256xf32>
    %broadcast_in_dim3A_390 = vector.shape_cast %reduce_min3A_389 : vector<256xf32> to vector<256x1xf32>
    %eq3A_391 = vector.broadcast %broadcast_in_dim3A_390 : vector<256x1xf32> to vector<256x2048xf32>
    %eq3A_392 = arith.cmpf oeq, %select_n3A_349, %eq3A_391 : vector<256x2048xf32>
    %jit3A_393 = arith.constant 2048 : i32
    %broadcast_in_dim3A_394 = vector.broadcast %jit3A_393 : i32 to vector<256x2048xi32>
    %select_n3A_395 = arith.select %eq3A_392, %iota3A, %broadcast_in_dim3A_394 : vector<256x2048xi1>, vector<256x2048xi32>
    %reduce_min3A_396 = arith.constant dense<2147483647> : vector<256xi32>
    %reduce_min3A_397 = vector.multi_reduction <minsi>, %select_n3A_395, %reduce_min3A_396 [1] : vector<256x2048xi32> to vector<256xi32>
    %broadcast_in_dim3A_398 = vector.shape_cast %reduce_min3A_397 : vector<256xi32> to vector<256x1xi32>
    %eq3A_399 = vector.broadcast %broadcast_in_dim3A_398 : vector<256x1xi32> to vector<256x2048xi32>
    %eq3A_400 = arith.cmpi eq, %iota3A, %eq3A_399 : vector<256x2048xi32>
    %jit3A_401 = arith.constant 0x7F800000 : f32
    %broadcast_in_dim3A_402 = vector.broadcast %jit3A_401 : f32 to vector<256x2048xf32>
    %select_n3A_403 = arith.select %eq3A_400, %broadcast_in_dim3A_402, %select_n3A_349 : vector<256x2048xi1>, vector<256x2048xf32>
    %convert_element_type3A_404 = arith.extui %eq3A_400 : vector<256x2048xi1> to vector<256x2048xi32>
    %convert_element_type3A_405 = arith.sitofp %convert_element_type3A_404 : vector<256x2048xi32> to vector<256x2048xf32>
    %dot_general3A_406 = arith.constant dense<0.000000e+00> : vector<256x3xf32>
    %dot_general3A_407 = tpu.matmul %convert_element_type3A_405, %squeeze3A_42, %dot_general3A_406 {dimension_numbers = #tpu.dot_dimension_numbers<[1], [0], [0], [1], [0, 0, 1, 1], [], []>, transpose_lhs_hint = false} : vector<256x2048xf32>, vector<2048x3xf32>, vector<256x3xf32> -> vector<256x3xf32>
    %sub3A_408 = arith.subf %dot_general3A_407, %squeeze3A : vector<256x3xf32>
    %reduce_sum3A_409 = arith.constant dense<0.000000e+00> : vector<3xf32>
    %reduce_sum3A_410 = vector.multi_reduction <add>, %sub3A_408, %reduce_sum3A_409 [0] : vector<256x3xf32> to vector<3xf32>
    %broadcast_in_dim3A_411 = vector.shape_cast %reduce_sum3A_410 : vector<3xf32> to vector<1x3xf32>
    %slice3A_412 = vector.extract_strided_slice %sub3A_408 {offsets = [0, 0], sizes = [256, 1], strides = [1, 1]} : vector<256x3xf32> to vector<256x1xf32>
    %slice3A_413 = vector.extract_strided_slice %sub3A_408 {offsets = [0, 1], sizes = [256, 1], strides = [1, 1]} : vector<256x3xf32> to vector<256x1xf32>
    %slice3A_414 = vector.extract_strided_slice %sub3A_408 {offsets = [0, 2], sizes = [256, 1], strides = [1, 1]} : vector<256x3xf32> to vector<256x1xf32>
    %mul3A_415 = arith.mulf %slice3A_412, %slice3A_412 : vector<256x1xf32>
    %reduce_sum3A_416 = arith.constant dense<0.000000e+00> : vector<1xf32>
    %reduce_sum3A_417 = vector.multi_reduction <add>, %mul3A_415, %reduce_sum3A_416 [0] : vector<256x1xf32> to vector<1xf32>
    %broadcast_in_dim3A_418 = vector.shape_cast %reduce_sum3A_417 : vector<1xf32> to vector<1x1xf32>
    %mul3A_419 = arith.mulf %slice3A_412, %slice3A_413 : vector<256x1xf32>
    %reduce_sum3A_420 = arith.constant dense<0.000000e+00> : vector<1xf32>
    %reduce_sum3A_421 = vector.multi_reduction <add>, %mul3A_419, %reduce_sum3A_420 [0] : vector<256x1xf32> to vector<1xf32>
    %broadcast_in_dim3A_422 = vector.shape_cast %reduce_sum3A_421 : vector<1xf32> to vector<1x1xf32>
    %mul3A_423 = arith.mulf %slice3A_412, %slice3A_414 : vector<256x1xf32>
    %reduce_sum3A_424 = arith.constant dense<0.000000e+00> : vector<1xf32>
    %reduce_sum3A_425 = vector.multi_reduction <add>, %mul3A_423, %reduce_sum3A_424 [0] : vector<256x1xf32> to vector<1xf32>
    %broadcast_in_dim3A_426 = vector.shape_cast %reduce_sum3A_425 : vector<1xf32> to vector<1x1xf32>
    %mul3A_427 = arith.mulf %slice3A_413, %slice3A_413 : vector<256x1xf32>
    %reduce_sum3A_428 = arith.constant dense<0.000000e+00> : vector<1xf32>
    %reduce_sum3A_429 = vector.multi_reduction <add>, %mul3A_427, %reduce_sum3A_428 [0] : vector<256x1xf32> to vector<1xf32>
    %broadcast_in_dim3A_430 = vector.shape_cast %reduce_sum3A_429 : vector<1xf32> to vector<1x1xf32>
    %mul3A_431 = arith.mulf %slice3A_413, %slice3A_414 : vector<256x1xf32>
    %reduce_sum3A_432 = arith.constant dense<0.000000e+00> : vector<1xf32>
    %reduce_sum3A_433 = vector.multi_reduction <add>, %mul3A_431, %reduce_sum3A_432 [0] : vector<256x1xf32> to vector<1xf32>
    %broadcast_in_dim3A_434 = vector.shape_cast %reduce_sum3A_433 : vector<1xf32> to vector<1x1xf32>
    %mul3A_435 = arith.mulf %slice3A_414, %slice3A_414 : vector<256x1xf32>
    %reduce_sum3A_436 = arith.constant dense<0.000000e+00> : vector<1xf32>
    %reduce_sum3A_437 = vector.multi_reduction <add>, %mul3A_435, %reduce_sum3A_436 [0] : vector<256x1xf32> to vector<1xf32>
    %broadcast_in_dim3A_438 = vector.shape_cast %reduce_sum3A_437 : vector<1xf32> to vector<1x1xf32>
    %concatenate3A_439 = tpu.concatenate %broadcast_in_dim3A_418, %broadcast_in_dim3A_422, %broadcast_in_dim3A_426, %broadcast_in_dim3A_430, %broadcast_in_dim3A_434, %broadcast_in_dim3A_438 in 1 : vector<1x1xf32>, vector<1x1xf32>, vector<1x1xf32>, vector<1x1xf32>, vector<1x1xf32>, vector<1x1xf32> -> vector<1x6xf32>
    %concatenate3A_440 = tpu.concatenate %broadcast_in_dim3A_411, %concatenate3A_439 in 1 : vector<1x3xf32>, vector<1x6xf32> -> vector<1x9xf32>
    %add3A_441 = arith.addf %add3A_387, %concatenate3A_440 : vector<1x9xf32>
    %reduce_min3A_442 = arith.constant dense<0x7F800000> : vector<256xf32>
    %reduce_min3A_443 = vector.multi_reduction <minimumf>, %select_n3A_403, %reduce_min3A_442 [1] : vector<256x2048xf32> to vector<256xf32>
    %broadcast_in_dim3A_444 = vector.shape_cast %reduce_min3A_443 : vector<256xf32> to vector<256x1xf32>
    %eq3A_445 = vector.broadcast %broadcast_in_dim3A_444 : vector<256x1xf32> to vector<256x2048xf32>
    %eq3A_446 = arith.cmpf oeq, %select_n3A_403, %eq3A_445 : vector<256x2048xf32>
    %jit3A_447 = arith.constant 2048 : i32
    %broadcast_in_dim3A_448 = vector.broadcast %jit3A_447 : i32 to vector<256x2048xi32>
    %select_n3A_449 = arith.select %eq3A_446, %iota3A, %broadcast_in_dim3A_448 : vector<256x2048xi1>, vector<256x2048xi32>
    %reduce_min3A_450 = arith.constant dense<2147483647> : vector<256xi32>
    %reduce_min3A_451 = vector.multi_reduction <minsi>, %select_n3A_449, %reduce_min3A_450 [1] : vector<256x2048xi32> to vector<256xi32>
    %broadcast_in_dim3A_452 = vector.shape_cast %reduce_min3A_451 : vector<256xi32> to vector<256x1xi32>
    %eq3A_453 = vector.broadcast %broadcast_in_dim3A_452 : vector<256x1xi32> to vector<256x2048xi32>
    %eq3A_454 = arith.cmpi eq, %iota3A, %eq3A_453 : vector<256x2048xi32>
    %jit3A_455 = arith.constant 0x7F800000 : f32
    %broadcast_in_dim3A_456 = vector.broadcast %jit3A_455 : f32 to vector<256x2048xf32>
    %select_n3A_457 = arith.select %eq3A_454, %broadcast_in_dim3A_456, %select_n3A_403 : vector<256x2048xi1>, vector<256x2048xf32>
    %convert_element_type3A_458 = arith.extui %eq3A_454 : vector<256x2048xi1> to vector<256x2048xi32>
    %convert_element_type3A_459 = arith.sitofp %convert_element_type3A_458 : vector<256x2048xi32> to vector<256x2048xf32>
    %dot_general3A_460 = arith.constant dense<0.000000e+00> : vector<256x3xf32>
    %dot_general3A_461 = tpu.matmul %convert_element_type3A_459, %squeeze3A_42, %dot_general3A_460 {dimension_numbers = #tpu.dot_dimension_numbers<[1], [0], [0], [1], [0, 0, 1, 1], [], []>, transpose_lhs_hint = false} : vector<256x2048xf32>, vector<2048x3xf32>, vector<256x3xf32> -> vector<256x3xf32>
    %sub3A_462 = arith.subf %dot_general3A_461, %squeeze3A : vector<256x3xf32>
    %reduce_sum3A_463 = arith.constant dense<0.000000e+00> : vector<3xf32>
    %reduce_sum3A_464 = vector.multi_reduction <add>, %sub3A_462, %reduce_sum3A_463 [0] : vector<256x3xf32> to vector<3xf32>
    %broadcast_in_dim3A_465 = vector.shape_cast %reduce_sum3A_464 : vector<3xf32> to vector<1x3xf32>
    %slice3A_466 = vector.extract_strided_slice %sub3A_462 {offsets = [0, 0], sizes = [256, 1], strides = [1, 1]} : vector<256x3xf32> to vector<256x1xf32>
    %slice3A_467 = vector.extract_strided_slice %sub3A_462 {offsets = [0, 1], sizes = [256, 1], strides = [1, 1]} : vector<256x3xf32> to vector<256x1xf32>
    %slice3A_468 = vector.extract_strided_slice %sub3A_462 {offsets = [0, 2], sizes = [256, 1], strides = [1, 1]} : vector<256x3xf32> to vector<256x1xf32>
    %mul3A_469 = arith.mulf %slice3A_466, %slice3A_466 : vector<256x1xf32>
    %reduce_sum3A_470 = arith.constant dense<0.000000e+00> : vector<1xf32>
    %reduce_sum3A_471 = vector.multi_reduction <add>, %mul3A_469, %reduce_sum3A_470 [0] : vector<256x1xf32> to vector<1xf32>
    %broadcast_in_dim3A_472 = vector.shape_cast %reduce_sum3A_471 : vector<1xf32> to vector<1x1xf32>
    %mul3A_473 = arith.mulf %slice3A_466, %slice3A_467 : vector<256x1xf32>
    %reduce_sum3A_474 = arith.constant dense<0.000000e+00> : vector<1xf32>
    %reduce_sum3A_475 = vector.multi_reduction <add>, %mul3A_473, %reduce_sum3A_474 [0] : vector<256x1xf32> to vector<1xf32>
    %broadcast_in_dim3A_476 = vector.shape_cast %reduce_sum3A_475 : vector<1xf32> to vector<1x1xf32>
    %mul3A_477 = arith.mulf %slice3A_466, %slice3A_468 : vector<256x1xf32>
    %reduce_sum3A_478 = arith.constant dense<0.000000e+00> : vector<1xf32>
    %reduce_sum3A_479 = vector.multi_reduction <add>, %mul3A_477, %reduce_sum3A_478 [0] : vector<256x1xf32> to vector<1xf32>
    %broadcast_in_dim3A_480 = vector.shape_cast %reduce_sum3A_479 : vector<1xf32> to vector<1x1xf32>
    %mul3A_481 = arith.mulf %slice3A_467, %slice3A_467 : vector<256x1xf32>
    %reduce_sum3A_482 = arith.constant dense<0.000000e+00> : vector<1xf32>
    %reduce_sum3A_483 = vector.multi_reduction <add>, %mul3A_481, %reduce_sum3A_482 [0] : vector<256x1xf32> to vector<1xf32>
    %broadcast_in_dim3A_484 = vector.shape_cast %reduce_sum3A_483 : vector<1xf32> to vector<1x1xf32>
    %mul3A_485 = arith.mulf %slice3A_467, %slice3A_468 : vector<256x1xf32>
    %reduce_sum3A_486 = arith.constant dense<0.000000e+00> : vector<1xf32>
    %reduce_sum3A_487 = vector.multi_reduction <add>, %mul3A_485, %reduce_sum3A_486 [0] : vector<256x1xf32> to vector<1xf32>
    %broadcast_in_dim3A_488 = vector.shape_cast %reduce_sum3A_487 : vector<1xf32> to vector<1x1xf32>
    %mul3A_489 = arith.mulf %slice3A_468, %slice3A_468 : vector<256x1xf32>
    %reduce_sum3A_490 = arith.constant dense<0.000000e+00> : vector<1xf32>
    %reduce_sum3A_491 = vector.multi_reduction <add>, %mul3A_489, %reduce_sum3A_490 [0] : vector<256x1xf32> to vector<1xf32>
    %broadcast_in_dim3A_492 = vector.shape_cast %reduce_sum3A_491 : vector<1xf32> to vector<1x1xf32>
    %concatenate3A_493 = tpu.concatenate %broadcast_in_dim3A_472, %broadcast_in_dim3A_476, %broadcast_in_dim3A_480, %broadcast_in_dim3A_484, %broadcast_in_dim3A_488, %broadcast_in_dim3A_492 in 1 : vector<1x1xf32>, vector<1x1xf32>, vector<1x1xf32>, vector<1x1xf32>, vector<1x1xf32>, vector<1x1xf32> -> vector<1x6xf32>
    %concatenate3A_494 = tpu.concatenate %broadcast_in_dim3A_465, %concatenate3A_493 in 1 : vector<1x3xf32>, vector<1x6xf32> -> vector<1x9xf32>
    %add3A_495 = arith.addf %add3A_441, %concatenate3A_494 : vector<1x9xf32>
    %reduce_min3A_496 = arith.constant dense<0x7F800000> : vector<256xf32>
    %reduce_min3A_497 = vector.multi_reduction <minimumf>, %select_n3A_457, %reduce_min3A_496 [1] : vector<256x2048xf32> to vector<256xf32>
    %broadcast_in_dim3A_498 = vector.shape_cast %reduce_min3A_497 : vector<256xf32> to vector<256x1xf32>
    %eq3A_499 = vector.broadcast %broadcast_in_dim3A_498 : vector<256x1xf32> to vector<256x2048xf32>
    %eq3A_500 = arith.cmpf oeq, %select_n3A_457, %eq3A_499 : vector<256x2048xf32>
    %jit3A_501 = arith.constant 2048 : i32
    %broadcast_in_dim3A_502 = vector.broadcast %jit3A_501 : i32 to vector<256x2048xi32>
    %select_n3A_503 = arith.select %eq3A_500, %iota3A, %broadcast_in_dim3A_502 : vector<256x2048xi1>, vector<256x2048xi32>
    %reduce_min3A_504 = arith.constant dense<2147483647> : vector<256xi32>
    %reduce_min3A_505 = vector.multi_reduction <minsi>, %select_n3A_503, %reduce_min3A_504 [1] : vector<256x2048xi32> to vector<256xi32>
    %broadcast_in_dim3A_506 = vector.shape_cast %reduce_min3A_505 : vector<256xi32> to vector<256x1xi32>
    %eq3A_507 = vector.broadcast %broadcast_in_dim3A_506 : vector<256x1xi32> to vector<256x2048xi32>
    %eq3A_508 = arith.cmpi eq, %iota3A, %eq3A_507 : vector<256x2048xi32>
    %jit3A_509 = arith.constant 0x7F800000 : f32
    %broadcast_in_dim3A_510 = vector.broadcast %jit3A_509 : f32 to vector<256x2048xf32>
    %select_n3A_511 = arith.select %eq3A_508, %broadcast_in_dim3A_510, %select_n3A_457 : vector<256x2048xi1>, vector<256x2048xf32>
    %convert_element_type3A_512 = arith.extui %eq3A_508 : vector<256x2048xi1> to vector<256x2048xi32>
    %convert_element_type3A_513 = arith.sitofp %convert_element_type3A_512 : vector<256x2048xi32> to vector<256x2048xf32>
    %dot_general3A_514 = arith.constant dense<0.000000e+00> : vector<256x3xf32>
    %dot_general3A_515 = tpu.matmul %convert_element_type3A_513, %squeeze3A_42, %dot_general3A_514 {dimension_numbers = #tpu.dot_dimension_numbers<[1], [0], [0], [1], [0, 0, 1, 1], [], []>, transpose_lhs_hint = false} : vector<256x2048xf32>, vector<2048x3xf32>, vector<256x3xf32> -> vector<256x3xf32>
    %sub3A_516 = arith.subf %dot_general3A_515, %squeeze3A : vector<256x3xf32>
    %reduce_sum3A_517 = arith.constant dense<0.000000e+00> : vector<3xf32>
    %reduce_sum3A_518 = vector.multi_reduction <add>, %sub3A_516, %reduce_sum3A_517 [0] : vector<256x3xf32> to vector<3xf32>
    %broadcast_in_dim3A_519 = vector.shape_cast %reduce_sum3A_518 : vector<3xf32> to vector<1x3xf32>
    %slice3A_520 = vector.extract_strided_slice %sub3A_516 {offsets = [0, 0], sizes = [256, 1], strides = [1, 1]} : vector<256x3xf32> to vector<256x1xf32>
    %slice3A_521 = vector.extract_strided_slice %sub3A_516 {offsets = [0, 1], sizes = [256, 1], strides = [1, 1]} : vector<256x3xf32> to vector<256x1xf32>
    %slice3A_522 = vector.extract_strided_slice %sub3A_516 {offsets = [0, 2], sizes = [256, 1], strides = [1, 1]} : vector<256x3xf32> to vector<256x1xf32>
    %mul3A_523 = arith.mulf %slice3A_520, %slice3A_520 : vector<256x1xf32>
    %reduce_sum3A_524 = arith.constant dense<0.000000e+00> : vector<1xf32>
    %reduce_sum3A_525 = vector.multi_reduction <add>, %mul3A_523, %reduce_sum3A_524 [0] : vector<256x1xf32> to vector<1xf32>
    %broadcast_in_dim3A_526 = vector.shape_cast %reduce_sum3A_525 : vector<1xf32> to vector<1x1xf32>
    %mul3A_527 = arith.mulf %slice3A_520, %slice3A_521 : vector<256x1xf32>
    %reduce_sum3A_528 = arith.constant dense<0.000000e+00> : vector<1xf32>
    %reduce_sum3A_529 = vector.multi_reduction <add>, %mul3A_527, %reduce_sum3A_528 [0] : vector<256x1xf32> to vector<1xf32>
    %broadcast_in_dim3A_530 = vector.shape_cast %reduce_sum3A_529 : vector<1xf32> to vector<1x1xf32>
    %mul3A_531 = arith.mulf %slice3A_520, %slice3A_522 : vector<256x1xf32>
    %reduce_sum3A_532 = arith.constant dense<0.000000e+00> : vector<1xf32>
    %reduce_sum3A_533 = vector.multi_reduction <add>, %mul3A_531, %reduce_sum3A_532 [0] : vector<256x1xf32> to vector<1xf32>
    %broadcast_in_dim3A_534 = vector.shape_cast %reduce_sum3A_533 : vector<1xf32> to vector<1x1xf32>
    %mul3A_535 = arith.mulf %slice3A_521, %slice3A_521 : vector<256x1xf32>
    %reduce_sum3A_536 = arith.constant dense<0.000000e+00> : vector<1xf32>
    %reduce_sum3A_537 = vector.multi_reduction <add>, %mul3A_535, %reduce_sum3A_536 [0] : vector<256x1xf32> to vector<1xf32>
    %broadcast_in_dim3A_538 = vector.shape_cast %reduce_sum3A_537 : vector<1xf32> to vector<1x1xf32>
    %mul3A_539 = arith.mulf %slice3A_521, %slice3A_522 : vector<256x1xf32>
    %reduce_sum3A_540 = arith.constant dense<0.000000e+00> : vector<1xf32>
    %reduce_sum3A_541 = vector.multi_reduction <add>, %mul3A_539, %reduce_sum3A_540 [0] : vector<256x1xf32> to vector<1xf32>
    %broadcast_in_dim3A_542 = vector.shape_cast %reduce_sum3A_541 : vector<1xf32> to vector<1x1xf32>
    %mul3A_543 = arith.mulf %slice3A_522, %slice3A_522 : vector<256x1xf32>
    %reduce_sum3A_544 = arith.constant dense<0.000000e+00> : vector<1xf32>
    %reduce_sum3A_545 = vector.multi_reduction <add>, %mul3A_543, %reduce_sum3A_544 [0] : vector<256x1xf32> to vector<1xf32>
    %broadcast_in_dim3A_546 = vector.shape_cast %reduce_sum3A_545 : vector<1xf32> to vector<1x1xf32>
    %concatenate3A_547 = tpu.concatenate %broadcast_in_dim3A_526, %broadcast_in_dim3A_530, %broadcast_in_dim3A_534, %broadcast_in_dim3A_538, %broadcast_in_dim3A_542, %broadcast_in_dim3A_546 in 1 : vector<1x1xf32>, vector<1x1xf32>, vector<1x1xf32>, vector<1x1xf32>, vector<1x1xf32>, vector<1x1xf32> -> vector<1x6xf32>
    %concatenate3A_548 = tpu.concatenate %broadcast_in_dim3A_519, %concatenate3A_547 in 1 : vector<1x3xf32>, vector<1x6xf32> -> vector<1x9xf32>
    %add3A_549 = arith.addf %add3A_495, %concatenate3A_548 : vector<1x9xf32>
    %reduce_min3A_550 = arith.constant dense<0x7F800000> : vector<256xf32>
    %reduce_min3A_551 = vector.multi_reduction <minimumf>, %select_n3A_511, %reduce_min3A_550 [1] : vector<256x2048xf32> to vector<256xf32>
    %broadcast_in_dim3A_552 = vector.shape_cast %reduce_min3A_551 : vector<256xf32> to vector<256x1xf32>
    %eq3A_553 = vector.broadcast %broadcast_in_dim3A_552 : vector<256x1xf32> to vector<256x2048xf32>
    %eq3A_554 = arith.cmpf oeq, %select_n3A_511, %eq3A_553 : vector<256x2048xf32>
    %jit3A_555 = arith.constant 2048 : i32
    %broadcast_in_dim3A_556 = vector.broadcast %jit3A_555 : i32 to vector<256x2048xi32>
    %select_n3A_557 = arith.select %eq3A_554, %iota3A, %broadcast_in_dim3A_556 : vector<256x2048xi1>, vector<256x2048xi32>
    %reduce_min3A_558 = arith.constant dense<2147483647> : vector<256xi32>
    %reduce_min3A_559 = vector.multi_reduction <minsi>, %select_n3A_557, %reduce_min3A_558 [1] : vector<256x2048xi32> to vector<256xi32>
    %broadcast_in_dim3A_560 = vector.shape_cast %reduce_min3A_559 : vector<256xi32> to vector<256x1xi32>
    %eq3A_561 = vector.broadcast %broadcast_in_dim3A_560 : vector<256x1xi32> to vector<256x2048xi32>
    %eq3A_562 = arith.cmpi eq, %iota3A, %eq3A_561 : vector<256x2048xi32>
    %jit3A_563 = arith.constant 0x7F800000 : f32
    %broadcast_in_dim3A_564 = vector.broadcast %jit3A_563 : f32 to vector<256x2048xf32>
    %select_n3A_565 = arith.select %eq3A_562, %broadcast_in_dim3A_564, %select_n3A_511 : vector<256x2048xi1>, vector<256x2048xf32>
    %convert_element_type3A_566 = arith.extui %eq3A_562 : vector<256x2048xi1> to vector<256x2048xi32>
    %convert_element_type3A_567 = arith.sitofp %convert_element_type3A_566 : vector<256x2048xi32> to vector<256x2048xf32>
    %dot_general3A_568 = arith.constant dense<0.000000e+00> : vector<256x3xf32>
    %dot_general3A_569 = tpu.matmul %convert_element_type3A_567, %squeeze3A_42, %dot_general3A_568 {dimension_numbers = #tpu.dot_dimension_numbers<[1], [0], [0], [1], [0, 0, 1, 1], [], []>, transpose_lhs_hint = false} : vector<256x2048xf32>, vector<2048x3xf32>, vector<256x3xf32> -> vector<256x3xf32>
    %sub3A_570 = arith.subf %dot_general3A_569, %squeeze3A : vector<256x3xf32>
    %reduce_sum3A_571 = arith.constant dense<0.000000e+00> : vector<3xf32>
    %reduce_sum3A_572 = vector.multi_reduction <add>, %sub3A_570, %reduce_sum3A_571 [0] : vector<256x3xf32> to vector<3xf32>
    %broadcast_in_dim3A_573 = vector.shape_cast %reduce_sum3A_572 : vector<3xf32> to vector<1x3xf32>
    %slice3A_574 = vector.extract_strided_slice %sub3A_570 {offsets = [0, 0], sizes = [256, 1], strides = [1, 1]} : vector<256x3xf32> to vector<256x1xf32>
    %slice3A_575 = vector.extract_strided_slice %sub3A_570 {offsets = [0, 1], sizes = [256, 1], strides = [1, 1]} : vector<256x3xf32> to vector<256x1xf32>
    %slice3A_576 = vector.extract_strided_slice %sub3A_570 {offsets = [0, 2], sizes = [256, 1], strides = [1, 1]} : vector<256x3xf32> to vector<256x1xf32>
    %mul3A_577 = arith.mulf %slice3A_574, %slice3A_574 : vector<256x1xf32>
    %reduce_sum3A_578 = arith.constant dense<0.000000e+00> : vector<1xf32>
    %reduce_sum3A_579 = vector.multi_reduction <add>, %mul3A_577, %reduce_sum3A_578 [0] : vector<256x1xf32> to vector<1xf32>
    %broadcast_in_dim3A_580 = vector.shape_cast %reduce_sum3A_579 : vector<1xf32> to vector<1x1xf32>
    %mul3A_581 = arith.mulf %slice3A_574, %slice3A_575 : vector<256x1xf32>
    %reduce_sum3A_582 = arith.constant dense<0.000000e+00> : vector<1xf32>
    %reduce_sum3A_583 = vector.multi_reduction <add>, %mul3A_581, %reduce_sum3A_582 [0] : vector<256x1xf32> to vector<1xf32>
    %broadcast_in_dim3A_584 = vector.shape_cast %reduce_sum3A_583 : vector<1xf32> to vector<1x1xf32>
    %mul3A_585 = arith.mulf %slice3A_574, %slice3A_576 : vector<256x1xf32>
    %reduce_sum3A_586 = arith.constant dense<0.000000e+00> : vector<1xf32>
    %reduce_sum3A_587 = vector.multi_reduction <add>, %mul3A_585, %reduce_sum3A_586 [0] : vector<256x1xf32> to vector<1xf32>
    %broadcast_in_dim3A_588 = vector.shape_cast %reduce_sum3A_587 : vector<1xf32> to vector<1x1xf32>
    %mul3A_589 = arith.mulf %slice3A_575, %slice3A_575 : vector<256x1xf32>
    %reduce_sum3A_590 = arith.constant dense<0.000000e+00> : vector<1xf32>
    %reduce_sum3A_591 = vector.multi_reduction <add>, %mul3A_589, %reduce_sum3A_590 [0] : vector<256x1xf32> to vector<1xf32>
    %broadcast_in_dim3A_592 = vector.shape_cast %reduce_sum3A_591 : vector<1xf32> to vector<1x1xf32>
    %mul3A_593 = arith.mulf %slice3A_575, %slice3A_576 : vector<256x1xf32>
    %reduce_sum3A_594 = arith.constant dense<0.000000e+00> : vector<1xf32>
    %reduce_sum3A_595 = vector.multi_reduction <add>, %mul3A_593, %reduce_sum3A_594 [0] : vector<256x1xf32> to vector<1xf32>
    %broadcast_in_dim3A_596 = vector.shape_cast %reduce_sum3A_595 : vector<1xf32> to vector<1x1xf32>
    %mul3A_597 = arith.mulf %slice3A_576, %slice3A_576 : vector<256x1xf32>
    %reduce_sum3A_598 = arith.constant dense<0.000000e+00> : vector<1xf32>
    %reduce_sum3A_599 = vector.multi_reduction <add>, %mul3A_597, %reduce_sum3A_598 [0] : vector<256x1xf32> to vector<1xf32>
    %broadcast_in_dim3A_600 = vector.shape_cast %reduce_sum3A_599 : vector<1xf32> to vector<1x1xf32>
    %concatenate3A_601 = tpu.concatenate %broadcast_in_dim3A_580, %broadcast_in_dim3A_584, %broadcast_in_dim3A_588, %broadcast_in_dim3A_592, %broadcast_in_dim3A_596, %broadcast_in_dim3A_600 in 1 : vector<1x1xf32>, vector<1x1xf32>, vector<1x1xf32>, vector<1x1xf32>, vector<1x1xf32>, vector<1x1xf32> -> vector<1x6xf32>
    %concatenate3A_602 = tpu.concatenate %broadcast_in_dim3A_573, %concatenate3A_601 in 1 : vector<1x3xf32>, vector<1x6xf32> -> vector<1x9xf32>
    %add3A_603 = arith.addf %add3A_549, %concatenate3A_602 : vector<1x9xf32>
    %reduce_min3A_604 = arith.constant dense<0x7F800000> : vector<256xf32>
    %reduce_min3A_605 = vector.multi_reduction <minimumf>, %select_n3A_565, %reduce_min3A_604 [1] : vector<256x2048xf32> to vector<256xf32>
    %broadcast_in_dim3A_606 = vector.shape_cast %reduce_min3A_605 : vector<256xf32> to vector<256x1xf32>
    %eq3A_607 = vector.broadcast %broadcast_in_dim3A_606 : vector<256x1xf32> to vector<256x2048xf32>
    %eq3A_608 = arith.cmpf oeq, %select_n3A_565, %eq3A_607 : vector<256x2048xf32>
    %jit3A_609 = arith.constant 2048 : i32
    %broadcast_in_dim3A_610 = vector.broadcast %jit3A_609 : i32 to vector<256x2048xi32>
    %select_n3A_611 = arith.select %eq3A_608, %iota3A, %broadcast_in_dim3A_610 : vector<256x2048xi1>, vector<256x2048xi32>
    %reduce_min3A_612 = arith.constant dense<2147483647> : vector<256xi32>
    %reduce_min3A_613 = vector.multi_reduction <minsi>, %select_n3A_611, %reduce_min3A_612 [1] : vector<256x2048xi32> to vector<256xi32>
    %broadcast_in_dim3A_614 = vector.shape_cast %reduce_min3A_613 : vector<256xi32> to vector<256x1xi32>
    %eq3A_615 = vector.broadcast %broadcast_in_dim3A_614 : vector<256x1xi32> to vector<256x2048xi32>
    %eq3A_616 = arith.cmpi eq, %iota3A, %eq3A_615 : vector<256x2048xi32>
    %jit3A_617 = arith.constant 0x7F800000 : f32
    %broadcast_in_dim3A_618 = vector.broadcast %jit3A_617 : f32 to vector<256x2048xf32>
    %select_n3A_619 = arith.select %eq3A_616, %broadcast_in_dim3A_618, %select_n3A_565 : vector<256x2048xi1>, vector<256x2048xf32>
    %convert_element_type3A_620 = arith.extui %eq3A_616 : vector<256x2048xi1> to vector<256x2048xi32>
    %convert_element_type3A_621 = arith.sitofp %convert_element_type3A_620 : vector<256x2048xi32> to vector<256x2048xf32>
    %dot_general3A_622 = arith.constant dense<0.000000e+00> : vector<256x3xf32>
    %dot_general3A_623 = tpu.matmul %convert_element_type3A_621, %squeeze3A_42, %dot_general3A_622 {dimension_numbers = #tpu.dot_dimension_numbers<[1], [0], [0], [1], [0, 0, 1, 1], [], []>, transpose_lhs_hint = false} : vector<256x2048xf32>, vector<2048x3xf32>, vector<256x3xf32> -> vector<256x3xf32>
    %sub3A_624 = arith.subf %dot_general3A_623, %squeeze3A : vector<256x3xf32>
    %reduce_sum3A_625 = arith.constant dense<0.000000e+00> : vector<3xf32>
    %reduce_sum3A_626 = vector.multi_reduction <add>, %sub3A_624, %reduce_sum3A_625 [0] : vector<256x3xf32> to vector<3xf32>
    %broadcast_in_dim3A_627 = vector.shape_cast %reduce_sum3A_626 : vector<3xf32> to vector<1x3xf32>
    %slice3A_628 = vector.extract_strided_slice %sub3A_624 {offsets = [0, 0], sizes = [256, 1], strides = [1, 1]} : vector<256x3xf32> to vector<256x1xf32>
    %slice3A_629 = vector.extract_strided_slice %sub3A_624 {offsets = [0, 1], sizes = [256, 1], strides = [1, 1]} : vector<256x3xf32> to vector<256x1xf32>
    %slice3A_630 = vector.extract_strided_slice %sub3A_624 {offsets = [0, 2], sizes = [256, 1], strides = [1, 1]} : vector<256x3xf32> to vector<256x1xf32>
    %mul3A_631 = arith.mulf %slice3A_628, %slice3A_628 : vector<256x1xf32>
    %reduce_sum3A_632 = arith.constant dense<0.000000e+00> : vector<1xf32>
    %reduce_sum3A_633 = vector.multi_reduction <add>, %mul3A_631, %reduce_sum3A_632 [0] : vector<256x1xf32> to vector<1xf32>
    %broadcast_in_dim3A_634 = vector.shape_cast %reduce_sum3A_633 : vector<1xf32> to vector<1x1xf32>
    %mul3A_635 = arith.mulf %slice3A_628, %slice3A_629 : vector<256x1xf32>
    %reduce_sum3A_636 = arith.constant dense<0.000000e+00> : vector<1xf32>
    %reduce_sum3A_637 = vector.multi_reduction <add>, %mul3A_635, %reduce_sum3A_636 [0] : vector<256x1xf32> to vector<1xf32>
    %broadcast_in_dim3A_638 = vector.shape_cast %reduce_sum3A_637 : vector<1xf32> to vector<1x1xf32>
    %mul3A_639 = arith.mulf %slice3A_628, %slice3A_630 : vector<256x1xf32>
    %reduce_sum3A_640 = arith.constant dense<0.000000e+00> : vector<1xf32>
    %reduce_sum3A_641 = vector.multi_reduction <add>, %mul3A_639, %reduce_sum3A_640 [0] : vector<256x1xf32> to vector<1xf32>
    %broadcast_in_dim3A_642 = vector.shape_cast %reduce_sum3A_641 : vector<1xf32> to vector<1x1xf32>
    %mul3A_643 = arith.mulf %slice3A_629, %slice3A_629 : vector<256x1xf32>
    %reduce_sum3A_644 = arith.constant dense<0.000000e+00> : vector<1xf32>
    %reduce_sum3A_645 = vector.multi_reduction <add>, %mul3A_643, %reduce_sum3A_644 [0] : vector<256x1xf32> to vector<1xf32>
    %broadcast_in_dim3A_646 = vector.shape_cast %reduce_sum3A_645 : vector<1xf32> to vector<1x1xf32>
    %mul3A_647 = arith.mulf %slice3A_629, %slice3A_630 : vector<256x1xf32>
    %reduce_sum3A_648 = arith.constant dense<0.000000e+00> : vector<1xf32>
    %reduce_sum3A_649 = vector.multi_reduction <add>, %mul3A_647, %reduce_sum3A_648 [0] : vector<256x1xf32> to vector<1xf32>
    %broadcast_in_dim3A_650 = vector.shape_cast %reduce_sum3A_649 : vector<1xf32> to vector<1x1xf32>
    %mul3A_651 = arith.mulf %slice3A_630, %slice3A_630 : vector<256x1xf32>
    %reduce_sum3A_652 = arith.constant dense<0.000000e+00> : vector<1xf32>
    %reduce_sum3A_653 = vector.multi_reduction <add>, %mul3A_651, %reduce_sum3A_652 [0] : vector<256x1xf32> to vector<1xf32>
    %broadcast_in_dim3A_654 = vector.shape_cast %reduce_sum3A_653 : vector<1xf32> to vector<1x1xf32>
    %concatenate3A_655 = tpu.concatenate %broadcast_in_dim3A_634, %broadcast_in_dim3A_638, %broadcast_in_dim3A_642, %broadcast_in_dim3A_646, %broadcast_in_dim3A_650, %broadcast_in_dim3A_654 in 1 : vector<1x1xf32>, vector<1x1xf32>, vector<1x1xf32>, vector<1x1xf32>, vector<1x1xf32>, vector<1x1xf32> -> vector<1x6xf32>
    %concatenate3A_656 = tpu.concatenate %broadcast_in_dim3A_627, %concatenate3A_655 in 1 : vector<1x3xf32>, vector<1x6xf32> -> vector<1x9xf32>
    %add3A_657 = arith.addf %add3A_603, %concatenate3A_656 : vector<1x9xf32>
    %reduce_min3A_658 = arith.constant dense<0x7F800000> : vector<256xf32>
    %reduce_min3A_659 = vector.multi_reduction <minimumf>, %select_n3A_619, %reduce_min3A_658 [1] : vector<256x2048xf32> to vector<256xf32>
    %broadcast_in_dim3A_660 = vector.shape_cast %reduce_min3A_659 : vector<256xf32> to vector<256x1xf32>
    %eq3A_661 = vector.broadcast %broadcast_in_dim3A_660 : vector<256x1xf32> to vector<256x2048xf32>
    %eq3A_662 = arith.cmpf oeq, %select_n3A_619, %eq3A_661 : vector<256x2048xf32>
    %jit3A_663 = arith.constant 2048 : i32
    %broadcast_in_dim3A_664 = vector.broadcast %jit3A_663 : i32 to vector<256x2048xi32>
    %select_n3A_665 = arith.select %eq3A_662, %iota3A, %broadcast_in_dim3A_664 : vector<256x2048xi1>, vector<256x2048xi32>
    %reduce_min3A_666 = arith.constant dense<2147483647> : vector<256xi32>
    %reduce_min3A_667 = vector.multi_reduction <minsi>, %select_n3A_665, %reduce_min3A_666 [1] : vector<256x2048xi32> to vector<256xi32>
    %broadcast_in_dim3A_668 = vector.shape_cast %reduce_min3A_667 : vector<256xi32> to vector<256x1xi32>
    %eq3A_669 = vector.broadcast %broadcast_in_dim3A_668 : vector<256x1xi32> to vector<256x2048xi32>
    %eq3A_670 = arith.cmpi eq, %iota3A, %eq3A_669 : vector<256x2048xi32>
    %jit3A_671 = arith.constant 0x7F800000 : f32
    %broadcast_in_dim3A_672 = vector.broadcast %jit3A_671 : f32 to vector<256x2048xf32>
    %select_n3A_673 = arith.select %eq3A_670, %broadcast_in_dim3A_672, %select_n3A_619 : vector<256x2048xi1>, vector<256x2048xf32>
    %convert_element_type3A_674 = arith.extui %eq3A_670 : vector<256x2048xi1> to vector<256x2048xi32>
    %convert_element_type3A_675 = arith.sitofp %convert_element_type3A_674 : vector<256x2048xi32> to vector<256x2048xf32>
    %dot_general3A_676 = arith.constant dense<0.000000e+00> : vector<256x3xf32>
    %dot_general3A_677 = tpu.matmul %convert_element_type3A_675, %squeeze3A_42, %dot_general3A_676 {dimension_numbers = #tpu.dot_dimension_numbers<[1], [0], [0], [1], [0, 0, 1, 1], [], []>, transpose_lhs_hint = false} : vector<256x2048xf32>, vector<2048x3xf32>, vector<256x3xf32> -> vector<256x3xf32>
    %sub3A_678 = arith.subf %dot_general3A_677, %squeeze3A : vector<256x3xf32>
    %reduce_sum3A_679 = arith.constant dense<0.000000e+00> : vector<3xf32>
    %reduce_sum3A_680 = vector.multi_reduction <add>, %sub3A_678, %reduce_sum3A_679 [0] : vector<256x3xf32> to vector<3xf32>
    %broadcast_in_dim3A_681 = vector.shape_cast %reduce_sum3A_680 : vector<3xf32> to vector<1x3xf32>
    %slice3A_682 = vector.extract_strided_slice %sub3A_678 {offsets = [0, 0], sizes = [256, 1], strides = [1, 1]} : vector<256x3xf32> to vector<256x1xf32>
    %slice3A_683 = vector.extract_strided_slice %sub3A_678 {offsets = [0, 1], sizes = [256, 1], strides = [1, 1]} : vector<256x3xf32> to vector<256x1xf32>
    %slice3A_684 = vector.extract_strided_slice %sub3A_678 {offsets = [0, 2], sizes = [256, 1], strides = [1, 1]} : vector<256x3xf32> to vector<256x1xf32>
    %mul3A_685 = arith.mulf %slice3A_682, %slice3A_682 : vector<256x1xf32>
    %reduce_sum3A_686 = arith.constant dense<0.000000e+00> : vector<1xf32>
    %reduce_sum3A_687 = vector.multi_reduction <add>, %mul3A_685, %reduce_sum3A_686 [0] : vector<256x1xf32> to vector<1xf32>
    %broadcast_in_dim3A_688 = vector.shape_cast %reduce_sum3A_687 : vector<1xf32> to vector<1x1xf32>
    %mul3A_689 = arith.mulf %slice3A_682, %slice3A_683 : vector<256x1xf32>
    %reduce_sum3A_690 = arith.constant dense<0.000000e+00> : vector<1xf32>
    %reduce_sum3A_691 = vector.multi_reduction <add>, %mul3A_689, %reduce_sum3A_690 [0] : vector<256x1xf32> to vector<1xf32>
    %broadcast_in_dim3A_692 = vector.shape_cast %reduce_sum3A_691 : vector<1xf32> to vector<1x1xf32>
    %mul3A_693 = arith.mulf %slice3A_682, %slice3A_684 : vector<256x1xf32>
    %reduce_sum3A_694 = arith.constant dense<0.000000e+00> : vector<1xf32>
    %reduce_sum3A_695 = vector.multi_reduction <add>, %mul3A_693, %reduce_sum3A_694 [0] : vector<256x1xf32> to vector<1xf32>
    %broadcast_in_dim3A_696 = vector.shape_cast %reduce_sum3A_695 : vector<1xf32> to vector<1x1xf32>
    %mul3A_697 = arith.mulf %slice3A_683, %slice3A_683 : vector<256x1xf32>
    %reduce_sum3A_698 = arith.constant dense<0.000000e+00> : vector<1xf32>
    %reduce_sum3A_699 = vector.multi_reduction <add>, %mul3A_697, %reduce_sum3A_698 [0] : vector<256x1xf32> to vector<1xf32>
    %broadcast_in_dim3A_700 = vector.shape_cast %reduce_sum3A_699 : vector<1xf32> to vector<1x1xf32>
    %mul3A_701 = arith.mulf %slice3A_683, %slice3A_684 : vector<256x1xf32>
    %reduce_sum3A_702 = arith.constant dense<0.000000e+00> : vector<1xf32>
    %reduce_sum3A_703 = vector.multi_reduction <add>, %mul3A_701, %reduce_sum3A_702 [0] : vector<256x1xf32> to vector<1xf32>
    %broadcast_in_dim3A_704 = vector.shape_cast %reduce_sum3A_703 : vector<1xf32> to vector<1x1xf32>
    %mul3A_705 = arith.mulf %slice3A_684, %slice3A_684 : vector<256x1xf32>
    %reduce_sum3A_706 = arith.constant dense<0.000000e+00> : vector<1xf32>
    %reduce_sum3A_707 = vector.multi_reduction <add>, %mul3A_705, %reduce_sum3A_706 [0] : vector<256x1xf32> to vector<1xf32>
    %broadcast_in_dim3A_708 = vector.shape_cast %reduce_sum3A_707 : vector<1xf32> to vector<1x1xf32>
    %concatenate3A_709 = tpu.concatenate %broadcast_in_dim3A_688, %broadcast_in_dim3A_692, %broadcast_in_dim3A_696, %broadcast_in_dim3A_700, %broadcast_in_dim3A_704, %broadcast_in_dim3A_708 in 1 : vector<1x1xf32>, vector<1x1xf32>, vector<1x1xf32>, vector<1x1xf32>, vector<1x1xf32>, vector<1x1xf32> -> vector<1x6xf32>
    %concatenate3A_710 = tpu.concatenate %broadcast_in_dim3A_681, %concatenate3A_709 in 1 : vector<1x3xf32>, vector<1x6xf32> -> vector<1x9xf32>
    %add3A_711 = arith.addf %add3A_657, %concatenate3A_710 : vector<1x9xf32>
    %reduce_min3A_712 = arith.constant dense<0x7F800000> : vector<256xf32>
    %reduce_min3A_713 = vector.multi_reduction <minimumf>, %select_n3A_673, %reduce_min3A_712 [1] : vector<256x2048xf32> to vector<256xf32>
    %broadcast_in_dim3A_714 = vector.shape_cast %reduce_min3A_713 : vector<256xf32> to vector<256x1xf32>
    %eq3A_715 = vector.broadcast %broadcast_in_dim3A_714 : vector<256x1xf32> to vector<256x2048xf32>
    %eq3A_716 = arith.cmpf oeq, %select_n3A_673, %eq3A_715 : vector<256x2048xf32>
    %jit3A_717 = arith.constant 2048 : i32
    %broadcast_in_dim3A_718 = vector.broadcast %jit3A_717 : i32 to vector<256x2048xi32>
    %select_n3A_719 = arith.select %eq3A_716, %iota3A, %broadcast_in_dim3A_718 : vector<256x2048xi1>, vector<256x2048xi32>
    %reduce_min3A_720 = arith.constant dense<2147483647> : vector<256xi32>
    %reduce_min3A_721 = vector.multi_reduction <minsi>, %select_n3A_719, %reduce_min3A_720 [1] : vector<256x2048xi32> to vector<256xi32>
    %broadcast_in_dim3A_722 = vector.shape_cast %reduce_min3A_721 : vector<256xi32> to vector<256x1xi32>
    %eq3A_723 = vector.broadcast %broadcast_in_dim3A_722 : vector<256x1xi32> to vector<256x2048xi32>
    %eq3A_724 = arith.cmpi eq, %iota3A, %eq3A_723 : vector<256x2048xi32>
    %jit3A_725 = arith.constant 0x7F800000 : f32
    %broadcast_in_dim3A_726 = vector.broadcast %jit3A_725 : f32 to vector<256x2048xf32>
    %select_n3A_727 = arith.select %eq3A_724, %broadcast_in_dim3A_726, %select_n3A_673 : vector<256x2048xi1>, vector<256x2048xf32>
    %convert_element_type3A_728 = arith.extui %eq3A_724 : vector<256x2048xi1> to vector<256x2048xi32>
    %convert_element_type3A_729 = arith.sitofp %convert_element_type3A_728 : vector<256x2048xi32> to vector<256x2048xf32>
    %dot_general3A_730 = arith.constant dense<0.000000e+00> : vector<256x3xf32>
    %dot_general3A_731 = tpu.matmul %convert_element_type3A_729, %squeeze3A_42, %dot_general3A_730 {dimension_numbers = #tpu.dot_dimension_numbers<[1], [0], [0], [1], [0, 0, 1, 1], [], []>, transpose_lhs_hint = false} : vector<256x2048xf32>, vector<2048x3xf32>, vector<256x3xf32> -> vector<256x3xf32>
    %sub3A_732 = arith.subf %dot_general3A_731, %squeeze3A : vector<256x3xf32>
    %reduce_sum3A_733 = arith.constant dense<0.000000e+00> : vector<3xf32>
    %reduce_sum3A_734 = vector.multi_reduction <add>, %sub3A_732, %reduce_sum3A_733 [0] : vector<256x3xf32> to vector<3xf32>
    %broadcast_in_dim3A_735 = vector.shape_cast %reduce_sum3A_734 : vector<3xf32> to vector<1x3xf32>
    %slice3A_736 = vector.extract_strided_slice %sub3A_732 {offsets = [0, 0], sizes = [256, 1], strides = [1, 1]} : vector<256x3xf32> to vector<256x1xf32>
    %slice3A_737 = vector.extract_strided_slice %sub3A_732 {offsets = [0, 1], sizes = [256, 1], strides = [1, 1]} : vector<256x3xf32> to vector<256x1xf32>
    %slice3A_738 = vector.extract_strided_slice %sub3A_732 {offsets = [0, 2], sizes = [256, 1], strides = [1, 1]} : vector<256x3xf32> to vector<256x1xf32>
    %mul3A_739 = arith.mulf %slice3A_736, %slice3A_736 : vector<256x1xf32>
    %reduce_sum3A_740 = arith.constant dense<0.000000e+00> : vector<1xf32>
    %reduce_sum3A_741 = vector.multi_reduction <add>, %mul3A_739, %reduce_sum3A_740 [0] : vector<256x1xf32> to vector<1xf32>
    %broadcast_in_dim3A_742 = vector.shape_cast %reduce_sum3A_741 : vector<1xf32> to vector<1x1xf32>
    %mul3A_743 = arith.mulf %slice3A_736, %slice3A_737 : vector<256x1xf32>
    %reduce_sum3A_744 = arith.constant dense<0.000000e+00> : vector<1xf32>
    %reduce_sum3A_745 = vector.multi_reduction <add>, %mul3A_743, %reduce_sum3A_744 [0] : vector<256x1xf32> to vector<1xf32>
    %broadcast_in_dim3A_746 = vector.shape_cast %reduce_sum3A_745 : vector<1xf32> to vector<1x1xf32>
    %mul3A_747 = arith.mulf %slice3A_736, %slice3A_738 : vector<256x1xf32>
    %reduce_sum3A_748 = arith.constant dense<0.000000e+00> : vector<1xf32>
    %reduce_sum3A_749 = vector.multi_reduction <add>, %mul3A_747, %reduce_sum3A_748 [0] : vector<256x1xf32> to vector<1xf32>
    %broadcast_in_dim3A_750 = vector.shape_cast %reduce_sum3A_749 : vector<1xf32> to vector<1x1xf32>
    %mul3A_751 = arith.mulf %slice3A_737, %slice3A_737 : vector<256x1xf32>
    %reduce_sum3A_752 = arith.constant dense<0.000000e+00> : vector<1xf32>
    %reduce_sum3A_753 = vector.multi_reduction <add>, %mul3A_751, %reduce_sum3A_752 [0] : vector<256x1xf32> to vector<1xf32>
    %broadcast_in_dim3A_754 = vector.shape_cast %reduce_sum3A_753 : vector<1xf32> to vector<1x1xf32>
    %mul3A_755 = arith.mulf %slice3A_737, %slice3A_738 : vector<256x1xf32>
    %reduce_sum3A_756 = arith.constant dense<0.000000e+00> : vector<1xf32>
    %reduce_sum3A_757 = vector.multi_reduction <add>, %mul3A_755, %reduce_sum3A_756 [0] : vector<256x1xf32> to vector<1xf32>
    %broadcast_in_dim3A_758 = vector.shape_cast %reduce_sum3A_757 : vector<1xf32> to vector<1x1xf32>
    %mul3A_759 = arith.mulf %slice3A_738, %slice3A_738 : vector<256x1xf32>
    %reduce_sum3A_760 = arith.constant dense<0.000000e+00> : vector<1xf32>
    %reduce_sum3A_761 = vector.multi_reduction <add>, %mul3A_759, %reduce_sum3A_760 [0] : vector<256x1xf32> to vector<1xf32>
    %broadcast_in_dim3A_762 = vector.shape_cast %reduce_sum3A_761 : vector<1xf32> to vector<1x1xf32>
    %concatenate3A_763 = tpu.concatenate %broadcast_in_dim3A_742, %broadcast_in_dim3A_746, %broadcast_in_dim3A_750, %broadcast_in_dim3A_754, %broadcast_in_dim3A_758, %broadcast_in_dim3A_762 in 1 : vector<1x1xf32>, vector<1x1xf32>, vector<1x1xf32>, vector<1x1xf32>, vector<1x1xf32>, vector<1x1xf32> -> vector<1x6xf32>
    %concatenate3A_764 = tpu.concatenate %broadcast_in_dim3A_735, %concatenate3A_763 in 1 : vector<1x3xf32>, vector<1x6xf32> -> vector<1x9xf32>
    %add3A_765 = arith.addf %add3A_711, %concatenate3A_764 : vector<1x9xf32>
    %reduce_min3A_766 = arith.constant dense<0x7F800000> : vector<256xf32>
    %reduce_min3A_767 = vector.multi_reduction <minimumf>, %select_n3A_727, %reduce_min3A_766 [1] : vector<256x2048xf32> to vector<256xf32>
    %broadcast_in_dim3A_768 = vector.shape_cast %reduce_min3A_767 : vector<256xf32> to vector<256x1xf32>
    %eq3A_769 = vector.broadcast %broadcast_in_dim3A_768 : vector<256x1xf32> to vector<256x2048xf32>
    %eq3A_770 = arith.cmpf oeq, %select_n3A_727, %eq3A_769 : vector<256x2048xf32>
    %jit3A_771 = arith.constant 2048 : i32
    %broadcast_in_dim3A_772 = vector.broadcast %jit3A_771 : i32 to vector<256x2048xi32>
    %select_n3A_773 = arith.select %eq3A_770, %iota3A, %broadcast_in_dim3A_772 : vector<256x2048xi1>, vector<256x2048xi32>
    %reduce_min3A_774 = arith.constant dense<2147483647> : vector<256xi32>
    %reduce_min3A_775 = vector.multi_reduction <minsi>, %select_n3A_773, %reduce_min3A_774 [1] : vector<256x2048xi32> to vector<256xi32>
    %broadcast_in_dim3A_776 = vector.shape_cast %reduce_min3A_775 : vector<256xi32> to vector<256x1xi32>
    %eq3A_777 = vector.broadcast %broadcast_in_dim3A_776 : vector<256x1xi32> to vector<256x2048xi32>
    %eq3A_778 = arith.cmpi eq, %iota3A, %eq3A_777 : vector<256x2048xi32>
    %jit3A_779 = arith.constant 0x7F800000 : f32
    %broadcast_in_dim3A_780 = vector.broadcast %jit3A_779 : f32 to vector<256x2048xf32>
    %select_n3A_781 = arith.select %eq3A_778, %broadcast_in_dim3A_780, %select_n3A_727 : vector<256x2048xi1>, vector<256x2048xf32>
    %convert_element_type3A_782 = arith.extui %eq3A_778 : vector<256x2048xi1> to vector<256x2048xi32>
    %convert_element_type3A_783 = arith.sitofp %convert_element_type3A_782 : vector<256x2048xi32> to vector<256x2048xf32>
    %dot_general3A_784 = arith.constant dense<0.000000e+00> : vector<256x3xf32>
    %dot_general3A_785 = tpu.matmul %convert_element_type3A_783, %squeeze3A_42, %dot_general3A_784 {dimension_numbers = #tpu.dot_dimension_numbers<[1], [0], [0], [1], [0, 0, 1, 1], [], []>, transpose_lhs_hint = false} : vector<256x2048xf32>, vector<2048x3xf32>, vector<256x3xf32> -> vector<256x3xf32>
    %sub3A_786 = arith.subf %dot_general3A_785, %squeeze3A : vector<256x3xf32>
    %reduce_sum3A_787 = arith.constant dense<0.000000e+00> : vector<3xf32>
    %reduce_sum3A_788 = vector.multi_reduction <add>, %sub3A_786, %reduce_sum3A_787 [0] : vector<256x3xf32> to vector<3xf32>
    %broadcast_in_dim3A_789 = vector.shape_cast %reduce_sum3A_788 : vector<3xf32> to vector<1x3xf32>
    %slice3A_790 = vector.extract_strided_slice %sub3A_786 {offsets = [0, 0], sizes = [256, 1], strides = [1, 1]} : vector<256x3xf32> to vector<256x1xf32>
    %slice3A_791 = vector.extract_strided_slice %sub3A_786 {offsets = [0, 1], sizes = [256, 1], strides = [1, 1]} : vector<256x3xf32> to vector<256x1xf32>
    %slice3A_792 = vector.extract_strided_slice %sub3A_786 {offsets = [0, 2], sizes = [256, 1], strides = [1, 1]} : vector<256x3xf32> to vector<256x1xf32>
    %mul3A_793 = arith.mulf %slice3A_790, %slice3A_790 : vector<256x1xf32>
    %reduce_sum3A_794 = arith.constant dense<0.000000e+00> : vector<1xf32>
    %reduce_sum3A_795 = vector.multi_reduction <add>, %mul3A_793, %reduce_sum3A_794 [0] : vector<256x1xf32> to vector<1xf32>
    %broadcast_in_dim3A_796 = vector.shape_cast %reduce_sum3A_795 : vector<1xf32> to vector<1x1xf32>
    %mul3A_797 = arith.mulf %slice3A_790, %slice3A_791 : vector<256x1xf32>
    %reduce_sum3A_798 = arith.constant dense<0.000000e+00> : vector<1xf32>
    %reduce_sum3A_799 = vector.multi_reduction <add>, %mul3A_797, %reduce_sum3A_798 [0] : vector<256x1xf32> to vector<1xf32>
    %broadcast_in_dim3A_800 = vector.shape_cast %reduce_sum3A_799 : vector<1xf32> to vector<1x1xf32>
    %mul3A_801 = arith.mulf %slice3A_790, %slice3A_792 : vector<256x1xf32>
    %reduce_sum3A_802 = arith.constant dense<0.000000e+00> : vector<1xf32>
    %reduce_sum3A_803 = vector.multi_reduction <add>, %mul3A_801, %reduce_sum3A_802 [0] : vector<256x1xf32> to vector<1xf32>
    %broadcast_in_dim3A_804 = vector.shape_cast %reduce_sum3A_803 : vector<1xf32> to vector<1x1xf32>
    %mul3A_805 = arith.mulf %slice3A_791, %slice3A_791 : vector<256x1xf32>
    %reduce_sum3A_806 = arith.constant dense<0.000000e+00> : vector<1xf32>
    %reduce_sum3A_807 = vector.multi_reduction <add>, %mul3A_805, %reduce_sum3A_806 [0] : vector<256x1xf32> to vector<1xf32>
    %broadcast_in_dim3A_808 = vector.shape_cast %reduce_sum3A_807 : vector<1xf32> to vector<1x1xf32>
    %mul3A_809 = arith.mulf %slice3A_791, %slice3A_792 : vector<256x1xf32>
    %reduce_sum3A_810 = arith.constant dense<0.000000e+00> : vector<1xf32>
    %reduce_sum3A_811 = vector.multi_reduction <add>, %mul3A_809, %reduce_sum3A_810 [0] : vector<256x1xf32> to vector<1xf32>
    %broadcast_in_dim3A_812 = vector.shape_cast %reduce_sum3A_811 : vector<1xf32> to vector<1x1xf32>
    %mul3A_813 = arith.mulf %slice3A_792, %slice3A_792 : vector<256x1xf32>
    %reduce_sum3A_814 = arith.constant dense<0.000000e+00> : vector<1xf32>
    %reduce_sum3A_815 = vector.multi_reduction <add>, %mul3A_813, %reduce_sum3A_814 [0] : vector<256x1xf32> to vector<1xf32>
    %broadcast_in_dim3A_816 = vector.shape_cast %reduce_sum3A_815 : vector<1xf32> to vector<1x1xf32>
    %concatenate3A_817 = tpu.concatenate %broadcast_in_dim3A_796, %broadcast_in_dim3A_800, %broadcast_in_dim3A_804, %broadcast_in_dim3A_808, %broadcast_in_dim3A_812, %broadcast_in_dim3A_816 in 1 : vector<1x1xf32>, vector<1x1xf32>, vector<1x1xf32>, vector<1x1xf32>, vector<1x1xf32>, vector<1x1xf32> -> vector<1x6xf32>
    %concatenate3A_818 = tpu.concatenate %broadcast_in_dim3A_789, %concatenate3A_817 in 1 : vector<1x3xf32>, vector<1x6xf32> -> vector<1x9xf32>
    %add3A_819 = arith.addf %add3A_765, %concatenate3A_818 : vector<1x9xf32>
    %reduce_min3A_820 = arith.constant dense<0x7F800000> : vector<256xf32>
    %reduce_min3A_821 = vector.multi_reduction <minimumf>, %select_n3A_781, %reduce_min3A_820 [1] : vector<256x2048xf32> to vector<256xf32>
    %broadcast_in_dim3A_822 = vector.shape_cast %reduce_min3A_821 : vector<256xf32> to vector<256x1xf32>
    %eq3A_823 = vector.broadcast %broadcast_in_dim3A_822 : vector<256x1xf32> to vector<256x2048xf32>
    %eq3A_824 = arith.cmpf oeq, %select_n3A_781, %eq3A_823 : vector<256x2048xf32>
    %jit3A_825 = arith.constant 2048 : i32
    %broadcast_in_dim3A_826 = vector.broadcast %jit3A_825 : i32 to vector<256x2048xi32>
    %select_n3A_827 = arith.select %eq3A_824, %iota3A, %broadcast_in_dim3A_826 : vector<256x2048xi1>, vector<256x2048xi32>
    %reduce_min3A_828 = arith.constant dense<2147483647> : vector<256xi32>
    %reduce_min3A_829 = vector.multi_reduction <minsi>, %select_n3A_827, %reduce_min3A_828 [1] : vector<256x2048xi32> to vector<256xi32>
    %broadcast_in_dim3A_830 = vector.shape_cast %reduce_min3A_829 : vector<256xi32> to vector<256x1xi32>
    %eq3A_831 = vector.broadcast %broadcast_in_dim3A_830 : vector<256x1xi32> to vector<256x2048xi32>
    %eq3A_832 = arith.cmpi eq, %iota3A, %eq3A_831 : vector<256x2048xi32>
    %convert_element_type3A_833 = arith.extui %eq3A_832 : vector<256x2048xi1> to vector<256x2048xi32>
    %convert_element_type3A_834 = arith.sitofp %convert_element_type3A_833 : vector<256x2048xi32> to vector<256x2048xf32>
    %dot_general3A_835 = arith.constant dense<0.000000e+00> : vector<256x3xf32>
    %dot_general3A_836 = tpu.matmul %convert_element_type3A_834, %squeeze3A_42, %dot_general3A_835 {dimension_numbers = #tpu.dot_dimension_numbers<[1], [0], [0], [1], [0, 0, 1, 1], [], []>, transpose_lhs_hint = false} : vector<256x2048xf32>, vector<2048x3xf32>, vector<256x3xf32> -> vector<256x3xf32>
    %sub3A_837 = arith.subf %dot_general3A_836, %squeeze3A : vector<256x3xf32>
    %reduce_sum3A_838 = arith.constant dense<0.000000e+00> : vector<3xf32>
    %reduce_sum3A_839 = vector.multi_reduction <add>, %sub3A_837, %reduce_sum3A_838 [0] : vector<256x3xf32> to vector<3xf32>
    %broadcast_in_dim3A_840 = vector.shape_cast %reduce_sum3A_839 : vector<3xf32> to vector<1x3xf32>
    %slice3A_841 = vector.extract_strided_slice %sub3A_837 {offsets = [0, 0], sizes = [256, 1], strides = [1, 1]} : vector<256x3xf32> to vector<256x1xf32>
    %slice3A_842 = vector.extract_strided_slice %sub3A_837 {offsets = [0, 1], sizes = [256, 1], strides = [1, 1]} : vector<256x3xf32> to vector<256x1xf32>
    %slice3A_843 = vector.extract_strided_slice %sub3A_837 {offsets = [0, 2], sizes = [256, 1], strides = [1, 1]} : vector<256x3xf32> to vector<256x1xf32>
    %mul3A_844 = arith.mulf %slice3A_841, %slice3A_841 : vector<256x1xf32>
    %reduce_sum3A_845 = arith.constant dense<0.000000e+00> : vector<1xf32>
    %reduce_sum3A_846 = vector.multi_reduction <add>, %mul3A_844, %reduce_sum3A_845 [0] : vector<256x1xf32> to vector<1xf32>
    %broadcast_in_dim3A_847 = vector.shape_cast %reduce_sum3A_846 : vector<1xf32> to vector<1x1xf32>
    %mul3A_848 = arith.mulf %slice3A_841, %slice3A_842 : vector<256x1xf32>
    %reduce_sum3A_849 = arith.constant dense<0.000000e+00> : vector<1xf32>
    %reduce_sum3A_850 = vector.multi_reduction <add>, %mul3A_848, %reduce_sum3A_849 [0] : vector<256x1xf32> to vector<1xf32>
    %broadcast_in_dim3A_851 = vector.shape_cast %reduce_sum3A_850 : vector<1xf32> to vector<1x1xf32>
    %mul3A_852 = arith.mulf %slice3A_841, %slice3A_843 : vector<256x1xf32>
    %reduce_sum3A_853 = arith.constant dense<0.000000e+00> : vector<1xf32>
    %reduce_sum3A_854 = vector.multi_reduction <add>, %mul3A_852, %reduce_sum3A_853 [0] : vector<256x1xf32> to vector<1xf32>
    %broadcast_in_dim3A_855 = vector.shape_cast %reduce_sum3A_854 : vector<1xf32> to vector<1x1xf32>
    %mul3A_856 = arith.mulf %slice3A_842, %slice3A_842 : vector<256x1xf32>
    %reduce_sum3A_857 = arith.constant dense<0.000000e+00> : vector<1xf32>
    %reduce_sum3A_858 = vector.multi_reduction <add>, %mul3A_856, %reduce_sum3A_857 [0] : vector<256x1xf32> to vector<1xf32>
    %broadcast_in_dim3A_859 = vector.shape_cast %reduce_sum3A_858 : vector<1xf32> to vector<1x1xf32>
    %mul3A_860 = arith.mulf %slice3A_842, %slice3A_843 : vector<256x1xf32>
    %reduce_sum3A_861 = arith.constant dense<0.000000e+00> : vector<1xf32>
    %reduce_sum3A_862 = vector.multi_reduction <add>, %mul3A_860, %reduce_sum3A_861 [0] : vector<256x1xf32> to vector<1xf32>
    %broadcast_in_dim3A_863 = vector.shape_cast %reduce_sum3A_862 : vector<1xf32> to vector<1x1xf32>
    %mul3A_864 = arith.mulf %slice3A_843, %slice3A_843 : vector<256x1xf32>
    %reduce_sum3A_865 = arith.constant dense<0.000000e+00> : vector<1xf32>
    %reduce_sum3A_866 = vector.multi_reduction <add>, %mul3A_864, %reduce_sum3A_865 [0] : vector<256x1xf32> to vector<1xf32>
    %broadcast_in_dim3A_867 = vector.shape_cast %reduce_sum3A_866 : vector<1xf32> to vector<1x1xf32>
    %concatenate3A_868 = tpu.concatenate %broadcast_in_dim3A_847, %broadcast_in_dim3A_851, %broadcast_in_dim3A_855, %broadcast_in_dim3A_859, %broadcast_in_dim3A_863, %broadcast_in_dim3A_867 in 1 : vector<1x1xf32>, vector<1x1xf32>, vector<1x1xf32>, vector<1x1xf32>, vector<1x1xf32>, vector<1x1xf32> -> vector<1x6xf32>
    %concatenate3A_869 = tpu.concatenate %broadcast_in_dim3A_840, %concatenate3A_868 in 1 : vector<1x3xf32>, vector<1x6xf32> -> vector<1x9xf32>
    %add3A_870 = arith.addf %add3A_819, %concatenate3A_869 : vector<1x9xf32>
    %concatenate3A_871 = tpu.concatenate %add3A_64, %broadcast_in_dim3A_78, %broadcast_in_dim3A_128, %broadcast_in_dim3A_182, %broadcast_in_dim3A_236, %broadcast_in_dim3A_290, %broadcast_in_dim3A_344, %broadcast_in_dim3A_398, %broadcast_in_dim3A_452, %broadcast_in_dim3A_506, %broadcast_in_dim3A_560, %broadcast_in_dim3A_614, %broadcast_in_dim3A_668, %broadcast_in_dim3A_722, %broadcast_in_dim3A_776, %broadcast_in_dim3A_830 in 1 : vector<256x1xi32>, vector<256x1xi32>, vector<256x1xi32>, vector<256x1xi32>, vector<256x1xi32>, vector<256x1xi32>, vector<256x1xi32>, vector<256x1xi32>, vector<256x1xi32>, vector<256x1xi32>, vector<256x1xi32>, vector<256x1xi32>, vector<256x1xi32>, vector<256x1xi32>, vector<256x1xi32>, vector<256x1xi32> -> vector<256x16xi32>
    %swap3A_872 = arith.constant 0 : index
    %swap3A_873 = arith.constant 0 : index
    %swap3A_874 = vector.load %arg11[%swap3A_872, %swap3A_873] : memref<256x16xi32, #tpu.memory_space<vmem>>, vector<256x16xi32>
    tpu.vector_store %arg11[%swap3A_872, %swap3A_873], %concatenate3A_871 {strides = array<i32>} : memref<256x16xi32, #tpu.memory_space<vmem>>, vector<256x16xi32>,
    %concatenate3A_875 = tpu.concatenate %broadcast_in_dim3A_68, %sub3A_87, %sub3A_138, %sub3A_192, %sub3A_246, %sub3A_300, %sub3A_354, %sub3A_408, %sub3A_462, %sub3A_516, %sub3A_570, %sub3A_624, %sub3A_678, %sub3A_732, %sub3A_786, %sub3A_837 in 1 : vector<256x3xf32>, vector<256x3xf32>, vector<256x3xf32>, vector<256x3xf32>, vector<256x3xf32>, vector<256x3xf32>, vector<256x3xf32>, vector<256x3xf32>, vector<256x3xf32>, vector<256x3xf32>, vector<256x3xf32>, vector<256x3xf32>, vector<256x3xf32>, vector<256x3xf32>, vector<256x3xf32>, vector<256x3xf32> -> vector<256x48xf32>
    %swap3A_876 = arith.constant 0 : index
    %swap3A_877 = arith.constant 0 : index
    %swap3A_878 = vector.load %arg12[%swap3A_876, %swap3A_877] : memref<256x48xf32, #tpu.memory_space<vmem>>, vector<256x48xf32>
    tpu.vector_store %arg12[%swap3A_876, %swap3A_877], %concatenate3A_875 {strides = array<i32>} : memref<256x48xf32, #tpu.memory_space<vmem>>, vector<256x48xf32>,
    %jit3A_879 = arith.constant 0 : i32
    %convert_element_type3A_880 = arith.sitofp %jit3A_879 : i32 to f32
    %pad3A = vector.broadcast %convert_element_type3A_880 : f32 to vector<7x9xf32>
    %pad3A_881 = tpu.concatenate %add3A_870, %pad3A in 0 : vector<1x9xf32>, vector<7x9xf32> -> vector<8x9xf32>
    %pad3A_882 = vector.broadcast %convert_element_type3A_880 : f32 to vector<8x119xf32>
    %pad3A_883 = tpu.concatenate %pad3A_881, %pad3A_882 in 1 : vector<8x9xf32>, vector<8x119xf32> -> vector<8x128xf32>
    %eq3A_884 = arith.constant 0 : i32
    %eq3A_885 = arith.cmpi eq, %arg0, %eq3A_884 : i32
    %convert_element_type3A_886 = arith.extui %eq3A_885 : i1 to i32
    %cond3A = arith.constant 0 : i32
    %cond3A_887 = arith.cmpi ne, %convert_element_type3A_886, %cond3A : i32
    scf.if %cond3A_887 {
      %swap3A_892 = arith.constant 0 : index
      %swap3A_893 = arith.constant 0 : index
      %swap3A_894 = vector.load %arg13[%swap3A_892, %swap3A_893] : memref<8x128xf32, #tpu.memory_space<vmem>>, vector<8x128xf32>
      tpu.vector_store %arg13[%swap3A_892, %swap3A_893], %pad3A_883 {strides = array<i32>} : memref<8x128xf32, #tpu.memory_space<vmem>>, vector<8x128xf32>,
    } else {
    }
    %not3A = arith.constant true
    %not3A_888 = arith.xori %eq3A_885, %not3A : i1
    %convert_element_type3A_889 = arith.extui %not3A_888 : i1 to i32
    %cond3A_890 = arith.constant 0 : i32
    %cond3A_891 = arith.cmpi ne, %convert_element_type3A_889, %cond3A_890 : i32
    scf.if %cond3A_891 {
      %get3A_892 = arith.constant 0 : index
      %get3A_893 = arith.constant 0 : index
      %get3A_894 = vector.load %arg13[%get3A_892, %get3A_893] : memref<8x128xf32, #tpu.memory_space<vmem>>, vector<8x128xf32>
      %add3A_895 = arith.addf %get3A_894, %pad3A_883 : vector<8x128xf32>
      %swap3A_896 = arith.constant 0 : index
      %swap3A_897 = arith.constant 0 : index
      %swap3A_898 = vector.load %arg13[%swap3A_896, %swap3A_897] : memref<8x128xf32, #tpu.memory_space<vmem>>, vector<8x128xf32>
      tpu.vector_store %arg13[%swap3A_896, %swap3A_897], %add3A_895 {strides = array<i32>} : memref<8x128xf32, #tpu.memory_space<vmem>>, vector<8x128xf32>,
    } else {
    }
    return
  }
  func.func @transform_0(%arg0: i32) -> (i32, i32, i32) {
    %c0_i32 = arith.constant 0 : i32
    %c0_i32_0 = arith.constant 0 : i32
    %c0_i32_1 = arith.constant 0 : i32
    return %c0_i32, %arg0, %c0_i32_0 : i32, i32, i32
  }
  func.func @transform_1(%arg0: i32) -> (i32, i32, i32) {
    %c0_i32 = arith.constant 0 : i32
    %c0_i32_0 = arith.constant 0 : i32
    %c0_i32_1 = arith.constant 0 : i32
    %c0_i32_2 = arith.constant 0 : i32
    return %c0_i32, %c0_i32_0, %c0_i32_1 : i32, i32, i32
  }
  func.func @transform_2(%arg0: i32) -> (i32, i32, i32) {
    %c0_i32 = arith.constant 0 : i32
    %c0_i32_0 = arith.constant 0 : i32
    %c0_i32_1 = arith.constant 0 : i32
    %c0_i32_2 = arith.constant 0 : i32
    return %c0_i32, %c0_i32_0, %c0_i32_1 : i32, i32, i32
  }
  func.func @transform_3(%arg0: i32) -> (i32, i32) {
    %c0_i32 = arith.constant 0 : i32
    %c0_i32_0 = arith.constant 0 : i32
    return %arg0, %c0_i32 : i32, i32
  }
  func.func @transform_4(%arg0: i32) -> (i32, i32) {
    %c0_i32 = arith.constant 0 : i32
    %c0_i32_0 = arith.constant 0 : i32
    %c0_i32_1 = arith.constant 0 : i32
    return %c0_i32, %c0_i32_0 : i32, i32
  }
  func.func @transform_5(%arg0: i32) -> (i32, i32) {
    %c0_i32 = arith.constant 0 : i32
    %c0_i32_0 = arith.constant 0 : i32
    %c0_i32_1 = arith.constant 0 : i32
    return %c0_i32, %c0_i32_0 : i32, i32
  }
  func.func @transform_6(%arg0: i32) -> (i32, i32) {
    %c0_i32 = arith.constant 0 : i32
    %c0_i32_0 = arith.constant 0 : i32
    %c0_i32_1 = arith.constant 0 : i32
    return %c0_i32, %c0_i32_0 : i32, i32
  }
  func.func @transform_7(%arg0: i32) -> (i32, i32) {
    %c0_i32 = arith.constant 0 : i32
    %c0_i32_0 = arith.constant 0 : i32
    %c0_i32_1 = arith.constant 0 : i32
    return %c0_i32, %c0_i32_0 : i32, i32
  }
  func.func @transform_8(%arg0: i32) -> (i32, i32) {
    %c0_i32 = arith.constant 0 : i32
    %c0_i32_0 = arith.constant 0 : i32
    return %arg0, %c0_i32 : i32, i32
  }
  func.func @transform_9(%arg0: i32) -> (i32, i32) {
    %c0_i32 = arith.constant 0 : i32
    %c0_i32_0 = arith.constant 0 : i32
    return %arg0, %c0_i32 : i32, i32
  }
  func.func @transform_10(%arg0: i32) -> (i32, i32) {
    %c0_i32 = arith.constant 0 : i32
    %c0_i32_0 = arith.constant 0 : i32
    return %arg0, %c0_i32 : i32, i32
  }
  func.func @transform_11(%arg0: i32) -> (i32, i32) {
    %c0_i32 = arith.constant 0 : i32
    %c0_i32_0 = arith.constant 0 : i32
    return %arg0, %c0_i32 : i32, i32
  }
  func.func @transform_12(%arg0: i32) -> (i32, i32) {
    %c0_i32 = arith.constant 0 : i32
    %c0_i32_0 = arith.constant 0 : i32
    %c0_i32_1 = arith.constant 0 : i32
    return %c0_i32, %c0_i32_0 : i32, i32
  }
}

module attributes {stable_mosaic.version = 14 : i64} {
  func.func @_k2_body(%arg0: i32, %arg1: memref<2048x256xf32, #tpu.memory_space<vmem>>, %arg2: memref<2048x3xf32, #tpu.memory_space<vmem>>, %arg3: memref<128x128xf32, #tpu.memory_space<vmem>>, %arg4: memref<8x128xf32, #tpu.memory_space<vmem>>, %arg5: memref<8x128xf32, #tpu.memory_space<vmem>>, %arg6: memref<8x128xf32, #tpu.memory_space<vmem>>, %arg7: memref<8x128xf32, #tpu.memory_space<vmem>>, %arg8: memref<3x128xf32, #tpu.memory_space<vmem>>, %arg9: memref<1x128xf32, #tpu.memory_space<vmem>>, %arg10: memref<1x128xf32, #tpu.memory_space<vmem>>, %arg11: memref<1x128xf32, #tpu.memory_space<vmem>>, %arg12: memref<128x128xf32, #tpu.memory_space<vmem>>, %arg13: memref<1x128xf32, #tpu.memory_space<vmem>>, %arg14: memref<128x128xf32, #tpu.memory_space<vmem>>, %arg15: memref<1x128xf32, #tpu.memory_space<vmem>>, %arg16: memref<2048x128xf32, #tpu.memory_space<vmem>>, %arg17: memref<2048x128xf32, #tpu.memory_space<vmem>>, %arg18: memref<8x128xf32, #tpu.memory_space<vmem>>) attributes {dimension_semantics = [#tpu.dimension_semantics<arbitrary>], iteration_bounds = array<i64: 16>, scalar_prefetch = 0 : i64, scratch_operands = 0 : i64, tpu.core_type = #tpu.core_type<tc>, window_params = [{transform_indices = @transform_0, window_bounds = array<i64: 2048, 256>}, {transform_indices = @transform_1, window_bounds = array<i64: 2048, 3>}, {transform_indices = @transform_2, window_bounds = array<i64: 128, 128>}, {pipeline_mode = #tpu.pipeline_mode<synchronous>, transform_indices = @transform_3, window_bounds = array<i64: 8, 128>}, {pipeline_mode = #tpu.pipeline_mode<synchronous>, transform_indices = @transform_4, window_bounds = array<i64: 8, 128>}, {pipeline_mode = #tpu.pipeline_mode<synchronous>, transform_indices = @transform_5, window_bounds = array<i64: 8, 128>}, {pipeline_mode = #tpu.pipeline_mode<synchronous>, transform_indices = @transform_6, window_bounds = array<i64: 8, 128>}, {pipeline_mode = #tpu.pipeline_mode<synchronous>, transform_indices = @transform_7, window_bounds = array<i64: 3, 128>}, {pipeline_mode = #tpu.pipeline_mode<synchronous>, transform_indices = @transform_8, window_bounds = array<i64: 1, 128>}, {pipeline_mode = #tpu.pipeline_mode<synchronous>, transform_indices = @transform_9, window_bounds = array<i64: 1, 128>}, {pipeline_mode = #tpu.pipeline_mode<synchronous>, transform_indices = @transform_10, window_bounds = array<i64: 1, 128>}, {pipeline_mode = #tpu.pipeline_mode<synchronous>, transform_indices = @transform_11, window_bounds = array<i64: 128, 128>}, {pipeline_mode = #tpu.pipeline_mode<synchronous>, transform_indices = @transform_12, window_bounds = array<i64: 1, 128>}, {pipeline_mode = #tpu.pipeline_mode<synchronous>, transform_indices = @transform_13, window_bounds = array<i64: 128, 128>}, {pipeline_mode = #tpu.pipeline_mode<synchronous>, transform_indices = @transform_14, window_bounds = array<i64: 1, 128>}, {transform_indices = @transform_15, window_bounds = array<i64: 2048, 128>}, {transform_indices = @transform_16, window_bounds = array<i64: 2048, 128>}, {pipeline_mode = #tpu.pipeline_mode<synchronous>, transform_indices = @transform_17, window_bounds = array<i64: 8, 128>}]} {
    %get3A = arith.constant 0 : index
    %get3A_0 = arith.constant 0 : index
    %get3A_1 = vector.load %arg4[%get3A, %get3A_0] : memref<8x128xf32, #tpu.memory_space<vmem>>, vector<1x1xf32>
    %get3A_2 = vector.extract %get3A_1[0, 0] : f32 from vector<1x1xf32>
    %get3A_3 = arith.constant 0 : index
    %get3A_4 = arith.constant 0 : index
    %get3A_5 = vector.load %arg5[%get3A_3, %get3A_4] : memref<8x128xf32, #tpu.memory_space<vmem>>, vector<1x1xf32>
    %get3A_6 = vector.extract %get3A_5[0, 0] : f32 from vector<1x1xf32>
    %add3A = arith.addf %get3A_2, %get3A_6 : f32
    %get3A_7 = arith.constant 0 : index
    %get3A_8 = arith.constant 0 : index
    %get3A_9 = vector.load %arg6[%get3A_7, %get3A_8] : memref<8x128xf32, #tpu.memory_space<vmem>>, vector<1x1xf32>
    %get3A_10 = vector.extract %get3A_9[0, 0] : f32 from vector<1x1xf32>
    %add3A_11 = arith.addf %add3A, %get3A_10 : f32
    %get3A_12 = arith.constant 0 : index
    %get3A_13 = arith.constant 0 : index
    %get3A_14 = vector.load %arg7[%get3A_12, %get3A_13] : memref<8x128xf32, #tpu.memory_space<vmem>>, vector<1x1xf32>
    %get3A_15 = vector.extract %get3A_14[0, 0] : f32 from vector<1x1xf32>
    %add3A_16 = arith.addf %add3A_11, %get3A_15 : f32
    %mul3A = arith.constant 7.62939453E-6 : f32
    %mul3A_17 = arith.mulf %add3A_16, %mul3A : f32
    %get3A_18 = arith.constant 0 : index
    %get3A_19 = arith.constant 1 : index
    %get3A_20 = vector.load %arg4[%get3A_18, %get3A_19] : memref<8x128xf32, #tpu.memory_space<vmem>>, vector<1x1xf32>
    %get3A_21 = vector.extract %get3A_20[0, 0] : f32 from vector<1x1xf32>
    %get3A_22 = arith.constant 0 : index
    %get3A_23 = arith.constant 1 : index
    %get3A_24 = vector.load %arg5[%get3A_22, %get3A_23] : memref<8x128xf32, #tpu.memory_space<vmem>>, vector<1x1xf32>
    %get3A_25 = vector.extract %get3A_24[0, 0] : f32 from vector<1x1xf32>
    %add3A_26 = arith.addf %get3A_21, %get3A_25 : f32
    %get3A_27 = arith.constant 0 : index
    %get3A_28 = arith.constant 1 : index
    %get3A_29 = vector.load %arg6[%get3A_27, %get3A_28] : memref<8x128xf32, #tpu.memory_space<vmem>>, vector<1x1xf32>
    %get3A_30 = vector.extract %get3A_29[0, 0] : f32 from vector<1x1xf32>
    %add3A_31 = arith.addf %add3A_26, %get3A_30 : f32
    %get3A_32 = arith.constant 0 : index
    %get3A_33 = arith.constant 1 : index
    %get3A_34 = vector.load %arg7[%get3A_32, %get3A_33] : memref<8x128xf32, #tpu.memory_space<vmem>>, vector<1x1xf32>
    %get3A_35 = vector.extract %get3A_34[0, 0] : f32 from vector<1x1xf32>
    %add3A_36 = arith.addf %add3A_31, %get3A_35 : f32
    %mul3A_37 = arith.constant 7.62939453E-6 : f32
    %mul3A_38 = arith.mulf %add3A_36, %mul3A_37 : f32
    %get3A_39 = arith.constant 0 : index
    %get3A_40 = arith.constant 2 : index
    %get3A_41 = vector.load %arg4[%get3A_39, %get3A_40] : memref<8x128xf32, #tpu.memory_space<vmem>>, vector<1x1xf32>
    %get3A_42 = vector.extract %get3A_41[0, 0] : f32 from vector<1x1xf32>
    %get3A_43 = arith.constant 0 : index
    %get3A_44 = arith.constant 2 : index
    %get3A_45 = vector.load %arg5[%get3A_43, %get3A_44] : memref<8x128xf32, #tpu.memory_space<vmem>>, vector<1x1xf32>
    %get3A_46 = vector.extract %get3A_45[0, 0] : f32 from vector<1x1xf32>
    %add3A_47 = arith.addf %get3A_42, %get3A_46 : f32
    %get3A_48 = arith.constant 0 : index
    %get3A_49 = arith.constant 2 : index
    %get3A_50 = vector.load %arg6[%get3A_48, %get3A_49] : memref<8x128xf32, #tpu.memory_space<vmem>>, vector<1x1xf32>
    %get3A_51 = vector.extract %get3A_50[0, 0] : f32 from vector<1x1xf32>
    %add3A_52 = arith.addf %add3A_47, %get3A_51 : f32
    %get3A_53 = arith.constant 0 : index
    %get3A_54 = arith.constant 2 : index
    %get3A_55 = vector.load %arg7[%get3A_53, %get3A_54] : memref<8x128xf32, #tpu.memory_space<vmem>>, vector<1x1xf32>
    %get3A_56 = vector.extract %get3A_55[0, 0] : f32 from vector<1x1xf32>
    %add3A_57 = arith.addf %add3A_52, %get3A_56 : f32
    %mul3A_58 = arith.constant 7.62939453E-6 : f32
    %mul3A_59 = arith.mulf %add3A_57, %mul3A_58 : f32
    %get3A_60 = arith.constant 0 : index
    %get3A_61 = arith.constant 3 : index
    %get3A_62 = vector.load %arg4[%get3A_60, %get3A_61] : memref<8x128xf32, #tpu.memory_space<vmem>>, vector<1x1xf32>
    %get3A_63 = vector.extract %get3A_62[0, 0] : f32 from vector<1x1xf32>
    %get3A_64 = arith.constant 0 : index
    %get3A_65 = arith.constant 3 : index
    %get3A_66 = vector.load %arg5[%get3A_64, %get3A_65] : memref<8x128xf32, #tpu.memory_space<vmem>>, vector<1x1xf32>
    %get3A_67 = vector.extract %get3A_66[0, 0] : f32 from vector<1x1xf32>
    %add3A_68 = arith.addf %get3A_63, %get3A_67 : f32
    %get3A_69 = arith.constant 0 : index
    %get3A_70 = arith.constant 3 : index
    %get3A_71 = vector.load %arg6[%get3A_69, %get3A_70] : memref<8x128xf32, #tpu.memory_space<vmem>>, vector<1x1xf32>
    %get3A_72 = vector.extract %get3A_71[0, 0] : f32 from vector<1x1xf32>
    %add3A_73 = arith.addf %add3A_68, %get3A_72 : f32
    %get3A_74 = arith.constant 0 : index
    %get3A_75 = arith.constant 3 : index
    %get3A_76 = vector.load %arg7[%get3A_74, %get3A_75] : memref<8x128xf32, #tpu.memory_space<vmem>>, vector<1x1xf32>
    %get3A_77 = vector.extract %get3A_76[0, 0] : f32 from vector<1x1xf32>
    %add3A_78 = arith.addf %add3A_73, %get3A_77 : f32
    %mul3A_79 = arith.constant 7.62939453E-6 : f32
    %mul3A_80 = arith.mulf %add3A_78, %mul3A_79 : f32
    %mul3A_81 = arith.mulf %mul3A_17, %mul3A_17 : f32
    %sub3A = arith.subf %mul3A_80, %mul3A_81 : f32
    %get3A_82 = arith.constant 0 : index
    %get3A_83 = arith.constant 4 : index
    %get3A_84 = vector.load %arg4[%get3A_82, %get3A_83] : memref<8x128xf32, #tpu.memory_space<vmem>>, vector<1x1xf32>
    %get3A_85 = vector.extract %get3A_84[0, 0] : f32 from vector<1x1xf32>
    %get3A_86 = arith.constant 0 : index
    %get3A_87 = arith.constant 4 : index
    %get3A_88 = vector.load %arg5[%get3A_86, %get3A_87] : memref<8x128xf32, #tpu.memory_space<vmem>>, vector<1x1xf32>
    %get3A_89 = vector.extract %get3A_88[0, 0] : f32 from vector<1x1xf32>
    %add3A_90 = arith.addf %get3A_85, %get3A_89 : f32
    %get3A_91 = arith.constant 0 : index
    %get3A_92 = arith.constant 4 : index
    %get3A_93 = vector.load %arg6[%get3A_91, %get3A_92] : memref<8x128xf32, #tpu.memory_space<vmem>>, vector<1x1xf32>
    %get3A_94 = vector.extract %get3A_93[0, 0] : f32 from vector<1x1xf32>
    %add3A_95 = arith.addf %add3A_90, %get3A_94 : f32
    %get3A_96 = arith.constant 0 : index
    %get3A_97 = arith.constant 4 : index
    %get3A_98 = vector.load %arg7[%get3A_96, %get3A_97] : memref<8x128xf32, #tpu.memory_space<vmem>>, vector<1x1xf32>
    %get3A_99 = vector.extract %get3A_98[0, 0] : f32 from vector<1x1xf32>
    %add3A_100 = arith.addf %add3A_95, %get3A_99 : f32
    %mul3A_101 = arith.constant 7.62939453E-6 : f32
    %mul3A_102 = arith.mulf %add3A_100, %mul3A_101 : f32
    %mul3A_103 = arith.mulf %mul3A_17, %mul3A_38 : f32
    %sub3A_104 = arith.subf %mul3A_102, %mul3A_103 : f32
    %get3A_105 = arith.constant 0 : index
    %get3A_106 = arith.constant 5 : index
    %get3A_107 = vector.load %arg4[%get3A_105, %get3A_106] : memref<8x128xf32, #tpu.memory_space<vmem>>, vector<1x1xf32>
    %get3A_108 = vector.extract %get3A_107[0, 0] : f32 from vector<1x1xf32>
    %get3A_109 = arith.constant 0 : index
    %get3A_110 = arith.constant 5 : index
    %get3A_111 = vector.load %arg5[%get3A_109, %get3A_110] : memref<8x128xf32, #tpu.memory_space<vmem>>, vector<1x1xf32>
    %get3A_112 = vector.extract %get3A_111[0, 0] : f32 from vector<1x1xf32>
    %add3A_113 = arith.addf %get3A_108, %get3A_112 : f32
    %get3A_114 = arith.constant 0 : index
    %get3A_115 = arith.constant 5 : index
    %get3A_116 = vector.load %arg6[%get3A_114, %get3A_115] : memref<8x128xf32, #tpu.memory_space<vmem>>, vector<1x1xf32>
    %get3A_117 = vector.extract %get3A_116[0, 0] : f32 from vector<1x1xf32>
    %add3A_118 = arith.addf %add3A_113, %get3A_117 : f32
    %get3A_119 = arith.constant 0 : index
    %get3A_120 = arith.constant 5 : index
    %get3A_121 = vector.load %arg7[%get3A_119, %get3A_120] : memref<8x128xf32, #tpu.memory_space<vmem>>, vector<1x1xf32>
    %get3A_122 = vector.extract %get3A_121[0, 0] : f32 from vector<1x1xf32>
    %add3A_123 = arith.addf %add3A_118, %get3A_122 : f32
    %mul3A_124 = arith.constant 7.62939453E-6 : f32
    %mul3A_125 = arith.mulf %add3A_123, %mul3A_124 : f32
    %mul3A_126 = arith.mulf %mul3A_17, %mul3A_59 : f32
    %sub3A_127 = arith.subf %mul3A_125, %mul3A_126 : f32
    %get3A_128 = arith.constant 0 : index
    %get3A_129 = arith.constant 6 : index
    %get3A_130 = vector.load %arg4[%get3A_128, %get3A_129] : memref<8x128xf32, #tpu.memory_space<vmem>>, vector<1x1xf32>
    %get3A_131 = vector.extract %get3A_130[0, 0] : f32 from vector<1x1xf32>
    %get3A_132 = arith.constant 0 : index
    %get3A_133 = arith.constant 6 : index
    %get3A_134 = vector.load %arg5[%get3A_132, %get3A_133] : memref<8x128xf32, #tpu.memory_space<vmem>>, vector<1x1xf32>
    %get3A_135 = vector.extract %get3A_134[0, 0] : f32 from vector<1x1xf32>
    %add3A_136 = arith.addf %get3A_131, %get3A_135 : f32
    %get3A_137 = arith.constant 0 : index
    %get3A_138 = arith.constant 6 : index
    %get3A_139 = vector.load %arg6[%get3A_137, %get3A_138] : memref<8x128xf32, #tpu.memory_space<vmem>>, vector<1x1xf32>
    %get3A_140 = vector.extract %get3A_139[0, 0] : f32 from vector<1x1xf32>
    %add3A_141 = arith.addf %add3A_136, %get3A_140 : f32
    %get3A_142 = arith.constant 0 : index
    %get3A_143 = arith.constant 6 : index
    %get3A_144 = vector.load %arg7[%get3A_142, %get3A_143] : memref<8x128xf32, #tpu.memory_space<vmem>>, vector<1x1xf32>
    %get3A_145 = vector.extract %get3A_144[0, 0] : f32 from vector<1x1xf32>
    %add3A_146 = arith.addf %add3A_141, %get3A_145 : f32
    %mul3A_147 = arith.constant 7.62939453E-6 : f32
    %mul3A_148 = arith.mulf %add3A_146, %mul3A_147 : f32
    %mul3A_149 = arith.mulf %mul3A_38, %mul3A_38 : f32
    %sub3A_150 = arith.subf %mul3A_148, %mul3A_149 : f32
    %get3A_151 = arith.constant 0 : index
    %get3A_152 = arith.constant 7 : index
    %get3A_153 = vector.load %arg4[%get3A_151, %get3A_152] : memref<8x128xf32, #tpu.memory_space<vmem>>, vector<1x1xf32>
    %get3A_154 = vector.extract %get3A_153[0, 0] : f32 from vector<1x1xf32>
    %get3A_155 = arith.constant 0 : index
    %get3A_156 = arith.constant 7 : index
    %get3A_157 = vector.load %arg5[%get3A_155, %get3A_156] : memref<8x128xf32, #tpu.memory_space<vmem>>, vector<1x1xf32>
    %get3A_158 = vector.extract %get3A_157[0, 0] : f32 from vector<1x1xf32>
    %add3A_159 = arith.addf %get3A_154, %get3A_158 : f32
    %get3A_160 = arith.constant 0 : index
    %get3A_161 = arith.constant 7 : index
    %get3A_162 = vector.load %arg6[%get3A_160, %get3A_161] : memref<8x128xf32, #tpu.memory_space<vmem>>, vector<1x1xf32>
    %get3A_163 = vector.extract %get3A_162[0, 0] : f32 from vector<1x1xf32>
    %add3A_164 = arith.addf %add3A_159, %get3A_163 : f32
    %get3A_165 = arith.constant 0 : index
    %get3A_166 = arith.constant 7 : index
    %get3A_167 = vector.load %arg7[%get3A_165, %get3A_166] : memref<8x128xf32, #tpu.memory_space<vmem>>, vector<1x1xf32>
    %get3A_168 = vector.extract %get3A_167[0, 0] : f32 from vector<1x1xf32>
    %add3A_169 = arith.addf %add3A_164, %get3A_168 : f32
    %mul3A_170 = arith.constant 7.62939453E-6 : f32
    %mul3A_171 = arith.mulf %add3A_169, %mul3A_170 : f32
    %mul3A_172 = arith.mulf %mul3A_38, %mul3A_59 : f32
    %sub3A_173 = arith.subf %mul3A_171, %mul3A_172 : f32
    %get3A_174 = arith.constant 0 : index
    %get3A_175 = arith.constant 8 : index
    %get3A_176 = vector.load %arg4[%get3A_174, %get3A_175] : memref<8x128xf32, #tpu.memory_space<vmem>>, vector<1x1xf32>
    %get3A_177 = vector.extract %get3A_176[0, 0] : f32 from vector<1x1xf32>
    %get3A_178 = arith.constant 0 : index
    %get3A_179 = arith.constant 8 : index
    %get3A_180 = vector.load %arg5[%get3A_178, %get3A_179] : memref<8x128xf32, #tpu.memory_space<vmem>>, vector<1x1xf32>
    %get3A_181 = vector.extract %get3A_180[0, 0] : f32 from vector<1x1xf32>
    %add3A_182 = arith.addf %get3A_177, %get3A_181 : f32
    %get3A_183 = arith.constant 0 : index
    %get3A_184 = arith.constant 8 : index
    %get3A_185 = vector.load %arg6[%get3A_183, %get3A_184] : memref<8x128xf32, #tpu.memory_space<vmem>>, vector<1x1xf32>
    %get3A_186 = vector.extract %get3A_185[0, 0] : f32 from vector<1x1xf32>
    %add3A_187 = arith.addf %add3A_182, %get3A_186 : f32
    %get3A_188 = arith.constant 0 : index
    %get3A_189 = arith.constant 8 : index
    %get3A_190 = vector.load %arg7[%get3A_188, %get3A_189] : memref<8x128xf32, #tpu.memory_space<vmem>>, vector<1x1xf32>
    %get3A_191 = vector.extract %get3A_190[0, 0] : f32 from vector<1x1xf32>
    %add3A_192 = arith.addf %add3A_187, %get3A_191 : f32
    %mul3A_193 = arith.constant 7.62939453E-6 : f32
    %mul3A_194 = arith.mulf %add3A_192, %mul3A_193 : f32
    %mul3A_195 = arith.mulf %mul3A_59, %mul3A_59 : f32
    %sub3A_196 = arith.subf %mul3A_194, %mul3A_195 : f32
    %get3A_197 = arith.constant 0 : index
    %get3A_198 = arith.constant 0 : index
    %get3A_199 = vector.load %arg8[%get3A_197, %get3A_198] : memref<3x128xf32, #tpu.memory_space<vmem>>, vector<3x128xf32>
    %slice3A = vector.extract_strided_slice %get3A_199 {offsets = [0, 0], sizes = [1, 128], strides = [1, 1]} : vector<3x128xf32> to vector<1x128xf32>
    %slice3A_200 = vector.extract_strided_slice %get3A_199 {offsets = [1, 0], sizes = [1, 128], strides = [1, 1]} : vector<3x128xf32> to vector<1x128xf32>
    %slice3A_201 = vector.extract_strided_slice %get3A_199 {offsets = [2, 0], sizes = [1, 128], strides = [1, 1]} : vector<3x128xf32> to vector<1x128xf32>
    %mul3A_202 = vector.broadcast %sub3A : f32 to vector<1x128xf32>
    %mul3A_203 = arith.mulf %mul3A_202, %slice3A : vector<1x128xf32>
    %mul3A_204 = arith.mulf %mul3A_203, %slice3A : vector<1x128xf32>
    %mul3A_205 = vector.broadcast %sub3A_150 : f32 to vector<1x128xf32>
    %mul3A_206 = arith.mulf %mul3A_205, %slice3A_200 : vector<1x128xf32>
    %mul3A_207 = arith.mulf %mul3A_206, %slice3A_200 : vector<1x128xf32>
    %add3A_208 = arith.addf %mul3A_204, %mul3A_207 : vector<1x128xf32>
    %mul3A_209 = vector.broadcast %sub3A_196 : f32 to vector<1x128xf32>
    %mul3A_210 = arith.mulf %mul3A_209, %slice3A_201 : vector<1x128xf32>
    %mul3A_211 = arith.mulf %mul3A_210, %slice3A_201 : vector<1x128xf32>
    %add3A_212 = arith.addf %add3A_208, %mul3A_211 : vector<1x128xf32>
    %mul3A_213 = vector.broadcast %sub3A_104 : f32 to vector<1x128xf32>
    %mul3A_214 = arith.mulf %mul3A_213, %slice3A : vector<1x128xf32>
    %mul3A_215 = arith.mulf %mul3A_214, %slice3A_200 : vector<1x128xf32>
    %mul3A_216 = vector.broadcast %sub3A_127 : f32 to vector<1x128xf32>
    %mul3A_217 = arith.mulf %mul3A_216, %slice3A : vector<1x128xf32>
    %mul3A_218 = arith.mulf %mul3A_217, %slice3A_201 : vector<1x128xf32>
    %add3A_219 = arith.addf %mul3A_215, %mul3A_218 : vector<1x128xf32>
    %mul3A_220 = vector.broadcast %sub3A_173 : f32 to vector<1x128xf32>
    %mul3A_221 = arith.mulf %mul3A_220, %slice3A_200 : vector<1x128xf32>
    %mul3A_222 = arith.mulf %mul3A_221, %slice3A_201 : vector<1x128xf32>
    %add3A_223 = arith.addf %add3A_219, %mul3A_222 : vector<1x128xf32>
    %mul3A_224 = arith.constant 2.000000e+00 : f32
    %mul3A_225 = vector.broadcast %mul3A_224 : f32 to vector<1x128xf32>
    %mul3A_226 = arith.mulf %mul3A_225, %add3A_223 : vector<1x128xf32>
    %add3A_227 = arith.addf %add3A_212, %mul3A_226 : vector<1x128xf32>
    %mul3A_228 = vector.broadcast %mul3A_17 : f32 to vector<1x128xf32>
    %mul3A_229 = arith.mulf %mul3A_228, %slice3A : vector<1x128xf32>
    %mul3A_230 = vector.broadcast %mul3A_38 : f32 to vector<1x128xf32>
    %mul3A_231 = arith.mulf %mul3A_230, %slice3A_200 : vector<1x128xf32>
    %add3A_232 = arith.addf %mul3A_229, %mul3A_231 : vector<1x128xf32>
    %mul3A_233 = vector.broadcast %mul3A_59 : f32 to vector<1x128xf32>
    %mul3A_234 = arith.mulf %mul3A_233, %slice3A_201 : vector<1x128xf32>
    %add3A_235 = arith.addf %add3A_232, %mul3A_234 : vector<1x128xf32>
    %get3A_236 = arith.constant 0 : index
    %get3A_237 = arith.constant 0 : index
    %get3A_238 = vector.load %arg9[%get3A_236, %get3A_237] : memref<1x128xf32, #tpu.memory_space<vmem>>, vector<1x128xf32>
    %add3A_239 = arith.addf %add3A_235, %get3A_238 : vector<1x128xf32>
    %add3A_240 = arith.constant 9.99999974E-6 : f32
    %add3A_241 = vector.broadcast %add3A_240 : f32 to vector<1x128xf32>
    %add3A_242 = arith.addf %add3A_227, %add3A_241 : vector<1x128xf32>
    %rsqrt3A = math.rsqrt %add3A_242 : vector<1x128xf32>
    %get3A_243 = arith.constant 0 : index
    %get3A_244 = arith.constant 0 : index
    %get3A_245 = vector.load %arg10[%get3A_243, %get3A_244] : memref<1x128xf32, #tpu.memory_space<vmem>>, vector<1x128xf32>
    %mul3A_246 = arith.mulf %get3A_245, %rsqrt3A : vector<1x128xf32>
    %get3A_247 = arith.constant 0 : index
    %get3A_248 = arith.constant 0 : index
    %get3A_249 = vector.load %arg11[%get3A_247, %get3A_248] : memref<1x128xf32, #tpu.memory_space<vmem>>, vector<1x128xf32>
    %mul3A_250 = arith.mulf %add3A_239, %mul3A_246 : vector<1x128xf32>
    %sub3A_251 = arith.subf %get3A_249, %mul3A_250 : vector<1x128xf32>
    %get3A_252 = arith.constant 0 : index
    %get3A_253 = arith.constant 0 : index
    %get3A_254 = vector.load %arg2[%get3A_252, %get3A_253] : memref<2048x3xf32, #tpu.memory_space<vmem>>, vector<2048x3xf32>
    %slice3A_255 = vector.extract_strided_slice %get3A_254 {offsets = [0, 0], sizes = [2048, 1], strides = [1, 1]} : vector<2048x3xf32> to vector<2048x1xf32>
    %slice3A_256 = vector.extract_strided_slice %get3A_254 {offsets = [0, 1], sizes = [2048, 1], strides = [1, 1]} : vector<2048x3xf32> to vector<2048x1xf32>
    %slice3A_257 = vector.extract_strided_slice %get3A_254 {offsets = [0, 2], sizes = [2048, 1], strides = [1, 1]} : vector<2048x3xf32> to vector<2048x1xf32>
    %mul3A_258 = vector.broadcast %slice3A_255 : vector<2048x1xf32> to vector<2048x128xf32>
    %mul3A_259 = vector.broadcast %slice3A : vector<1x128xf32> to vector<2048x128xf32>
    %mul3A_260 = arith.mulf %mul3A_258, %mul3A_259 : vector<2048x128xf32>
    %mul3A_261 = vector.broadcast %slice3A_256 : vector<2048x1xf32> to vector<2048x128xf32>
    %mul3A_262 = vector.broadcast %slice3A_200 : vector<1x128xf32> to vector<2048x128xf32>
    %mul3A_263 = arith.mulf %mul3A_261, %mul3A_262 : vector<2048x128xf32>
    %add3A_264 = arith.addf %mul3A_260, %mul3A_263 : vector<2048x128xf32>
    %mul3A_265 = vector.broadcast %slice3A_257 : vector<2048x1xf32> to vector<2048x128xf32>
    %mul3A_266 = vector.broadcast %slice3A_201 : vector<1x128xf32> to vector<2048x128xf32>
    %mul3A_267 = arith.mulf %mul3A_265, %mul3A_266 : vector<2048x128xf32>
    %add3A_268 = arith.addf %add3A_264, %mul3A_267 : vector<2048x128xf32>
    %get3A_269 = arith.constant 0 : index
    %get3A_270 = arith.constant 0 : index
    %get3A_271 = vector.load %arg9[%get3A_269, %get3A_270] : memref<1x128xf32, #tpu.memory_space<vmem>>, vector<1x128xf32>
    %add3A_272 = vector.broadcast %get3A_271 : vector<1x128xf32> to vector<2048x128xf32>
    %add3A_273 = arith.addf %add3A_268, %add3A_272 : vector<2048x128xf32>
    %mul3A_274 = vector.broadcast %mul3A_246 : vector<1x128xf32> to vector<2048x128xf32>
    %mul3A_275 = arith.mulf %add3A_273, %mul3A_274 : vector<2048x128xf32>
    %add3A_276 = vector.broadcast %sub3A_251 : vector<1x128xf32> to vector<2048x128xf32>
    %add3A_277 = arith.addf %mul3A_275, %add3A_276 : vector<2048x128xf32>
    %max3A = arith.constant 0.000000e+00 : f32
    %max3A_278 = vector.broadcast %max3A : f32 to vector<2048x128xf32>
    %max3A_279 = arith.maximumf %add3A_277, %max3A_278 : vector<2048x128xf32>
    %get3A_280 = arith.constant 0 : index
    %get3A_281 = arith.constant 0 : index
    %get3A_282 = vector.load %arg12[%get3A_280, %get3A_281] : memref<128x128xf32, #tpu.memory_space<vmem>>, vector<128x128xf32>
    %get3A_283 = arith.constant 0 : index
    %get3A_284 = arith.constant 0 : index
    %get3A_285 = vector.load %arg14[%get3A_283, %get3A_284] : memref<128x128xf32, #tpu.memory_space<vmem>>, vector<128x128xf32>
    %dot_general3A = arith.constant dense<0.000000e+00> : vector<128x128xf32>
    %dot_general3A_286 = tpu.matmul %get3A_282, %get3A_285, %dot_general3A {dimension_numbers = #tpu.dot_dimension_numbers<[1], [0], [0], [1], [0, 0, 1, 1], [], []>, transpose_lhs_hint = false} : vector<128x128xf32>, vector<128x128xf32>, vector<128x128xf32> -> vector<128x128xf32>
    %get3A_287 = arith.constant 0 : index
    %get3A_288 = arith.constant 0 : index
    %get3A_289 = vector.load %arg12[%get3A_287, %get3A_288] : memref<128x128xf32, #tpu.memory_space<vmem>>, vector<128x128xf32>
    %dot_general3A_290 = arith.constant dense<0.000000e+00> : vector<2048x128xf32>
    %dot_general3A_291 = tpu.matmul %max3A_279, %get3A_289, %dot_general3A_290 {dimension_numbers = #tpu.dot_dimension_numbers<[1], [0], [0], [1], [0, 0, 1, 1], [], []>, transpose_lhs_hint = false} : vector<2048x128xf32>, vector<128x128xf32>, vector<2048x128xf32> -> vector<2048x128xf32>
    %dot_general3A_292 = arith.constant dense<0.000000e+00> : vector<2048x128xf32>
    %dot_general3A_293 = tpu.matmul %max3A_279, %dot_general3A_286, %dot_general3A_292 {dimension_numbers = #tpu.dot_dimension_numbers<[1], [0], [0], [1], [0, 0, 1, 1], [], []>, transpose_lhs_hint = false} : vector<2048x128xf32>, vector<128x128xf32>, vector<2048x128xf32> -> vector<2048x128xf32>
    %get3A_294 = arith.constant 0 : index
    %get3A_295 = arith.constant 0 : index
    %get3A_296 = vector.load %arg1[%get3A_294, %get3A_295] : memref<2048x256xf32, #tpu.memory_space<vmem>>, vector<2048x256xf32>
    %slice3A_297 = vector.extract_strided_slice %get3A_296 {offsets = [0, 0], sizes = [2048, 128], strides = [1, 1]} : vector<2048x256xf32> to vector<2048x128xf32>
    %slice3A_298 = vector.extract_strided_slice %get3A_296 {offsets = [0, 128], sizes = [2048, 128], strides = [1, 1]} : vector<2048x256xf32> to vector<2048x128xf32>
    %get3A_299 = arith.constant 0 : index
    %get3A_300 = arith.constant 0 : index
    %get3A_301 = vector.load %arg3[%get3A_299, %get3A_300] : memref<128x128xf32, #tpu.memory_space<vmem>>, vector<128x128xf32>
    %reshape3A = vector.shape_cast %get3A_301 : vector<128x128xf32> to vector<128x1x128xf32>
    %broadcast_in_dim3A = vector.shape_cast %reshape3A : vector<128x1x128xf32> to vector<128x1x128xf32>
    %broadcast_in_dim3A_302 = vector.broadcast %broadcast_in_dim3A : vector<128x1x128xf32> to vector<128x16x128xf32>
    %reshape3A_303 = vector.shape_cast %broadcast_in_dim3A_302 : vector<128x16x128xf32> to vector<2048x128xf32>
    %get3A_304 = arith.constant 0 : index
    %get3A_305 = arith.constant 0 : index
    %get3A_306 = vector.load %arg15[%get3A_304, %get3A_305] : memref<1x128xf32, #tpu.memory_space<vmem>>, vector<1x128xf32>
    %get3A_307 = arith.constant 0 : index
    %get3A_308 = arith.constant 0 : index
    %get3A_309 = vector.load %arg13[%get3A_307, %get3A_308] : memref<1x128xf32, #tpu.memory_space<vmem>>, vector<1x128xf32>
    %get3A_310 = arith.constant 0 : index
    %get3A_311 = arith.constant 0 : index
    %get3A_312 = vector.load %arg14[%get3A_310, %get3A_311] : memref<128x128xf32, #tpu.memory_space<vmem>>, vector<128x128xf32>
    %dot_general3A_313 = arith.constant dense<0.000000e+00> : vector<1x128xf32>
    %dot_general3A_314 = tpu.matmul %get3A_309, %get3A_312, %dot_general3A_313 {dimension_numbers = #tpu.dot_dimension_numbers<[1], [0], [0], [1], [0, 0, 1, 1], [], []>, transpose_lhs_hint = false} : vector<1x128xf32>, vector<128x128xf32>, vector<1x128xf32> -> vector<1x128xf32>
    %add3A_315 = arith.addf %get3A_306, %dot_general3A_314 : vector<1x128xf32>
    %sub3A_316 = arith.subf %reshape3A_303, %slice3A_297 : vector<2048x128xf32>
    %add3A_317 = arith.addf %sub3A_316, %dot_general3A_293 : vector<2048x128xf32>
    %add3A_318 = vector.broadcast %add3A_315 : vector<1x128xf32> to vector<2048x128xf32>
    %add3A_319 = arith.addf %add3A_317, %add3A_318 : vector<2048x128xf32>
    %swap3A = arith.constant 0 : index
    %swap3A_320 = arith.constant 0 : index
    %swap3A_321 = vector.load %arg16[%swap3A, %swap3A_320] : memref<2048x128xf32, #tpu.memory_space<vmem>>, vector<2048x128xf32>
    tpu.vector_store %arg16[%swap3A, %swap3A_320], %add3A_319 {strides = array<i32>} : memref<2048x128xf32, #tpu.memory_space<vmem>>, vector<2048x128xf32>,
    %add3A_322 = arith.addf %slice3A_298, %dot_general3A_291 : vector<2048x128xf32>
    %get3A_323 = arith.constant 0 : index
    %get3A_324 = arith.constant 0 : index
    %get3A_325 = vector.load %arg13[%get3A_323, %get3A_324] : memref<1x128xf32, #tpu.memory_space<vmem>>, vector<1x128xf32>
    %add3A_326 = vector.broadcast %get3A_325 : vector<1x128xf32> to vector<2048x128xf32>
    %add3A_327 = arith.addf %add3A_322, %add3A_326 : vector<2048x128xf32>
    %swap3A_328 = arith.constant 0 : index
    %swap3A_329 = arith.constant 0 : index
    %swap3A_330 = vector.load %arg17[%swap3A_328, %swap3A_329] : memref<2048x128xf32, #tpu.memory_space<vmem>>, vector<2048x128xf32>
    tpu.vector_store %arg17[%swap3A_328, %swap3A_329], %add3A_327 {strides = array<i32>} : memref<2048x128xf32, #tpu.memory_space<vmem>>, vector<2048x128xf32>,
    %reduce_sum3A = arith.constant dense<0.000000e+00> : vector<128xf32>
    %reduce_sum3A_331 = vector.multi_reduction <add>, %add3A_319, %reduce_sum3A [0] : vector<2048x128xf32> to vector<128xf32>
    %broadcast_in_dim3A_332 = vector.shape_cast %reduce_sum3A_331 : vector<128xf32> to vector<1x128xf32>
    %mul3A_333 = arith.mulf %add3A_319, %add3A_319 : vector<2048x128xf32>
    %reduce_sum3A_334 = arith.constant dense<0.000000e+00> : vector<128xf32>
    %reduce_sum3A_335 = vector.multi_reduction <add>, %mul3A_333, %reduce_sum3A_334 [0] : vector<2048x128xf32> to vector<128xf32>
    %broadcast_in_dim3A_336 = vector.shape_cast %reduce_sum3A_335 : vector<128xf32> to vector<1x128xf32>
    %eq3A = arith.constant 0 : i32
    %eq3A_337 = arith.cmpi eq, %arg0, %eq3A : i32
    %convert_element_type3A = arith.extui %eq3A_337 : i1 to i32
    %cond3A = arith.constant 0 : i32
    %cond3A_338 = arith.cmpi ne, %convert_element_type3A, %cond3A : i32
    scf.if %cond3A_338 {
      %broadcast_in_dim3A_353 = arith.constant 0.000000e+00 : f32
      %broadcast_in_dim3A_354 = vector.broadcast %broadcast_in_dim3A_353 : f32 to vector<8x128xf32>
      %swap3A_355 = arith.constant 0 : index
      %swap3A_356 = arith.constant 0 : index
      %swap3A_357 = vector.load %arg18[%swap3A_355, %swap3A_356] : memref<8x128xf32, #tpu.memory_space<vmem>>, vector<8x128xf32>
      tpu.vector_store %arg18[%swap3A_355, %swap3A_356], %broadcast_in_dim3A_354 {strides = array<i32>} : memref<8x128xf32, #tpu.memory_space<vmem>>, vector<8x128xf32>,
    } else {
    }
    %get3A_339 = arith.constant 0 : index
    %get3A_340 = arith.constant 0 : index
    %get3A_341 = vector.load %arg18[%get3A_339, %get3A_340] : memref<8x128xf32, #tpu.memory_space<vmem>>, vector<1x128xf32>
    %add3A_342 = arith.addf %get3A_341, %broadcast_in_dim3A_332 : vector<1x128xf32>
    %swap3A_343 = arith.constant 0 : index
    %swap3A_344 = arith.constant 0 : index
    %swap3A_345 = vector.load %arg18[%swap3A_343, %swap3A_344] : memref<8x128xf32, #tpu.memory_space<vmem>>, vector<1x128xf32>
    tpu.vector_store %arg18[%swap3A_343, %swap3A_344], %add3A_342 {strides = array<i32>} : memref<8x128xf32, #tpu.memory_space<vmem>>, vector<1x128xf32>,
    %get3A_346 = arith.constant 1 : index
    %get3A_347 = arith.constant 0 : index
    %get3A_348 = vector.load %arg18[%get3A_346, %get3A_347] : memref<8x128xf32, #tpu.memory_space<vmem>>, vector<1x128xf32>
    %add3A_349 = arith.addf %get3A_348, %broadcast_in_dim3A_336 : vector<1x128xf32>
    %swap3A_350 = arith.constant 1 : index
    %swap3A_351 = arith.constant 0 : index
    %swap3A_352 = vector.load %arg18[%swap3A_350, %swap3A_351] : memref<8x128xf32, #tpu.memory_space<vmem>>, vector<1x128xf32>
    tpu.vector_store %arg18[%swap3A_350, %swap3A_351], %add3A_349 {strides = array<i32>} : memref<8x128xf32, #tpu.memory_space<vmem>>, vector<1x128xf32>,
    return
  }
  func.func @transform_0(%arg0: i32) -> (i32, i32) {
    %c0_i32 = arith.constant 0 : i32
    %c0_i32_0 = arith.constant 0 : i32
    return %arg0, %c0_i32 : i32, i32
  }
  func.func @transform_1(%arg0: i32) -> (i32, i32) {
    %c0_i32 = arith.constant 0 : i32
    %c0_i32_0 = arith.constant 0 : i32
    return %arg0, %c0_i32 : i32, i32
  }
  func.func @transform_2(%arg0: i32) -> (i32, i32) {
    %c0_i32 = arith.constant 0 : i32
    %c0_i32_0 = arith.constant 0 : i32
    return %arg0, %c0_i32 : i32, i32
  }
  func.func @transform_3(%arg0: i32) -> (i32, i32) {
    %c0_i32 = arith.constant 0 : i32
    %c0_i32_0 = arith.constant 0 : i32
    %c0_i32_1 = arith.constant 0 : i32
    return %c0_i32, %c0_i32_0 : i32, i32
  }
  func.func @transform_4(%arg0: i32) -> (i32, i32) {
    %c0_i32 = arith.constant 0 : i32
    %c0_i32_0 = arith.constant 0 : i32
    %c0_i32_1 = arith.constant 0 : i32
    return %c0_i32, %c0_i32_0 : i32, i32
  }
  func.func @transform_5(%arg0: i32) -> (i32, i32) {
    %c0_i32 = arith.constant 0 : i32
    %c0_i32_0 = arith.constant 0 : i32
    %c0_i32_1 = arith.constant 0 : i32
    return %c0_i32, %c0_i32_0 : i32, i32
  }
  func.func @transform_6(%arg0: i32) -> (i32, i32) {
    %c0_i32 = arith.constant 0 : i32
    %c0_i32_0 = arith.constant 0 : i32
    %c0_i32_1 = arith.constant 0 : i32
    return %c0_i32, %c0_i32_0 : i32, i32
  }
  func.func @transform_7(%arg0: i32) -> (i32, i32) {
    %c0_i32 = arith.constant 0 : i32
    %c0_i32_0 = arith.constant 0 : i32
    %c0_i32_1 = arith.constant 0 : i32
    return %c0_i32, %c0_i32_0 : i32, i32
  }
  func.func @transform_8(%arg0: i32) -> (i32, i32) {
    %c0_i32 = arith.constant 0 : i32
    %c0_i32_0 = arith.constant 0 : i32
    %c0_i32_1 = arith.constant 0 : i32
    return %c0_i32, %c0_i32_0 : i32, i32
  }
  func.func @transform_9(%arg0: i32) -> (i32, i32) {
    %c0_i32 = arith.constant 0 : i32
    %c0_i32_0 = arith.constant 0 : i32
    %c0_i32_1 = arith.constant 0 : i32
    return %c0_i32, %c0_i32_0 : i32, i32
  }
  func.func @transform_10(%arg0: i32) -> (i32, i32) {
    %c0_i32 = arith.constant 0 : i32
    %c0_i32_0 = arith.constant 0 : i32
    %c0_i32_1 = arith.constant 0 : i32
    return %c0_i32, %c0_i32_0 : i32, i32
  }
  func.func @transform_11(%arg0: i32) -> (i32, i32) {
    %c0_i32 = arith.constant 0 : i32
    %c0_i32_0 = arith.constant 0 : i32
    %c0_i32_1 = arith.constant 0 : i32
    return %c0_i32, %c0_i32_0 : i32, i32
  }
  func.func @transform_12(%arg0: i32) -> (i32, i32) {
    %c0_i32 = arith.constant 0 : i32
    %c0_i32_0 = arith.constant 0 : i32
    %c0_i32_1 = arith.constant 0 : i32
    return %c0_i32, %c0_i32_0 : i32, i32
  }
  func.func @transform_13(%arg0: i32) -> (i32, i32) {
    %c0_i32 = arith.constant 0 : i32
    %c0_i32_0 = arith.constant 0 : i32
    %c0_i32_1 = arith.constant 0 : i32
    return %c0_i32, %c0_i32_0 : i32, i32
  }
  func.func @transform_14(%arg0: i32) -> (i32, i32) {
    %c0_i32 = arith.constant 0 : i32
    %c0_i32_0 = arith.constant 0 : i32
    %c0_i32_1 = arith.constant 0 : i32
    return %c0_i32, %c0_i32_0 : i32, i32
  }
  func.func @transform_15(%arg0: i32) -> (i32, i32) {
    %c0_i32 = arith.constant 0 : i32
    %c0_i32_0 = arith.constant 0 : i32
    return %arg0, %c0_i32 : i32, i32
  }
  func.func @transform_16(%arg0: i32) -> (i32, i32) {
    %c0_i32 = arith.constant 0 : i32
    %c0_i32_0 = arith.constant 0 : i32
    return %arg0, %c0_i32 : i32, i32
  }
  func.func @transform_17(%arg0: i32) -> (i32, i32) {
    %c0_i32 = arith.constant 0 : i32
    %c0_i32_0 = arith.constant 0 : i32
    %c0_i32_1 = arith.constant 0 : i32
    return %c0_i32, %c0_i32_0 : i32, i32
  }
}

module attributes {stable_mosaic.version = 14 : i64} {
  func.func @_k3_body(%arg0: i32, %arg1: memref<2048x128xf32, #tpu.memory_space<vmem>>, %arg2: memref<2048x128xf32, #tpu.memory_space<vmem>>, %arg3: memref<8x128xf32, #tpu.memory_space<vmem>>, %arg4: memref<8x128xf32, #tpu.memory_space<vmem>>, %arg5: memref<8x128xf32, #tpu.memory_space<vmem>>, %arg6: memref<8x128xf32, #tpu.memory_space<vmem>>, %arg7: memref<1x128xf32, #tpu.memory_space<vmem>>, %arg8: memref<1x128xf32, #tpu.memory_space<vmem>>, %arg9: memref<128x128xf32, #tpu.memory_space<vmem>>, %arg10: memref<1x128xf32, #tpu.memory_space<vmem>>, %arg11: memref<128x128xf32, #tpu.memory_space<vmem>>, %arg12: memref<128x128xf32, #tpu.memory_space<vmem>>) attributes {dimension_semantics = [#tpu.dimension_semantics<arbitrary>], iteration_bounds = array<i64: 16>, scalar_prefetch = 0 : i64, scratch_operands = 0 : i64, tpu.core_type = #tpu.core_type<tc>, window_params = [{transform_indices = @transform_0, window_bounds = array<i64: 2048, 128>}, {transform_indices = @transform_1, window_bounds = array<i64: 2048, 128>}, {pipeline_mode = #tpu.pipeline_mode<synchronous>, transform_indices = @transform_2, window_bounds = array<i64: 8, 128>}, {pipeline_mode = #tpu.pipeline_mode<synchronous>, transform_indices = @transform_3, window_bounds = array<i64: 8, 128>}, {pipeline_mode = #tpu.pipeline_mode<synchronous>, transform_indices = @transform_4, window_bounds = array<i64: 8, 128>}, {pipeline_mode = #tpu.pipeline_mode<synchronous>, transform_indices = @transform_5, window_bounds = array<i64: 8, 128>}, {pipeline_mode = #tpu.pipeline_mode<synchronous>, transform_indices = @transform_6, window_bounds = array<i64: 1, 128>}, {pipeline_mode = #tpu.pipeline_mode<synchronous>, transform_indices = @transform_7, window_bounds = array<i64: 1, 128>}, {pipeline_mode = #tpu.pipeline_mode<synchronous>, transform_indices = @transform_8, window_bounds = array<i64: 128, 128>}, {pipeline_mode = #tpu.pipeline_mode<synchronous>, transform_indices = @transform_9, window_bounds = array<i64: 1, 128>}, {pipeline_mode = #tpu.pipeline_mode<synchronous>, transform_indices = @transform_10, window_bounds = array<i64: 128, 128>}, {transform_indices = @transform_11, window_bounds = array<i64: 128, 128>}]} {
    %get3A = arith.constant 0 : index
    %get3A_0 = arith.constant 0 : index
    %get3A_1 = vector.load %arg3[%get3A, %get3A_0] : memref<8x128xf32, #tpu.memory_space<vmem>>, vector<8x128xf32>
    %get3A_2 = arith.constant 0 : index
    %get3A_3 = arith.constant 0 : index
    %get3A_4 = vector.load %arg4[%get3A_2, %get3A_3] : memref<8x128xf32, #tpu.memory_space<vmem>>, vector<8x128xf32>
    %add3A = arith.addf %get3A_1, %get3A_4 : vector<8x128xf32>
    %get3A_5 = arith.constant 0 : index
    %get3A_6 = arith.constant 0 : index
    %get3A_7 = vector.load %arg5[%get3A_5, %get3A_6] : memref<8x128xf32, #tpu.memory_space<vmem>>, vector<8x128xf32>
    %add3A_8 = arith.addf %add3A, %get3A_7 : vector<8x128xf32>
    %get3A_9 = arith.constant 0 : index
    %get3A_10 = arith.constant 0 : index
    %get3A_11 = vector.load %arg6[%get3A_9, %get3A_10] : memref<8x128xf32, #tpu.memory_space<vmem>>, vector<8x128xf32>
    %add3A_12 = arith.addf %add3A_8, %get3A_11 : vector<8x128xf32>
    %slice3A = vector.extract_strided_slice %add3A_12 {offsets = [0, 0], sizes = [1, 128], strides = [1, 1]} : vector<8x128xf32> to vector<1x128xf32>
    %mul3A = arith.constant 7.62939453E-6 : f32
    %mul3A_13 = vector.broadcast %mul3A : f32 to vector<1x128xf32>
    %mul3A_14 = arith.mulf %slice3A, %mul3A_13 : vector<1x128xf32>
    %slice3A_15 = vector.extract_strided_slice %add3A_12 {offsets = [1, 0], sizes = [1, 128], strides = [1, 1]} : vector<8x128xf32> to vector<1x128xf32>
    %mul3A_16 = arith.constant 7.62939453E-6 : f32
    %mul3A_17 = vector.broadcast %mul3A_16 : f32 to vector<1x128xf32>
    %mul3A_18 = arith.mulf %slice3A_15, %mul3A_17 : vector<1x128xf32>
    %mul3A_19 = arith.mulf %mul3A_14, %mul3A_14 : vector<1x128xf32>
    %sub3A = arith.subf %mul3A_18, %mul3A_19 : vector<1x128xf32>
    %add3A_20 = arith.constant 9.99999974E-6 : f32
    %add3A_21 = vector.broadcast %add3A_20 : f32 to vector<1x128xf32>
    %add3A_22 = arith.addf %sub3A, %add3A_21 : vector<1x128xf32>
    %rsqrt3A = math.rsqrt %add3A_22 : vector<1x128xf32>
    %get3A_23 = arith.constant 0 : index
    %get3A_24 = arith.constant 0 : index
    %get3A_25 = vector.load %arg7[%get3A_23, %get3A_24] : memref<1x128xf32, #tpu.memory_space<vmem>>, vector<1x128xf32>
    %mul3A_26 = arith.mulf %get3A_25, %rsqrt3A : vector<1x128xf32>
    %get3A_27 = arith.constant 0 : index
    %get3A_28 = arith.constant 0 : index
    %get3A_29 = vector.load %arg8[%get3A_27, %get3A_28] : memref<1x128xf32, #tpu.memory_space<vmem>>, vector<1x128xf32>
    %mul3A_30 = arith.mulf %mul3A_14, %mul3A_26 : vector<1x128xf32>
    %sub3A_31 = arith.subf %get3A_29, %mul3A_30 : vector<1x128xf32>
    %get3A_32 = arith.constant 0 : index
    %get3A_33 = arith.constant 0 : index
    %get3A_34 = vector.load %arg1[%get3A_32, %get3A_33] : memref<2048x128xf32, #tpu.memory_space<vmem>>, vector<2048x128xf32>
    %mul3A_35 = vector.broadcast %mul3A_26 : vector<1x128xf32> to vector<2048x128xf32>
    %mul3A_36 = arith.mulf %get3A_34, %mul3A_35 : vector<2048x128xf32>
    %add3A_37 = vector.broadcast %sub3A_31 : vector<1x128xf32> to vector<2048x128xf32>
    %add3A_38 = arith.addf %mul3A_36, %add3A_37 : vector<2048x128xf32>
    %max3A = arith.constant 0.000000e+00 : f32
    %max3A_39 = vector.broadcast %max3A : f32 to vector<2048x128xf32>
    %max3A_40 = arith.maximumf %add3A_38, %max3A_39 : vector<2048x128xf32>
    %get3A_41 = arith.constant 0 : index
    %get3A_42 = arith.constant 0 : index
    %get3A_43 = vector.load %arg9[%get3A_41, %get3A_42] : memref<128x128xf32, #tpu.memory_space<vmem>>, vector<128x128xf32>
    %dot_general3A = arith.constant dense<0.000000e+00> : vector<2048x128xf32>
    %dot_general3A_44 = tpu.matmul %max3A_40, %get3A_43, %dot_general3A {dimension_numbers = #tpu.dot_dimension_numbers<[1], [0], [0], [1], [0, 0, 1, 1], [], []>, transpose_lhs_hint = false} : vector<2048x128xf32>, vector<128x128xf32>, vector<2048x128xf32> -> vector<2048x128xf32>
    %get3A_45 = arith.constant 0 : index
    %get3A_46 = arith.constant 0 : index
    %get3A_47 = vector.load %arg10[%get3A_45, %get3A_46] : memref<1x128xf32, #tpu.memory_space<vmem>>, vector<1x128xf32>
    %add3A_48 = vector.broadcast %get3A_47 : vector<1x128xf32> to vector<2048x128xf32>
    %add3A_49 = arith.addf %dot_general3A_44, %add3A_48 : vector<2048x128xf32>
    %reshape3A = vector.shape_cast %add3A_49 : vector<2048x128xf32> to vector<128x16x128xf32>
    %reduce_max3A = arith.constant dense<0xFF800000> : vector<128x128xf32>
    %reduce_max3A_50 = vector.multi_reduction <maximumf>, %reshape3A, %reduce_max3A [1] : vector<128x16x128xf32> to vector<128x128xf32>
    %broadcast_in_dim3A = vector.shape_cast %reduce_max3A_50 : vector<128x128xf32> to vector<128x1x128xf32>
    %sub3A_51 = vector.broadcast %broadcast_in_dim3A : vector<128x1x128xf32> to vector<128x16x128xf32>
    %sub3A_52 = arith.subf %reshape3A, %sub3A_51 : vector<128x16x128xf32>
    %exp3A = math.exp %sub3A_52 : vector<128x16x128xf32>
    %reduce_sum3A = arith.constant dense<0.000000e+00> : vector<128x128xf32>
    %reduce_sum3A_53 = vector.multi_reduction <add>, %exp3A, %reduce_sum3A [1] : vector<128x16x128xf32> to vector<128x128xf32>
    %broadcast_in_dim3A_54 = vector.shape_cast %reduce_sum3A_53 : vector<128x128xf32> to vector<128x1x128xf32>
    %div3A = vector.broadcast %broadcast_in_dim3A_54 : vector<128x1x128xf32> to vector<128x16x128xf32>
    %div3A_55 = arith.divf %exp3A, %div3A : vector<128x16x128xf32>
    %get3A_56 = arith.constant 0 : index
    %get3A_57 = arith.constant 0 : index
    %get3A_58 = vector.load %arg2[%get3A_56, %get3A_57] : memref<2048x128xf32, #tpu.memory_space<vmem>>, vector<2048x128xf32>
    %reshape3A_59 = vector.shape_cast %get3A_58 : vector<2048x128xf32> to vector<128x16x128xf32>
    %mul3A_60 = arith.mulf %div3A_55, %reshape3A_59 : vector<128x16x128xf32>
    %reduce_sum3A_61 = arith.constant dense<0.000000e+00> : vector<128x128xf32>
    %reduce_sum3A_62 = vector.multi_reduction <add>, %mul3A_60, %reduce_sum3A_61 [1] : vector<128x16x128xf32> to vector<128x128xf32>
    %get3A_63 = arith.constant 0 : index
    %get3A_64 = arith.constant 0 : index
    %get3A_65 = vector.load %arg11[%get3A_63, %get3A_64] : memref<128x128xf32, #tpu.memory_space<vmem>>, vector<128x128xf32>
    %dot_general3A_66 = arith.constant dense<0.000000e+00> : vector<128x128xf32>
    %dot_general3A_67 = tpu.matmul %reduce_sum3A_62, %get3A_65, %dot_general3A_66 {dimension_numbers = #tpu.dot_dimension_numbers<[1], [0], [0], [1], [0, 0, 1, 1], [], []>, transpose_lhs_hint = false} : vector<128x128xf32>, vector<128x128xf32>, vector<128x128xf32> -> vector<128x128xf32>
    %swap3A = arith.constant 0 : index
    %swap3A_68 = arith.constant 0 : index
    %swap3A_69 = vector.load %arg12[%swap3A, %swap3A_68] : memref<128x128xf32, #tpu.memory_space<vmem>>, vector<128x128xf32>
    tpu.vector_store %arg12[%swap3A, %swap3A_68], %dot_general3A_67 {strides = array<i32>} : memref<128x128xf32, #tpu.memory_space<vmem>>, vector<128x128xf32>,
    return
  }
  func.func @transform_0(%arg0: i32) -> (i32, i32) {
    %c0_i32 = arith.constant 0 : i32
    %c0_i32_0 = arith.constant 0 : i32
    return %arg0, %c0_i32 : i32, i32
  }
  func.func @transform_1(%arg0: i32) -> (i32, i32) {
    %c0_i32 = arith.constant 0 : i32
    %c0_i32_0 = arith.constant 0 : i32
    return %arg0, %c0_i32 : i32, i32
  }
  func.func @transform_2(%arg0: i32) -> (i32, i32) {
    %c0_i32 = arith.constant 0 : i32
    %c0_i32_0 = arith.constant 0 : i32
    %c0_i32_1 = arith.constant 0 : i32
    return %c0_i32, %c0_i32_0 : i32, i32
  }
  func.func @transform_3(%arg0: i32) -> (i32, i32) {
    %c0_i32 = arith.constant 0 : i32
    %c0_i32_0 = arith.constant 0 : i32
    %c0_i32_1 = arith.constant 0 : i32
    return %c0_i32, %c0_i32_0 : i32, i32
  }
  func.func @transform_4(%arg0: i32) -> (i32, i32) {
    %c0_i32 = arith.constant 0 : i32
    %c0_i32_0 = arith.constant 0 : i32
    %c0_i32_1 = arith.constant 0 : i32
    return %c0_i32, %c0_i32_0 : i32, i32
  }
  func.func @transform_5(%arg0: i32) -> (i32, i32) {
    %c0_i32 = arith.constant 0 : i32
    %c0_i32_0 = arith.constant 0 : i32
    %c0_i32_1 = arith.constant 0 : i32
    return %c0_i32, %c0_i32_0 : i32, i32
  }
  func.func @transform_6(%arg0: i32) -> (i32, i32) {
    %c0_i32 = arith.constant 0 : i32
    %c0_i32_0 = arith.constant 0 : i32
    %c0_i32_1 = arith.constant 0 : i32
    return %c0_i32, %c0_i32_0 : i32, i32
  }
  func.func @transform_7(%arg0: i32) -> (i32, i32) {
    %c0_i32 = arith.constant 0 : i32
    %c0_i32_0 = arith.constant 0 : i32
    %c0_i32_1 = arith.constant 0 : i32
    return %c0_i32, %c0_i32_0 : i32, i32
  }
  func.func @transform_8(%arg0: i32) -> (i32, i32) {
    %c0_i32 = arith.constant 0 : i32
    %c0_i32_0 = arith.constant 0 : i32
    %c0_i32_1 = arith.constant 0 : i32
    return %c0_i32, %c0_i32_0 : i32, i32
  }
  func.func @transform_9(%arg0: i32) -> (i32, i32) {
    %c0_i32 = arith.constant 0 : i32
    %c0_i32_0 = arith.constant 0 : i32
    %c0_i32_1 = arith.constant 0 : i32
    return %c0_i32, %c0_i32_0 : i32, i32
  }
  func.func @transform_10(%arg0: i32) -> (i32, i32) {
    %c0_i32 = arith.constant 0 : i32
    %c0_i32_0 = arith.constant 0 : i32
    %c0_i32_1 = arith.constant 0 : i32
    return %c0_i32, %c0_i32_0 : i32, i32
  }
  func.func @transform_11(%arg0: i32) -> (i32, i32) {
    %c0_i32 = arith.constant 0 : i32
    %c0_i32_0 = arith.constant 0 : i32
    return %arg0, %c0_i32 : i32, i32
  }
}

</mosaic_0001>

<sc_bundles>
// kernel: kernel.18.cloned.1.call-start
scs
__scs_entry_jumppad:
0x0: {  	(pc) =	sbr.rel $0x88, $3  }
0x1: {  	(tag) =	ssettag $0x0;
	lr =	simm.s32 $0x1  }
0x2: {  	[smem:$0x3F8F] =	sst lr;
	_ =	strace $0xD0000000  }
0x3: {  	_ = 	snop  }
0x4: {  	_ = 	snop  }
0x5: {  	_ = 	snop  }
0x6: {  	_ = 	snop  }
0x7: {  	_ = 	snop  }
__scs_overlays_trampoline_lowered:
0x8: {  	[smem:$0x3F9E] =	sst s0  }
0x9: {  	[smem:$0x3F9F] =	sst s1  }
0xa: {  	[smem:$0x3FA0] =	sst s2  }
0xb: {  	[smem:$0x3FA1] =	sst s3  }
0xc: {  	[smem:$0x3FA2] =	sst s4  }
0xd: {  	[smem:$0x3FA3] =	sst s5  }
0xe: {  	[smem:$0x3FA4] =	sst s6  }
0xf: {  	[smem:$0x3FA5] =	sst s7  }
0x10: {  	[smem:$0x3FA6] =	sst s8  }
0x11: {  	[smem:$0x3FA7] =	sst s9;
	s0 =	simm.s32 @!p0 $0x0  }
0x12: {  	s1 =	sld [smem:$0x3F8D];
	s0 =	simm.s32 @p0 $0x1  }
0x13: {  	[smem:$0x3FA8] =	sst s0;
	s0 =	simm.s32 @!p1 $0x0  }
0x14: {  	s2 =	sld [smem:$0x3F8C];
	s0 =	simm.s32 @p1 $0x1  }
0x15: {  	[smem:$0x3FA9] =	sst s0;
	s0 =	simm.s32 @!p2 $0x0  }
0x16: {  	s3 =	sld [smem:$0x3FDB];
	s0 =	simm.s32 @p2 $0x1  }
0x17: {  	s4 =	simm.s32 $0x1BF5;
	[smem:$0x3FAB] =	sst s0  }
0x18: {  	s0 =	sld [smem:$0x3F8E];
	_ =	swait.ge [sflag:s4], $0x0  }
0x19: {  	s7 =	sld [smem:$0x3F8F]  }
0x1a: {  	s8 =	sadd.s32 $0xFFFFE003, lr  }
0x1b: {  	s9 =	sadd.s32 $0xFFFFFEF7, lr;
	s5 =	simm.s32 $0xFFFFFFFF;
	p2 =	slt.u32 s8, $0xFFFFF086  }
0x1c: {  	p1 =	slt.u32 s9, $0xF7A;
	s5 =	simm.s32 @!p2 $0x0  }
0x1d: {  	s5 =	simm.s32 @p1 $0x1;
	p0 =	seq.s32 s7, s2  }
0x1e: {  	s7 =	smul.u32 @!p0 $0xF7A, s2;
	p2 =	seq.s32 @!p0 s5, $0x0  }
0x1f: {  	s9 =	smul.u32 $0xF7A, s1;
	s8 =	simm.s32 @!p0 $0x1BF5;
	p2 =	por !p2, p0  }
0x20: {  	[sflag:s8] =	ssyncset.s32 @!p0 $0xFFFFF086;
	s6 =	sadd.s32 @!p0 s3, s7;
	s7 =	simm.s32 @!p0 $0x108  }
0x21: {  	s3 =	sadd.s32 s3, s9;
	s6 =	sadd.s32 @!p0 $0x88, s6;
	s7 =	simm.s32 @p2 $0x1082  }
0x22: {  	[simem:s7], [sflag:s8] =	dma.local @!p0 [hbm:s6], $0xF7A  }
0x23: {  	s9 =	sor.u32 $0xD0000000, s2;
	s6 =	simm.s32 $0x108;
	_ =	swait.ge @!p0 [sflag:s8], $0x0  }
0x24: {  	s3 =	sadd.s32 $0x88, s3;
	s6 =	simm.s32 @!p1 $0x1082;
	[sflag:s4] =	ssyncset.s32 $0xFFFFF086  }
0x25: {  	[simem:s6], [sflag:s4] =	dma.local [hbm:s3], $0xF7A  }
0x26: {  	[smem:$0x3F8F] =	sst s1;
	(tag) =	ssettag s2;
	_ =	strace s9  }
0x27: {  	s1 =	sld [smem:$0x3F9F]  }
0x28: {  	s2 =	sld [smem:$0x3FA0]  }
0x29: {  	s4 =	sld [smem:$0x3FA2]  }
0x2a: {  	p0 =	seq.s32 s5, $0x0;
	s5 =	sld [smem:$0x3FA3]  }
0x2b: {  	s6 =	sld [smem:$0x3FA4]  }
0x2c: {  	s7 =	sld [smem:$0x3FA5]  }
0x2d: {  	s3 =	simm.s32 $0x108;
	s8 =	sld [smem:$0x3FA6]  }
0x2e: {  	s3 =	simm.s32 @!p0 $0x1082;
	s9 =	sld [smem:$0x3FA7]  }
0x2f: {  	lr =	sadd.s32 s0, s3;
	s0 =	sld [smem:$0x3F9E]  }
0x30: {  	s3 =	sld [smem:$0x3FA1]  }
0x31: {  	[smem:$0x3FAA] =	sst s10  }
0x32: {  	s10 =	sld [smem:$0x3FA8];
	_ =	sdelay $0x3  }
0x33: {  	p0 =	seq.s32 s10, $0x1;
	s10 =	sld [smem:$0x3FAA];
	_ =	sdelay $0x3  }
0x34: {  	[smem:$0x3FAA] =	sst s10  }
0x35: {  	s10 =	sld [smem:$0x3FA9];
	_ =	sdelay $0x3  }
0x36: {  	p1 =	seq.s32 s10, $0x1;
	s10 =	sld [smem:$0x3FAA];
	_ =	sdelay $0x3  }
0x37: {  	[smem:$0x3FAA] =	sst s10  }
0x38: {  	s10 =	sld [smem:$0x3FAB]  }
0x39: {  	_ = 	snop;
	(pc) =	sbr.ind lr, $3  }
0x3a: {  	_ = 	snop  }
0x3b: {  	_ = 	snop  }
0x3c: {  	p2 =	seq.s32 s10, $0x1;
	s10 =	sld [smem:$0x3FAA]  }
0x3d: {  	_ =	shalt  }
0x3e: {  	_ =	shalt  }
0x3f: {  	_ =	shalt  }
0x40: {  	_ =	shalt  }
0x41: {  	_ =	shalt  }
0x42: {  	_ =	shalt  }
0x43: {  	_ =	shalt  }
0x44: {  	_ =	shalt  }
0x45: {  	_ =	shalt  }
0x46: {  	_ =	shalt  }
0x47: {  	_ =	shalt  }
0x48: {  	_ =	shalt  }
0x49: {  	_ =	shalt  }
0x4a: {  	_ =	shalt  }
0x4b: {  	_ =	shalt  }
0x4c: {  	_ =	shalt  }
0x4d: {  	_ =	shalt  }
0x4e: {  	_ =	shalt  }
0x4f: {  	_ =	shalt  }
0x50: {  	_ =	shalt  }
0x51: {  	_ =	shalt  }
0x52: {  	_ =	shalt  }
0x53: {  	_ =	shalt  }
0x54: {  	_ =	shalt  }
0x55: {  	_ =	shalt  }
0x56: {  	_ =	shalt  }
0x57: {  	_ =	shalt  }
0x58: {  	_ =	shalt  }
0x59: {  	_ =	shalt  }
0x5a: {  	_ =	shalt  }
0x5b: {  	_ =	shalt  }
0x5c: {  	_ =	shalt  }
0x5d: {  	_ =	shalt  }
0x5e: {  	_ =	shalt  }
0x5f: {  	_ =	shalt  }
0x60: {  	_ =	shalt  }
0x61: {  	_ =	shalt  }
0x62: {  	_ =	shalt  }
0x63: {  	_ =	shalt  }
0x64: {  	_ =	shalt  }
0x65: {  	_ =	shalt  }
0x66: {  	_ =	shalt  }
0x67: {  	_ =	shalt  }
0x68: {  	_ =	shalt  }
0x69: {  	_ =	shalt  }
0x6a: {  	_ =	shalt  }
0x6b: {  	_ =	shalt  }
0x6c: {  	_ =	shalt  }
0x6d: {  	_ =	shalt  }
0x6e: {  	_ =	shalt  }
0x6f: {  	_ =	shalt  }
0x70: {  	_ =	shalt  }
0x71: {  	_ =	shalt  }
0x72: {  	_ =	shalt  }
0x73: {  	_ =	shalt  }
0x74: {  	_ =	shalt  }
0x75: {  	_ =	shalt  }
0x76: {  	_ =	shalt  }
0x77: {  	_ =	shalt  }
0x78: {  	_ =	shalt  }
0x79: {  	_ =	shalt  }
0x7a: {  	_ =	shalt  }
0x7b: {  	_ =	shalt  }
0x7c: {  	_ =	shalt  }
0x7d: {  	_ =	shalt  }
0x7e: {  	_ =	shalt  }
0x7f: {  	_ =	shalt  }
0x80: {  	_ =	shalt  }
0x81: {  	_ =	shalt  }
0x82: {  	_ =	shalt  }
0x83: {  	_ =	shalt  }
0x84: {  	_ =	shalt  }
0x85: {  	_ =	shalt  }
0x86: {  	_ =	shalt  }
0x87: {  	_ =	shalt  }
.Lfunc_end0:
.L_simem_size_0:
called_computation_lowered:
.L_overlay_start_0:
0x88: {  	s2 =	sld [smem:$0x3FD9]  }
0x89: {  	s3 =	sld [smem:$0x3FFE];
	_ =	sdelay $0x1  }
0x8a: {  	s1 =	srdreg.scid  }
0x8b: {  	s0 =	sand.u32 $0x1, s1  }
0x8c: {  	s16 =	sshll.u32 s0, $0xA;
	s2 =	sadd.s32 s3, s2  }
0x8d: {  	s2 =	sadd.s32 s2, s16  }
0x8e: {  	[smem:$0x3FB6] =	sst s2  }
0x8f: {  	_ = 	snop  }
0x90: {  	(tm) =	ssettm $0x1  }
0x91: {  	s17 =	sld [smem:$0x3FFB];
	_ =	sdelay $0x3  }
0x92: {  	_ =	strace s17  }
0x93: {  	s2 =	sld [smem:$0x3FFC];
	_ =	sdelay $0x3  }
0x94: {  	_ =	strace s2  }
0x95: {  	s2 =	sld [smem:$0x3FFD];
	_ =	sdelay $0x3  }
0x96: {  	_ =	strace s2  }
0x97: {  	_ =	strace $0x8FFFFFFF  }
0x98: {  	s18 =	sld [smem:$0x3FDB];
	_ =	sdelay $0x1  }
0x99: {  	s19 =	simm.s32 $_scs_section_size  }
0x9a: {  	s4 =	simm.s32 $_size__tile_overlayer_lowered;
	s5 =	simm.s32 $_tile_overlayer_lowered  }
0x9b: {  	s22 =	simm.s32 $0x1BFF;
	s21 =	sshll.u32 s5, $0x1;
	s2 =	sadd.s32 s19, s18  }
0x9c: {  	s6 =	simm.s32 $0x0;
	s20 =	sshll.u32 s4, $0x1;
	s4 =	sadd.s32 s21, s2  }
0x9d: {  	[timem:s6], [sflag:s22] =	dma.local [hbm:s4], s20  }
0x9e: {  	_ =	swait.ge [sflag:s22], s20  }
0x9f: {  	s3 =	ssub.s32 $0x0, s20;
	[sflag:s22] =	ssyncset.done $0x0  }
0xa0: {  	[sflag:s22] =	ssyncadd.s32 s3;
	_ =	sdelay $0x1  }
0xa1: {  	s23 =	simm.s32 $0x1B8B  }
0xa2: {  	_ =	swait.ge [sflag:s23], $0x1  }
0xa3: {  	[sflag:s23] =	ssyncset.done $0x0  }
0xa4: {  	s25 =	simm.s32 $0x1B8E;
	s24 =	sld [smem:$0x3FFE];
	[sflag:s23] =	ssyncadd.s32 $0xFFFFFFFF  }
0xa5: {  	s26 =	simm.s32 $execute0_lowered;
	[smem:$0x3FD2] =	sst s25  }
0xa6: {  	s4 =	sshll.u32 s26, $0x1;
	_ =	strace $0x80000046;
	[dreg:$0x1] =	wrdreg $0xFFFFFFFF  }
0xa7: {  	s28 =	simm.s32 $_size_execute0_lowered;
	s2 =	sadd.s32 s2, s4;
	[dreg:$0x0] =	wrdreg $0x0  }
0xa8: {  	s4 =	sshll.u32 s28, $0x1;
	[dreg:$0x2] =	wrdreg s2  }
0xa9: {  	[dreg:$0x3] =	wrdreg s4  }
0xaa: {  	[dreg:$0x4] =	wrdreg $0xC0  }
0xab: {  	_ =	task [dreg:s6], $0x5FFFF  }
0xac: {  	[dreg:$0x1] =	wrdreg $0xFFFFFFFF  }
0xad: {  	[dreg:$0x0] =	wrdreg $0x60  }
0xae: {  	[dreg:$0x2] =	wrdreg s24  }
0xaf: {  	[dreg:$0x3] =	wrdreg $0x9  }
0xb0: {  	_ =	task.clear_ibuf [dreg:s6], $0x4FFFF;
	_ =	strace $0x90000046  }
0xb1: {  	s29 =	simm.s32 $0x9;
	_ =	strace $0x80000048  }
0xb2: {  	_ =	swait.ge [sflag:s29], $0x1  }
0xb3: {  	[sflag:s29] =	ssyncadd.s32 $0xFFFFFFFF  }
0xb4: {  	_ =	strace $0x90000048  }
0xb5: {  	_ =	sfence  }
0xb6: {  	s30 =	sld [smem:$0x0];
	_ =	sdelay $0x2  }
0xb7: {  	s31 =	sshll.u32 s1, $0xD;
	s1 =	sshrl.u32 s1, $0x2  }
0xb8: {  	s3 =	sand.u32 $0x4000, s31;
	s1 =	sadd.s32 s1, s30  }
0xb9: {  	s0 =	sor.u32 s3, s0;
	s1 =	sshll.u32 s1, $0x11  }
0xba: {  	s0 =	sor.u32 s1, s0  }
0xbb: {  	s0 =	sadd.s32 $0x8F2B, s0  }
0xbc: {  	[sflag:s0] =	ssyncadd.remote.s32 $0x1  }
0xbd: {  	_ =	sfence.sel $0xFFFF  }
0xbe: {  	[dreg:$0x0] =	wrdreg $0xFFFFFFFF;
	(pc) =	sbr.abs _section_cstart, $3  }
0xbf: {  	[dreg:$0x1] =	wrdreg $0xFFFFFFFF  }
0xc0: {  	_ =	task.clear_ibuf [dreg:s6], $0x2FFFF;
	_ =	strace $0x9FFFFFFF  }
0xc1: {  	(tm) =	ssettm $0x7FFFFFFF  }
tec
execute0_lowered:
.L_overlay_start_1:
0x0: {  	(tag) =	ssettag $0x1  }
0x1: {  	s0 =	rddreg [dreg:$0x0];
	s7 =	stileid.u32  }
0x2: {  	s1 =	srdreg.scid;
	s2 =	simm.s32 $0x0;
	s10 =	simm.s32 $0x880  }
0x3: {  	s11 =	simm.s32 $0x1080;
	s13 =	simm.s32 $0x1880;
	[smem:$0x7FF] =	sst s2  }
0x4: {  	s14 =	simm.s32 $0x2080;
	_ =	strace $0x80000047;
	[dreg:$0x3] =	wrdreg s10  }
0x5: {  	s15 =	simm.s32 $0x2880;
	s17 =	simm.s32 $0x3080;
	[dreg:$0x4] =	wrdreg s11  }
0x6: {  	s18 =	simm.s32 $0x3880;
	s19 =	simm.s32 $0x4080;
	[dreg:$0x5] =	wrdreg s13  }
0x7: {  	s20 =	simm.s32 $0x4880;
	s22 =	simm.s32 $0x5080;
	[dreg:$0x6] =	wrdreg s14  }
0x8: {  	s23 =	simm.s32 $0x5880;
	s25 =	simm.s32 $0x6080;
	[dreg:$0x7] =	wrdreg s15  }
0x9: {  	s26 =	simm.s32 $0x6880;
	s31 =	simm.s32 $0x7080;
	[dreg:$0x8] =	wrdreg s17  }
0xa: {  	s8 =	simm.s32 $0x80;
	s9 =	simm.s32 $0x7880;
	[dreg:$0x9] =	wrdreg s18  }
0xb: {  	s28 =	simm.s32 $0x2;
	s29 =	simm.s32 $0x3;
	[dreg:$0xa] =	wrdreg s19  }
0xc: {  	s30 =	simm.s32 $0x0;
	s3 =	sshll.u32 s7, $0x10;
	[dreg:$0xb] =	wrdreg s20  }
0xd: {  	s1 =	sand.u32 $0x1, s1;
	s5 =	sadd.s32 $0x27800, s0;
	[dreg:$0xc] =	wrdreg s22  }
0xe: {  	s16 =	sshll.u32 s7, $0xB;
	s7 =	simm.s32 $0x4;
	[dreg:$0xd] =	wrdreg s23  }
0xf: {  	s3 =	sadd.s32 s3, s0;
	s4 =	sshll.u32 s1, $0xF;
	[dreg:$0xe] =	wrdreg s25  }
0x10: {  	s12 =	ssub.s32 $0x2, s1;
	s1 =	sshll.u32 s1, $0xA;
	[dreg:$0xf] =	wrdreg s26  }
0x11: {  	[dreg:$0x10] =	wrdreg s31;
	s10 =	simm.s32 $0x1;
	s11 =	simm.s32 $0x8080  }
0x12: {  	s13 =	simm.s32 $0x9080;
	s14 =	simm.s32 $0x9880;
	s15 =	simm.s32 $0xA080  }
0x13: {  	s17 =	simm.s32 $0xB080;
	s18 =	simm.s32 $0xB880;
	s19 =	simm.s32 $0xC080  }
0x14: {  	s20 =	simm.s32 $0xC880;
	s22 =	simm.s32 $0xD880;
	s23 =	simm.s32 $0xE080  }
0x15: {  	s25 =	simm.s32 $0xF080;
	s26 =	simm.s32 $0xF880;
	s3 =	sadd.s32 s4, s3  }
0x16: {  	s6 =	sshrl.u32 s12, $0x1;
	s1 =	sor.u32 s1, s16;
	s4 =	sadd.s32 $0x28800, s3  }
0x17: {  	s16 =	simm.s32 $0xA880;
	[dreg:$0x2] =	wrdreg s4;
	s4 =	ssub.s32 s12, s6  }
0x18: {  	s3 =	sadd.s32 $0x7600, s0;
	s21 =	sor.u32 $0x80, s1;
	s4 =	smax.u32 s4, $0x1  }
0x19: {  	v2 =	vlaneseq.u32;
	s1 =	sshrl.u32 s1, $0x3;
	[dreg:$0x11] =	wrdreg s4;
	s4 =	sshrl.u32 s21, $0x3  }
0x1a: {  	vm0 =	vmmov $0xffff;
	v1 =	vshrl.u32 v2, $0x3;
	s6 =	sadd.s32 s1, s5;
	s12 =	simm.s32 $0x8880;
	s24 =	sadd.s32 s4, s5  }
0x1b: {  	v0 =	vand.u32 $0x7, v2;
	v2 =	vor.u32 $0x8, v2;
	v1 =	vmul.u32 $0x8, v1;
	s21 =	simm.s32 $0xD080;
	[dreg:$0x12] =	wrdreg s24;
	s24 =	simm.s32 $0xE880  }
.LBB2_1:
0x1c: {  	s31 =	smov.u32 s6;
	s5 =	rddreg [dreg:$0x12];
	s1 =	simm.s32 $0x0  }
.LBB2_2:
0x1d: {  	p0 =	seq.s32 s1, $0x0  }
0x1e: {  	s4 =	simm.s32 @!p0 $0x2  }
0x1f: {  	_ =	swait.ge @!p0 [sflag:s4], $0x8000  }
0x20: {  	[sflag:s4] =	ssyncset.done @!p0 $0x0  }
0x21: {  	[sflag:s4] =	ssyncadd.s32 @!p0 $0xFFFF8000;
	s4 =	simm.s32 @!p0 $0x3  }
0x22: {  	_ =	swait.ge @!p0 [sflag:s4], $0x8000  }
0x23: {  	[sflag:s4] =	ssyncset.done @!p0 $0x0  }
0x24: {  	[sflag:s4] =	ssyncadd.s32 @!p0 $0xFFFF8000  }
0x25: {  	[tilespmem:s2], [sflag:$0x4] =	stream.linear.gather [hbm4b:s31+s2], $0x80, $0x38;
	[tilespmem:$0x10080] =	vst v63  }
0x26: {  	_ =	swait.ge [sflag:s7], $0x80  }
0x27: {  	[sflag:s7] =	ssyncset.done $0x0  }
0x28: {  	[sflag:s7] =	ssyncadd.s32 $0xFFFFFF80  }
0x29: {  	v3 =	vld [tilespmem:$0x0];
	_ =	sdelay $0x4  }
0x2a: {  	v4 =	vshll.u32 v3, $0x1  }
0x2b: {  	v3 =	vand.u32 $0x7, v3;
	v4 =	vand.u32 $0xFFFFFFF0, v4  }
0x2c: {  	v3 =	vor.u32 v3, v4  }
0x2d: {  	v4 =	vperm.xlane v3, v0;
	_ =	sdelay $0x1  }
0x2e: {  	v3 =	vperm.xlane v3, v2;
	v4 =	vadd.s32 v1, v4;
	_ =	sdelay $0x1  }
0x2f: {  	v3 =	vadd.s32 v1, v3;
	_ =	sdelay $0x2  }
0x30: {  	[tilespmem:s8], [sflag:$0x1] =	stream.indirect_vreg.gather [hbm4b:s3+s2], $0x80, v4, vm0, $0xb8;
	[tilespmem:$0x10080] =	vst v63  }
0x31: {  	s0 =	rddreg [dreg:$0x3]  }
0x32: {  	[tilespmem:s0], [sflag:$0x1] =	stream.indirect_vreg.gather [hbm4b:s3+s2], $0x80, v3, vm0, $0xb8;
	[tilespmem:$0x10080] =	vst v63  }
0x33: {  	v3 =	vld [tilespmem:$0x10];
	_ =	sdelay $0x4  }
0x34: {  	v49 =	vshll.u32 v3, $0x1  }
0x35: {  	v3 =	vand.u32 $0x7, v3;
	v4 =	vand.u32 $0xFFFFFFF0, v49  }
0x36: {  	v3 =	vor.u32 v3, v4  }
0x37: {  	v4 =	vperm.xlane v3, v0;
	_ =	sdelay $0x1  }
0x38: {  	v3 =	vperm.xlane v3, v2;
	v4 =	vadd.s32 v1, v4;
	_ =	sdelay $0x1  }
0x39: {  	v3 =	vadd.s32 v1, v3;
	_ =	sdelay $0x1  }
0x3a: {  	s4 =	rddreg [dreg:$0x4]  }
0x3b: {  	[tilespmem:s4], [sflag:$0x1] =	stream.indirect_vreg.gather [hbm4b:s3+s2], $0x80, v4, vm0, $0xb8;
	[tilespmem:$0x10080] =	vst v63  }
0x3c: {  	s0 =	rddreg [dreg:$0x5]  }
0x3d: {  	[tilespmem:s0], [sflag:$0x1] =	stream.indirect_vreg.gather [hbm4b:s3+s2], $0x80, v3, vm0, $0xb8;
	[tilespmem:$0x10080] =	vst v63  }
0x3e: {  	v3 =	vld [tilespmem:$0x20];
	_ =	sdelay $0x4  }
0x3f: {  	v50 =	vshll.u32 v3, $0x1  }
0x40: {  	v3 =	vand.u32 $0x7, v3;
	v4 =	vand.u32 $0xFFFFFFF0, v50  }
0x41: {  	v3 =	vor.u32 v3, v4  }
0x42: {  	v4 =	vperm.xlane v3, v0;
	_ =	sdelay $0x1  }
0x43: {  	v3 =	vperm.xlane v3, v2;
	v4 =	vadd.s32 v1, v4;
	_ =	sdelay $0x1  }
0x44: {  	v3 =	vadd.s32 v1, v3;
	_ =	sdelay $0x1  }
0x45: {  	s0 =	rddreg [dreg:$0x6]  }
0x46: {  	[tilespmem:s0], [sflag:$0x1] =	stream.indirect_vreg.gather [hbm4b:s3+s2], $0x80, v4, vm0, $0xb8;
	[tilespmem:$0x10080] =	vst v63  }
0x47: {  	s4 =	rddreg [dreg:$0x7]  }
0x48: {  	[tilespmem:s4], [sflag:$0x1] =	stream.indirect_vreg.gather [hbm4b:s3+s2], $0x80, v3, vm0, $0xb8;
	[tilespmem:$0x10080] =	vst v63  }
0x49: {  	v3 =	vld [tilespmem:$0x30];
	_ =	sdelay $0x4  }
0x4a: {  	v51 =	vshll.u32 v3, $0x1  }
0x4b: {  	v3 =	vand.u32 $0x7, v3;
	v4 =	vand.u32 $0xFFFFFFF0, v51  }
0x4c: {  	v3 =	vor.u32 v3, v4  }
0x4d: {  	v4 =	vperm.xlane v3, v0;
	_ =	sdelay $0x1  }
0x4e: {  	v3 =	vperm.xlane v3, v2;
	v4 =	vadd.s32 v1, v4;
	_ =	sdelay $0x1  }
0x4f: {  	v3 =	vadd.s32 v1, v3;
	_ =	sdelay $0x1  }
0x50: {  	s0 =	rddreg [dreg:$0x8]  }
0x51: {  	[tilespmem:s0], [sflag:$0x1] =	stream.indirect_vreg.gather [hbm4b:s3+s2], $0x80, v4, vm0, $0xb8;
	[tilespmem:$0x10080] =	vst v63  }
0x52: {  	s4 =	rddreg [dreg:$0x9]  }
0x53: {  	[tilespmem:s4], [sflag:$0x1] =	stream.indirect_vreg.gather [hbm4b:s3+s2], $0x80, v3, vm0, $0xb8;
	[tilespmem:$0x10080] =	vst v63  }
0x54: {  	v3 =	vld [tilespmem:$0x40];
	_ =	sdelay $0x4  }
0x55: {  	v52 =	vshll.u32 v3, $0x1  }
0x56: {  	v3 =	vand.u32 $0x7, v3;
	v4 =	vand.u32 $0xFFFFFFF0, v52  }
0x57: {  	v3 =	vor.u32 v3, v4  }
0x58: {  	v4 =	vperm.xlane v3, v0;
	_ =	sdelay $0x1  }
0x59: {  	v3 =	vperm.xlane v3, v2;
	v4 =	vadd.s32 v1, v4;
	_ =	sdelay $0x1  }
0x5a: {  	v3 =	vadd.s32 v1, v3;
	_ =	sdelay $0x1  }
0x5b: {  	s0 =	rddreg [dreg:$0xa]  }
0x5c: {  	[tilespmem:s0], [sflag:$0x1] =	stream.indirect_vreg.gather [hbm4b:s3+s2], $0x80, v4, vm0, $0xb8;
	[tilespmem:$0x10080] =	vst v63  }
0x5d: {  	s4 =	rddreg [dreg:$0xb]  }
0x5e: {  	[tilespmem:s4], [sflag:$0x1] =	stream.indirect_vreg.gather [hbm4b:s3+s2], $0x80, v3, vm0, $0xb8;
	[tilespmem:$0x10080] =	vst v63  }
0x5f: {  	v3 =	vld [tilespmem:$0x50];
	_ =	sdelay $0x4  }
0x60: {  	v53 =	vshll.u32 v3, $0x1  }
0x61: {  	v3 =	vand.u32 $0x7, v3;
	v4 =	vand.u32 $0xFFFFFFF0, v53  }
0x62: {  	v3 =	vor.u32 v3, v4  }
0x63: {  	v4 =	vperm.xlane v3, v0;
	_ =	sdelay $0x1  }
0x64: {  	v3 =	vperm.xlane v3, v2;
	v4 =	vadd.s32 v1, v4;
	_ =	sdelay $0x1  }
0x65: {  	v3 =	vadd.s32 v1, v3;
	_ =	sdelay $0x1  }
0x66: {  	s0 =	rddreg [dreg:$0xc]  }
0x67: {  	[tilespmem:s0], [sflag:$0x1] =	stream.indirect_vreg.gather [hbm4b:s3+s2], $0x80, v4, vm0, $0xb8;
	[tilespmem:$0x10080] =	vst v63  }
0x68: {  	s4 =	rddreg [dreg:$0xd]  }
0x69: {  	[tilespmem:s4], [sflag:$0x1] =	stream.indirect_vreg.gather [hbm4b:s3+s2], $0x80, v3, vm0, $0xb8;
	[tilespmem:$0x10080] =	vst v63  }
0x6a: {  	v3 =	vld [tilespmem:$0x60];
	_ =	sdelay $0x4  }
0x6b: {  	v54 =	vshll.u32 v3, $0x1  }
0x6c: {  	v3 =	vand.u32 $0x7, v3;
	v4 =	vand.u32 $0xFFFFFFF0, v54  }
0x6d: {  	v3 =	vor.u32 v3, v4  }
0x6e: {  	v4 =	vperm.xlane v3, v0;
	_ =	sdelay $0x1  }
0x6f: {  	v3 =	vperm.xlane v3, v2;
	v4 =	vadd.s32 v1, v4;
	_ =	sdelay $0x1  }
0x70: {  	v3 =	vadd.s32 v1, v3;
	_ =	sdelay $0x1  }
0x71: {  	s0 =	rddreg [dreg:$0xe]  }
0x72: {  	[tilespmem:s0], [sflag:$0x1] =	stream.indirect_vreg.gather [hbm4b:s3+s2], $0x80, v4, vm0, $0xb8;
	[tilespmem:$0x10080] =	vst v63  }
0x73: {  	s4 =	rddreg [dreg:$0xf]  }
0x74: {  	[tilespmem:s4], [sflag:$0x1] =	stream.indirect_vreg.gather [hbm4b:s3+s2], $0x80, v3, vm0, $0xb8;
	[tilespmem:$0x10080] =	vst v63  }
0x75: {  	v3 =	vld [tilespmem:$0x70];
	_ =	sdelay $0x4  }
0x76: {  	v55 =	vshll.u32 v3, $0x1  }
0x77: {  	v3 =	vand.u32 $0x7, v3;
	v4 =	vand.u32 $0xFFFFFFF0, v55  }
0x78: {  	v3 =	vor.u32 v3, v4  }
0x79: {  	v4 =	vperm.xlane v3, v0;
	_ =	sdelay $0x1  }
0x7a: {  	v3 =	vperm.xlane v3, v2;
	v4 =	vadd.s32 v1, v4;
	_ =	sdelay $0x1  }
0x7b: {  	v3 =	vadd.s32 v1, v3;
	_ =	sdelay $0x1  }
0x7c: {  	s4 =	rddreg [dreg:$0x10]  }
0x7d: {  	[tilespmem:s4], [sflag:$0x1] =	stream.indirect_vreg.gather [hbm4b:s3+s2], $0x80, v4, vm0, $0xb8;
	[tilespmem:$0x10080] =	vst v63  }
0x7e: {  	_ = 	snop  }
0x7f: {  	[tilespmem:s9], [sflag:$0x1] =	stream.indirect_vreg.gather [hbm4b:s3+s2], $0x80, v3, vm0, $0xb8;
	[tilespmem:$0x10080] =	vst v63  }
0x80: {  	_ =	swait.ge [sflag:s10], $0x8000  }
0x81: {  	s4 =	rddreg [dreg:$0x2];
	[sflag:s10] =	ssyncset.done $0x0  }
0x82: {  	[sflag:s10] =	ssyncadd.s32 $0xFFFF8000;
	s0 =	sadd.s32 s1, s4  }
0x83: {  	[hbm4b:s0+s2] =	stream.linear.scatter [tilespmem:s8], [sflag:$0x2], $0x8000, $0x38;
	[tilespmem:$0x10080] =	vst v63  }
0x84: {  	_ = 	snop  }
0x85: {  	[tilespmem:s2], [sflag:$0x4] =	stream.linear.gather [hbm4b:s5+s2], $0x80, $0x38;
	[tilespmem:$0x10080] =	vst v63  }
0x86: {  	_ =	swait.ge [sflag:s7], $0x80  }
0x87: {  	[sflag:s7] =	ssyncset.done $0x0  }
0x88: {  	[sflag:s7] =	ssyncadd.s32 $0xFFFFFF80  }
0x89: {  	v3 =	vld [tilespmem:$0x0];
	_ =	sdelay $0x4  }
0x8a: {  	v56 =	vshll.u32 v3, $0x1  }
0x8b: {  	v3 =	vand.u32 $0x7, v3;
	v4 =	vand.u32 $0xFFFFFFF0, v56  }
0x8c: {  	v3 =	vor.u32 v3, v4  }
0x8d: {  	v4 =	vperm.xlane v3, v0;
	_ =	sdelay $0x1  }
0x8e: {  	v3 =	vperm.xlane v3, v2;
	v4 =	vadd.s32 v1, v4;
	_ =	sdelay $0x1  }
0x8f: {  	v3 =	vadd.s32 v1, v3;
	_ =	sdelay $0x2  }
0x90: {  	[tilespmem:s11], [sflag:$0x1] =	stream.indirect_vreg.gather [hbm4b:s3+s2], $0x80, v4, vm0, $0xb8;
	[tilespmem:$0x10080] =	vst v63  }
0x91: {  	_ = 	snop  }
0x92: {  	[tilespmem:s12], [sflag:$0x1] =	stream.indirect_vreg.gather [hbm4b:s3+s2], $0x80, v3, vm0, $0xb8;
	[tilespmem:$0x10080] =	vst v63  }
0x93: {  	v3 =	vld [tilespmem:$0x10];
	_ =	sdelay $0x4  }
0x94: {  	v57 =	vshll.u32 v3, $0x1  }
0x95: {  	v3 =	vand.u32 $0x7, v3;
	v4 =	vand.u32 $0xFFFFFFF0, v57  }
0x96: {  	v3 =	vor.u32 v3, v4  }
0x97: {  	v4 =	vperm.xlane v3, v0;
	_ =	sdelay $0x1  }
0x98: {  	v3 =	vperm.xlane v3, v2;
	v4 =	vadd.s32 v1, v4;
	_ =	sdelay $0x1  }
0x99: {  	v3 =	vadd.s32 v1, v3;
	_ =	sdelay $0x2  }
0x9a: {  	[tilespmem:s13], [sflag:$0x1] =	stream.indirect_vreg.gather [hbm4b:s3+s2], $0x80, v4, vm0, $0xb8;
	[tilespmem:$0x10080] =	vst v63  }
0x9b: {  	_ = 	snop  }
0x9c: {  	[tilespmem:s14], [sflag:$0x1] =	stream.indirect_vreg.gather [hbm4b:s3+s2], $0x80, v3, vm0, $0xb8;
	[tilespmem:$0x10080] =	vst v63  }
0x9d: {  	v3 =	vld [tilespmem:$0x20];
	_ =	sdelay $0x4  }
0x9e: {  	v58 =	vshll.u32 v3, $0x1  }
0x9f: {  	v3 =	vand.u32 $0x7, v3;
	v4 =	vand.u32 $0xFFFFFFF0, v58  }
0xa0: {  	v3 =	vor.u32 v3, v4  }
0xa1: {  	v4 =	vperm.xlane v3, v0;
	_ =	sdelay $0x1  }
0xa2: {  	v3 =	vperm.xlane v3, v2;
	v4 =	vadd.s32 v1, v4;
	_ =	sdelay $0x1  }
0xa3: {  	v3 =	vadd.s32 v1, v3;
	_ =	sdelay $0x2  }
0xa4: {  	[tilespmem:s15], [sflag:$0x1] =	stream.indirect_vreg.gather [hbm4b:s3+s2], $0x80, v4, vm0, $0xb8;
	[tilespmem:$0x10080] =	vst v63  }
0xa5: {  	_ = 	snop  }
0xa6: {  	[tilespmem:s16], [sflag:$0x1] =	stream.indirect_vreg.gather [hbm4b:s3+s2], $0x80, v3, vm0, $0xb8;
	[tilespmem:$0x10080] =	vst v63  }
0xa7: {  	v3 =	vld [tilespmem:$0x30];
	_ =	sdelay $0x4  }
0xa8: {  	v59 =	vshll.u32 v3, $0x1  }
0xa9: {  	v3 =	vand.u32 $0x7, v3;
	v4 =	vand.u32 $0xFFFFFFF0, v59  }
0xaa: {  	v3 =	vor.u32 v3, v4  }
0xab: {  	v4 =	vperm.xlane v3, v0;
	_ =	sdelay $0x1  }
0xac: {  	v3 =	vperm.xlane v3, v2;
	v4 =	vadd.s32 v1, v4;
	_ =	sdelay $0x1  }
0xad: {  	v3 =	vadd.s32 v1, v3;
	_ =	sdelay $0x2  }
0xae: {  	[tilespmem:s17], [sflag:$0x1] =	stream.indirect_vreg.gather [hbm4b:s3+s2], $0x80, v4, vm0, $0xb8;
	[tilespmem:$0x10080] =	vst v63  }
0xaf: {  	_ = 	snop  }
0xb0: {  	[tilespmem:s18], [sflag:$0x1] =	stream.indirect_vreg.gather [hbm4b:s3+s2], $0x80, v3, vm0, $0xb8;
	[tilespmem:$0x10080] =	vst v63  }
0xb1: {  	v3 =	vld [tilespmem:$0x40];
	_ =	sdelay $0x4  }
0xb2: {  	v60 =	vshll.u32 v3, $0x1  }
0xb3: {  	v3 =	vand.u32 $0x7, v3;
	v4 =	vand.u32 $0xFFFFFFF0, v60  }
0xb4: {  	v3 =	vor.u32 v3, v4  }
0xb5: {  	v4 =	vperm.xlane v3, v0;
	_ =	sdelay $0x1  }
0xb6: {  	v3 =	vperm.xlane v3, v2;
	v4 =	vadd.s32 v1, v4;
	_ =	sdelay $0x1  }
0xb7: {  	v3 =	vadd.s32 v1, v3;
	_ =	sdelay $0x2  }
0xb8: {  	[tilespmem:s19], [sflag:$0x1] =	stream.indirect_vreg.gather [hbm4b:s3+s2], $0x80, v4, vm0, $0xb8;
	[tilespmem:$0x10080] =	vst v63  }
0xb9: {  	_ = 	snop  }
0xba: {  	[tilespmem:s20], [sflag:$0x1] =	stream.indirect_vreg.gather [hbm4b:s3+s2], $0x80, v3, vm0, $0xb8;
	[tilespmem:$0x10080] =	vst v63  }
0xbb: {  	v3 =	vld [tilespmem:$0x50];
	_ =	sdelay $0x4  }
0xbc: {  	v61 =	vshll.u32 v3, $0x1  }
0xbd: {  	v3 =	vand.u32 $0x7, v3;
	v4 =	vand.u32 $0xFFFFFFF0, v61  }
0xbe: {  	v3 =	vor.u32 v3, v4  }
0xbf: {  	v4 =	vperm.xlane v3, v0;
	_ =	sdelay $0x1  }
0xc0: {  	v3 =	vperm.xlane v3, v2;
	v4 =	vadd.s32 v1, v4;
	_ =	sdelay $0x1  }
0xc1: {  	v3 =	vadd.s32 v1, v3;
	_ =	sdelay $0x2  }
0xc2: {  	[tilespmem:s21], [sflag:$0x1] =	stream.indirect_vreg.gather [hbm4b:s3+s2], $0x80, v4, vm0, $0xb8;
	[tilespmem:$0x10080] =	vst v63  }
0xc3: {  	_ = 	snop  }
0xc4: {  	[tilespmem:s22], [sflag:$0x1] =	stream.indirect_vreg.gather [hbm4b:s3+s2], $0x80, v3, vm0, $0xb8;
	[tilespmem:$0x10080] =	vst v63  }
0xc5: {  	v3 =	vld [tilespmem:$0x60];
	_ =	sdelay $0x4  }
0xc6: {  	v62 =	vshll.u32 v3, $0x1  }
0xc7: {  	v3 =	vand.u32 $0x7, v3;
	v4 =	vand.u32 $0xFFFFFFF0, v62  }
0xc8: {  	v3 =	vor.u32 v3, v4  }
0xc9: {  	v4 =	vperm.xlane v3, v0;
	_ =	sdelay $0x1  }
0xca: {  	v3 =	vperm.xlane v3, v2;
	v4 =	vadd.s32 v1, v4;
	_ =	sdelay $0x1  }
0xcb: {  	v3 =	vadd.s32 v1, v3;
	_ =	sdelay $0x2  }
0xcc: {  	[tilespmem:s23], [sflag:$0x1] =	stream.indirect_vreg.gather [hbm4b:s3+s2], $0x80, v4, vm0, $0xb8;
	[tilespmem:$0x10080] =	vst v63  }
0xcd: {  	_ = 	snop  }
0xce: {  	[tilespmem:s24], [sflag:$0x1] =	stream.indirect_vreg.gather [hbm4b:s3+s2], $0x80, v3, vm0, $0xb8;
	[tilespmem:$0x10080] =	vst v63  }
0xcf: {  	v3 =	vld [tilespmem:$0x70];
	_ =	sdelay $0x4  }
0xd0: {  	v63 =	vshll.u32 v3, $0x1  }
0xd1: {  	v3 =	vand.u32 $0x7, v3;
	v4 =	vand.u32 $0xFFFFFFF0, v63  }
0xd2: {  	v3 =	vor.u32 v3, v4  }
0xd3: {  	v4 =	vperm.xlane v3, v0;
	_ =	sdelay $0x1  }
0xd4: {  	v3 =	vperm.xlane v3, v2;
	v4 =	vadd.s32 v1, v4;
	_ =	sdelay $0x1  }
0xd5: {  	v3 =	vadd.s32 v1, v3;
	_ =	sdelay $0x1  }
0xd6: {  	s1 =	sadd.s32 $0x2000, s1  }
0xd7: {  	[tilespmem:s25], [sflag:$0x1] =	stream.indirect_vreg.gather [hbm4b:s3+s2], $0x80, v4, vm0, $0xb8;
	[tilespmem:$0x10080] =	vst v63  }
0xd8: {  	p0 =	sne.s32 s1, $0x8000  }
0xd9: {  	[tilespmem:s26], [sflag:$0x1] =	stream.indirect_vreg.gather [hbm4b:s3+s2], $0x80, v3, vm0, $0xb8;
	[tilespmem:$0x10080] =	vst v63  }
.Ltmp0:
0xda: {  	_ = 	snop;
	(pc) =	sbr.rel @p0 .LBB2_2-.Ltmp0, $4  }
0xdb: {  	_ =	swait.ge [sflag:s10], $0x8000  }
0xdc: {  	s31 =	sadd.s32 $0x20, s31;
	[sflag:s10] =	ssyncset.done $0x0  }
0xdd: {  	s0 =	sadd.s32 $0x1000, s0;
	s5 =	sadd.s32 $0x20, s5;
	[sflag:s10] =	ssyncadd.s32 $0xFFFF8000  }
0xde: {  	[hbm4b:s0+s2] =	stream.linear.scatter [tilespmem:s11], [sflag:$0x3], $0x8000, $0x38;
	[tilespmem:$0x10080] =	vst v63  }
0xdf: {  	_ =	swait.ge [sflag:s28], $0x8000  }
0xe0: {  	[sflag:s28] =	ssyncset.done $0x0  }
0xe1: {  	[sflag:s28] =	ssyncadd.s32 $0xFFFF8000  }
0xe2: {  	_ =	swait.ge [sflag:s29], $0x8000  }
0xe3: {  	s30 =	sadd.s32 $0x1, s30;
	s0 =	rddreg [dreg:$0x11]  }
0xe4: {  	p0 =	sne.s32 s30, s0  }
.Ltmp1:
0xe5: {  	_ = 	snop;
	(pc) =	sbr.rel @p0 .LBB2_1-.Ltmp1, $3  }
0xe6: {  	_ =	sdelay $0x1  }
0xe7: {  	[sflag:s29] =	ssyncset.done $0x0  }
0xe8: {  	[sflag:s29] =	ssyncadd.s32 $0xFFFF8000  }
0xe9: {  	_ =	sfence.sel $0x180000  }
0xea: {  	[bflag:$0x0] =	sbarrier.arrive $0xFFFF  }
0xeb: {  	_ =	strace $0x90000047  }
0xec: {  	s0 =	stileid.u32;
	[bflag:$0x2] =	sbarrier.arrive $0xFFFF  }
0xed: {  	p0 =	sne.s32 s0, $0x0;
	s0 =	rddreg [dreg:$0x1]  }
0xee: {  	s0 =	sadd.s32 @!p0 $0x100000, s0  }
0xef: {  	[sflag:s0] =	ssyncadd.tile.s32 @!p0 $0x1;
	_ =	shalt  }
.Lfunc_end2:
_tile_overlayer_lowered:
.L_overlay_start_2:
0xf0: {  	(tag) =	ssettag $0x2  }
0xf1: {  	s0 =	rddreg [dreg:$0x0];
	s2 =	stileid.u32  }
0xf2: {  	s1 =	rddreg [dreg:$0x1];
	p0 =	sne.s32 s2, $0x0  }
0xf3: {  	s3 =	rddreg [dreg:$0x2];
	[bflag:$0x3] =	sbarrier.arrive $0xFFFF;
	s2 =	simm.s32 @!p0 $0x1C04  }
0xf4: {  	[timem:s3], [sflag:s2] =	dma.local @!p0 [hbm:s0], s1  }
0xf5: {  	s0 =	simm.s32 @!p0 $0x4  }
0xf6: {  	_ =	swait.ge @!p0 [sflag:s0], s1  }
0xf7: {  	s1 =	ssub.s32 @!p0 $0x0, s1;
	[sflag:s0] =	ssyncset.done @!p0 $0x0  }
0xf8: {  	[sflag:s0] =	ssyncadd.s32 @!p0 s1  }
0xf9: {  	[bflag:$0x3] =	sbarrier.arrive $0xFFFF  }
0xfa: {  	_ =	shalt  }

// kernel: kernel.21.cloned.1.call-start
scs
__scs_entry_jumppad:
0x0: {  	(pc) =	sbr.rel $0x88, $3  }
0x1: {  	(tag) =	ssettag $0x0;
	lr =	simm.s32 $0x1  }
0x2: {  	[smem:$0x3F8F] =	sst lr;
	_ =	strace $0xD0000000  }
0x3: {  	_ = 	snop  }
0x4: {  	_ = 	snop  }
0x5: {  	_ = 	snop  }
0x6: {  	_ = 	snop  }
0x7: {  	_ = 	snop  }
__scs_overlays_trampoline_lowered:
0x8: {  	[smem:$0x3F9E] =	sst s0  }
0x9: {  	[smem:$0x3F9F] =	sst s1  }
0xa: {  	[smem:$0x3FA0] =	sst s2  }
0xb: {  	[smem:$0x3FA1] =	sst s3  }
0xc: {  	[smem:$0x3FA2] =	sst s4  }
0xd: {  	[smem:$0x3FA3] =	sst s5  }
0xe: {  	[smem:$0x3FA4] =	sst s6  }
0xf: {  	[smem:$0x3FA5] =	sst s7  }
0x10: {  	[smem:$0x3FA6] =	sst s8  }
0x11: {  	[smem:$0x3FA7] =	sst s9;
	s0 =	simm.s32 @!p0 $0x0  }
0x12: {  	s1 =	sld [smem:$0x3F8D];
	s0 =	simm.s32 @p0 $0x1  }
0x13: {  	[smem:$0x3FA8] =	sst s0;
	s0 =	simm.s32 @!p1 $0x0  }
0x14: {  	s2 =	sld [smem:$0x3F8C];
	s0 =	simm.s32 @p1 $0x1  }
0x15: {  	[smem:$0x3FA9] =	sst s0;
	s0 =	simm.s32 @!p2 $0x0  }
0x16: {  	s3 =	sld [smem:$0x3FDB];
	s0 =	simm.s32 @p2 $0x1  }
0x17: {  	s4 =	simm.s32 $0x1BF5;
	[smem:$0x3FAB] =	sst s0  }
0x18: {  	s0 =	sld [smem:$0x3F8E];
	_ =	swait.ge [sflag:s4], $0x0  }
0x19: {  	s7 =	sld [smem:$0x3F8F]  }
0x1a: {  	s8 =	sadd.s32 $0xFFFFE003, lr  }
0x1b: {  	s9 =	sadd.s32 $0xFFFFFEF7, lr;
	s5 =	simm.s32 $0xFFFFFFFF;
	p2 =	slt.u32 s8, $0xFFFFF086  }
0x1c: {  	p1 =	slt.u32 s9, $0xF7A;
	s5 =	simm.s32 @!p2 $0x0  }
0x1d: {  	s5 =	simm.s32 @p1 $0x1;
	p0 =	seq.s32 s7, s2  }
0x1e: {  	s7 =	smul.u32 @!p0 $0xF7A, s2;
	p2 =	seq.s32 @!p0 s5, $0x0  }
0x1f: {  	s9 =	smul.u32 $0xF7A, s1;
	s8 =	simm.s32 @!p0 $0x1BF5;
	p2 =	por !p2, p0  }
0x20: {  	[sflag:s8] =	ssyncset.s32 @!p0 $0xFFFFF086;
	s6 =	sadd.s32 @!p0 s3, s7;
	s7 =	simm.s32 @!p0 $0x108  }
0x21: {  	s3 =	sadd.s32 s3, s9;
	s6 =	sadd.s32 @!p0 $0x88, s6;
	s7 =	simm.s32 @p2 $0x1082  }
0x22: {  	[simem:s7], [sflag:s8] =	dma.local @!p0 [hbm:s6], $0xF7A  }
0x23: {  	s9 =	sor.u32 $0xD0000000, s2;
	s6 =	simm.s32 $0x108;
	_ =	swait.ge @!p0 [sflag:s8], $0x0  }
0x24: {  	s3 =	sadd.s32 $0x88, s3;
	s6 =	simm.s32 @!p1 $0x1082;
	[sflag:s4] =	ssyncset.s32 $0xFFFFF086  }
0x25: {  	[simem:s6], [sflag:s4] =	dma.local [hbm:s3], $0xF7A  }
0x26: {  	[smem:$0x3F8F] =	sst s1;
	(tag) =	ssettag s2;
	_ =	strace s9  }
0x27: {  	s1 =	sld [smem:$0x3F9F]  }
0x28: {  	s2 =	sld [smem:$0x3FA0]  }
0x29: {  	s4 =	sld [smem:$0x3FA2]  }
0x2a: {  	p0 =	seq.s32 s5, $0x0;
	s5 =	sld [smem:$0x3FA3]  }
0x2b: {  	s6 =	sld [smem:$0x3FA4]  }
0x2c: {  	s7 =	sld [smem:$0x3FA5]  }
0x2d: {  	s3 =	simm.s32 $0x108;
	s8 =	sld [smem:$0x3FA6]  }
0x2e: {  	s3 =	simm.s32 @!p0 $0x1082;
	s9 =	sld [smem:$0x3FA7]  }
0x2f: {  	lr =	sadd.s32 s0, s3;
	s0 =	sld [smem:$0x3F9E]  }
0x30: {  	s3 =	sld [smem:$0x3FA1]  }
0x31: {  	[smem:$0x3FAA] =	sst s10  }
0x32: {  	s10 =	sld [smem:$0x3FA8];
	_ =	sdelay $0x3  }
0x33: {  	p0 =	seq.s32 s10, $0x1;
	s10 =	sld [smem:$0x3FAA];
	_ =	sdelay $0x3  }
0x34: {  	[smem:$0x3FAA] =	sst s10  }
0x35: {  	s10 =	sld [smem:$0x3FA9];
	_ =	sdelay $0x3  }
0x36: {  	p1 =	seq.s32 s10, $0x1;
	s10 =	sld [smem:$0x3FAA];
	_ =	sdelay $0x3  }
0x37: {  	[smem:$0x3FAA] =	sst s10  }
0x38: {  	s10 =	sld [smem:$0x3FAB]  }
0x39: {  	_ = 	snop;
	(pc) =	sbr.ind lr, $3  }
0x3a: {  	_ = 	snop  }
0x3b: {  	_ = 	snop  }
0x3c: {  	p2 =	seq.s32 s10, $0x1;
	s10 =	sld [smem:$0x3FAA]  }
0x3d: {  	_ =	shalt  }
0x3e: {  	_ =	shalt  }
0x3f: {  	_ =	shalt  }
0x40: {  	_ =	shalt  }
0x41: {  	_ =	shalt  }
0x42: {  	_ =	shalt  }
0x43: {  	_ =	shalt  }
0x44: {  	_ =	shalt  }
0x45: {  	_ =	shalt  }
0x46: {  	_ =	shalt  }
0x47: {  	_ =	shalt  }
0x48: {  	_ =	shalt  }
0x49: {  	_ =	shalt  }
0x4a: {  	_ =	shalt  }
0x4b: {  	_ =	shalt  }
0x4c: {  	_ =	shalt  }
0x4d: {  	_ =	shalt  }
0x4e: {  	_ =	shalt  }
0x4f: {  	_ =	shalt  }
0x50: {  	_ =	shalt  }
0x51: {  	_ =	shalt  }
0x52: {  	_ =	shalt  }
0x53: {  	_ =	shalt  }
0x54: {  	_ =	shalt  }
0x55: {  	_ =	shalt  }
0x56: {  	_ =	shalt  }
0x57: {  	_ =	shalt  }
0x58: {  	_ =	shalt  }
0x59: {  	_ =	shalt  }
0x5a: {  	_ =	shalt  }
0x5b: {  	_ =	shalt  }
0x5c: {  	_ =	shalt  }
0x5d: {  	_ =	shalt  }
0x5e: {  	_ =	shalt  }
0x5f: {  	_ =	shalt  }
0x60: {  	_ =	shalt  }
0x61: {  	_ =	shalt  }
0x62: {  	_ =	shalt  }
0x63: {  	_ =	shalt  }
0x64: {  	_ =	shalt  }
0x65: {  	_ =	shalt  }
0x66: {  	_ =	shalt  }
0x67: {  	_ =	shalt  }
0x68: {  	_ =	shalt  }
0x69: {  	_ =	shalt  }
0x6a: {  	_ =	shalt  }
0x6b: {  	_ =	shalt  }
0x6c: {  	_ =	shalt  }
0x6d: {  	_ =	shalt  }
0x6e: {  	_ =	shalt  }
0x6f: {  	_ =	shalt  }
0x70: {  	_ =	shalt  }
0x71: {  	_ =	shalt  }
0x72: {  	_ =	shalt  }
0x73: {  	_ =	shalt  }
0x74: {  	_ =	shalt  }
0x75: {  	_ =	shalt  }
0x76: {  	_ =	shalt  }
0x77: {  	_ =	shalt  }
0x78: {  	_ =	shalt  }
0x79: {  	_ =	shalt  }
0x7a: {  	_ =	shalt  }
0x7b: {  	_ =	shalt  }
0x7c: {  	_ =	shalt  }
0x7d: {  	_ =	shalt  }
0x7e: {  	_ =	shalt  }
0x7f: {  	_ =	shalt  }
0x80: {  	_ =	shalt  }
0x81: {  	_ =	shalt  }
0x82: {  	_ =	shalt  }
0x83: {  	_ =	shalt  }
0x84: {  	_ =	shalt  }
0x85: {  	_ =	shalt  }
0x86: {  	_ =	shalt  }
0x87: {  	_ =	shalt  }
.Lfunc_end0:
.L_simem_size_0:
called_computation.1_lowered:
.L_overlay_start_0:
0x88: {  	s2 =	sld [smem:$0x3FD9]  }
0x89: {  	s3 =	sld [smem:$0x3FFE];
	_ =	sdelay $0x1  }
0x8a: {  	s1 =	srdreg.scid  }
0x8b: {  	s0 =	sand.u32 $0x1, s1  }
0x8c: {  	s17 =	sshll.u32 s0, $0xA;
	s2 =	sadd.s32 s3, s2  }
0x8d: {  	s2 =	sadd.s32 s2, s17  }
0x8e: {  	[smem:$0x3FB6] =	sst s2  }
0x8f: {  	_ = 	snop  }
0x90: {  	(tm) =	ssettm $0x1  }
0x91: {  	s18 =	sld [smem:$0x3FFB];
	_ =	sdelay $0x3  }
0x92: {  	_ =	strace s18  }
0x93: {  	s2 =	sld [smem:$0x3FFC];
	_ =	sdelay $0x3  }
0x94: {  	_ =	strace s2  }
0x95: {  	s2 =	sld [smem:$0x3FFD];
	_ =	sdelay $0x3  }
0x96: {  	_ =	strace s2  }
0x97: {  	_ =	strace $0x8FFFFFFF  }
0x98: {  	s19 =	sld [smem:$0x3FDB];
	_ =	sdelay $0x1  }
0x99: {  	s20 =	simm.s32 $_scs_section_size  }
0x9a: {  	s4 =	simm.s32 $_size__tile_overlayer_lowered;
	s5 =	simm.s32 $_tile_overlayer_lowered  }
0x9b: {  	s6 =	simm.s32 $0x1BFF;
	s21 =	sshll.u32 s5, $0x1;
	s3 =	sadd.s32 s20, s19  }
0x9c: {  	s22 =	simm.s32 $0x0;
	s4 =	sshll.u32 s4, $0x1;
	s5 =	sadd.s32 s21, s3  }
0x9d: {  	[timem:s22], [sflag:s6] =	dma.local [hbm:s5], s4  }
0x9e: {  	_ =	swait.ge [sflag:s6], s4  }
0x9f: {  	s4 =	ssub.s32 $0x0, s4;
	[sflag:s6] =	ssyncset.done $0x0  }
0xa0: {  	[sflag:s6] =	ssyncadd.s32 s4;
	_ =	sdelay $0x1  }
0xa1: {  	s23 =	simm.s32 $0x1B8B  }
0xa2: {  	_ =	swait.ge [sflag:s23], $0x1  }
0xa3: {  	[sflag:s23] =	ssyncset.done $0x0  }
0xa4: {  	[sflag:s23] =	ssyncadd.s32 $0xFFFFFFFF  }
0xa5: {  	s4 =	sld [smem:$0x0]  }
0xa6: {  	s5 =	sand.u32 $0xFFFFFFFE, s1  }
0xa7: {  	p0 =	sne.s32 s1, s5  }
0xa8: {  	s5 =	sshll.u32 @p0 s5, $0xE  }
0xa9: {  	s5 =	sadd.s32 @p0 $0x11B8D, s5;
	s6 =	sshll.u32 @p0 s4, $0x11  }
0xaa: {  	s5 =	sor.u32 @p0 s6, s5  }
0xab: {  	[sflag:s5] =	ssyncadd.remote.s32 @p0 $0x1;
	_ =	sdelay $0x1  }
0xac: {  	s5 =	simm.s32 @p0 $0x1B8D  }
0xad: {  	_ =	swait.eq @p0 [sflag:s5], $0x1  }
0xae: {  	[sflag:s5] =	ssyncadd.s32 @p0 $0xFFFFFFFF  }
0xaf: {  	s6 =	sshll.u32 @!p0 s1, $0xE  }
0xb0: {  	s6 =	sor.u32 @!p0 $0x4000, s6;
	s5 =	simm.s32 @!p0 $0x1B8D  }
0xb1: {  	s4 =	sshll.u32 @!p0 s4, $0x11;
	s6 =	sadd.s32 @!p0 $0x11B8D, s6;
	_ =	swait.eq @!p0 [sflag:s5], $0x1  }
0xb2: {  	s4 =	sor.u32 @!p0 s4, s6;
	[sflag:s5] =	ssyncadd.s32 @!p0 $0xFFFFFFFF  }
0xb3: {  	s25 =	simm.s32 $0x1B8E;
	s24 =	sld [smem:$0x3FFE];
	[sflag:s4] =	ssyncadd.remote.s32 @!p0 $0x1  }
0xb4: {  	s26 =	simm.s32 $execute0_lowered;
	[smem:$0x3FD2] =	sst s25  }
0xb5: {  	s5 =	sshll.u32 s26, $0x1;
	_ =	strace $0x80000049;
	[dreg:$0x1] =	wrdreg $0xFFFFFFFF  }
0xb6: {  	s28 =	simm.s32 $_size_execute0_lowered;
	s3 =	sadd.s32 s3, s5;
	[dreg:$0x0] =	wrdreg $0x0  }
0xb7: {  	s5 =	sshll.u32 s28, $0x1;
	[dreg:$0x2] =	wrdreg s3  }
0xb8: {  	[dreg:$0x3] =	wrdreg s5  }
0xb9: {  	[dreg:$0x4] =	wrdreg $0xC0  }
0xba: {  	_ =	task [dreg:s22], $0x5FFFF  }
0xbb: {  	[dreg:$0x1] =	wrdreg $0xFFFFFFFF  }
0xbc: {  	[dreg:$0x0] =	wrdreg $0x60  }
0xbd: {  	[dreg:$0x2] =	wrdreg s24  }
0xbe: {  	[dreg:$0x3] =	wrdreg $0xA  }
0xbf: {  	_ =	task.clear_ibuf [dreg:s22], $0x4FFFF;
	_ =	strace $0x90000049  }
0xc0: {  	s29 =	simm.s32 $0xA;
	_ =	strace $0x8000004B  }
0xc1: {  	_ =	swait.ge [sflag:s29], $0x1  }
0xc2: {  	[sflag:s29] =	ssyncadd.s32 $0xFFFFFFFF  }
0xc3: {  	_ =	strace $0x9000004B  }
0xc4: {  	_ =	sfence  }
0xc5: {  	s30 =	sld [smem:$0x0];
	_ =	sdelay $0x2  }
0xc6: {  	s31 =	sshll.u32 s1, $0xD;
	s1 =	sshrl.u32 s1, $0x2  }
0xc7: {  	s4 =	sand.u32 $0x4000, s31;
	s1 =	sadd.s32 s1, s30  }
0xc8: {  	s0 =	sor.u32 s4, s0;
	s1 =	sshll.u32 s1, $0x11  }
0xc9: {  	s0 =	sor.u32 s1, s0  }
0xca: {  	s0 =	sadd.s32 $0x8F2B, s0  }
0xcb: {  	[sflag:s0] =	ssyncadd.remote.s32 $0x1  }
0xcc: {  	_ =	sfence.sel $0xFFFF  }
0xcd: {  	[dreg:$0x0] =	wrdreg $0xFFFFFFFF;
	(pc) =	sbr.abs _section_cstart, $3  }
0xce: {  	[dreg:$0x1] =	wrdreg $0xFFFFFFFF  }
0xcf: {  	_ =	task.clear_ibuf [dreg:s22], $0x2FFFF;
	_ =	strace $0x9FFFFFFF  }
0xd0: {  	(tm) =	ssettm $0x7FFFFFFF  }
0xd1: {  	_ =	shalt  }
tec
execute0_lowered:
.L_overlay_start_1:
0x0: {  	(tag) =	ssettag $0x1  }
0x1: {  	s0 =	rddreg [dreg:$0x0];
	s7 =	stileid.u32  }
0x2: {  	s1 =	srdreg.scid;
	s2 =	simm.s32 $0x0;
	s10 =	simm.s32 $0x880  }
0x3: {  	s11 =	simm.s32 $0x1080;
	s13 =	simm.s32 $0x1880;
	[smem:$0x7FF] =	sst s2  }
0x4: {  	s14 =	simm.s32 $0x2080;
	_ =	strace $0x8000004A;
	[dreg:$0x3] =	wrdreg s10  }
0x5: {  	s15 =	simm.s32 $0x2880;
	s17 =	simm.s32 $0x3080;
	[dreg:$0x4] =	wrdreg s11  }
0x6: {  	s18 =	simm.s32 $0x3880;
	s19 =	simm.s32 $0x4080;
	[dreg:$0x5] =	wrdreg s13  }
0x7: {  	s20 =	simm.s32 $0x4880;
	s22 =	simm.s32 $0x5080;
	[dreg:$0x6] =	wrdreg s14  }
0x8: {  	s23 =	simm.s32 $0x5880;
	s25 =	simm.s32 $0x6080;
	[dreg:$0x7] =	wrdreg s15  }
0x9: {  	s26 =	simm.s32 $0x6880;
	s31 =	simm.s32 $0x7080;
	[dreg:$0x8] =	wrdreg s17  }
0xa: {  	s8 =	simm.s32 $0x80;
	s9 =	simm.s32 $0x7880;
	[dreg:$0x9] =	wrdreg s18  }
0xb: {  	s28 =	simm.s32 $0x2;
	s29 =	simm.s32 $0x3;
	[dreg:$0xa] =	wrdreg s19  }
0xc: {  	s30 =	simm.s32 $0x0;
	s3 =	sshll.u32 s7, $0x10;
	[dreg:$0xb] =	wrdreg s20  }
0xd: {  	s1 =	sand.u32 $0x1, s1;
	s5 =	sadd.s32 $0x140800, s0;
	[dreg:$0xc] =	wrdreg s22  }
0xe: {  	s16 =	sshll.u32 s7, $0xB;
	s7 =	simm.s32 $0x4;
	[dreg:$0xd] =	wrdreg s23  }
0xf: {  	s3 =	sadd.s32 s3, s0;
	s4 =	sshll.u32 s1, $0xF;
	[dreg:$0xe] =	wrdreg s25  }
0x10: {  	s12 =	ssub.s32 $0x2, s1;
	s1 =	sshll.u32 s1, $0xA;
	[dreg:$0xf] =	wrdreg s26  }
0x11: {  	[dreg:$0x10] =	wrdreg s31;
	s10 =	simm.s32 $0x1;
	s11 =	simm.s32 $0x8080  }
0x12: {  	s13 =	simm.s32 $0x9080;
	s14 =	simm.s32 $0x9880;
	s15 =	simm.s32 $0xA080  }
0x13: {  	s17 =	simm.s32 $0xB080;
	s18 =	simm.s32 $0xB880;
	s19 =	simm.s32 $0xC080  }
0x14: {  	s20 =	simm.s32 $0xC880;
	s22 =	simm.s32 $0xD880;
	s23 =	simm.s32 $0xE080  }
0x15: {  	s25 =	simm.s32 $0xF080;
	s26 =	simm.s32 $0xF880;
	s3 =	sadd.s32 s4, s3  }
0x16: {  	s6 =	sshrl.u32 s12, $0x1;
	s1 =	sor.u32 s1, s16;
	s4 =	sadd.s32 $0x141800, s3  }
0x17: {  	s16 =	simm.s32 $0xA880;
	[dreg:$0x2] =	wrdreg s4;
	s4 =	ssub.s32 s12, s6  }
0x18: {  	s3 =	sadd.s32 $0x128800, s0;
	s21 =	sor.u32 $0x80, s1;
	s4 =	smax.u32 s4, $0x1  }
0x19: {  	v2 =	vlaneseq.u32;
	s1 =	sshrl.u32 s1, $0x3;
	[dreg:$0x11] =	wrdreg s4;
	s4 =	sshrl.u32 s21, $0x3  }
0x1a: {  	vm0 =	vmmov $0xffff;
	v1 =	vshrl.u32 v2, $0x3;
	s6 =	sadd.s32 s1, s5;
	s12 =	simm.s32 $0x8880;
	s24 =	sadd.s32 s4, s5  }
0x1b: {  	v0 =	vand.u32 $0x7, v2;
	v2 =	vor.u32 $0x8, v2;
	v1 =	vmul.u32 $0x8, v1;
	s21 =	simm.s32 $0xD080;
	[dreg:$0x12] =	wrdreg s24;
	s24 =	simm.s32 $0xE880  }
.LBB2_1:
0x1c: {  	s31 =	smov.u32 s6;
	s5 =	rddreg [dreg:$0x12];
	s1 =	simm.s32 $0x0  }
.LBB2_2:
0x1d: {  	p0 =	seq.s32 s1, $0x0  }
0x1e: {  	s4 =	simm.s32 @!p0 $0x2  }
0x1f: {  	_ =	swait.ge @!p0 [sflag:s4], $0x8000  }
0x20: {  	[sflag:s4] =	ssyncset.done @!p0 $0x0  }
0x21: {  	[sflag:s4] =	ssyncadd.s32 @!p0 $0xFFFF8000;
	s4 =	simm.s32 @!p0 $0x3  }
0x22: {  	_ =	swait.ge @!p0 [sflag:s4], $0x8000  }
0x23: {  	[sflag:s4] =	ssyncset.done @!p0 $0x0  }
0x24: {  	[sflag:s4] =	ssyncadd.s32 @!p0 $0xFFFF8000  }
0x25: {  	[tilespmem:s2], [sflag:$0x4] =	stream.linear.gather [hbm4b:s31+s2], $0x80, $0x38;
	[tilespmem:$0x10080] =	vst v63  }
0x26: {  	_ =	swait.ge [sflag:s7], $0x80  }
0x27: {  	[sflag:s7] =	ssyncset.done $0x0  }
0x28: {  	[sflag:s7] =	ssyncadd.s32 $0xFFFFFF80  }
0x29: {  	v3 =	vld [tilespmem:$0x0];
	_ =	sdelay $0x4  }
0x2a: {  	v4 =	vshll.u32 v3, $0x1  }
0x2b: {  	v3 =	vand.u32 $0x7, v3;
	v4 =	vand.u32 $0xFFFFFFF0, v4  }
0x2c: {  	v3 =	vor.u32 v3, v4  }
0x2d: {  	v4 =	vperm.xlane v3, v0;
	_ =	sdelay $0x1  }
0x2e: {  	v3 =	vperm.xlane v3, v2;
	v4 =	vadd.s32 v1, v4;
	_ =	sdelay $0x1  }
0x2f: {  	v3 =	vadd.s32 v1, v3;
	_ =	sdelay $0x2  }
0x30: {  	[tilespmem:s8], [sflag:$0x1] =	stream.indirect_vreg.gather [hbm4b:s3+s2], $0x80, v4, vm0, $0xb8;
	[tilespmem:$0x10080] =	vst v63  }
0x31: {  	s0 =	rddreg [dreg:$0x3]  }
0x32: {  	[tilespmem:s0], [sflag:$0x1] =	stream.indirect_vreg.gather [hbm4b:s3+s2], $0x80, v3, vm0, $0xb8;
	[tilespmem:$0x10080] =	vst v63  }
0x33: {  	v3 =	vld [tilespmem:$0x10];
	_ =	sdelay $0x4  }
0x34: {  	v49 =	vshll.u32 v3, $0x1  }
0x35: {  	v3 =	vand.u32 $0x7, v3;
	v4 =	vand.u32 $0xFFFFFFF0, v49  }
0x36: {  	v3 =	vor.u32 v3, v4  }
0x37: {  	v4 =	vperm.xlane v3, v0;
	_ =	sdelay $0x1  }
0x38: {  	v3 =	vperm.xlane v3, v2;
	v4 =	vadd.s32 v1, v4;
	_ =	sdelay $0x1  }
0x39: {  	v3 =	vadd.s32 v1, v3;
	_ =	sdelay $0x1  }
0x3a: {  	s4 =	rddreg [dreg:$0x4]  }
0x3b: {  	[tilespmem:s4], [sflag:$0x1] =	stream.indirect_vreg.gather [hbm4b:s3+s2], $0x80, v4, vm0, $0xb8;
	[tilespmem:$0x10080] =	vst v63  }
0x3c: {  	s0 =	rddreg [dreg:$0x5]  }
0x3d: {  	[tilespmem:s0], [sflag:$0x1] =	stream.indirect_vreg.gather [hbm4b:s3+s2], $0x80, v3, vm0, $0xb8;
	[tilespmem:$0x10080] =	vst v63  }
0x3e: {  	v3 =	vld [tilespmem:$0x20];
	_ =	sdelay $0x4  }
0x3f: {  	v50 =	vshll.u32 v3, $0x1  }
0x40: {  	v3 =	vand.u32 $0x7, v3;
	v4 =	vand.u32 $0xFFFFFFF0, v50  }
0x41: {  	v3 =	vor.u32 v3, v4  }
0x42: {  	v4 =	vperm.xlane v3, v0;
	_ =	sdelay $0x1  }
0x43: {  	v3 =	vperm.xlane v3, v2;
	v4 =	vadd.s32 v1, v4;
	_ =	sdelay $0x1  }
0x44: {  	v3 =	vadd.s32 v1, v3;
	_ =	sdelay $0x1  }
0x45: {  	s0 =	rddreg [dreg:$0x6]  }
0x46: {  	[tilespmem:s0], [sflag:$0x1] =	stream.indirect_vreg.gather [hbm4b:s3+s2], $0x80, v4, vm0, $0xb8;
	[tilespmem:$0x10080] =	vst v63  }
0x47: {  	s4 =	rddreg [dreg:$0x7]  }
0x48: {  	[tilespmem:s4], [sflag:$0x1] =	stream.indirect_vreg.gather [hbm4b:s3+s2], $0x80, v3, vm0, $0xb8;
	[tilespmem:$0x10080] =	vst v63  }
0x49: {  	v3 =	vld [tilespmem:$0x30];
	_ =	sdelay $0x4  }
0x4a: {  	v51 =	vshll.u32 v3, $0x1  }
0x4b: {  	v3 =	vand.u32 $0x7, v3;
	v4 =	vand.u32 $0xFFFFFFF0, v51  }
0x4c: {  	v3 =	vor.u32 v3, v4  }
0x4d: {  	v4 =	vperm.xlane v3, v0;
	_ =	sdelay $0x1  }
0x4e: {  	v3 =	vperm.xlane v3, v2;
	v4 =	vadd.s32 v1, v4;
	_ =	sdelay $0x1  }
0x4f: {  	v3 =	vadd.s32 v1, v3;
	_ =	sdelay $0x1  }
0x50: {  	s0 =	rddreg [dreg:$0x8]  }
0x51: {  	[tilespmem:s0], [sflag:$0x1] =	stream.indirect_vreg.gather [hbm4b:s3+s2], $0x80, v4, vm0, $0xb8;
	[tilespmem:$0x10080] =	vst v63  }
0x52: {  	s4 =	rddreg [dreg:$0x9]  }
0x53: {  	[tilespmem:s4], [sflag:$0x1] =	stream.indirect_vreg.gather [hbm4b:s3+s2], $0x80, v3, vm0, $0xb8;
	[tilespmem:$0x10080] =	vst v63  }
0x54: {  	v3 =	vld [tilespmem:$0x40];
	_ =	sdelay $0x4  }
0x55: {  	v52 =	vshll.u32 v3, $0x1  }
0x56: {  	v3 =	vand.u32 $0x7, v3;
	v4 =	vand.u32 $0xFFFFFFF0, v52  }
0x57: {  	v3 =	vor.u32 v3, v4  }
0x58: {  	v4 =	vperm.xlane v3, v0;
	_ =	sdelay $0x1  }
0x59: {  	v3 =	vperm.xlane v3, v2;
	v4 =	vadd.s32 v1, v4;
	_ =	sdelay $0x1  }
0x5a: {  	v3 =	vadd.s32 v1, v3;
	_ =	sdelay $0x1  }
0x5b: {  	s0 =	rddreg [dreg:$0xa]  }
0x5c: {  	[tilespmem:s0], [sflag:$0x1] =	stream.indirect_vreg.gather [hbm4b:s3+s2], $0x80, v4, vm0, $0xb8;
	[tilespmem:$0x10080] =	vst v63  }
0x5d: {  	s4 =	rddreg [dreg:$0xb]  }
0x5e: {  	[tilespmem:s4], [sflag:$0x1] =	stream.indirect_vreg.gather [hbm4b:s3+s2], $0x80, v3, vm0, $0xb8;
	[tilespmem:$0x10080] =	vst v63  }
0x5f: {  	v3 =	vld [tilespmem:$0x50];
	_ =	sdelay $0x4  }
0x60: {  	v53 =	vshll.u32 v3, $0x1  }
0x61: {  	v3 =	vand.u32 $0x7, v3;
	v4 =	vand.u32 $0xFFFFFFF0, v53  }
0x62: {  	v3 =	vor.u32 v3, v4  }
0x63: {  	v4 =	vperm.xlane v3, v0;
	_ =	sdelay $0x1  }
0x64: {  	v3 =	vperm.xlane v3, v2;
	v4 =	vadd.s32 v1, v4;
	_ =	sdelay $0x1  }
0x65: {  	v3 =	vadd.s32 v1, v3;
	_ =	sdelay $0x1  }
0x66: {  	s0 =	rddreg [dreg:$0xc]  }
0x67: {  	[tilespmem:s0], [sflag:$0x1] =	stream.indirect_vreg.gather [hbm4b:s3+s2], $0x80, v4, vm0, $0xb8;
	[tilespmem:$0x10080] =	vst v63  }
0x68: {  	s4 =	rddreg [dreg:$0xd]  }
0x69: {  	[tilespmem:s4], [sflag:$0x1] =	stream.indirect_vreg.gather [hbm4b:s3+s2], $0x80, v3, vm0, $0xb8;
	[tilespmem:$0x10080] =	vst v63  }
0x6a: {  	v3 =	vld [tilespmem:$0x60];
	_ =	sdelay $0x4  }
0x6b: {  	v54 =	vshll.u32 v3, $0x1  }
0x6c: {  	v3 =	vand.u32 $0x7, v3;
	v4 =	vand.u32 $0xFFFFFFF0, v54  }
0x6d: {  	v3 =	vor.u32 v3, v4  }
0x6e: {  	v4 =	vperm.xlane v3, v0;
	_ =	sdelay $0x1  }
0x6f: {  	v3 =	vperm.xlane v3, v2;
	v4 =	vadd.s32 v1, v4;
	_ =	sdelay $0x1  }
0x70: {  	v3 =	vadd.s32 v1, v3;
	_ =	sdelay $0x1  }
0x71: {  	s0 =	rddreg [dreg:$0xe]  }
0x72: {  	[tilespmem:s0], [sflag:$0x1] =	stream.indirect_vreg.gather [hbm4b:s3+s2], $0x80, v4, vm0, $0xb8;
	[tilespmem:$0x10080] =	vst v63  }
0x73: {  	s4 =	rddreg [dreg:$0xf]  }
0x74: {  	[tilespmem:s4], [sflag:$0x1] =	stream.indirect_vreg.gather [hbm4b:s3+s2], $0x80, v3, vm0, $0xb8;
	[tilespmem:$0x10080] =	vst v63  }
0x75: {  	v3 =	vld [tilespmem:$0x70];
	_ =	sdelay $0x4  }
0x76: {  	v55 =	vshll.u32 v3, $0x1  }
0x77: {  	v3 =	vand.u32 $0x7, v3;
	v4 =	vand.u32 $0xFFFFFFF0, v55  }
0x78: {  	v3 =	vor.u32 v3, v4  }
0x79: {  	v4 =	vperm.xlane v3, v0;
	_ =	sdelay $0x1  }
0x7a: {  	v3 =	vperm.xlane v3, v2;
	v4 =	vadd.s32 v1, v4;
	_ =	sdelay $0x1  }
0x7b: {  	v3 =	vadd.s32 v1, v3;
	_ =	sdelay $0x1  }
0x7c: {  	s4 =	rddreg [dreg:$0x10]  }
0x7d: {  	[tilespmem:s4], [sflag:$0x1] =	stream.indirect_vreg.gather [hbm4b:s3+s2], $0x80, v4, vm0, $0xb8;
	[tilespmem:$0x10080] =	vst v63  }
0x7e: {  	_ = 	snop  }
0x7f: {  	[tilespmem:s9], [sflag:$0x1] =	stream.indirect_vreg.gather [hbm4b:s3+s2], $0x80, v3, vm0, $0xb8;
	[tilespmem:$0x10080] =	vst v63  }
0x80: {  	_ =	swait.ge [sflag:s10], $0x8000  }
0x81: {  	s4 =	rddreg [dreg:$0x2];
	[sflag:s10] =	ssyncset.done $0x0  }
0x82: {  	[sflag:s10] =	ssyncadd.s32 $0xFFFF8000;
	s0 =	sadd.s32 s1, s4  }
0x83: {  	[hbm4b:s0+s2] =	stream.linear.scatter [tilespmem:s8], [sflag:$0x2], $0x8000, $0x38;
	[tilespmem:$0x10080] =	vst v63  }
0x84: {  	_ = 	snop  }
0x85: {  	[tilespmem:s2], [sflag:$0x4] =	stream.linear.gather [hbm4b:s5+s2], $0x80, $0x38;
	[tilespmem:$0x10080] =	vst v63  }
0x86: {  	_ =	swait.ge [sflag:s7], $0x80  }
0x87: {  	[sflag:s7] =	ssyncset.done $0x0  }
0x88: {  	[sflag:s7] =	ssyncadd.s32 $0xFFFFFF80  }
0x89: {  	v3 =	vld [tilespmem:$0x0];
	_ =	sdelay $0x4  }
0x8a: {  	v56 =	vshll.u32 v3, $0x1  }
0x8b: {  	v3 =	vand.u32 $0x7, v3;
	v4 =	vand.u32 $0xFFFFFFF0, v56  }
0x8c: {  	v3 =	vor.u32 v3, v4  }
0x8d: {  	v4 =	vperm.xlane v3, v0;
	_ =	sdelay $0x1  }
0x8e: {  	v3 =	vperm.xlane v3, v2;
	v4 =	vadd.s32 v1, v4;
	_ =	sdelay $0x1  }
0x8f: {  	v3 =	vadd.s32 v1, v3;
	_ =	sdelay $0x2  }
0x90: {  	[tilespmem:s11], [sflag:$0x1] =	stream.indirect_vreg.gather [hbm4b:s3+s2], $0x80, v4, vm0, $0xb8;
	[tilespmem:$0x10080] =	vst v63  }
0x91: {  	_ = 	snop  }
0x92: {  	[tilespmem:s12], [sflag:$0x1] =	stream.indirect_vreg.gather [hbm4b:s3+s2], $0x80, v3, vm0, $0xb8;
	[tilespmem:$0x10080] =	vst v63  }
0x93: {  	v3 =	vld [tilespmem:$0x10];
	_ =	sdelay $0x4  }
0x94: {  	v57 =	vshll.u32 v3, $0x1  }
0x95: {  	v3 =	vand.u32 $0x7, v3;
	v4 =	vand.u32 $0xFFFFFFF0, v57  }
0x96: {  	v3 =	vor.u32 v3, v4  }
0x97: {  	v4 =	vperm.xlane v3, v0;
	_ =	sdelay $0x1  }
0x98: {  	v3 =	vperm.xlane v3, v2;
	v4 =	vadd.s32 v1, v4;
	_ =	sdelay $0x1  }
0x99: {  	v3 =	vadd.s32 v1, v3;
	_ =	sdelay $0x2  }
0x9a: {  	[tilespmem:s13], [sflag:$0x1] =	stream.indirect_vreg.gather [hbm4b:s3+s2], $0x80, v4, vm0, $0xb8;
	[tilespmem:$0x10080] =	vst v63  }
0x9b: {  	_ = 	snop  }
0x9c: {  	[tilespmem:s14], [sflag:$0x1] =	stream.indirect_vreg.gather [hbm4b:s3+s2], $0x80, v3, vm0, $0xb8;
	[tilespmem:$0x10080] =	vst v63  }
0x9d: {  	v3 =	vld [tilespmem:$0x20];
	_ =	sdelay $0x4  }
0x9e: {  	v58 =	vshll.u32 v3, $0x1  }
0x9f: {  	v3 =	vand.u32 $0x7, v3;
	v4 =	vand.u32 $0xFFFFFFF0, v58  }
0xa0: {  	v3 =	vor.u32 v3, v4  }
0xa1: {  	v4 =	vperm.xlane v3, v0;
	_ =	sdelay $0x1  }
0xa2: {  	v3 =	vperm.xlane v3, v2;
	v4 =	vadd.s32 v1, v4;
	_ =	sdelay $0x1  }
0xa3: {  	v3 =	vadd.s32 v1, v3;
	_ =	sdelay $0x2  }
0xa4: {  	[tilespmem:s15], [sflag:$0x1] =	stream.indirect_vreg.gather [hbm4b:s3+s2], $0x80, v4, vm0, $0xb8;
	[tilespmem:$0x10080] =	vst v63  }
0xa5: {  	_ = 	snop  }
0xa6: {  	[tilespmem:s16], [sflag:$0x1] =	stream.indirect_vreg.gather [hbm4b:s3+s2], $0x80, v3, vm0, $0xb8;
	[tilespmem:$0x10080] =	vst v63  }
0xa7: {  	v3 =	vld [tilespmem:$0x30];
	_ =	sdelay $0x4  }
0xa8: {  	v59 =	vshll.u32 v3, $0x1  }
0xa9: {  	v3 =	vand.u32 $0x7, v3;
	v4 =	vand.u32 $0xFFFFFFF0, v59  }
0xaa: {  	v3 =	vor.u32 v3, v4  }
0xab: {  	v4 =	vperm.xlane v3, v0;
	_ =	sdelay $0x1  }
0xac: {  	v3 =	vperm.xlane v3, v2;
	v4 =	vadd.s32 v1, v4;
	_ =	sdelay $0x1  }
0xad: {  	v3 =	vadd.s32 v1, v3;
	_ =	sdelay $0x2  }
0xae: {  	[tilespmem:s17], [sflag:$0x1] =	stream.indirect_vreg.gather [hbm4b:s3+s2], $0x80, v4, vm0, $0xb8;
	[tilespmem:$0x10080] =	vst v63  }
0xaf: {  	_ = 	snop  }
0xb0: {  	[tilespmem:s18], [sflag:$0x1] =	stream.indirect_vreg.gather [hbm4b:s3+s2], $0x80, v3, vm0, $0xb8;
	[tilespmem:$0x10080] =	vst v63  }
0xb1: {  	v3 =	vld [tilespmem:$0x40];
	_ =	sdelay $0x4  }
0xb2: {  	v60 =	vshll.u32 v3, $0x1  }
0xb3: {  	v3 =	vand.u32 $0x7, v3;
	v4 =	vand.u32 $0xFFFFFFF0, v60  }
0xb4: {  	v3 =	vor.u32 v3, v4  }
0xb5: {  	v4 =	vperm.xlane v3, v0;
	_ =	sdelay $0x1  }
0xb6: {  	v3 =	vperm.xlane v3, v2;
	v4 =	vadd.s32 v1, v4;
	_ =	sdelay $0x1  }
0xb7: {  	v3 =	vadd.s32 v1, v3;
	_ =	sdelay $0x2  }
0xb8: {  	[tilespmem:s19], [sflag:$0x1] =	stream.indirect_vreg.gather [hbm4b:s3+s2], $0x80, v4, vm0, $0xb8;
	[tilespmem:$0x10080] =	vst v63  }
0xb9: {  	_ = 	snop  }
0xba: {  	[tilespmem:s20], [sflag:$0x1] =	stream.indirect_vreg.gather [hbm4b:s3+s2], $0x80, v3, vm0, $0xb8;
	[tilespmem:$0x10080] =	vst v63  }
0xbb: {  	v3 =	vld [tilespmem:$0x50];
	_ =	sdelay $0x4  }
0xbc: {  	v61 =	vshll.u32 v3, $0x1  }
0xbd: {  	v3 =	vand.u32 $0x7, v3;
	v4 =	vand.u32 $0xFFFFFFF0, v61  }
0xbe: {  	v3 =	vor.u32 v3, v4  }
0xbf: {  	v4 =	vperm.xlane v3, v0;
	_ =	sdelay $0x1  }
0xc0: {  	v3 =	vperm.xlane v3, v2;
	v4 =	vadd.s32 v1, v4;
	_ =	sdelay $0x1  }
0xc1: {  	v3 =	vadd.s32 v1, v3;
	_ =	sdelay $0x2  }
0xc2: {  	[tilespmem:s21], [sflag:$0x1] =	stream.indirect_vreg.gather [hbm4b:s3+s2], $0x80, v4, vm0, $0xb8;
	[tilespmem:$0x10080] =	vst v63  }
0xc3: {  	_ = 	snop  }
0xc4: {  	[tilespmem:s22], [sflag:$0x1] =	stream.indirect_vreg.gather [hbm4b:s3+s2], $0x80, v3, vm0, $0xb8;
	[tilespmem:$0x10080] =	vst v63  }
0xc5: {  	v3 =	vld [tilespmem:$0x60];
	_ =	sdelay $0x4  }
0xc6: {  	v62 =	vshll.u32 v3, $0x1  }
0xc7: {  	v3 =	vand.u32 $0x7, v3;
	v4 =	vand.u32 $0xFFFFFFF0, v62  }
0xc8: {  	v3 =	vor.u32 v3, v4  }
0xc9: {  	v4 =	vperm.xlane v3, v0;
	_ =	sdelay $0x1  }
0xca: {  	v3 =	vperm.xlane v3, v2;
	v4 =	vadd.s32 v1, v4;
	_ =	sdelay $0x1  }
0xcb: {  	v3 =	vadd.s32 v1, v3;
	_ =	sdelay $0x2  }
0xcc: {  	[tilespmem:s23], [sflag:$0x1] =	stream.indirect_vreg.gather [hbm4b:s3+s2], $0x80, v4, vm0, $0xb8;
	[tilespmem:$0x10080] =	vst v63  }
0xcd: {  	_ = 	snop  }
0xce: {  	[tilespmem:s24], [sflag:$0x1] =	stream.indirect_vreg.gather [hbm4b:s3+s2], $0x80, v3, vm0, $0xb8;
	[tilespmem:$0x10080] =	vst v63  }
0xcf: {  	v3 =	vld [tilespmem:$0x70];
	_ =	sdelay $0x4  }
0xd0: {  	v63 =	vshll.u32 v3, $0x1  }
0xd1: {  	v3 =	vand.u32 $0x7, v3;
	v4 =	vand.u32 $0xFFFFFFF0, v63  }
0xd2: {  	v3 =	vor.u32 v3, v4  }
0xd3: {  	v4 =	vperm.xlane v3, v0;
	_ =	sdelay $0x1  }
0xd4: {  	v3 =	vperm.xlane v3, v2;
	v4 =	vadd.s32 v1, v4;
	_ =	sdelay $0x1  }
0xd5: {  	v3 =	vadd.s32 v1, v3;
	_ =	sdelay $0x1  }
0xd6: {  	s1 =	sadd.s32 $0x2000, s1  }
0xd7: {  	[tilespmem:s25], [sflag:$0x1] =	stream.indirect_vreg.gather [hbm4b:s3+s2], $0x80, v4, vm0, $0xb8;
	[tilespmem:$0x10080] =	vst v63  }
0xd8: {  	p0 =	sne.s32 s1, $0x8000  }
0xd9: {  	[tilespmem:s26], [sflag:$0x1] =	stream.indirect_vreg.gather [hbm4b:s3+s2], $0x80, v3, vm0, $0xb8;
	[tilespmem:$0x10080] =	vst v63  }
.Ltmp0:
0xda: {  	_ = 	snop;
	(pc) =	sbr.rel @p0 .LBB2_2-.Ltmp0, $4  }
0xdb: {  	_ =	swait.ge [sflag:s10], $0x8000  }
0xdc: {  	s31 =	sadd.s32 $0x20, s31;
	[sflag:s10] =	ssyncset.done $0x0  }
0xdd: {  	s0 =	sadd.s32 $0x1000, s0;
	s5 =	sadd.s32 $0x20, s5;
	[sflag:s10] =	ssyncadd.s32 $0xFFFF8000  }
0xde: {  	[hbm4b:s0+s2] =	stream.linear.scatter [tilespmem:s11], [sflag:$0x3], $0x8000, $0x38;
	[tilespmem:$0x10080] =	vst v63  }
0xdf: {  	_ =	swait.ge [sflag:s28], $0x8000  }
0xe0: {  	[sflag:s28] =	ssyncset.done $0x0  }
0xe1: {  	[sflag:s28] =	ssyncadd.s32 $0xFFFF8000  }
0xe2: {  	_ =	swait.ge [sflag:s29], $0x8000  }
0xe3: {  	s30 =	sadd.s32 $0x1, s30;
	s0 =	rddreg [dreg:$0x11]  }
0xe4: {  	p0 =	sne.s32 s30, s0  }
.Ltmp1:
0xe5: {  	_ = 	snop;
	(pc) =	sbr.rel @p0 .LBB2_1-.Ltmp1, $3  }
0xe6: {  	_ =	sdelay $0x1  }
0xe7: {  	[sflag:s29] =	ssyncset.done $0x0  }
0xe8: {  	[sflag:s29] =	ssyncadd.s32 $0xFFFF8000  }
0xe9: {  	_ =	sfence.sel $0x180000  }
0xea: {  	[bflag:$0x0] =	sbarrier.arrive $0xFFFF  }
0xeb: {  	_ =	strace $0x9000004A  }
0xec: {  	s0 =	stileid.u32;
	[bflag:$0x2] =	sbarrier.arrive $0xFFFF  }
0xed: {  	p0 =	sne.s32 s0, $0x0;
	s0 =	rddreg [dreg:$0x1]  }
0xee: {  	s0 =	sadd.s32 @!p0 $0x100000, s0  }
0xef: {  	[sflag:s0] =	ssyncadd.tile.s32 @!p0 $0x1;
	_ =	shalt  }
.Lfunc_end2:
_tile_overlayer_lowered:
.L_overlay_start_2:
0xf0: {  	(tag) =	ssettag $0x2  }
0xf1: {  	s0 =	rddreg [dreg:$0x0];
	s2 =	stileid.u32  }
0xf2: {  	s1 =	rddreg [dreg:$0x1];
	p0 =	sne.s32 s2, $0x0  }
0xf3: {  	s3 =	rddreg [dreg:$0x2];
	[bflag:$0x3] =	sbarrier.arrive $0xFFFF;
	s2 =	simm.s32 @!p0 $0x1C04  }
0xf4: {  	[timem:s3], [sflag:s2] =	dma.local @!p0 [hbm:s0], s1  }
0xf5: {  	s0 =	simm.s32 @!p0 $0x4  }
0xf6: {  	_ =	swait.ge @!p0 [sflag:s0], s1  }
0xf7: {  	s1 =	ssub.s32 @!p0 $0x0, s1;
	[sflag:s0] =	ssyncset.done @!p0 $0x0  }
0xf8: {  	[sflag:s0] =	ssyncadd.s32 @!p0 s1  }
0xf9: {  	[bflag:$0x3] =	sbarrier.arrive $0xFFFF  }
0xfa: {  	_ =	shalt  }

// kernel: kernel.24.cloned.1.call-start
scs
__scs_entry_jumppad:
0x0: {  	(pc) =	sbr.rel $0x88, $3  }
0x1: {  	(tag) =	ssettag $0x0;
	lr =	simm.s32 $0x1  }
0x2: {  	[smem:$0x3F8F] =	sst lr;
	_ =	strace $0xD0000000  }
0x3: {  	_ = 	snop  }
0x4: {  	_ = 	snop  }
0x5: {  	_ = 	snop  }
0x6: {  	_ = 	snop  }
0x7: {  	_ = 	snop  }
__scs_overlays_trampoline_lowered:
0x8: {  	[smem:$0x3F9E] =	sst s0  }
0x9: {  	[smem:$0x3F9F] =	sst s1  }
0xa: {  	[smem:$0x3FA0] =	sst s2  }
0xb: {  	[smem:$0x3FA1] =	sst s3  }
0xc: {  	[smem:$0x3FA2] =	sst s4  }
0xd: {  	[smem:$0x3FA3] =	sst s5  }
0xe: {  	[smem:$0x3FA4] =	sst s6  }
0xf: {  	[smem:$0x3FA5] =	sst s7  }
0x10: {  	[smem:$0x3FA6] =	sst s8  }
0x11: {  	[smem:$0x3FA7] =	sst s9;
	s0 =	simm.s32 @!p0 $0x0  }
0x12: {  	s1 =	sld [smem:$0x3F8D];
	s0 =	simm.s32 @p0 $0x1  }
0x13: {  	[smem:$0x3FA8] =	sst s0;
	s0 =	simm.s32 @!p1 $0x0  }
0x14: {  	s2 =	sld [smem:$0x3F8C];
	s0 =	simm.s32 @p1 $0x1  }
0x15: {  	[smem:$0x3FA9] =	sst s0;
	s0 =	simm.s32 @!p2 $0x0  }
0x16: {  	s3 =	sld [smem:$0x3FDB];
	s0 =	simm.s32 @p2 $0x1  }
0x17: {  	s4 =	simm.s32 $0x1BF5;
	[smem:$0x3FAB] =	sst s0  }
0x18: {  	s0 =	sld [smem:$0x3F8E];
	_ =	swait.ge [sflag:s4], $0x0  }
0x19: {  	s7 =	sld [smem:$0x3F8F]  }
0x1a: {  	s8 =	sadd.s32 $0xFFFFE003, lr  }
0x1b: {  	s9 =	sadd.s32 $0xFFFFFEF7, lr;
	s5 =	simm.s32 $0xFFFFFFFF;
	p2 =	slt.u32 s8, $0xFFFFF086  }
0x1c: {  	p1 =	slt.u32 s9, $0xF7A;
	s5 =	simm.s32 @!p2 $0x0  }
0x1d: {  	s5 =	simm.s32 @p1 $0x1;
	p0 =	seq.s32 s7, s2  }
0x1e: {  	s7 =	smul.u32 @!p0 $0xF7A, s2;
	p2 =	seq.s32 @!p0 s5, $0x0  }
0x1f: {  	s9 =	smul.u32 $0xF7A, s1;
	s8 =	simm.s32 @!p0 $0x1BF5;
	p2 =	por !p2, p0  }
0x20: {  	[sflag:s8] =	ssyncset.s32 @!p0 $0xFFFFF086;
	s6 =	sadd.s32 @!p0 s3, s7;
	s7 =	simm.s32 @!p0 $0x108  }
0x21: {  	s3 =	sadd.s32 s3, s9;
	s6 =	sadd.s32 @!p0 $0x88, s6;
	s7 =	simm.s32 @p2 $0x1082  }
0x22: {  	[simem:s7], [sflag:s8] =	dma.local @!p0 [hbm:s6], $0xF7A  }
0x23: {  	s9 =	sor.u32 $0xD0000000, s2;
	s6 =	simm.s32 $0x108;
	_ =	swait.ge @!p0 [sflag:s8], $0x0  }
0x24: {  	s3 =	sadd.s32 $0x88, s3;
	s6 =	simm.s32 @!p1 $0x1082;
	[sflag:s4] =	ssyncset.s32 $0xFFFFF086  }
0x25: {  	[simem:s6], [sflag:s4] =	dma.local [hbm:s3], $0xF7A  }
0x26: {  	[smem:$0x3F8F] =	sst s1;
	(tag) =	ssettag s2;
	_ =	strace s9  }
0x27: {  	s1 =	sld [smem:$0x3F9F]  }
0x28: {  	s2 =	sld [smem:$0x3FA0]  }
0x29: {  	s4 =	sld [smem:$0x3FA2]  }
0x2a: {  	p0 =	seq.s32 s5, $0x0;
	s5 =	sld [smem:$0x3FA3]  }
0x2b: {  	s6 =	sld [smem:$0x3FA4]  }
0x2c: {  	s7 =	sld [smem:$0x3FA5]  }
0x2d: {  	s3 =	simm.s32 $0x108;
	s8 =	sld [smem:$0x3FA6]  }
0x2e: {  	s3 =	simm.s32 @!p0 $0x1082;
	s9 =	sld [smem:$0x3FA7]  }
0x2f: {  	lr =	sadd.s32 s0, s3;
	s0 =	sld [smem:$0x3F9E]  }
0x30: {  	s3 =	sld [smem:$0x3FA1]  }
0x31: {  	[smem:$0x3FAA] =	sst s10  }
0x32: {  	s10 =	sld [smem:$0x3FA8];
	_ =	sdelay $0x3  }
0x33: {  	p0 =	seq.s32 s10, $0x1;
	s10 =	sld [smem:$0x3FAA];
	_ =	sdelay $0x3  }
0x34: {  	[smem:$0x3FAA] =	sst s10  }
0x35: {  	s10 =	sld [smem:$0x3FA9];
	_ =	sdelay $0x3  }
0x36: {  	p1 =	seq.s32 s10, $0x1;
	s10 =	sld [smem:$0x3FAA];
	_ =	sdelay $0x3  }
0x37: {  	[smem:$0x3FAA] =	sst s10  }
0x38: {  	s10 =	sld [smem:$0x3FAB]  }
0x39: {  	_ = 	snop;
	(pc) =	sbr.ind lr, $3  }
0x3a: {  	_ = 	snop  }
0x3b: {  	_ = 	snop  }
0x3c: {  	p2 =	seq.s32 s10, $0x1;
	s10 =	sld [smem:$0x3FAA]  }
0x3d: {  	_ =	shalt  }
0x3e: {  	_ =	shalt  }
0x3f: {  	_ =	shalt  }
0x40: {  	_ =	shalt  }
0x41: {  	_ =	shalt  }
0x42: {  	_ =	shalt  }
0x43: {  	_ =	shalt  }
0x44: {  	_ =	shalt  }
0x45: {  	_ =	shalt  }
0x46: {  	_ =	shalt  }
0x47: {  	_ =	shalt  }
0x48: {  	_ =	shalt  }
0x49: {  	_ =	shalt  }
0x4a: {  	_ =	shalt  }
0x4b: {  	_ =	shalt  }
0x4c: {  	_ =	shalt  }
0x4d: {  	_ =	shalt  }
0x4e: {  	_ =	shalt  }
0x4f: {  	_ =	shalt  }
0x50: {  	_ =	shalt  }
0x51: {  	_ =	shalt  }
0x52: {  	_ =	shalt  }
0x53: {  	_ =	shalt  }
0x54: {  	_ =	shalt  }
0x55: {  	_ =	shalt  }
0x56: {  	_ =	shalt  }
0x57: {  	_ =	shalt  }
0x58: {  	_ =	shalt  }
0x59: {  	_ =	shalt  }
0x5a: {  	_ =	shalt  }
0x5b: {  	_ =	shalt  }
0x5c: {  	_ =	shalt  }
0x5d: {  	_ =	shalt  }
0x5e: {  	_ =	shalt  }
0x5f: {  	_ =	shalt  }
0x60: {  	_ =	shalt  }
0x61: {  	_ =	shalt  }
0x62: {  	_ =	shalt  }
0x63: {  	_ =	shalt  }
0x64: {  	_ =	shalt  }
0x65: {  	_ =	shalt  }
0x66: {  	_ =	shalt  }
0x67: {  	_ =	shalt  }
0x68: {  	_ =	shalt  }
0x69: {  	_ =	shalt  }
0x6a: {  	_ =	shalt  }
0x6b: {  	_ =	shalt  }
0x6c: {  	_ =	shalt  }
0x6d: {  	_ =	shalt  }
0x6e: {  	_ =	shalt  }
0x6f: {  	_ =	shalt  }
0x70: {  	_ =	shalt  }
0x71: {  	_ =	shalt  }
0x72: {  	_ =	shalt  }
0x73: {  	_ =	shalt  }
0x74: {  	_ =	shalt  }
0x75: {  	_ =	shalt  }
0x76: {  	_ =	shalt  }
0x77: {  	_ =	shalt  }
0x78: {  	_ =	shalt  }
0x79: {  	_ =	shalt  }
0x7a: {  	_ =	shalt  }
0x7b: {  	_ =	shalt  }
0x7c: {  	_ =	shalt  }
0x7d: {  	_ =	shalt  }
0x7e: {  	_ =	shalt  }
0x7f: {  	_ =	shalt  }
0x80: {  	_ =	shalt  }
0x81: {  	_ =	shalt  }
0x82: {  	_ =	shalt  }
0x83: {  	_ =	shalt  }
0x84: {  	_ =	shalt  }
0x85: {  	_ =	shalt  }
0x86: {  	_ =	shalt  }
0x87: {  	_ =	shalt  }
.Lfunc_end0:
.L_simem_size_0:
called_computation.2_lowered:
.L_overlay_start_0:
0x88: {  	s2 =	sld [smem:$0x3FD9]  }
0x89: {  	s3 =	sld [smem:$0x3FFE];
	_ =	sdelay $0x1  }
0x8a: {  	s1 =	srdreg.scid  }
0x8b: {  	s0 =	sand.u32 $0x1, s1  }
0x8c: {  	s17 =	sshll.u32 s0, $0xA;
	s2 =	sadd.s32 s3, s2  }
0x8d: {  	s2 =	sadd.s32 s2, s17  }
0x8e: {  	[smem:$0x3FB6] =	sst s2  }
0x8f: {  	_ = 	snop  }
0x90: {  	(tm) =	ssettm $0x1  }
0x91: {  	s18 =	sld [smem:$0x3FFB];
	_ =	sdelay $0x3  }
0x92: {  	_ =	strace s18  }
0x93: {  	s2 =	sld [smem:$0x3FFC];
	_ =	sdelay $0x3  }
0x94: {  	_ =	strace s2  }
0x95: {  	s2 =	sld [smem:$0x3FFD];
	_ =	sdelay $0x3  }
0x96: {  	_ =	strace s2  }
0x97: {  	_ =	strace $0x8FFFFFFF  }
0x98: {  	s19 =	sld [smem:$0x3FDB];
	_ =	sdelay $0x1  }
0x99: {  	s20 =	simm.s32 $_scs_section_size  }
0x9a: {  	s4 =	simm.s32 $_size__tile_overlayer_lowered;
	s5 =	simm.s32 $_tile_overlayer_lowered  }
0x9b: {  	s6 =	simm.s32 $0x1BFF;
	s21 =	sshll.u32 s5, $0x1;
	s3 =	sadd.s32 s20, s19  }
0x9c: {  	s22 =	simm.s32 $0x0;
	s4 =	sshll.u32 s4, $0x1;
	s5 =	sadd.s32 s21, s3  }
0x9d: {  	[timem:s22], [sflag:s6] =	dma.local [hbm:s5], s4  }
0x9e: {  	_ =	swait.ge [sflag:s6], s4  }
0x9f: {  	s4 =	ssub.s32 $0x0, s4;
	[sflag:s6] =	ssyncset.done $0x0  }
0xa0: {  	[sflag:s6] =	ssyncadd.s32 s4;
	_ =	sdelay $0x1  }
0xa1: {  	s23 =	simm.s32 $0x1B8B  }
0xa2: {  	_ =	swait.ge [sflag:s23], $0x1  }
0xa3: {  	[sflag:s23] =	ssyncset.done $0x0  }
0xa4: {  	[sflag:s23] =	ssyncadd.s32 $0xFFFFFFFF  }
0xa5: {  	s4 =	sld [smem:$0x0]  }
0xa6: {  	s5 =	sand.u32 $0xFFFFFFFE, s1  }
0xa7: {  	p0 =	sne.s32 s1, s5  }
0xa8: {  	s5 =	sshll.u32 @p0 s5, $0xE  }
0xa9: {  	s5 =	sadd.s32 @p0 $0x11B8D, s5;
	s6 =	sshll.u32 @p0 s4, $0x11  }
0xaa: {  	s5 =	sor.u32 @p0 s6, s5  }
0xab: {  	[sflag:s5] =	ssyncadd.remote.s32 @p0 $0x1;
	_ =	sdelay $0x1  }
0xac: {  	s5 =	simm.s32 @p0 $0x1B8D  }
0xad: {  	_ =	swait.eq @p0 [sflag:s5], $0x1  }
0xae: {  	[sflag:s5] =	ssyncadd.s32 @p0 $0xFFFFFFFF  }
0xaf: {  	s6 =	sshll.u32 @!p0 s1, $0xE  }
0xb0: {  	s6 =	sor.u32 @!p0 $0x4000, s6;
	s5 =	simm.s32 @!p0 $0x1B8D  }
0xb1: {  	s4 =	sshll.u32 @!p0 s4, $0x11;
	s6 =	sadd.s32 @!p0 $0x11B8D, s6;
	_ =	swait.eq @!p0 [sflag:s5], $0x1  }
0xb2: {  	s4 =	sor.u32 @!p0 s4, s6;
	[sflag:s5] =	ssyncadd.s32 @!p0 $0xFFFFFFFF  }
0xb3: {  	s25 =	simm.s32 $0x1B8E;
	s24 =	sld [smem:$0x3FFE];
	[sflag:s4] =	ssyncadd.remote.s32 @!p0 $0x1  }
0xb4: {  	s26 =	simm.s32 $execute0_lowered;
	[smem:$0x3FD2] =	sst s25  }
0xb5: {  	s5 =	sshll.u32 s26, $0x1;
	_ =	strace $0x8000004F;
	[dreg:$0x1] =	wrdreg $0xFFFFFFFF  }
0xb6: {  	s28 =	simm.s32 $_size_execute0_lowered;
	s3 =	sadd.s32 s3, s5;
	[dreg:$0x0] =	wrdreg $0x0  }
0xb7: {  	s5 =	sshll.u32 s28, $0x1;
	[dreg:$0x2] =	wrdreg s3  }
0xb8: {  	[dreg:$0x3] =	wrdreg s5  }
0xb9: {  	[dreg:$0x4] =	wrdreg $0xC0  }
0xba: {  	_ =	task [dreg:s22], $0x5FFFF  }
0xbb: {  	[dreg:$0x1] =	wrdreg $0xFFFFFFFF  }
0xbc: {  	[dreg:$0x0] =	wrdreg $0x60  }
0xbd: {  	[dreg:$0x2] =	wrdreg s24  }
0xbe: {  	[dreg:$0x3] =	wrdreg $0xB  }
0xbf: {  	_ =	task.clear_ibuf [dreg:s22], $0x4FFFF;
	_ =	strace $0x9000004F  }
0xc0: {  	s29 =	simm.s32 $0xB;
	_ =	strace $0x80000051  }
0xc1: {  	_ =	swait.ge [sflag:s29], $0x1  }
0xc2: {  	[sflag:s29] =	ssyncadd.s32 $0xFFFFFFFF  }
0xc3: {  	_ =	strace $0x90000051  }
0xc4: {  	_ =	sfence  }
0xc5: {  	s30 =	sld [smem:$0x0];
	_ =	sdelay $0x2  }
0xc6: {  	s31 =	sshll.u32 s1, $0xD;
	s1 =	sshrl.u32 s1, $0x2  }
0xc7: {  	s4 =	sand.u32 $0x4000, s31;
	s1 =	sadd.s32 s1, s30  }
0xc8: {  	s0 =	sor.u32 s4, s0;
	s1 =	sshll.u32 s1, $0x11  }
0xc9: {  	s0 =	sor.u32 s1, s0  }
0xca: {  	s0 =	sadd.s32 $0x8F2B, s0  }
0xcb: {  	[sflag:s0] =	ssyncadd.remote.s32 $0x1  }
0xcc: {  	_ =	sfence.sel $0xFFFF  }
0xcd: {  	[dreg:$0x0] =	wrdreg $0xFFFFFFFF;
	(pc) =	sbr.abs _section_cstart, $3  }
0xce: {  	[dreg:$0x1] =	wrdreg $0xFFFFFFFF  }
0xcf: {  	_ =	task.clear_ibuf [dreg:s22], $0x2FFFF;
	_ =	strace $0x9FFFFFFF  }
0xd0: {  	(tm) =	ssettm $0x7FFFFFFF  }
0xd1: {  	_ =	shalt  }
tec
execute0_lowered:
.L_overlay_start_1:
0x0: {  	(tag) =	ssettag $0x1  }
0x1: {  	s0 =	rddreg [dreg:$0x0];
	s7 =	stileid.u32  }
0x2: {  	s1 =	srdreg.scid;
	s2 =	simm.s32 $0x0;
	s10 =	simm.s32 $0x880  }
0x3: {  	s11 =	simm.s32 $0x1080;
	s13 =	simm.s32 $0x1880;
	[smem:$0x7FF] =	sst s2  }
0x4: {  	s14 =	simm.s32 $0x2080;
	_ =	strace $0x80000050;
	[dreg:$0x3] =	wrdreg s10  }
0x5: {  	s15 =	simm.s32 $0x2880;
	s17 =	simm.s32 $0x3080;
	[dreg:$0x4] =	wrdreg s11  }
0x6: {  	s18 =	simm.s32 $0x3880;
	s19 =	simm.s32 $0x4080;
	[dreg:$0x5] =	wrdreg s13  }
0x7: {  	s20 =	simm.s32 $0x4880;
	s22 =	simm.s32 $0x5080;
	[dreg:$0x6] =	wrdreg s14  }
0x8: {  	s23 =	simm.s32 $0x5880;
	s25 =	simm.s32 $0x6080;
	[dreg:$0x7] =	wrdreg s15  }
0x9: {  	s26 =	simm.s32 $0x6880;
	s31 =	simm.s32 $0x7080;
	[dreg:$0x8] =	wrdreg s17  }
0xa: {  	s8 =	simm.s32 $0x80;
	s9 =	simm.s32 $0x7880;
	[dreg:$0x9] =	wrdreg s18  }
0xb: {  	s28 =	simm.s32 $0x2;
	s29 =	simm.s32 $0x3;
	[dreg:$0xa] =	wrdreg s19  }
0xc: {  	s30 =	simm.s32 $0x0;
	s3 =	sshll.u32 s7, $0x10;
	[dreg:$0xb] =	wrdreg s20  }
0xd: {  	s1 =	sand.u32 $0x1, s1;
	s5 =	sadd.s32 $0x352800, s0;
	[dreg:$0xc] =	wrdreg s22  }
0xe: {  	s16 =	sshll.u32 s7, $0xB;
	s7 =	simm.s32 $0x4;
	[dreg:$0xd] =	wrdreg s23  }
0xf: {  	s3 =	sadd.s32 s3, s0;
	s4 =	sshll.u32 s1, $0xF;
	[dreg:$0xe] =	wrdreg s25  }
0x10: {  	s12 =	ssub.s32 $0x2, s1;
	s1 =	sshll.u32 s1, $0xA;
	[dreg:$0xf] =	wrdreg s26  }
0x11: {  	[dreg:$0x10] =	wrdreg s31;
	s10 =	simm.s32 $0x1;
	s11 =	simm.s32 $0x8080  }
0x12: {  	s13 =	simm.s32 $0x9080;
	s14 =	simm.s32 $0x9880;
	s15 =	simm.s32 $0xA080  }
0x13: {  	s17 =	simm.s32 $0xB080;
	s18 =	simm.s32 $0xB880;
	s19 =	simm.s32 $0xC080  }
0x14: {  	s20 =	simm.s32 $0xC880;
	s22 =	simm.s32 $0xD880;
	s23 =	simm.s32 $0xE080  }
0x15: {  	s25 =	simm.s32 $0xF080;
	s26 =	simm.s32 $0xF880;
	s3 =	sadd.s32 s4, s3  }
0x16: {  	s6 =	sshrl.u32 s12, $0x1;
	s1 =	sor.u32 s1, s16;
	s4 =	sadd.s32 $0x353800, s3  }
0x17: {  	s16 =	simm.s32 $0xA880;
	[dreg:$0x2] =	wrdreg s4;
	s4 =	ssub.s32 s12, s6  }
0x18: {  	s3 =	sadd.s32 $0x342800, s0;
	s21 =	sor.u32 $0x80, s1;
	s4 =	smax.u32 s4, $0x1  }
0x19: {  	v2 =	vlaneseq.u32;
	s1 =	sshrl.u32 s1, $0x3;
	[dreg:$0x11] =	wrdreg s4;
	s4 =	sshrl.u32 s21, $0x3  }
0x1a: {  	vm0 =	vmmov $0xffff;
	v1 =	vshrl.u32 v2, $0x3;
	s6 =	sadd.s32 s1, s5;
	s12 =	simm.s32 $0x8880;
	s24 =	sadd.s32 s4, s5  }
0x1b: {  	v0 =	vand.u32 $0x7, v2;
	v2 =	vor.u32 $0x8, v2;
	v1 =	vmul.u32 $0x8, v1;
	s21 =	simm.s32 $0xD080;
	[dreg:$0x12] =	wrdreg s24;
	s24 =	simm.s32 $0xE880  }
.LBB2_1:
0x1c: {  	s31 =	smov.u32 s6;
	s5 =	rddreg [dreg:$0x12];
	s1 =	simm.s32 $0x0  }
.LBB2_2:
0x1d: {  	p0 =	seq.s32 s1, $0x0  }
0x1e: {  	s4 =	simm.s32 @!p0 $0x2  }
0x1f: {  	_ =	swait.ge @!p0 [sflag:s4], $0x8000  }
0x20: {  	[sflag:s4] =	ssyncset.done @!p0 $0x0  }
0x21: {  	[sflag:s4] =	ssyncadd.s32 @!p0 $0xFFFF8000;
	s4 =	simm.s32 @!p0 $0x3  }
0x22: {  	_ =	swait.ge @!p0 [sflag:s4], $0x8000  }
0x23: {  	[sflag:s4] =	ssyncset.done @!p0 $0x0  }
0x24: {  	[sflag:s4] =	ssyncadd.s32 @!p0 $0xFFFF8000  }
0x25: {  	[tilespmem:s2], [sflag:$0x4] =	stream.linear.gather [hbm4b:s31+s2], $0x80, $0x38;
	[tilespmem:$0x10080] =	vst v63  }
0x26: {  	_ =	swait.ge [sflag:s7], $0x80  }
0x27: {  	[sflag:s7] =	ssyncset.done $0x0  }
0x28: {  	[sflag:s7] =	ssyncadd.s32 $0xFFFFFF80  }
0x29: {  	v3 =	vld [tilespmem:$0x0];
	_ =	sdelay $0x4  }
0x2a: {  	v4 =	vshll.u32 v3, $0x1  }
0x2b: {  	v3 =	vand.u32 $0x7, v3;
	v4 =	vand.u32 $0xFFFFFFF0, v4  }
0x2c: {  	v3 =	vor.u32 v3, v4  }
0x2d: {  	v4 =	vperm.xlane v3, v0;
	_ =	sdelay $0x1  }
0x2e: {  	v3 =	vperm.xlane v3, v2;
	v4 =	vadd.s32 v1, v4;
	_ =	sdelay $0x1  }
0x2f: {  	v3 =	vadd.s32 v1, v3;
	_ =	sdelay $0x2  }
0x30: {  	[tilespmem:s8], [sflag:$0x1] =	stream.indirect_vreg.gather [hbm4b:s3+s2], $0x80, v4, vm0, $0xb8;
	[tilespmem:$0x10080] =	vst v63  }
0x31: {  	s0 =	rddreg [dreg:$0x3]  }
0x32: {  	[tilespmem:s0], [sflag:$0x1] =	stream.indirect_vreg.gather [hbm4b:s3+s2], $0x80, v3, vm0, $0xb8;
	[tilespmem:$0x10080] =	vst v63  }
0x33: {  	v3 =	vld [tilespmem:$0x10];
	_ =	sdelay $0x4  }
0x34: {  	v49 =	vshll.u32 v3, $0x1  }
0x35: {  	v3 =	vand.u32 $0x7, v3;
	v4 =	vand.u32 $0xFFFFFFF0, v49  }
0x36: {  	v3 =	vor.u32 v3, v4  }
0x37: {  	v4 =	vperm.xlane v3, v0;
	_ =	sdelay $0x1  }
0x38: {  	v3 =	vperm.xlane v3, v2;
	v4 =	vadd.s32 v1, v4;
	_ =	sdelay $0x1  }
0x39: {  	v3 =	vadd.s32 v1, v3;
	_ =	sdelay $0x1  }
0x3a: {  	s4 =	rddreg [dreg:$0x4]  }
0x3b: {  	[tilespmem:s4], [sflag:$0x1] =	stream.indirect_vreg.gather [hbm4b:s3+s2], $0x80, v4, vm0, $0xb8;
	[tilespmem:$0x10080] =	vst v63  }
0x3c: {  	s0 =	rddreg [dreg:$0x5]  }
0x3d: {  	[tilespmem:s0], [sflag:$0x1] =	stream.indirect_vreg.gather [hbm4b:s3+s2], $0x80, v3, vm0, $0xb8;
	[tilespmem:$0x10080] =	vst v63  }
0x3e: {  	v3 =	vld [tilespmem:$0x20];
	_ =	sdelay $0x4  }
0x3f: {  	v50 =	vshll.u32 v3, $0x1  }
0x40: {  	v3 =	vand.u32 $0x7, v3;
	v4 =	vand.u32 $0xFFFFFFF0, v50  }
0x41: {  	v3 =	vor.u32 v3, v4  }
0x42: {  	v4 =	vperm.xlane v3, v0;
	_ =	sdelay $0x1  }
0x43: {  	v3 =	vperm.xlane v3, v2;
	v4 =	vadd.s32 v1, v4;
	_ =	sdelay $0x1  }
0x44: {  	v3 =	vadd.s32 v1, v3;
	_ =	sdelay $0x1  }
0x45: {  	s0 =	rddreg [dreg:$0x6]  }
0x46: {  	[tilespmem:s0], [sflag:$0x1] =	stream.indirect_vreg.gather [hbm4b:s3+s2], $0x80, v4, vm0, $0xb8;
	[tilespmem:$0x10080] =	vst v63  }
0x47: {  	s4 =	rddreg [dreg:$0x7]  }
0x48: {  	[tilespmem:s4], [sflag:$0x1] =	stream.indirect_vreg.gather [hbm4b:s3+s2], $0x80, v3, vm0, $0xb8;
	[tilespmem:$0x10080] =	vst v63  }
0x49: {  	v3 =	vld [tilespmem:$0x30];
	_ =	sdelay $0x4  }
0x4a: {  	v51 =	vshll.u32 v3, $0x1  }
0x4b: {  	v3 =	vand.u32 $0x7, v3;
	v4 =	vand.u32 $0xFFFFFFF0, v51  }
0x4c: {  	v3 =	vor.u32 v3, v4  }
0x4d: {  	v4 =	vperm.xlane v3, v0;
	_ =	sdelay $0x1  }
0x4e: {  	v3 =	vperm.xlane v3, v2;
	v4 =	vadd.s32 v1, v4;
	_ =	sdelay $0x1  }
0x4f: {  	v3 =	vadd.s32 v1, v3;
	_ =	sdelay $0x1  }
0x50: {  	s0 =	rddreg [dreg:$0x8]  }
0x51: {  	[tilespmem:s0], [sflag:$0x1] =	stream.indirect_vreg.gather [hbm4b:s3+s2], $0x80, v4, vm0, $0xb8;
	[tilespmem:$0x10080] =	vst v63  }
0x52: {  	s4 =	rddreg [dreg:$0x9]  }
0x53: {  	[tilespmem:s4], [sflag:$0x1] =	stream.indirect_vreg.gather [hbm4b:s3+s2], $0x80, v3, vm0, $0xb8;
	[tilespmem:$0x10080] =	vst v63  }
0x54: {  	v3 =	vld [tilespmem:$0x40];
	_ =	sdelay $0x4  }
0x55: {  	v52 =	vshll.u32 v3, $0x1  }
0x56: {  	v3 =	vand.u32 $0x7, v3;
	v4 =	vand.u32 $0xFFFFFFF0, v52  }
0x57: {  	v3 =	vor.u32 v3, v4  }
0x58: {  	v4 =	vperm.xlane v3, v0;
	_ =	sdelay $0x1  }
0x59: {  	v3 =	vperm.xlane v3, v2;
	v4 =	vadd.s32 v1, v4;
	_ =	sdelay $0x1  }
0x5a: {  	v3 =	vadd.s32 v1, v3;
	_ =	sdelay $0x1  }
0x5b: {  	s0 =	rddreg [dreg:$0xa]  }
0x5c: {  	[tilespmem:s0], [sflag:$0x1] =	stream.indirect_vreg.gather [hbm4b:s3+s2], $0x80, v4, vm0, $0xb8;
	[tilespmem:$0x10080] =	vst v63  }
0x5d: {  	s4 =	rddreg [dreg:$0xb]  }
0x5e: {  	[tilespmem:s4], [sflag:$0x1] =	stream.indirect_vreg.gather [hbm4b:s3+s2], $0x80, v3, vm0, $0xb8;
	[tilespmem:$0x10080] =	vst v63  }
0x5f: {  	v3 =	vld [tilespmem:$0x50];
	_ =	sdelay $0x4  }
0x60: {  	v53 =	vshll.u32 v3, $0x1  }
0x61: {  	v3 =	vand.u32 $0x7, v3;
	v4 =	vand.u32 $0xFFFFFFF0, v53  }
0x62: {  	v3 =	vor.u32 v3, v4  }
0x63: {  	v4 =	vperm.xlane v3, v0;
	_ =	sdelay $0x1  }
0x64: {  	v3 =	vperm.xlane v3, v2;
	v4 =	vadd.s32 v1, v4;
	_ =	sdelay $0x1  }
0x65: {  	v3 =	vadd.s32 v1, v3;
	_ =	sdelay $0x1  }
0x66: {  	s0 =	rddreg [dreg:$0xc]  }
0x67: {  	[tilespmem:s0], [sflag:$0x1] =	stream.indirect_vreg.gather [hbm4b:s3+s2], $0x80, v4, vm0, $0xb8;
	[tilespmem:$0x10080] =	vst v63  }
0x68: {  	s4 =	rddreg [dreg:$0xd]  }
0x69: {  	[tilespmem:s4], [sflag:$0x1] =	stream.indirect_vreg.gather [hbm4b:s3+s2], $0x80, v3, vm0, $0xb8;
	[tilespmem:$0x10080] =	vst v63  }
0x6a: {  	v3 =	vld [tilespmem:$0x60];
	_ =	sdelay $0x4  }
0x6b: {  	v54 =	vshll.u32 v3, $0x1  }
0x6c: {  	v3 =	vand.u32 $0x7, v3;
	v4 =	vand.u32 $0xFFFFFFF0, v54  }
0x6d: {  	v3 =	vor.u32 v3, v4  }
0x6e: {  	v4 =	vperm.xlane v3, v0;
	_ =	sdelay $0x1  }
0x6f: {  	v3 =	vperm.xlane v3, v2;
	v4 =	vadd.s32 v1, v4;
	_ =	sdelay $0x1  }
0x70: {  	v3 =	vadd.s32 v1, v3;
	_ =	sdelay $0x1  }
0x71: {  	s0 =	rddreg [dreg:$0xe]  }
0x72: {  	[tilespmem:s0], [sflag:$0x1] =	stream.indirect_vreg.gather [hbm4b:s3+s2], $0x80, v4, vm0, $0xb8;
	[tilespmem:$0x10080] =	vst v63  }
0x73: {  	s4 =	rddreg [dreg:$0xf]  }
0x74: {  	[tilespmem:s4], [sflag:$0x1] =	stream.indirect_vreg.gather [hbm4b:s3+s2], $0x80, v3, vm0, $0xb8;
	[tilespmem:$0x10080] =	vst v63  }
0x75: {  	v3 =	vld [tilespmem:$0x70];
	_ =	sdelay $0x4  }
0x76: {  	v55 =	vshll.u32 v3, $0x1  }
0x77: {  	v3 =	vand.u32 $0x7, v3;
	v4 =	vand.u32 $0xFFFFFFF0, v55  }
0x78: {  	v3 =	vor.u32 v3, v4  }
0x79: {  	v4 =	vperm.xlane v3, v0;
	_ =	sdelay $0x1  }
0x7a: {  	v3 =	vperm.xlane v3, v2;
	v4 =	vadd.s32 v1, v4;
	_ =	sdelay $0x1  }
0x7b: {  	v3 =	vadd.s32 v1, v3;
	_ =	sdelay $0x1  }
0x7c: {  	s4 =	rddreg [dreg:$0x10]  }
0x7d: {  	[tilespmem:s4], [sflag:$0x1] =	stream.indirect_vreg.gather [hbm4b:s3+s2], $0x80, v4, vm0, $0xb8;
	[tilespmem:$0x10080] =	vst v63  }
0x7e: {  	_ = 	snop  }
0x7f: {  	[tilespmem:s9], [sflag:$0x1] =	stream.indirect_vreg.gather [hbm4b:s3+s2], $0x80, v3, vm0, $0xb8;
	[tilespmem:$0x10080] =	vst v63  }
0x80: {  	_ =	swait.ge [sflag:s10], $0x8000  }
0x81: {  	s4 =	rddreg [dreg:$0x2];
	[sflag:s10] =	ssyncset.done $0x0  }
0x82: {  	[sflag:s10] =	ssyncadd.s32 $0xFFFF8000;
	s0 =	sadd.s32 s1, s4  }
0x83: {  	[hbm4b:s0+s2] =	stream.linear.scatter [tilespmem:s8], [sflag:$0x2], $0x8000, $0x38;
	[tilespmem:$0x10080] =	vst v63  }
0x84: {  	_ = 	snop  }
0x85: {  	[tilespmem:s2], [sflag:$0x4] =	stream.linear.gather [hbm4b:s5+s2], $0x80, $0x38;
	[tilespmem:$0x10080] =	vst v63  }
0x86: {  	_ =	swait.ge [sflag:s7], $0x80  }
0x87: {  	[sflag:s7] =	ssyncset.done $0x0  }
0x88: {  	[sflag:s7] =	ssyncadd.s32 $0xFFFFFF80  }
0x89: {  	v3 =	vld [tilespmem:$0x0];
	_ =	sdelay $0x4  }
0x8a: {  	v56 =	vshll.u32 v3, $0x1  }
0x8b: {  	v3 =	vand.u32 $0x7, v3;
	v4 =	vand.u32 $0xFFFFFFF0, v56  }
0x8c: {  	v3 =	vor.u32 v3, v4  }
0x8d: {  	v4 =	vperm.xlane v3, v0;
	_ =	sdelay $0x1  }
0x8e: {  	v3 =	vperm.xlane v3, v2;
	v4 =	vadd.s32 v1, v4;
	_ =	sdelay $0x1  }
0x8f: {  	v3 =	vadd.s32 v1, v3;
	_ =	sdelay $0x2  }
0x90: {  	[tilespmem:s11], [sflag:$0x1] =	stream.indirect_vreg.gather [hbm4b:s3+s2], $0x80, v4, vm0, $0xb8;
	[tilespmem:$0x10080] =	vst v63  }
0x91: {  	_ = 	snop  }
0x92: {  	[tilespmem:s12], [sflag:$0x1] =	stream.indirect_vreg.gather [hbm4b:s3+s2], $0x80, v3, vm0, $0xb8;
	[tilespmem:$0x10080] =	vst v63  }
0x93: {  	v3 =	vld [tilespmem:$0x10];
	_ =	sdelay $0x4  }
0x94: {  	v57 =	vshll.u32 v3, $0x1  }
0x95: {  	v3 =	vand.u32 $0x7, v3;
	v4 =	vand.u32 $0xFFFFFFF0, v57  }
0x96: {  	v3 =	vor.u32 v3, v4  }
0x97: {  	v4 =	vperm.xlane v3, v0;
	_ =	sdelay $0x1  }
0x98: {  	v3 =	vperm.xlane v3, v2;
	v4 =	vadd.s32 v1, v4;
	_ =	sdelay $0x1  }
0x99: {  	v3 =	vadd.s32 v1, v3;
	_ =	sdelay $0x2  }
0x9a: {  	[tilespmem:s13], [sflag:$0x1] =	stream.indirect_vreg.gather [hbm4b:s3+s2], $0x80, v4, vm0, $0xb8;
	[tilespmem:$0x10080] =	vst v63  }
0x9b: {  	_ = 	snop  }
0x9c: {  	[tilespmem:s14], [sflag:$0x1] =	stream.indirect_vreg.gather [hbm4b:s3+s2], $0x80, v3, vm0, $0xb8;
	[tilespmem:$0x10080] =	vst v63  }
0x9d: {  	v3 =	vld [tilespmem:$0x20];
	_ =	sdelay $0x4  }
0x9e: {  	v58 =	vshll.u32 v3, $0x1  }
0x9f: {  	v3 =	vand.u32 $0x7, v3;
	v4 =	vand.u32 $0xFFFFFFF0, v58  }
0xa0: {  	v3 =	vor.u32 v3, v4  }
0xa1: {  	v4 =	vperm.xlane v3, v0;
	_ =	sdelay $0x1  }
0xa2: {  	v3 =	vperm.xlane v3, v2;
	v4 =	vadd.s32 v1, v4;
	_ =	sdelay $0x1  }
0xa3: {  	v3 =	vadd.s32 v1, v3;
	_ =	sdelay $0x2  }
0xa4: {  	[tilespmem:s15], [sflag:$0x1] =	stream.indirect_vreg.gather [hbm4b:s3+s2], $0x80, v4, vm0, $0xb8;
	[tilespmem:$0x10080] =	vst v63  }
0xa5: {  	_ = 	snop  }
0xa6: {  	[tilespmem:s16], [sflag:$0x1] =	stream.indirect_vreg.gather [hbm4b:s3+s2], $0x80, v3, vm0, $0xb8;
	[tilespmem:$0x10080] =	vst v63  }
0xa7: {  	v3 =	vld [tilespmem:$0x30];
	_ =	sdelay $0x4  }
0xa8: {  	v59 =	vshll.u32 v3, $0x1  }
0xa9: {  	v3 =	vand.u32 $0x7, v3;
	v4 =	vand.u32 $0xFFFFFFF0, v59  }
0xaa: {  	v3 =	vor.u32 v3, v4  }
0xab: {  	v4 =	vperm.xlane v3, v0;
	_ =	sdelay $0x1  }
0xac: {  	v3 =	vperm.xlane v3, v2;
	v4 =	vadd.s32 v1, v4;
	_ =	sdelay $0x1  }
0xad: {  	v3 =	vadd.s32 v1, v3;
	_ =	sdelay $0x2  }
0xae: {  	[tilespmem:s17], [sflag:$0x1] =	stream.indirect_vreg.gather [hbm4b:s3+s2], $0x80, v4, vm0, $0xb8;
	[tilespmem:$0x10080] =	vst v63  }
0xaf: {  	_ = 	snop  }
0xb0: {  	[tilespmem:s18], [sflag:$0x1] =	stream.indirect_vreg.gather [hbm4b:s3+s2], $0x80, v3, vm0, $0xb8;
	[tilespmem:$0x10080] =	vst v63  }
0xb1: {  	v3 =	vld [tilespmem:$0x40];
	_ =	sdelay $0x4  }
0xb2: {  	v60 =	vshll.u32 v3, $0x1  }
0xb3: {  	v3 =	vand.u32 $0x7, v3;
	v4 =	vand.u32 $0xFFFFFFF0, v60  }
0xb4: {  	v3 =	vor.u32 v3, v4  }
0xb5: {  	v4 =	vperm.xlane v3, v0;
	_ =	sdelay $0x1  }
0xb6: {  	v3 =	vperm.xlane v3, v2;
	v4 =	vadd.s32 v1, v4;
	_ =	sdelay $0x1  }
0xb7: {  	v3 =	vadd.s32 v1, v3;
	_ =	sdelay $0x2  }
0xb8: {  	[tilespmem:s19], [sflag:$0x1] =	stream.indirect_vreg.gather [hbm4b:s3+s2], $0x80, v4, vm0, $0xb8;
	[tilespmem:$0x10080] =	vst v63  }
0xb9: {  	_ = 	snop  }
0xba: {  	[tilespmem:s20], [sflag:$0x1] =	stream.indirect_vreg.gather [hbm4b:s3+s2], $0x80, v3, vm0, $0xb8;
	[tilespmem:$0x10080] =	vst v63  }
0xbb: {  	v3 =	vld [tilespmem:$0x50];
	_ =	sdelay $0x4  }
0xbc: {  	v61 =	vshll.u32 v3, $0x1  }
0xbd: {  	v3 =	vand.u32 $0x7, v3;
	v4 =	vand.u32 $0xFFFFFFF0, v61  }
0xbe: {  	v3 =	vor.u32 v3, v4  }
0xbf: {  	v4 =	vperm.xlane v3, v0;
	_ =	sdelay $0x1  }
0xc0: {  	v3 =	vperm.xlane v3, v2;
	v4 =	vadd.s32 v1, v4;
	_ =	sdelay $0x1  }
0xc1: {  	v3 =	vadd.s32 v1, v3;
	_ =	sdelay $0x2  }
0xc2: {  	[tilespmem:s21], [sflag:$0x1] =	stream.indirect_vreg.gather [hbm4b:s3+s2], $0x80, v4, vm0, $0xb8;
	[tilespmem:$0x10080] =	vst v63  }
0xc3: {  	_ = 	snop  }
0xc4: {  	[tilespmem:s22], [sflag:$0x1] =	stream.indirect_vreg.gather [hbm4b:s3+s2], $0x80, v3, vm0, $0xb8;
	[tilespmem:$0x10080] =	vst v63  }
0xc5: {  	v3 =	vld [tilespmem:$0x60];
	_ =	sdelay $0x4  }
0xc6: {  	v62 =	vshll.u32 v3, $0x1  }
0xc7: {  	v3 =	vand.u32 $0x7, v3;
	v4 =	vand.u32 $0xFFFFFFF0, v62  }
0xc8: {  	v3 =	vor.u32 v3, v4  }
0xc9: {  	v4 =	vperm.xlane v3, v0;
	_ =	sdelay $0x1  }
0xca: {  	v3 =	vperm.xlane v3, v2;
	v4 =	vadd.s32 v1, v4;
	_ =	sdelay $0x1  }
0xcb: {  	v3 =	vadd.s32 v1, v3;
	_ =	sdelay $0x2  }
0xcc: {  	[tilespmem:s23], [sflag:$0x1] =	stream.indirect_vreg.gather [hbm4b:s3+s2], $0x80, v4, vm0, $0xb8;
	[tilespmem:$0x10080] =	vst v63  }
0xcd: {  	_ = 	snop  }
0xce: {  	[tilespmem:s24], [sflag:$0x1] =	stream.indirect_vreg.gather [hbm4b:s3+s2], $0x80, v3, vm0, $0xb8;
	[tilespmem:$0x10080] =	vst v63  }
0xcf: {  	v3 =	vld [tilespmem:$0x70];
	_ =	sdelay $0x4  }
0xd0: {  	v63 =	vshll.u32 v3, $0x1  }
0xd1: {  	v3 =	vand.u32 $0x7, v3;
	v4 =	vand.u32 $0xFFFFFFF0, v63  }
0xd2: {  	v3 =	vor.u32 v3, v4  }
0xd3: {  	v4 =	vperm.xlane v3, v0;
	_ =	sdelay $0x1  }
0xd4: {  	v3 =	vperm.xlane v3, v2;
	v4 =	vadd.s32 v1, v4;
	_ =	sdelay $0x1  }
0xd5: {  	v3 =	vadd.s32 v1, v3;
	_ =	sdelay $0x1  }
0xd6: {  	s1 =	sadd.s32 $0x2000, s1  }
0xd7: {  	[tilespmem:s25], [sflag:$0x1] =	stream.indirect_vreg.gather [hbm4b:s3+s2], $0x80, v4, vm0, $0xb8;
	[tilespmem:$0x10080] =	vst v63  }
0xd8: {  	p0 =	sne.s32 s1, $0x8000  }
0xd9: {  	[tilespmem:s26], [sflag:$0x1] =	stream.indirect_vreg.gather [hbm4b:s3+s2], $0x80, v3, vm0, $0xb8;
	[tilespmem:$0x10080] =	vst v63  }
.Ltmp0:
0xda: {  	_ = 	snop;
	(pc) =	sbr.rel @p0 .LBB2_2-.Ltmp0, $4  }
0xdb: {  	_ =	swait.ge [sflag:s10], $0x8000  }
0xdc: {  	s31 =	sadd.s32 $0x20, s31;
	[sflag:s10] =	ssyncset.done $0x0  }
0xdd: {  	s0 =	sadd.s32 $0x1000, s0;
	s5 =	sadd.s32 $0x20, s5;
	[sflag:s10] =	ssyncadd.s32 $0xFFFF8000  }
0xde: {  	[hbm4b:s0+s2] =	stream.linear.scatter [tilespmem:s11], [sflag:$0x3], $0x8000, $0x38;
	[tilespmem:$0x10080] =	vst v63  }
0xdf: {  	_ =	swait.ge [sflag:s28], $0x8000  }
0xe0: {  	[sflag:s28] =	ssyncset.done $0x0  }
0xe1: {  	[sflag:s28] =	ssyncadd.s32 $0xFFFF8000  }
0xe2: {  	_ =	swait.ge [sflag:s29], $0x8000  }
0xe3: {  	s30 =	sadd.s32 $0x1, s30;
	s0 =	rddreg [dreg:$0x11]  }
0xe4: {  	p0 =	sne.s32 s30, s0  }
.Ltmp1:
0xe5: {  	_ = 	snop;
	(pc) =	sbr.rel @p0 .LBB2_1-.Ltmp1, $3  }
0xe6: {  	_ =	sdelay $0x1  }
0xe7: {  	[sflag:s29] =	ssyncset.done $0x0  }
0xe8: {  	[sflag:s29] =	ssyncadd.s32 $0xFFFF8000  }
0xe9: {  	_ =	sfence.sel $0x180000  }
0xea: {  	[bflag:$0x0] =	sbarrier.arrive $0xFFFF  }
0xeb: {  	_ =	strace $0x90000050  }
0xec: {  	s0 =	stileid.u32;
	[bflag:$0x2] =	sbarrier.arrive $0xFFFF  }
0xed: {  	p0 =	sne.s32 s0, $0x0;
	s0 =	rddreg [dreg:$0x1]  }
0xee: {  	s0 =	sadd.s32 @!p0 $0x100000, s0  }
0xef: {  	[sflag:s0] =	ssyncadd.tile.s32 @!p0 $0x1;
	_ =	shalt  }
.Lfunc_end2:
_tile_overlayer_lowered:
.L_overlay_start_2:
0xf0: {  	(tag) =	ssettag $0x2  }
0xf1: {  	s0 =	rddreg [dreg:$0x0];
	s2 =	stileid.u32  }
0xf2: {  	s1 =	rddreg [dreg:$0x1];
	p0 =	sne.s32 s2, $0x0  }
0xf3: {  	s3 =	rddreg [dreg:$0x2];
	[bflag:$0x3] =	sbarrier.arrive $0xFFFF;
	s2 =	simm.s32 @!p0 $0x1C04  }
0xf4: {  	[timem:s3], [sflag:s2] =	dma.local @!p0 [hbm:s0], s1  }
0xf5: {  	s0 =	simm.s32 @!p0 $0x4  }
0xf6: {  	_ =	swait.ge @!p0 [sflag:s0], s1  }
0xf7: {  	s1 =	ssub.s32 @!p0 $0x0, s1;
	[sflag:s0] =	ssyncset.done @!p0 $0x0  }
0xf8: {  	[sflag:s0] =	ssyncadd.s32 @!p0 s1  }
0xf9: {  	[bflag:$0x3] =	sbarrier.arrive $0xFFFF  }
0xfa: {  	_ =	shalt  }

// kernel: kernel.27.cloned.1.call-start
scs
__scs_entry_jumppad:
0x0: {  	(pc) =	sbr.rel $0x88, $3  }
0x1: {  	(tag) =	ssettag $0x0;
	lr =	simm.s32 $0x1  }
0x2: {  	[smem:$0x3F8F] =	sst lr;
	_ =	strace $0xD0000000  }
0x3: {  	_ = 	snop  }
0x4: {  	_ = 	snop  }
0x5: {  	_ = 	snop  }
0x6: {  	_ = 	snop  }
0x7: {  	_ = 	snop  }
__scs_overlays_trampoline_lowered:
0x8: {  	[smem:$0x3F9E] =	sst s0  }
0x9: {  	[smem:$0x3F9F] =	sst s1  }
0xa: {  	[smem:$0x3FA0] =	sst s2  }
0xb: {  	[smem:$0x3FA1] =	sst s3  }
0xc: {  	[smem:$0x3FA2] =	sst s4  }
0xd: {  	[smem:$0x3FA3] =	sst s5  }
0xe: {  	[smem:$0x3FA4] =	sst s6  }
0xf: {  	[smem:$0x3FA5] =	sst s7  }
0x10: {  	[smem:$0x3FA6] =	sst s8  }
0x11: {  	[smem:$0x3FA7] =	sst s9;
	s0 =	simm.s32 @!p0 $0x0  }
0x12: {  	s1 =	sld [smem:$0x3F8D];
	s0 =	simm.s32 @p0 $0x1  }
0x13: {  	[smem:$0x3FA8] =	sst s0;
	s0 =	simm.s32 @!p1 $0x0  }
0x14: {  	s2 =	sld [smem:$0x3F8C];
	s0 =	simm.s32 @p1 $0x1  }
0x15: {  	[smem:$0x3FA9] =	sst s0;
	s0 =	simm.s32 @!p2 $0x0  }
0x16: {  	s3 =	sld [smem:$0x3FDB];
	s0 =	simm.s32 @p2 $0x1  }
0x17: {  	s4 =	simm.s32 $0x1BF5;
	[smem:$0x3FAB] =	sst s0  }
0x18: {  	s0 =	sld [smem:$0x3F8E];
	_ =	swait.ge [sflag:s4], $0x0  }
0x19: {  	s7 =	sld [smem:$0x3F8F]  }
0x1a: {  	s8 =	sadd.s32 $0xFFFFE003, lr  }
0x1b: {  	s9 =	sadd.s32 $0xFFFFFEF7, lr;
	s5 =	simm.s32 $0xFFFFFFFF;
	p2 =	slt.u32 s8, $0xFFFFF086  }
0x1c: {  	p1 =	slt.u32 s9, $0xF7A;
	s5 =	simm.s32 @!p2 $0x0  }
0x1d: {  	s5 =	simm.s32 @p1 $0x1;
	p0 =	seq.s32 s7, s2  }
0x1e: {  	s7 =	smul.u32 @!p0 $0xF7A, s2;
	p2 =	seq.s32 @!p0 s5, $0x0  }
0x1f: {  	s9 =	smul.u32 $0xF7A, s1;
	s8 =	simm.s32 @!p0 $0x1BF5;
	p2 =	por !p2, p0  }
0x20: {  	[sflag:s8] =	ssyncset.s32 @!p0 $0xFFFFF086;
	s6 =	sadd.s32 @!p0 s3, s7;
	s7 =	simm.s32 @!p0 $0x108  }
0x21: {  	s3 =	sadd.s32 s3, s9;
	s6 =	sadd.s32 @!p0 $0x88, s6;
	s7 =	simm.s32 @p2 $0x1082  }
0x22: {  	[simem:s7], [sflag:s8] =	dma.local @!p0 [hbm:s6], $0xF7A  }
0x23: {  	s9 =	sor.u32 $0xD0000000, s2;
	s6 =	simm.s32 $0x108;
	_ =	swait.ge @!p0 [sflag:s8], $0x0  }
0x24: {  	s3 =	sadd.s32 $0x88, s3;
	s6 =	simm.s32 @!p1 $0x1082;
	[sflag:s4] =	ssyncset.s32 $0xFFFFF086  }
0x25: {  	[simem:s6], [sflag:s4] =	dma.local [hbm:s3], $0xF7A  }
0x26: {  	[smem:$0x3F8F] =	sst s1;
	(tag) =	ssettag s2;
	_ =	strace s9  }
0x27: {  	s1 =	sld [smem:$0x3F9F]  }
0x28: {  	s2 =	sld [smem:$0x3FA0]  }
0x29: {  	s4 =	sld [smem:$0x3FA2]  }
0x2a: {  	p0 =	seq.s32 s5, $0x0;
	s5 =	sld [smem:$0x3FA3]  }
0x2b: {  	s6 =	sld [smem:$0x3FA4]  }
0x2c: {  	s7 =	sld [smem:$0x3FA5]  }
0x2d: {  	s3 =	simm.s32 $0x108;
	s8 =	sld [smem:$0x3FA6]  }
0x2e: {  	s3 =	simm.s32 @!p0 $0x1082;
	s9 =	sld [smem:$0x3FA7]  }
0x2f: {  	lr =	sadd.s32 s0, s3;
	s0 =	sld [smem:$0x3F9E]  }
0x30: {  	s3 =	sld [smem:$0x3FA1]  }
0x31: {  	[smem:$0x3FAA] =	sst s10  }
0x32: {  	s10 =	sld [smem:$0x3FA8];
	_ =	sdelay $0x3  }
0x33: {  	p0 =	seq.s32 s10, $0x1;
	s10 =	sld [smem:$0x3FAA];
	_ =	sdelay $0x3  }
0x34: {  	[smem:$0x3FAA] =	sst s10  }
0x35: {  	s10 =	sld [smem:$0x3FA9];
	_ =	sdelay $0x3  }
0x36: {  	p1 =	seq.s32 s10, $0x1;
	s10 =	sld [smem:$0x3FAA];
	_ =	sdelay $0x3  }
0x37: {  	[smem:$0x3FAA] =	sst s10  }
0x38: {  	s10 =	sld [smem:$0x3FAB]  }
0x39: {  	_ = 	snop;
	(pc) =	sbr.ind lr, $3  }
0x3a: {  	_ = 	snop  }
0x3b: {  	_ = 	snop  }
0x3c: {  	p2 =	seq.s32 s10, $0x1;
	s10 =	sld [smem:$0x3FAA]  }
0x3d: {  	_ =	shalt  }
0x3e: {  	_ =	shalt  }
0x3f: {  	_ =	shalt  }
0x40: {  	_ =	shalt  }
0x41: {  	_ =	shalt  }
0x42: {  	_ =	shalt  }
0x43: {  	_ =	shalt  }
0x44: {  	_ =	shalt  }
0x45: {  	_ =	shalt  }
0x46: {  	_ =	shalt  }
0x47: {  	_ =	shalt  }
0x48: {  	_ =	shalt  }
0x49: {  	_ =	shalt  }
0x4a: {  	_ =	shalt  }
0x4b: {  	_ =	shalt  }
0x4c: {  	_ =	shalt  }
0x4d: {  	_ =	shalt  }
0x4e: {  	_ =	shalt  }
0x4f: {  	_ =	shalt  }
0x50: {  	_ =	shalt  }
0x51: {  	_ =	shalt  }
0x52: {  	_ =	shalt  }
0x53: {  	_ =	shalt  }
0x54: {  	_ =	shalt  }
0x55: {  	_ =	shalt  }
0x56: {  	_ =	shalt  }
0x57: {  	_ =	shalt  }
0x58: {  	_ =	shalt  }
0x59: {  	_ =	shalt  }
0x5a: {  	_ =	shalt  }
0x5b: {  	_ =	shalt  }
0x5c: {  	_ =	shalt  }
0x5d: {  	_ =	shalt  }
0x5e: {  	_ =	shalt  }
0x5f: {  	_ =	shalt  }
0x60: {  	_ =	shalt  }
0x61: {  	_ =	shalt  }
0x62: {  	_ =	shalt  }
0x63: {  	_ =	shalt  }
0x64: {  	_ =	shalt  }
0x65: {  	_ =	shalt  }
0x66: {  	_ =	shalt  }
0x67: {  	_ =	shalt  }
0x68: {  	_ =	shalt  }
0x69: {  	_ =	shalt  }
0x6a: {  	_ =	shalt  }
0x6b: {  	_ =	shalt  }
0x6c: {  	_ =	shalt  }
0x6d: {  	_ =	shalt  }
0x6e: {  	_ =	shalt  }
0x6f: {  	_ =	shalt  }
0x70: {  	_ =	shalt  }
0x71: {  	_ =	shalt  }
0x72: {  	_ =	shalt  }
0x73: {  	_ =	shalt  }
0x74: {  	_ =	shalt  }
0x75: {  	_ =	shalt  }
0x76: {  	_ =	shalt  }
0x77: {  	_ =	shalt  }
0x78: {  	_ =	shalt  }
0x79: {  	_ =	shalt  }
0x7a: {  	_ =	shalt  }
0x7b: {  	_ =	shalt  }
0x7c: {  	_ =	shalt  }
0x7d: {  	_ =	shalt  }
0x7e: {  	_ =	shalt  }
0x7f: {  	_ =	shalt  }
0x80: {  	_ =	shalt  }
0x81: {  	_ =	shalt  }
0x82: {  	_ =	shalt  }
0x83: {  	_ =	shalt  }
0x84: {  	_ =	shalt  }
0x85: {  	_ =	shalt  }
0x86: {  	_ =	shalt  }
0x87: {  	_ =	shalt  }
.Lfunc_end0:
.L_simem_size_0:
called_computation.3_lowered:
.L_overlay_start_0:
0x88: {  	s2 =	sld [smem:$0x3FD9]  }
0x89: {  	s3 =	sld [smem:$0x3FFE];
	_ =	sdelay $0x1  }
0x8a: {  	s1 =	srdreg.scid  }
0x8b: {  	s0 =	sand.u32 $0x1, s1  }
0x8c: {  	s17 =	sshll.u32 s0, $0xA;
	s2 =	sadd.s32 s3, s2  }
0x8d: {  	s2 =	sadd.s32 s2, s17  }
0x8e: {  	[smem:$0x3FB6] =	sst s2  }
0x8f: {  	_ = 	snop  }
0x90: {  	s18 =	sld [smem:$0x3FD0];
	(tm) =	ssettm $0x1  }
0x91: {  	s19 =	sld [smem:$0x3FFB];
	_ =	sdelay $0x3  }
0x92: {  	_ =	strace s19  }
0x93: {  	s2 =	sld [smem:$0x3FFC];
	_ =	sdelay $0x3  }
0x94: {  	_ =	strace s2  }
0x95: {  	s2 =	sld [smem:$0x3FFD];
	_ =	sdelay $0x3  }
0x96: {  	_ =	strace s2  }
0x97: {  	_ =	strace $0x8FFFFFFF  }
0x98: {  	s20 =	sld [smem:$0x3FDB];
	_ =	sdelay $0x1  }
0x99: {  	s4 =	simm.s32 $_scs_section_size  }
0x9a: {  	s5 =	simm.s32 $_size__tile_overlayer_lowered;
	s6 =	simm.s32 $_tile_overlayer_lowered  }
0x9b: {  	s7 =	simm.s32 $0x1BFF;
	s21 =	sshll.u32 s6, $0x1;
	s4 =	sadd.s32 s4, s20  }
0x9c: {  	s22 =	simm.s32 $0x0;
	s5 =	sshll.u32 s5, $0x1;
	s6 =	sadd.s32 s21, s4  }
0x9d: {  	[timem:s22], [sflag:s7] =	dma.local [hbm:s6], s5  }
0x9e: {  	_ =	swait.ge [sflag:s7], s5  }
0x9f: {  	s5 =	ssub.s32 $0x0, s5;
	[sflag:s7] =	ssyncset.done $0x0  }
0xa0: {  	[sflag:s7] =	ssyncadd.s32 s5;
	_ =	sdelay $0x1  }
0xa1: {  	s23 =	simm.s32 $0x1B8B  }
0xa2: {  	_ =	swait.ge [sflag:s23], $0x1  }
0xa3: {  	[sflag:s23] =	ssyncset.done $0x0  }
0xa4: {  	[sflag:s23] =	ssyncadd.s32 $0xFFFFFFFF  }
0xa5: {  	s5 =	sld [smem:$0x0]  }
0xa6: {  	s6 =	sand.u32 $0xFFFFFFFE, s1  }
0xa7: {  	p0 =	sne.s32 s1, s6  }
0xa8: {  	s6 =	sshll.u32 @p0 s6, $0xE  }
0xa9: {  	s6 =	sadd.s32 @p0 $0x11B8D, s6;
	s7 =	sshll.u32 @p0 s5, $0x11  }
0xaa: {  	s6 =	sor.u32 @p0 s7, s6  }
0xab: {  	[sflag:s6] =	ssyncadd.remote.s32 @p0 $0x1;
	_ =	sdelay $0x1  }
0xac: {  	s6 =	simm.s32 @p0 $0x1B8D  }
0xad: {  	_ =	swait.eq @p0 [sflag:s6], $0x1  }
0xae: {  	[sflag:s6] =	ssyncadd.s32 @p0 $0xFFFFFFFF  }
0xaf: {  	s7 =	sshll.u32 @!p0 s1, $0xE  }
0xb0: {  	s7 =	sor.u32 @!p0 $0x4000, s7;
	s6 =	simm.s32 @!p0 $0x1B8D  }
0xb1: {  	s5 =	sshll.u32 @!p0 s5, $0x11;
	s7 =	sadd.s32 @!p0 $0x11B8D, s7;
	_ =	swait.eq @!p0 [sflag:s6], $0x1  }
0xb2: {  	s5 =	sor.u32 @!p0 s5, s7;
	[sflag:s6] =	ssyncadd.s32 @!p0 $0xFFFFFFFF  }
0xb3: {  	s25 =	simm.s32 $0x1B8E;
	s24 =	sld [smem:$0x3FFE];
	[sflag:s5] =	ssyncadd.remote.s32 @!p0 $0x1  }
0xb4: {  	s26 =	simm.s32 $execute0_lowered;
	[smem:$0x3FD2] =	sst s25  }
0xb5: {  	s6 =	sshll.u32 s26, $0x1;
	_ =	strace $0x8000004C;
	[dreg:$0x1] =	wrdreg $0xFFFFFFFF  }
0xb6: {  	s28 =	simm.s32 $_size_execute0_lowered;
	s4 =	sadd.s32 s4, s6;
	[dreg:$0x0] =	wrdreg $0x0  }
0xb7: {  	s6 =	sshll.u32 s28, $0x1;
	[dreg:$0x2] =	wrdreg s4  }
0xb8: {  	[dreg:$0x3] =	wrdreg s6  }
0xb9: {  	[dreg:$0x4] =	wrdreg $0xC0  }
0xba: {  	_ =	task [dreg:s22], $0x5FFFF  }
0xbb: {  	[dreg:$0x1] =	wrdreg $0xFFFFFFFF  }
0xbc: {  	[dreg:$0x0] =	wrdreg $0x60  }
0xbd: {  	[dreg:$0x2] =	wrdreg s18  }
0xbe: {  	[dreg:$0x3] =	wrdreg s24  }
0xbf: {  	[dreg:$0x4] =	wrdreg $0xC  }
0xc0: {  	_ =	task.clear_ibuf [dreg:s22], $0x5FFFF;
	_ =	strace $0x9000004C  }
0xc1: {  	s29 =	simm.s32 $0xC;
	_ =	strace $0x8000004E  }
0xc2: {  	_ =	swait.ge [sflag:s29], $0x1  }
0xc3: {  	[sflag:s29] =	ssyncadd.s32 $0xFFFFFFFF  }
0xc4: {  	_ =	strace $0x9000004E  }
0xc5: {  	_ =	sfence  }
0xc6: {  	s30 =	sld [smem:$0x0];
	_ =	sdelay $0x2  }
0xc7: {  	s31 =	sshll.u32 s1, $0xD;
	s1 =	sshrl.u32 s1, $0x2  }
0xc8: {  	s4 =	sand.u32 $0x4000, s31;
	s1 =	sadd.s32 s1, s30  }
0xc9: {  	s0 =	sor.u32 s4, s0;
	s1 =	sshll.u32 s1, $0x11  }
0xca: {  	s0 =	sor.u32 s1, s0  }
0xcb: {  	s0 =	sadd.s32 $0x8F2B, s0  }
0xcc: {  	[sflag:s0] =	ssyncadd.remote.s32 $0x1  }
0xcd: {  	_ =	sfence.sel $0xFFFF  }
0xce: {  	[dreg:$0x0] =	wrdreg $0xFFFFFFFF;
	(pc) =	sbr.abs _section_cstart, $3  }
0xcf: {  	[dreg:$0x1] =	wrdreg $0xFFFFFFFF  }
0xd0: {  	_ =	task.clear_ibuf [dreg:s22], $0x2FFFF;
	_ =	strace $0x9FFFFFFF  }
0xd1: {  	(tm) =	ssettm $0x7FFFFFFF  }
tec
execute0_lowered:
.L_overlay_start_1:
0x0: {  	(tag) =	ssettag $0x1  }
0x1: {  	s2 =	rddreg [dreg:$0x0]  }
0x2: {  	s0 =	rddreg [dreg:$0x1]  }
0x3: {  	s7 =	stileid.u32;
	s1 =	srdreg.scid;
	s3 =	simm.s32 $0x0  }
0x4: {  	s9 =	simm.s32 $0x880;
	s11 =	simm.s32 $0x1080;
	[smem:$0x7FF] =	sst s3  }
0x5: {  	s13 =	simm.s32 $0x1880;
	_ =	strace $0x8000004D;
	[dreg:$0x4] =	wrdreg s9  }
0x6: {  	s14 =	simm.s32 $0x2080;
	s15 =	simm.s32 $0x2880;
	[dreg:$0x5] =	wrdreg s11  }
0x7: {  	s17 =	simm.s32 $0x3080;
	s18 =	simm.s32 $0x3880;
	[dreg:$0x6] =	wrdreg s13  }
0x8: {  	s19 =	simm.s32 $0x4080;
	s20 =	simm.s32 $0x4880;
	[dreg:$0x7] =	wrdreg s14  }
0x9: {  	s22 =	simm.s32 $0x5080;
	s23 =	simm.s32 $0x5880;
	[dreg:$0x8] =	wrdreg s15  }
0xa: {  	s25 =	simm.s32 $0x6080;
	s26 =	simm.s32 $0x6880;
	[dreg:$0x9] =	wrdreg s17  }
0xb: {  	s31 =	simm.s32 $0x7080;
	s8 =	simm.s32 $0x80;
	[dreg:$0xa] =	wrdreg s18  }
0xc: {  	s28 =	simm.s32 $0x2;
	s29 =	simm.s32 $0x3;
	[dreg:$0xb] =	wrdreg s19  }
0xd: {  	s30 =	simm.s32 $0x0;
	s4 =	sshll.u32 s7, $0x10;
	[dreg:$0xc] =	wrdreg s20  }
0xe: {  	s1 =	sand.u32 $0x1, s1;
	s10 =	sadd.s32 $0x241800, s0;
	[dreg:$0xd] =	wrdreg s22  }
0xf: {  	s16 =	sshll.u32 s7, $0xB;
	s7 =	simm.s32 $0x4;
	[dreg:$0xe] =	wrdreg s23  }
0x10: {  	s4 =	sadd.s32 s4, s0;
	s5 =	sshll.u32 s1, $0xF;
	[dreg:$0xf] =	wrdreg s25  }
0x11: {  	s12 =	ssub.s32 $0x2, s1;
	s1 =	sshll.u32 s1, $0xA;
	[dreg:$0x10] =	wrdreg s26  }
0x12: {  	[dreg:$0x11] =	wrdreg s31;
	s9 =	simm.s32 $0x7880;
	s11 =	simm.s32 $0x8080  }
0x13: {  	s13 =	simm.s32 $0x9080;
	s14 =	simm.s32 $0x9880;
	s15 =	simm.s32 $0xA080  }
0x14: {  	s17 =	simm.s32 $0xB080;
	s18 =	simm.s32 $0xB880;
	s19 =	simm.s32 $0xC080  }
0x15: {  	s20 =	simm.s32 $0xC880;
	s22 =	simm.s32 $0xD880;
	s23 =	simm.s32 $0xE080  }
0x16: {  	s25 =	simm.s32 $0xF080;
	s26 =	simm.s32 $0xF880;
	s4 =	sadd.s32 s5, s4  }
0x17: {  	s6 =	sshrl.u32 s12, $0x1;
	s1 =	sor.u32 s1, s16;
	s4 =	sadd.s32 $0x242800, s4  }
0x18: {  	s16 =	simm.s32 $0xA880;
	[dreg:$0x3] =	wrdreg s4;
	s4 =	ssub.s32 s12, s6  }
0x19: {  	s21 =	sor.u32 $0x80, s1;
	s1 =	sshrl.u32 s1, $0x3;
	s4 =	smax.u32 s4, $0x1  }
0x1a: {  	v2 =	vlaneseq.u32;
	s6 =	sadd.s32 s1, s10;
	[dreg:$0x12] =	wrdreg s4;
	s4 =	sshrl.u32 s21, $0x3  }
0x1b: {  	vm0 =	vmmov $0xffff;
	v1 =	vshrl.u32 v2, $0x3;
	s12 =	simm.s32 $0x8880;
	s21 =	simm.s32 $0xD080;
	s24 =	sadd.s32 s4, s10  }
0x1c: {  	v0 =	vand.u32 $0x7, v2;
	v2 =	vor.u32 $0x8, v2;
	v1 =	vmul.u32 $0x8, v1;
	s10 =	simm.s32 $0x1;
	[dreg:$0x13] =	wrdreg s24;
	s24 =	simm.s32 $0xE880  }
.LBB2_1:
0x1d: {  	s31 =	smov.u32 s6;
	s5 =	rddreg [dreg:$0x13];
	s1 =	simm.s32 $0x0  }
.LBB2_2:
0x1e: {  	p0 =	seq.s32 s1, $0x0  }
0x1f: {  	s4 =	simm.s32 @!p0 $0x2  }
0x20: {  	_ =	swait.ge @!p0 [sflag:s4], $0x8000  }
0x21: {  	[sflag:s4] =	ssyncset.done @!p0 $0x0  }
0x22: {  	[sflag:s4] =	ssyncadd.s32 @!p0 $0xFFFF8000;
	s4 =	simm.s32 @!p0 $0x3  }
0x23: {  	_ =	swait.ge @!p0 [sflag:s4], $0x8000  }
0x24: {  	[sflag:s4] =	ssyncset.done @!p0 $0x0  }
0x25: {  	[sflag:s4] =	ssyncadd.s32 @!p0 $0xFFFF8000  }
0x26: {  	[tilespmem:s3], [sflag:$0x4] =	stream.linear.gather [hbm4b:s31+s3], $0x80, $0x38;
	[tilespmem:$0x10080] =	vst v63  }
0x27: {  	_ =	swait.ge [sflag:s7], $0x80  }
0x28: {  	[sflag:s7] =	ssyncset.done $0x0  }
0x29: {  	[sflag:s7] =	ssyncadd.s32 $0xFFFFFF80  }
0x2a: {  	v3 =	vld [tilespmem:$0x0];
	_ =	sdelay $0x4  }
0x2b: {  	v4 =	vshll.u32 v3, $0x1  }
0x2c: {  	v3 =	vand.u32 $0x7, v3;
	v4 =	vand.u32 $0xFFFFFFF0, v4  }
0x2d: {  	v3 =	vor.u32 v3, v4  }
0x2e: {  	v4 =	vperm.xlane v3, v0;
	_ =	sdelay $0x1  }
0x2f: {  	v3 =	vperm.xlane v3, v2;
	v4 =	vadd.s32 v1, v4;
	_ =	sdelay $0x1  }
0x30: {  	v3 =	vadd.s32 v1, v3;
	_ =	sdelay $0x2  }
0x31: {  	[tilespmem:s8], [sflag:$0x1] =	stream.indirect_vreg.gather [hbm4b:s2+s3], $0x80, v4, vm0, $0xb8;
	[tilespmem:$0x10080] =	vst v63  }
0x32: {  	s0 =	rddreg [dreg:$0x4]  }
0x33: {  	[tilespmem:s0], [sflag:$0x1] =	stream.indirect_vreg.gather [hbm4b:s2+s3], $0x80, v3, vm0, $0xb8;
	[tilespmem:$0x10080] =	vst v63  }
0x34: {  	v3 =	vld [tilespmem:$0x10];
	_ =	sdelay $0x4  }
0x35: {  	v49 =	vshll.u32 v3, $0x1  }
0x36: {  	v3 =	vand.u32 $0x7, v3;
	v4 =	vand.u32 $0xFFFFFFF0, v49  }
0x37: {  	v3 =	vor.u32 v3, v4  }
0x38: {  	v4 =	vperm.xlane v3, v0;
	_ =	sdelay $0x1  }
0x39: {  	v3 =	vperm.xlane v3, v2;
	v4 =	vadd.s32 v1, v4;
	_ =	sdelay $0x1  }
0x3a: {  	v3 =	vadd.s32 v1, v3;
	_ =	sdelay $0x1  }
0x3b: {  	s4 =	rddreg [dreg:$0x5]  }
0x3c: {  	[tilespmem:s4], [sflag:$0x1] =	stream.indirect_vreg.gather [hbm4b:s2+s3], $0x80, v4, vm0, $0xb8;
	[tilespmem:$0x10080] =	vst v63  }
0x3d: {  	s0 =	rddreg [dreg:$0x6]  }
0x3e: {  	[tilespmem:s0], [sflag:$0x1] =	stream.indirect_vreg.gather [hbm4b:s2+s3], $0x80, v3, vm0, $0xb8;
	[tilespmem:$0x10080] =	vst v63  }
0x3f: {  	v3 =	vld [tilespmem:$0x20];
	_ =	sdelay $0x4  }
0x40: {  	v50 =	vshll.u32 v3, $0x1  }
0x41: {  	v3 =	vand.u32 $0x7, v3;
	v4 =	vand.u32 $0xFFFFFFF0, v50  }
0x42: {  	v3 =	vor.u32 v3, v4  }
0x43: {  	v4 =	vperm.xlane v3, v0;
	_ =	sdelay $0x1  }
0x44: {  	v3 =	vperm.xlane v3, v2;
	v4 =	vadd.s32 v1, v4;
	_ =	sdelay $0x1  }
0x45: {  	v3 =	vadd.s32 v1, v3;
	_ =	sdelay $0x1  }
0x46: {  	s0 =	rddreg [dreg:$0x7]  }
0x47: {  	[tilespmem:s0], [sflag:$0x1] =	stream.indirect_vreg.gather [hbm4b:s2+s3], $0x80, v4, vm0, $0xb8;
	[tilespmem:$0x10080] =	vst v63  }
0x48: {  	s4 =	rddreg [dreg:$0x8]  }
0x49: {  	[tilespmem:s4], [sflag:$0x1] =	stream.indirect_vreg.gather [hbm4b:s2+s3], $0x80, v3, vm0, $0xb8;
	[tilespmem:$0x10080] =	vst v63  }
0x4a: {  	v3 =	vld [tilespmem:$0x30];
	_ =	sdelay $0x4  }
0x4b: {  	v51 =	vshll.u32 v3, $0x1  }
0x4c: {  	v3 =	vand.u32 $0x7, v3;
	v4 =	vand.u32 $0xFFFFFFF0, v51  }
0x4d: {  	v3 =	vor.u32 v3, v4  }
0x4e: {  	v4 =	vperm.xlane v3, v0;
	_ =	sdelay $0x1  }
0x4f: {  	v3 =	vperm.xlane v3, v2;
	v4 =	vadd.s32 v1, v4;
	_ =	sdelay $0x1  }
0x50: {  	v3 =	vadd.s32 v1, v3;
	_ =	sdelay $0x1  }
0x51: {  	s0 =	rddreg [dreg:$0x9]  }
0x52: {  	[tilespmem:s0], [sflag:$0x1] =	stream.indirect_vreg.gather [hbm4b:s2+s3], $0x80, v4, vm0, $0xb8;
	[tilespmem:$0x10080] =	vst v63  }
0x53: {  	s4 =	rddreg [dreg:$0xa]  }
0x54: {  	[tilespmem:s4], [sflag:$0x1] =	stream.indirect_vreg.gather [hbm4b:s2+s3], $0x80, v3, vm0, $0xb8;
	[tilespmem:$0x10080] =	vst v63  }
0x55: {  	v3 =	vld [tilespmem:$0x40];
	_ =	sdelay $0x4  }
0x56: {  	v52 =	vshll.u32 v3, $0x1  }
0x57: {  	v3 =	vand.u32 $0x7, v3;
	v4 =	vand.u32 $0xFFFFFFF0, v52  }
0x58: {  	v3 =	vor.u32 v3, v4  }
0x59: {  	v4 =	vperm.xlane v3, v0;
	_ =	sdelay $0x1  }
0x5a: {  	v3 =	vperm.xlane v3, v2;
	v4 =	vadd.s32 v1, v4;
	_ =	sdelay $0x1  }
0x5b: {  	v3 =	vadd.s32 v1, v3;
	_ =	sdelay $0x1  }
0x5c: {  	s0 =	rddreg [dreg:$0xb]  }
0x5d: {  	[tilespmem:s0], [sflag:$0x1] =	stream.indirect_vreg.gather [hbm4b:s2+s3], $0x80, v4, vm0, $0xb8;
	[tilespmem:$0x10080] =	vst v63  }
0x5e: {  	s4 =	rddreg [dreg:$0xc]  }
0x5f: {  	[tilespmem:s4], [sflag:$0x1] =	stream.indirect_vreg.gather [hbm4b:s2+s3], $0x80, v3, vm0, $0xb8;
	[tilespmem:$0x10080] =	vst v63  }
0x60: {  	v3 =	vld [tilespmem:$0x50];
	_ =	sdelay $0x4  }
0x61: {  	v53 =	vshll.u32 v3, $0x1  }
0x62: {  	v3 =	vand.u32 $0x7, v3;
	v4 =	vand.u32 $0xFFFFFFF0, v53  }
0x63: {  	v3 =	vor.u32 v3, v4  }
0x64: {  	v4 =	vperm.xlane v3, v0;
	_ =	sdelay $0x1  }
0x65: {  	v3 =	vperm.xlane v3, v2;
	v4 =	vadd.s32 v1, v4;
	_ =	sdelay $0x1  }
0x66: {  	v3 =	vadd.s32 v1, v3;
	_ =	sdelay $0x1  }
0x67: {  	s0 =	rddreg [dreg:$0xd]  }
0x68: {  	[tilespmem:s0], [sflag:$0x1] =	stream.indirect_vreg.gather [hbm4b:s2+s3], $0x80, v4, vm0, $0xb8;
	[tilespmem:$0x10080] =	vst v63  }
0x69: {  	s4 =	rddreg [dreg:$0xe]  }
0x6a: {  	[tilespmem:s4], [sflag:$0x1] =	stream.indirect_vreg.gather [hbm4b:s2+s3], $0x80, v3, vm0, $0xb8;
	[tilespmem:$0x10080] =	vst v63  }
0x6b: {  	v3 =	vld [tilespmem:$0x60];
	_ =	sdelay $0x4  }
0x6c: {  	v54 =	vshll.u32 v3, $0x1  }
0x6d: {  	v3 =	vand.u32 $0x7, v3;
	v4 =	vand.u32 $0xFFFFFFF0, v54  }
0x6e: {  	v3 =	vor.u32 v3, v4  }
0x6f: {  	v4 =	vperm.xlane v3, v0;
	_ =	sdelay $0x1  }
0x70: {  	v3 =	vperm.xlane v3, v2;
	v4 =	vadd.s32 v1, v4;
	_ =	sdelay $0x1  }
0x71: {  	v3 =	vadd.s32 v1, v3;
	_ =	sdelay $0x1  }
0x72: {  	s0 =	rddreg [dreg:$0xf]  }
0x73: {  	[tilespmem:s0], [sflag:$0x1] =	stream.indirect_vreg.gather [hbm4b:s2+s3], $0x80, v4, vm0, $0xb8;
	[tilespmem:$0x10080] =	vst v63  }
0x74: {  	s4 =	rddreg [dreg:$0x10]  }
0x75: {  	[tilespmem:s4], [sflag:$0x1] =	stream.indirect_vreg.gather [hbm4b:s2+s3], $0x80, v3, vm0, $0xb8;
	[tilespmem:$0x10080] =	vst v63  }
0x76: {  	v3 =	vld [tilespmem:$0x70];
	_ =	sdelay $0x4  }
0x77: {  	v55 =	vshll.u32 v3, $0x1  }
0x78: {  	v3 =	vand.u32 $0x7, v3;
	v4 =	vand.u32 $0xFFFFFFF0, v55  }
0x79: {  	v3 =	vor.u32 v3, v4  }
0x7a: {  	v4 =	vperm.xlane v3, v0;
	_ =	sdelay $0x1  }
0x7b: {  	v3 =	vperm.xlane v3, v2;
	v4 =	vadd.s32 v1, v4;
	_ =	sdelay $0x1  }
0x7c: {  	v3 =	vadd.s32 v1, v3;
	_ =	sdelay $0x1  }
0x7d: {  	s4 =	rddreg [dreg:$0x11]  }
0x7e: {  	[tilespmem:s4], [sflag:$0x1] =	stream.indirect_vreg.gather [hbm4b:s2+s3], $0x80, v4, vm0, $0xb8;
	[tilespmem:$0x10080] =	vst v63  }
0x7f: {  	_ = 	snop  }
0x80: {  	[tilespmem:s9], [sflag:$0x1] =	stream.indirect_vreg.gather [hbm4b:s2+s3], $0x80, v3, vm0, $0xb8;
	[tilespmem:$0x10080] =	vst v63  }
0x81: {  	_ =	swait.ge [sflag:s10], $0x8000  }
0x82: {  	s4 =	rddreg [dreg:$0x3];
	[sflag:s10] =	ssyncset.done $0x0  }
0x83: {  	[sflag:s10] =	ssyncadd.s32 $0xFFFF8000;
	s0 =	sadd.s32 s1, s4  }
0x84: {  	[hbm4b:s0+s3] =	stream.linear.scatter [tilespmem:s8], [sflag:$0x2], $0x8000, $0x38;
	[tilespmem:$0x10080] =	vst v63  }
0x85: {  	_ = 	snop  }
0x86: {  	[tilespmem:s3], [sflag:$0x4] =	stream.linear.gather [hbm4b:s5+s3], $0x80, $0x38;
	[tilespmem:$0x10080] =	vst v63  }
0x87: {  	_ =	swait.ge [sflag:s7], $0x80  }
0x88: {  	[sflag:s7] =	ssyncset.done $0x0  }
0x89: {  	[sflag:s7] =	ssyncadd.s32 $0xFFFFFF80  }
0x8a: {  	v3 =	vld [tilespmem:$0x0];
	_ =	sdelay $0x4  }
0x8b: {  	v56 =	vshll.u32 v3, $0x1  }
0x8c: {  	v3 =	vand.u32 $0x7, v3;
	v4 =	vand.u32 $0xFFFFFFF0, v56  }
0x8d: {  	v3 =	vor.u32 v3, v4  }
0x8e: {  	v4 =	vperm.xlane v3, v0;
	_ =	sdelay $0x1  }
0x8f: {  	v3 =	vperm.xlane v3, v2;
	v4 =	vadd.s32 v1, v4;
	_ =	sdelay $0x1  }
0x90: {  	v3 =	vadd.s32 v1, v3;
	_ =	sdelay $0x2  }
0x91: {  	[tilespmem:s11], [sflag:$0x1] =	stream.indirect_vreg.gather [hbm4b:s2+s3], $0x80, v4, vm0, $0xb8;
	[tilespmem:$0x10080] =	vst v63  }
0x92: {  	_ = 	snop  }
0x93: {  	[tilespmem:s12], [sflag:$0x1] =	stream.indirect_vreg.gather [hbm4b:s2+s3], $0x80, v3, vm0, $0xb8;
	[tilespmem:$0x10080] =	vst v63  }
0x94: {  	v3 =	vld [tilespmem:$0x10];
	_ =	sdelay $0x4  }
0x95: {  	v57 =	vshll.u32 v3, $0x1  }
0x96: {  	v3 =	vand.u32 $0x7, v3;
	v4 =	vand.u32 $0xFFFFFFF0, v57  }
0x97: {  	v3 =	vor.u32 v3, v4  }
0x98: {  	v4 =	vperm.xlane v3, v0;
	_ =	sdelay $0x1  }
0x99: {  	v3 =	vperm.xlane v3, v2;
	v4 =	vadd.s32 v1, v4;
	_ =	sdelay $0x1  }
0x9a: {  	v3 =	vadd.s32 v1, v3;
	_ =	sdelay $0x2  }
0x9b: {  	[tilespmem:s13], [sflag:$0x1] =	stream.indirect_vreg.gather [hbm4b:s2+s3], $0x80, v4, vm0, $0xb8;
	[tilespmem:$0x10080] =	vst v63  }
0x9c: {  	_ = 	snop  }
0x9d: {  	[tilespmem:s14], [sflag:$0x1] =	stream.indirect_vreg.gather [hbm4b:s2+s3], $0x80, v3, vm0, $0xb8;
	[tilespmem:$0x10080] =	vst v63  }
0x9e: {  	v3 =	vld [tilespmem:$0x20];
	_ =	sdelay $0x4  }
0x9f: {  	v58 =	vshll.u32 v3, $0x1  }
0xa0: {  	v3 =	vand.u32 $0x7, v3;
	v4 =	vand.u32 $0xFFFFFFF0, v58  }
0xa1: {  	v3 =	vor.u32 v3, v4  }
0xa2: {  	v4 =	vperm.xlane v3, v0;
	_ =	sdelay $0x1  }
0xa3: {  	v3 =	vperm.xlane v3, v2;
	v4 =	vadd.s32 v1, v4;
	_ =	sdelay $0x1  }
0xa4: {  	v3 =	vadd.s32 v1, v3;
	_ =	sdelay $0x2  }
0xa5: {  	[tilespmem:s15], [sflag:$0x1] =	stream.indirect_vreg.gather [hbm4b:s2+s3], $0x80, v4, vm0, $0xb8;
	[tilespmem:$0x10080] =	vst v63  }
0xa6: {  	_ = 	snop  }
0xa7: {  	[tilespmem:s16], [sflag:$0x1] =	stream.indirect_vreg.gather [hbm4b:s2+s3], $0x80, v3, vm0, $0xb8;
	[tilespmem:$0x10080] =	vst v63  }
0xa8: {  	v3 =	vld [tilespmem:$0x30];
	_ =	sdelay $0x4  }
0xa9: {  	v59 =	vshll.u32 v3, $0x1  }
0xaa: {  	v3 =	vand.u32 $0x7, v3;
	v4 =	vand.u32 $0xFFFFFFF0, v59  }
0xab: {  	v3 =	vor.u32 v3, v4  }
0xac: {  	v4 =	vperm.xlane v3, v0;
	_ =	sdelay $0x1  }
0xad: {  	v3 =	vperm.xlane v3, v2;
	v4 =	vadd.s32 v1, v4;
	_ =	sdelay $0x1  }
0xae: {  	v3 =	vadd.s32 v1, v3;
	_ =	sdelay $0x2  }
0xaf: {  	[tilespmem:s17], [sflag:$0x1] =	stream.indirect_vreg.gather [hbm4b:s2+s3], $0x80, v4, vm0, $0xb8;
	[tilespmem:$0x10080] =	vst v63  }
0xb0: {  	_ = 	snop  }
0xb1: {  	[tilespmem:s18], [sflag:$0x1] =	stream.indirect_vreg.gather [hbm4b:s2+s3], $0x80, v3, vm0, $0xb8;
	[tilespmem:$0x10080] =	vst v63  }
0xb2: {  	v3 =	vld [tilespmem:$0x40];
	_ =	sdelay $0x4  }
0xb3: {  	v60 =	vshll.u32 v3, $0x1  }
0xb4: {  	v3 =	vand.u32 $0x7, v3;
	v4 =	vand.u32 $0xFFFFFFF0, v60  }
0xb5: {  	v3 =	vor.u32 v3, v4  }
0xb6: {  	v4 =	vperm.xlane v3, v0;
	_ =	sdelay $0x1  }
0xb7: {  	v3 =	vperm.xlane v3, v2;
	v4 =	vadd.s32 v1, v4;
	_ =	sdelay $0x1  }
0xb8: {  	v3 =	vadd.s32 v1, v3;
	_ =	sdelay $0x2  }
0xb9: {  	[tilespmem:s19], [sflag:$0x1] =	stream.indirect_vreg.gather [hbm4b:s2+s3], $0x80, v4, vm0, $0xb8;
	[tilespmem:$0x10080] =	vst v63  }
0xba: {  	_ = 	snop  }
0xbb: {  	[tilespmem:s20], [sflag:$0x1] =	stream.indirect_vreg.gather [hbm4b:s2+s3], $0x80, v3, vm0, $0xb8;
	[tilespmem:$0x10080] =	vst v63  }
0xbc: {  	v3 =	vld [tilespmem:$0x50];
	_ =	sdelay $0x4  }
0xbd: {  	v61 =	vshll.u32 v3, $0x1  }
0xbe: {  	v3 =	vand.u32 $0x7, v3;
	v4 =	vand.u32 $0xFFFFFFF0, v61  }
0xbf: {  	v3 =	vor.u32 v3, v4  }
0xc0: {  	v4 =	vperm.xlane v3, v0;
	_ =	sdelay $0x1  }
0xc1: {  	v3 =	vperm.xlane v3, v2;
	v4 =	vadd.s32 v1, v4;
	_ =	sdelay $0x1  }
0xc2: {  	v3 =	vadd.s32 v1, v3;
	_ =	sdelay $0x2  }
0xc3: {  	[tilespmem:s21], [sflag:$0x1] =	stream.indirect_vreg.gather [hbm4b:s2+s3], $0x80, v4, vm0, $0xb8;
	[tilespmem:$0x10080] =	vst v63  }
0xc4: {  	_ = 	snop  }
0xc5: {  	[tilespmem:s22], [sflag:$0x1] =	stream.indirect_vreg.gather [hbm4b:s2+s3], $0x80, v3, vm0, $0xb8;
	[tilespmem:$0x10080] =	vst v63  }
0xc6: {  	v3 =	vld [tilespmem:$0x60];
	_ =	sdelay $0x4  }
0xc7: {  	v62 =	vshll.u32 v3, $0x1  }
0xc8: {  	v3 =	vand.u32 $0x7, v3;
	v4 =	vand.u32 $0xFFFFFFF0, v62  }
0xc9: {  	v3 =	vor.u32 v3, v4  }
0xca: {  	v4 =	vperm.xlane v3, v0;
	_ =	sdelay $0x1  }
0xcb: {  	v3 =	vperm.xlane v3, v2;
	v4 =	vadd.s32 v1, v4;
	_ =	sdelay $0x1  }
0xcc: {  	v3 =	vadd.s32 v1, v3;
	_ =	sdelay $0x2  }
0xcd: {  	[tilespmem:s23], [sflag:$0x1] =	stream.indirect_vreg.gather [hbm4b:s2+s3], $0x80, v4, vm0, $0xb8;
	[tilespmem:$0x10080] =	vst v63  }
0xce: {  	_ = 	snop  }
0xcf: {  	[tilespmem:s24], [sflag:$0x1] =	stream.indirect_vreg.gather [hbm4b:s2+s3], $0x80, v3, vm0, $0xb8;
	[tilespmem:$0x10080] =	vst v63  }
0xd0: {  	v3 =	vld [tilespmem:$0x70];
	_ =	sdelay $0x4  }
0xd1: {  	v63 =	vshll.u32 v3, $0x1  }
0xd2: {  	v3 =	vand.u32 $0x7, v3;
	v4 =	vand.u32 $0xFFFFFFF0, v63  }
0xd3: {  	v3 =	vor.u32 v3, v4  }
0xd4: {  	v4 =	vperm.xlane v3, v0;
	_ =	sdelay $0x1  }
0xd5: {  	v3 =	vperm.xlane v3, v2;
	v4 =	vadd.s32 v1, v4;
	_ =	sdelay $0x1  }
0xd6: {  	v3 =	vadd.s32 v1, v3;
	_ =	sdelay $0x1  }
0xd7: {  	s1 =	sadd.s32 $0x2000, s1  }
0xd8: {  	[tilespmem:s25], [sflag:$0x1] =	stream.indirect_vreg.gather [hbm4b:s2+s3], $0x80, v4, vm0, $0xb8;
	[tilespmem:$0x10080] =	vst v63  }
0xd9: {  	p0 =	sne.s32 s1, $0x8000  }
0xda: {  	[tilespmem:s26], [sflag:$0x1] =	stream.indirect_vreg.gather [hbm4b:s2+s3], $0x80, v3, vm0, $0xb8;
	[tilespmem:$0x10080] =	vst v63  }
.Ltmp0:
0xdb: {  	_ = 	snop;
	(pc) =	sbr.rel @p0 .LBB2_2-.Ltmp0, $4  }
0xdc: {  	_ =	swait.ge [sflag:s10], $0x8000  }
0xdd: {  	s31 =	sadd.s32 $0x20, s31;
	[sflag:s10] =	ssyncset.done $0x0  }
0xde: {  	s0 =	sadd.s32 $0x1000, s0;
	s5 =	sadd.s32 $0x20, s5;
	[sflag:s10] =	ssyncadd.s32 $0xFFFF8000  }
0xdf: {  	[hbm4b:s0+s3] =	stream.linear.scatter [tilespmem:s11], [sflag:$0x3], $0x8000, $0x38;
	[tilespmem:$0x10080] =	vst v63  }
0xe0: {  	_ =	swait.ge [sflag:s28], $0x8000  }
0xe1: {  	[sflag:s28] =	ssyncset.done $0x0  }
0xe2: {  	[sflag:s28] =	ssyncadd.s32 $0xFFFF8000  }
0xe3: {  	_ =	swait.ge [sflag:s29], $0x8000  }
0xe4: {  	s30 =	sadd.s32 $0x1, s30;
	s0 =	rddreg [dreg:$0x12]  }
0xe5: {  	p0 =	sne.s32 s30, s0  }
.Ltmp1:
0xe6: {  	_ = 	snop;
	(pc) =	sbr.rel @p0 .LBB2_1-.Ltmp1, $3  }
0xe7: {  	_ =	sdelay $0x1  }
0xe8: {  	[sflag:s29] =	ssyncset.done $0x0  }
0xe9: {  	[sflag:s29] =	ssyncadd.s32 $0xFFFF8000  }
0xea: {  	_ =	sfence.sel $0x180000  }
0xeb: {  	[bflag:$0x0] =	sbarrier.arrive $0xFFFF  }
0xec: {  	_ =	strace $0x9000004D  }
0xed: {  	s0 =	stileid.u32;
	[bflag:$0x2] =	sbarrier.arrive $0xFFFF  }
0xee: {  	p0 =	sne.s32 s0, $0x0;
	s0 =	rddreg [dreg:$0x2]  }
0xef: {  	s0 =	sadd.s32 @!p0 $0x100000, s0  }
0xf0: {  	[sflag:s0] =	ssyncadd.tile.s32 @!p0 $0x1;
	_ =	shalt  }
.Lfunc_end2:
_tile_overlayer_lowered:
.L_overlay_start_2:
0xf1: {  	(tag) =	ssettag $0x2  }
0xf2: {  	s0 =	rddreg [dreg:$0x0];
	s2 =	stileid.u32  }
0xf3: {  	s1 =	rddreg [dreg:$0x1];
	p0 =	sne.s32 s2, $0x0  }
0xf4: {  	s3 =	rddreg [dreg:$0x2];
	[bflag:$0x3] =	sbarrier.arrive $0xFFFF;
	s2 =	simm.s32 @!p0 $0x1C04  }
0xf5: {  	[timem:s3], [sflag:s2] =	dma.local @!p0 [hbm:s0], s1  }
0xf6: {  	s0 =	simm.s32 @!p0 $0x4  }
0xf7: {  	_ =	swait.ge @!p0 [sflag:s0], s1  }
0xf8: {  	s1 =	ssub.s32 @!p0 $0x0, s1;
	[sflag:s0] =	ssyncset.done @!p0 $0x0  }
0xf9: {  	[sflag:s0] =	ssyncadd.s32 @!p0 s1  }
0xfa: {  	[bflag:$0x3] =	sbarrier.arrive $0xFFFF  }
0xfb: {  	_ =	shalt  }

</sc_bundles>
